<compile_context>
chip_gen: v7x
topology: tpu7x:2x2x1
jax: 0.10.2.dev20260603
libtpu: 0.0.44.dev20260713+nightly
codegen_flags: <defaults>
</compile_context>

<pallas_src>
import functools

import jax
import jax.numpy as jnp
import numpy as np
from jax import lax
from jax.experimental import pallas as pl
from jax.experimental.pallas import tpu as pltpu
from jax.experimental.pallas import tpu_sc as plsc

N = 10000
NP = 10240
TRASH = N
E = 320000
CHUNK = 128
NTILES = 16
NCHUNKS = 157
EPT = CHUNK * NCHUNKS
EP = EPT * NTILES
ROWS_PT = NP // NTILES
D = 128
H = 256
BN_SCALE = float(1.0 / np.sqrt(1.0 + 1e-5))
_PREC = lax.Precision.HIGHEST



def _make_sc_agg(Fh, with_count):
    mesh = plsc.VectorSubcoreMesh(core_axis_name="core", subcore_axis_name="subcore")
    out_type = [
        jax.ShapeDtypeStruct((NP, Fh), jnp.float32),
        jax.ShapeDtypeStruct((NP, Fh), jnp.float32),
    ]
    scratch = [
        pltpu.VMEM((2 * CHUNK,), jnp.int32),
        pltpu.VMEM((2 * CHUNK,), jnp.int32),
        pltpu.VMEM((CHUNK,), jnp.int32),
        pltpu.VMEM((CHUNK,), jnp.int32),
        pltpu.VMEM((CHUNK,), jnp.int32),
        pltpu.VMEM((CHUNK,), jnp.int32),
        pltpu.VMEM((CHUNK, Fh), jnp.float32),
        pltpu.VMEM((CHUNK, Fh), jnp.float32),
        pltpu.VMEM_SHARED((NP, Fh), jnp.float32),
        pltpu.SemaphoreType.DMA,
        pltpu.SemaphoreType.DMA,
        pltpu.SemaphoreType.DMA,
        pltpu.SemaphoreType.DMA,
        pltpu.SemaphoreType.DMA,
        pltpu.SemaphoreType.DMA,
    ]
    if with_count:
        out_type.append(jax.ShapeDtypeStruct((NP, 16), jnp.float32))
        scratch += [
            pltpu.VMEM((CHUNK, 16), jnp.float32),
            pltpu.VMEM_SHARED((NP, 16), jnp.float32),
        ]

    @functools.partial(pl.kernel, out_type=out_type, mesh=mesh,
                       scratch_types=scratch,
                       compiler_params=pltpu.CompilerParams(
                           use_tc_tiling_on_sc=False))
    def body(hlo, hhi, eint, out_lo, out_hi, *rest):
        if with_count:
            (cnt_out, idxA, idxB, gsidxA, gsidxB, sdidxA, sdidxB,
             rowsA, rowsB, acc, semA, semB, semGA, semGB,
             semSA, semSB, ones, cacc) = rest
        else:
            (idxA, idxB, gsidxA, gsidxB, sdidxA, sdidxB,
             rowsA, rowsB, acc, semA, semB, semGA, semGB,
             semSA, semSB) = rest
        c = lax.axis_index("core")
        t = lax.axis_index("subcore")

        @pl.loop(0, CHUNK)
        def _(r):
            @pl.loop(0, Fh // 16)
            def _(j):
                rowsA.at[r, pl.ds(j * 16, 16)][...] = jnp.zeros((16,), jnp.float32)
            if with_count:
                ones.at[r, pl.ds(0, 16)][...] = jnp.zeros((16,), jnp.float32)

        @pl.loop(0, ROWS_PT // CHUNK)
        def _(j):
            pltpu.sync_copy(rowsA, acc.at[pl.ds(t * ROWS_PT + j * CHUNK, CHUNK)])
            if with_count:
                @pl.when(c == 0)
                def _():
                    pltpu.sync_copy(ones, cacc.at[pl.ds(t * ROWS_PT + j * CHUNK, CHUNK)])

        if with_count:
            @pl.loop(0, CHUNK)
            def _(r):
                ones.at[r, pl.ds(0, 16)][...] = jnp.ones((16,), jnp.float32)

        plsc.subcore_barrier()

        rbase = t * NCHUNKS
        half = (NCHUNKS - 1) // 2

        A = (idxA, gsidxA, sdidxA, rowsA, semA, semGA, semSA)
        B = (idxB, gsidxB, sdidxB, rowsB, semB, semGB, semSB)

        def idx_fetch(X, r):
            pltpu.async_copy(eint.at[r], X[0], X[4])

        def idx_wait(X, r):
            pltpu.make_async_copy(eint.at[r], X[0], X[4]).wait()

        def snap_src(X):
            idx_, gsidx_ = X[0], X[1]
            for j in range(CHUNK // 16):
                gsidx_.at[pl.ds(j * 16, 16)][...] = idx_.at[pl.ds(j * 16, 16)][...]

        def snap_dst(X):
            idx_, sdidx_ = X[0], X[2]
            for j in range(CHUNK // 16):
                sdidx_.at[pl.ds(j * 16, 16)][...] = (
                    idx_.at[pl.ds(CHUNK + j * 16, 16)][...])

        def gather_start(X):
            gsidx_, rows_, semG_ = X[1], X[3], X[5]

            @pl.when(c == 0)
            def _():
                pltpu.async_copy(hlo.at[gsidx_], rows_, semG_)

            @pl.when(c == 1)
            def _():
                pltpu.async_copy(hhi.at[gsidx_], rows_, semG_)

        def gather_wait(X):
            gsidx_, rows_, semG_ = X[1], X[3], X[5]

            @pl.when(c == 0)
            def _():
                pltpu.make_async_copy(hlo.at[gsidx_], rows_, semG_).wait()

            @pl.when(c == 1)
            def _():
                pltpu.make_async_copy(hhi.at[gsidx_], rows_, semG_).wait()

        def scatter_start(X):
            sdidx_, rows_, semS_ = X[2], X[3], X[6]
            snap_dst(X)
            pltpu.async_copy(rows_, acc.at[sdidx_], semS_, add=True)
            if with_count:
                @pl.when(c == 0)
                def _():
                    pltpu.sync_copy(ones, cacc.at[sdidx_], add=True)

        def scatter_wait(X):
            sdidx_, rows_, semS_ = X[2], X[3], X[6]
            pltpu.make_async_copy(rows_, acc.at[sdidx_], semS_).wait()

        idx_fetch(A, rbase)
        idx_fetch(B, rbase + 1)
        idx_wait(A, rbase)
        snap_src(A)
        gather_start(A)

        @pl.loop(0, half)
        def _(k):
            ra = rbase + 2 * k
            gather_wait(A)
            scatter_start(A)
            idx_fetch(A, ra + 2)
            idx_wait(B, ra + 1)

            @pl.when(k > 0)
            def _():
                scatter_wait(B)

            snap_src(B)
            gather_start(B)

            gather_wait(B)
            scatter_start(B)

            @pl.when(k < half - 1)
            def _():
                idx_fetch(B, ra + 3)

            idx_wait(A, ra + 2)
            scatter_wait(A)
            snap_src(A)
            gather_start(A)

        gather_wait(A)
        scatter_start(A)
        scatter_wait(B)
        scatter_wait(A)

        plsc.subcore_barrier()

        rs = pl.ds(t * ROWS_PT, ROWS_PT)

        @pl.when(c == 0)
        def _():
            pltpu.sync_copy(acc.at[rs], out_lo.at[rs])
            if with_count:
                pltpu.sync_copy(cacc.at[rs], cnt_out.at[rs])

        @pl.when(c == 1)
        def _():
            pltpu.sync_copy(acc.at[rs], out_hi.at[rs])

    return body


_sc_agg0 = _make_sc_agg(D // 2, with_count=True)
_sc_agg = _make_sc_agg(H // 2, with_count=False)



_R = 2048


def _dot_t(a, w):
    return lax.dot_general(a, w, (((1,), (1,)), ((), ())),
                           precision=_PREC, preferred_element_type=jnp.float32)


def _layer_body(agl, agh, cnt, hl, hh, wl, bl, wr, g, be, olo, ohi):
    inv = 1.0 / jnp.maximum(cnt[...][:, 0:1], 1.0)
    agg = jnp.concatenate([agl[...], agh[...]], axis=1) * inv
    h = jnp.concatenate([hl[...], hh[...]], axis=1)
    z = _dot_t(agg, wl[...]) + _dot_t(h, wr[...]) + bl[...]
    hn = jnp.maximum(g[...] * (z * BN_SCALE) + be[...], 0.0)
    olo[...] = hn[:, : H // 2]
    ohi[...] = hn[:, H // 2:]


def _head_body(agl, agh, cnt, hl, hh, wl, bl, wr, g, be, wc1, bc1, wc2, bc2, out):
    inv = 1.0 / jnp.maximum(cnt[...][:, 0:1], 1.0)
    agg = jnp.concatenate([agl[...], agh[...]], axis=1) * inv
    h = jnp.concatenate([hl[...], hh[...]], axis=1)
    z = _dot_t(agg, wl[...]) + _dot_t(h, wr[...]) + bl[...]
    h3 = jnp.maximum(g[...] * (z * BN_SCALE) + be[...], 0.0)
    t1 = jnp.maximum(_dot_t(h3, wc1[...]) + bc1[...], 0.0)
    logits = _dot_t(t1, wc2[...]) + bc2[...]
    m = jnp.max(logits, axis=1, keepdims=True)
    lse = m + jnp.log(jnp.sum(jnp.exp(logits - m), axis=1, keepdims=True))
    out[...] = logits - lse


def _row_spec(fw):
    return pl.BlockSpec((_R, fw), lambda i: (i, 0))


def _full_spec(shape):
    return pl.BlockSpec(shape, lambda i: tuple(0 for _ in shape))


def _make_tc_layer(Fin):
    Fh = Fin // 2
    in_specs = [
        _row_spec(Fh), _row_spec(Fh), _row_spec(16),
        _row_spec(Fh), _row_spec(Fh),
        _full_spec((H, Fin)), _full_spec((1, H)),
        _full_spec((H, Fin)),
        _full_spec((1, H)), _full_spec((1, H)),
    ]
    return pl.pallas_call(
        _layer_body,
        grid=(NP // _R,),
        in_specs=in_specs,
        out_specs=[_row_spec(H // 2), _row_spec(H // 2)],
        out_shape=[jax.ShapeDtypeStruct((NP, H // 2), jnp.float32)] * 2,
    )


_tc_layer0 = _make_tc_layer(D)
_tc_layer = _make_tc_layer(H)

_tc_head = pl.pallas_call(
    _head_body,
    grid=(NP // _R,),
    in_specs=[
        _row_spec(H // 2), _row_spec(H // 2), _row_spec(16),
        _row_spec(H // 2), _row_spec(H // 2),
        _full_spec((H, H)), _full_spec((1, H)),
        _full_spec((H, H)),
        _full_spec((1, H)), _full_spec((1, H)),
        _full_spec((H // 2, H)), _full_spec((1, H // 2)),
        _full_spec((2, H // 2)), _full_spec((1, 2)),
    ],
    out_specs=[_row_spec(2)],
    out_shape=[jax.ShapeDtypeStruct((NP, 2), jnp.float32)],
)



def kernel(x, edge_index, Wl0, bl0, Wr0, g0, be0, Wl1, bl1, Wr1, g1, be1,
           Wl2, bl2, Wr2, g2, be2, Wc1, bc1, Wc2, bc2):
    src = edge_index[0]
    dst = edge_index[1]
    pad = EP - E
    src_p = jnp.concatenate([src, jnp.zeros((pad,), jnp.int32)])
    dst_p = jnp.concatenate([dst, jnp.full((pad,), TRASH, jnp.int32)])
    eint = jnp.concatenate([src_p.reshape(-1, CHUNK),
                            dst_p.reshape(-1, CHUNK)], axis=1)

    xp = jnp.pad(x, ((0, NP - N), (0, 0)))
    x_lo = xp[:, : D // 2]
    x_hi = xp[:, D // 2:]

    r = lambda v: v.reshape(1, -1)

    agg0_lo, agg0_hi, cnt = _sc_agg0(x_lo, x_hi, eint)
    h1_lo, h1_hi = _tc_layer0(agg0_lo, agg0_hi, cnt, x_lo, x_hi,
                              Wl0, r(bl0), Wr0, r(g0), r(be0))
    agg1_lo, agg1_hi = _sc_agg(h1_lo, h1_hi, eint)
    h2_lo, h2_hi = _tc_layer(agg1_lo, agg1_hi, cnt, h1_lo, h1_hi,
                             Wl1, r(bl1), Wr1, r(g1), r(be1))
    agg2_lo, agg2_hi = _sc_agg(h2_lo, h2_hi, eint)
    (out_p,) = _tc_head(agg2_lo, agg2_hi, cnt, h2_lo, h2_hi,
                        Wl2, r(bl2), Wr2, r(g2), r(be2),
                        Wc1, r(bc1), Wc2, r(bc2))
    return out_p[:N]

# --- scband reference (transcript-rebuilt; emitter-appended) ---
"""Pipeline reference for scband-graph-sageclassifier-9311489098206 (READ-ONLY COPY).

The authoritative reference and input builder live on the scoring server;
editing this copy changes nothing except your own understanding.
"""

import jax, jax.numpy as jnp
import numpy as np

N = 10000
E = 320000
D = 128
H = 256
C = 2


def setup_inputs(seed: int = 0) -> dict:
    key = jax.random.key(seed)
    ks = jax.random.split(key, 32)
    inp = {}
    inp['x'] = jax.random.normal(ks[0], (N, D), dtype=jnp.float32)
    inp['edge_index'] = jax.random.randint(ks[1], (2, E), 0, N, dtype=jnp.int32)
    # SAGEConv layer 0: lin_l (neighbors, with bias), lin_r (root, no bias)
    inp['Wl0'] = jax.random.normal(ks[2], (H, D), dtype=jnp.float32) / np.sqrt(D)
    inp['bl0'] = jnp.zeros((H,), dtype=jnp.float32)
    inp['Wr0'] = jax.random.normal(ks[3], (H, D), dtype=jnp.float32) / np.sqrt(D)
    inp['g0'] = jnp.ones((H,), dtype=jnp.float32)
    inp['be0'] = jnp.zeros((H,), dtype=jnp.float32)
    # SAGEConv layer 1
    inp['Wl1'] = jax.random.normal(ks[4], (H, H), dtype=jnp.float32) / np.sqrt(H)
    inp['bl1'] = jnp.zeros((H,), dtype=jnp.float32)
    inp['Wr1'] = jax.random.normal(ks[5], (H, H), dtype=jnp.float32) / np.sqrt(H)
    inp['g1'] = jnp.ones((H,), dtype=jnp.float32)
    inp['be1'] = jnp.zeros((H,), dtype=jnp.float32)
    # SAGEConv layer 2
    inp['Wl2'] = jax.random.normal(ks[6], (H, H), dtype=jnp.float32) / np.sqrt(H)
    inp['bl2'] = jnp.zeros((H,), dtype=jnp.float32)
    inp['Wr2'] = jax.random.normal(ks[7], (H, H), dtype=jnp.float32) / np.sqrt(H)
    inp['g2'] = jnp.ones((H,), dtype=jnp.float32)
    inp['be2'] = jnp.zeros((H,), dtype=jnp.float32)
    # classifier head: Linear(H, H//2) -> ReLU -> Linear(H//2, C)
    inp['Wc1'] = jax.random.normal(ks[8], (H // 2, H), dtype=jnp.float32) / np.sqrt(H)
    inp['bc1'] = jnp.zeros((H // 2,), dtype=jnp.float32)
    inp['Wc2'] = jax.random.normal(ks[9], (C, H // 2), dtype=jnp.float32) / np.sqrt(H // 2)
    inp['bc2'] = jnp.zeros((C,), dtype=jnp.float32)
    return inp


def _sage_conv(x, src, dst, Wl, bl, Wr):
    # PyG SAGEConv with mean aggregation: out = lin_l(mean_j x_j) + lin_r(x_i)
    msg = x[src]  # gather source node features per edge
    agg = jax.ops.segment_sum(msg, dst, num_segments=N)
    cnt = jax.ops.segment_sum(jnp.ones((src.shape[0], 1), dtype=x.dtype), dst, num_segments=N)
    mean = agg / jnp.maximum(cnt, 1.0)
    return mean @ Wl.T + bl + x @ Wr.T


def _bn_eval(x, g, b, eps=1e-5):
    # BatchNorm1d in eval mode with running_mean=0, running_var=1
    return g * (x / jnp.sqrt(1.0 + eps)) + b


def reference(x, edge_index, Wl0, bl0, Wr0, g0, be0, Wl1, bl1, Wr1, g1, be1, Wl2, bl2, Wr2, g2, be2, Wc1, bc1, Wc2, bc2):
    src = edge_index[0]
    dst = edge_index[1]
    h = _sage_conv(x, src, dst, Wl0, bl0, Wr0)
    h = jax.nn.relu(_bn_eval(h, g0, be0))
    h = _sage_conv(h, src, dst, Wl1, bl1, Wr1)
    h = jax.nn.relu(_bn_eval(h, g1, be1))
    h = _sage_conv(h, src, dst, Wl2, bl2, Wr2)
    h = jax.nn.relu(_bn_eval(h, g2, be2))
    h = jax.nn.relu(h @ Wc1.T + bc1)
    logits = h @ Wc2.T + bc2
    return logits - jax.scipy.special.logsumexp(logits, axis=1, keepdims=True)

if __name__ == "__main__":
    import jax
    _d = setup_inputs()
    print(jax.jit(kernel)(*tuple(_d.values())))

</pallas_src>

<mosaic_0001>
#map = affine_map<(d0, d1) -> (0, 0)>
module attributes {stable_mosaic.version = 14 : i64} {
  func.func @body(%arg0: i32, %arg1: i32, %arg2: memref<10240x64xf32, #tpu.memory_space<hbm>>, %arg3: memref<10240x64xf32, #tpu.memory_space<hbm>>, %arg4: memref<2512x256xi32, #tpu.memory_space<hbm>>, %arg5: memref<10240x64xf32, #tpu.memory_space<hbm>>, %arg6: memref<10240x64xf32, #tpu.memory_space<hbm>>, %arg7: memref<10240x16xf32, #tpu.memory_space<hbm>>, %arg8: memref<256xi32, #tpu.memory_space<vmem>>, %arg9: memref<256xi32, #tpu.memory_space<vmem>>, %arg10: memref<128xi32, #tpu.memory_space<vmem>>, %arg11: memref<128xi32, #tpu.memory_space<vmem>>, %arg12: memref<128xi32, #tpu.memory_space<vmem>>, %arg13: memref<128xi32, #tpu.memory_space<vmem>>, %arg14: memref<128x64xf32, #tpu.memory_space<vmem>>, %arg15: memref<128x64xf32, #tpu.memory_space<vmem>>, %arg16: memref<10240x64xf32, #tpu.memory_space<vmem_shared>>, %arg17: memref<!tpu.dma_semaphore, #tpu.memory_space<semaphore_mem>>, %arg18: memref<!tpu.dma_semaphore, #tpu.memory_space<semaphore_mem>>, %arg19: memref<!tpu.dma_semaphore, #tpu.memory_space<semaphore_mem>>, %arg20: memref<!tpu.dma_semaphore, #tpu.memory_space<semaphore_mem>>, %arg21: memref<!tpu.dma_semaphore, #tpu.memory_space<semaphore_mem>>, %arg22: memref<!tpu.dma_semaphore, #tpu.memory_space<semaphore_mem>>, %arg23: memref<128x16xf32, #tpu.memory_space<vmem>>, %arg24: memref<10240x16xf32, #tpu.memory_space<vmem_shared>>) attributes {dimension_semantics = [#tpu.dimension_semantics<core_parallel>, #tpu.dimension_semantics<subcore_parallel>], iteration_bounds = array<i64: 2, 16>, scalar_prefetch = 0 : i64, scratch_operands = 17 : i64, tpu.core_type = #tpu.core_type<sc_vector_subcore>, window_params = [{transform_indices = #map}, {transform_indices = #map}, {transform_indices = #map}, {transform_indices = #map}, {transform_indices = #map}, {transform_indices = #map}]} {
    %scan3A = arith.constant 0 : i32
    %scan3A_0 = arith.constant 128 : i32
    %scan3A_1 = arith.addi %scan3A, %scan3A_0 : i32
    %scan3A_2 = arith.constant 1 : i32
    scf.for %scan3A_191 = %scan3A to %scan3A_1 step %scan3A_2  : i32 {
      %mul3A_192 = arith.constant 1 : i32
      %mul3A_193 = arith.muli %scan3A_191, %mul3A_192 : i32
      %add3A_194 = arith.constant 0 : i32
      %add3A_195 = arith.addi %add3A_194, %mul3A_193 : i32
      %scan3A_196 = arith.constant 0 : i32
      %scan3A_197 = arith.constant 4 : i32
      %scan3A_198 = arith.addi %scan3A_196, %scan3A_197 : i32
      %scan3A_199 = arith.constant 1 : i32
      scf.for %scan3A_207 = %scan3A_196 to %scan3A_198 step %scan3A_199  : i32 {
        %mul3A_208 = arith.constant 1 : i32
        %mul3A_209 = arith.muli %scan3A_207, %mul3A_208 : i32
        %add3A_210 = arith.constant 0 : i32
        %add3A_211 = arith.addi %add3A_210, %mul3A_209 : i32
        %broadcast_in_dim3A_212 = arith.constant 0.000000e+00 : f32
        %broadcast_in_dim3A_213 = vector.broadcast %broadcast_in_dim3A_212 : f32 to vector<16xf32>
        %mul3A_214 = arith.constant 16 : i32
        %mul3A_215 = arith.muli %add3A_211, %mul3A_214 : i32
        %swap3A_216 = arith.index_cast %add3A_195 : i32 to index
        %swap3A_217 = arith.index_cast %mul3A_215 : i32 to index
        %swap3A_218 = tpu.vector_load %arg14[%swap3A_216, %swap3A_217] {strides = array<i32>} : memref<128x64xf32, #tpu.memory_space<vmem>>, vector<1x16xf32>,
        %swap3A_219 = vector.shape_cast %swap3A_218 : vector<1x16xf32> to vector<16xf32>
        %swap3A_220 = vector.shape_cast %broadcast_in_dim3A_213 : vector<16xf32> to vector<1x16xf32>
        tpu.vector_store %arg14[%swap3A_216, %swap3A_217], %swap3A_220 {strides = array<i32>} : memref<128x64xf32, #tpu.memory_space<vmem>>, vector<1x16xf32>,
      }
      %scan3A_200 = arith.constant 4 : i32
      %broadcast_in_dim3A = arith.constant 0.000000e+00 : f32
      %broadcast_in_dim3A_201 = vector.broadcast %broadcast_in_dim3A : f32 to vector<16xf32>
      %swap3A_202 = arith.index_cast %add3A_195 : i32 to index
      %swap3A_203 = arith.constant 0 : index
      %swap3A_204 = tpu.vector_load %arg23[%swap3A_202, %swap3A_203] {strides = array<i32>} : memref<128x16xf32, #tpu.memory_space<vmem>>, vector<1x16xf32>,
      %swap3A_205 = vector.shape_cast %swap3A_204 : vector<1x16xf32> to vector<16xf32>
      %swap3A_206 = vector.shape_cast %broadcast_in_dim3A_201 : vector<16xf32> to vector<1x16xf32>
      tpu.vector_store %arg23[%swap3A_202, %swap3A_203], %swap3A_206 {strides = array<i32>} : memref<128x16xf32, #tpu.memory_space<vmem>>, vector<1x16xf32>,
    }
    %scan3A_3 = arith.constant 128 : i32
    %scan3A_4 = arith.constant 0 : i32
    %scan3A_5 = arith.constant 5 : i32
    %scan3A_6 = arith.addi %scan3A_4, %scan3A_5 : i32
    %scan3A_7 = arith.constant 1 : i32
    scf.for %scan3A_191 = %scan3A_4 to %scan3A_6 step %scan3A_7  : i32 {
      %mul3A_192 = arith.constant 1 : i32
      %mul3A_193 = arith.muli %scan3A_191, %mul3A_192 : i32
      %add3A_194 = arith.constant 0 : i32
      %add3A_195 = arith.addi %add3A_194, %mul3A_193 : i32
      %mul3A_196 = arith.constant 640 : i32
      %mul3A_197 = arith.muli %arg1, %mul3A_196 : i32
      %mul3A_198 = arith.constant 128 : i32
      %mul3A_199 = arith.muli %add3A_195, %mul3A_198 : i32
      %add3A_200 = arith.addi %mul3A_197, %mul3A_199 : i32
      "tpu.region"() ({
        %run_scoped3A = tpu.sem_alloc : memref<!tpu.dma_semaphore, #tpu.memory_space<semaphore_mem>>
        %dma_start3A_206 = arith.constant 0 : i32
        %dma_start3A_207 = tpu.memref_slice %arg16[%add3A_200, %dma_start3A_206] : memref<10240x64xf32, #tpu.memory_space<vmem_shared>> -> memref<128x64xf32, #tpu.memory_space<vmem_shared>>
        %dma_start3A_208 = arith.constant 0 : i32
        %dma_start3A_209 = tpu.memref_slice %arg16[%add3A_200, %dma_start3A_208] : memref<10240x64xf32, #tpu.memory_space<vmem_shared>> -> memref<128x64xf32, #tpu.memory_space<vmem_shared>>
        tpu.enqueue_dma source(%arg14 : memref<128x64xf32, #tpu.memory_space<vmem>>) target(%dma_start3A_209 : memref<128x64xf32, #tpu.memory_space<vmem_shared>>) target_semaphore(%run_scoped3A : memref<!tpu.dma_semaphore, #tpu.memory_space<semaphore_mem>>)
        %dma_wait3A_210 = arith.constant 0 : i32
        %dma_wait3A_211 = tpu.memref_slice %arg16[%add3A_200, %dma_wait3A_210] : memref<10240x64xf32, #tpu.memory_space<vmem_shared>> -> memref<128x64xf32, #tpu.memory_space<vmem_shared>>
        %dma_wait3A_212 = arith.constant 0 : i32
        %dma_wait3A_213 = tpu.memref_slice %arg16[%add3A_200, %dma_wait3A_212] : memref<10240x64xf32, #tpu.memory_space<vmem_shared>> -> memref<128x64xf32, #tpu.memory_space<vmem_shared>>
        tpu.wait_dma2 semaphore(%run_scoped3A : memref<!tpu.dma_semaphore, #tpu.memory_space<semaphore_mem>>) src(%arg14 : memref<128x64xf32, #tpu.memory_space<vmem>>) dst(%dma_wait3A_213 : memref<128x64xf32, #tpu.memory_space<vmem_shared>>)
        tpu.yield
      }) : () -> ()
      %eq3A_201 = arith.constant 0 : i32
      %eq3A_202 = arith.cmpi eq, %arg0, %eq3A_201 : i32
      %convert_element_type3A_203 = arith.extui %eq3A_202 : i1 to i32
      %cond3A_204 = arith.constant 0 : i32
      %cond3A_205 = arith.cmpi ne, %convert_element_type3A_203, %cond3A_204 : i32
      scf.if %cond3A_205 {
        %mul3A_206 = arith.constant 640 : i32
        %mul3A_207 = arith.muli %arg1, %mul3A_206 : i32
        %mul3A_208 = arith.constant 128 : i32
        %mul3A_209 = arith.muli %add3A_195, %mul3A_208 : i32
        %add3A_210 = arith.addi %mul3A_207, %mul3A_209 : i32
        "tpu.region"() ({
          %run_scoped3A = tpu.sem_alloc : memref<!tpu.dma_semaphore, #tpu.memory_space<semaphore_mem>>
          %dma_start3A_211 = arith.constant 0 : i32
          %dma_start3A_212 = tpu.memref_slice %arg24[%add3A_210, %dma_start3A_211] : memref<10240x16xf32, #tpu.memory_space<vmem_shared>> -> memref<128x16xf32, #tpu.memory_space<vmem_shared>>
          %dma_start3A_213 = arith.constant 0 : i32
          %dma_start3A_214 = tpu.memref_slice %arg24[%add3A_210, %dma_start3A_213] : memref<10240x16xf32, #tpu.memory_space<vmem_shared>> -> memref<128x16xf32, #tpu.memory_space<vmem_shared>>
          tpu.enqueue_dma source(%arg23 : memref<128x16xf32, #tpu.memory_space<vmem>>) target(%dma_start3A_214 : memref<128x16xf32, #tpu.memory_space<vmem_shared>>) target_semaphore(%run_scoped3A : memref<!tpu.dma_semaphore, #tpu.memory_space<semaphore_mem>>)
          %dma_wait3A_215 = arith.constant 0 : i32
          %dma_wait3A_216 = tpu.memref_slice %arg24[%add3A_210, %dma_wait3A_215] : memref<10240x16xf32, #tpu.memory_space<vmem_shared>> -> memref<128x16xf32, #tpu.memory_space<vmem_shared>>
          %dma_wait3A_217 = arith.constant 0 : i32
          %dma_wait3A_218 = tpu.memref_slice %arg24[%add3A_210, %dma_wait3A_217] : memref<10240x16xf32, #tpu.memory_space<vmem_shared>> -> memref<128x16xf32, #tpu.memory_space<vmem_shared>>
          tpu.wait_dma2 semaphore(%run_scoped3A : memref<!tpu.dma_semaphore, #tpu.memory_space<semaphore_mem>>) src(%arg23 : memref<128x16xf32, #tpu.memory_space<vmem>>) dst(%dma_wait3A_218 : memref<128x16xf32, #tpu.memory_space<vmem_shared>>)
          tpu.yield
        }) : () -> ()
      } else {
      }
    }
    %scan3A_8 = arith.constant 5 : i32
    %scan3A_9 = arith.constant 0 : i32
    %scan3A_10 = arith.constant 128 : i32
    %scan3A_11 = arith.addi %scan3A_9, %scan3A_10 : i32
    %scan3A_12 = arith.constant 1 : i32
    scf.for %scan3A_191 = %scan3A_9 to %scan3A_11 step %scan3A_12  : i32 {
      %mul3A_192 = arith.constant 1 : i32
      %mul3A_193 = arith.muli %scan3A_191, %mul3A_192 : i32
      %add3A_194 = arith.constant 0 : i32
      %add3A_195 = arith.addi %add3A_194, %mul3A_193 : i32
      %broadcast_in_dim3A = arith.constant 1.000000e+00 : f32
      %broadcast_in_dim3A_196 = vector.broadcast %broadcast_in_dim3A : f32 to vector<16xf32>
      %swap3A_197 = arith.index_cast %add3A_195 : i32 to index
      %swap3A_198 = arith.constant 0 : index
      %swap3A_199 = tpu.vector_load %arg23[%swap3A_197, %swap3A_198] {strides = array<i32>} : memref<128x16xf32, #tpu.memory_space<vmem>>, vector<1x16xf32>,
      %swap3A_200 = vector.shape_cast %swap3A_199 : vector<1x16xf32> to vector<16xf32>
      %swap3A_201 = vector.shape_cast %broadcast_in_dim3A_196 : vector<16xf32> to vector<1x16xf32>
      tpu.vector_store %arg23[%swap3A_197, %swap3A_198], %swap3A_201 {strides = array<i32>} : memref<128x16xf32, #tpu.memory_space<vmem>>, vector<1x16xf32>,
    }
    %scan3A_13 = arith.constant 128 : i32
    %barrier3A = arith.constant 0 : index
    tpu.barrier barrier_id(%barrier3A)
    %mul3A = arith.constant 157 : i32
    %mul3A_14 = arith.muli %arg1, %mul3A : i32
    %dma_start3A = arith.constant 0 : i32
    %dma_start3A_15 = tpu.memref_slice %arg4[%mul3A_14, %dma_start3A] : memref<2512x256xi32, #tpu.memory_space<hbm>> -> memref<1x256xi32, #tpu.memory_space<hbm>>
    %dma_start3A_16 = tpu.memref_squeeze %dma_start3A_15 : memref<1x256xi32, #tpu.memory_space<hbm>> -> memref<256xi32, #tpu.memory_space<hbm>>
    %dma_start3A_17 = arith.constant 0 : i32
    %dma_start3A_18 = tpu.memref_slice %arg4[%mul3A_14, %dma_start3A_17] : memref<2512x256xi32, #tpu.memory_space<hbm>> -> memref<1x256xi32, #tpu.memory_space<hbm>>
    %dma_start3A_19 = tpu.memref_squeeze %dma_start3A_18 : memref<1x256xi32, #tpu.memory_space<hbm>> -> memref<256xi32, #tpu.memory_space<hbm>>
    tpu.enqueue_dma source(%dma_start3A_19 : memref<256xi32, #tpu.memory_space<hbm>>) target(%arg8 : memref<256xi32, #tpu.memory_space<vmem>>) target_semaphore(%arg17 : memref<!tpu.dma_semaphore, #tpu.memory_space<semaphore_mem>>)
    %add3A = arith.constant 1 : i32
    %add3A_20 = arith.addi %mul3A_14, %add3A : i32
    %dma_start3A_21 = arith.constant 0 : i32
    %dma_start3A_22 = tpu.memref_slice %arg4[%add3A_20, %dma_start3A_21] : memref<2512x256xi32, #tpu.memory_space<hbm>> -> memref<1x256xi32, #tpu.memory_space<hbm>>
    %dma_start3A_23 = tpu.memref_squeeze %dma_start3A_22 : memref<1x256xi32, #tpu.memory_space<hbm>> -> memref<256xi32, #tpu.memory_space<hbm>>
    %dma_start3A_24 = arith.constant 0 : i32
    %dma_start3A_25 = tpu.memref_slice %arg4[%add3A_20, %dma_start3A_24] : memref<2512x256xi32, #tpu.memory_space<hbm>> -> memref<1x256xi32, #tpu.memory_space<hbm>>
    %dma_start3A_26 = tpu.memref_squeeze %dma_start3A_25 : memref<1x256xi32, #tpu.memory_space<hbm>> -> memref<256xi32, #tpu.memory_space<hbm>>
    tpu.enqueue_dma source(%dma_start3A_26 : memref<256xi32, #tpu.memory_space<hbm>>) target(%arg9 : memref<256xi32, #tpu.memory_space<vmem>>) target_semaphore(%arg18 : memref<!tpu.dma_semaphore, #tpu.memory_space<semaphore_mem>>)
    %dma_wait3A = arith.constant 0 : i32
    %dma_wait3A_27 = tpu.memref_slice %arg4[%mul3A_14, %dma_wait3A] : memref<2512x256xi32, #tpu.memory_space<hbm>> -> memref<1x256xi32, #tpu.memory_space<hbm>>
    %dma_wait3A_28 = tpu.memref_squeeze %dma_wait3A_27 : memref<1x256xi32, #tpu.memory_space<hbm>> -> memref<256xi32, #tpu.memory_space<hbm>>
    %dma_wait3A_29 = arith.constant 0 : i32
    %dma_wait3A_30 = tpu.memref_slice %arg4[%mul3A_14, %dma_wait3A_29] : memref<2512x256xi32, #tpu.memory_space<hbm>> -> memref<1x256xi32, #tpu.memory_space<hbm>>
    %dma_wait3A_31 = tpu.memref_squeeze %dma_wait3A_30 : memref<1x256xi32, #tpu.memory_space<hbm>> -> memref<256xi32, #tpu.memory_space<hbm>>
    tpu.wait_dma2 semaphore(%arg17 : memref<!tpu.dma_semaphore, #tpu.memory_space<semaphore_mem>>) src(%dma_wait3A_31 : memref<256xi32, #tpu.memory_space<hbm>>) dst(%arg8 : memref<256xi32, #tpu.memory_space<vmem>>)
    %get3A = arith.constant 0 : index
    %get3A_32 = tpu.vector_load %arg8[%get3A] {strides = array<i32>} : memref<256xi32, #tpu.memory_space<vmem>>, vector<16xi32>,
    %get3A_33 = vector.shape_cast %get3A_32 : vector<16xi32> to vector<16xi32>
    %swap3A = arith.constant 0 : index
    %swap3A_34 = tpu.vector_load %arg10[%swap3A] {strides = array<i32>} : memref<128xi32, #tpu.memory_space<vmem>>, vector<16xi32>,
    %swap3A_35 = vector.shape_cast %swap3A_34 : vector<16xi32> to vector<16xi32>
    %swap3A_36 = vector.shape_cast %get3A_33 : vector<16xi32> to vector<16xi32>
    tpu.vector_store %arg10[%swap3A], %swap3A_36 {strides = array<i32>} : memref<128xi32, #tpu.memory_space<vmem>>, vector<16xi32>,
    %get3A_37 = arith.constant 16 : index
    %get3A_38 = tpu.vector_load %arg8[%get3A_37] {strides = array<i32>} : memref<256xi32, #tpu.memory_space<vmem>>, vector<16xi32>,
    %get3A_39 = vector.shape_cast %get3A_38 : vector<16xi32> to vector<16xi32>
    %swap3A_40 = arith.constant 16 : index
    %swap3A_41 = tpu.vector_load %arg10[%swap3A_40] {strides = array<i32>} : memref<128xi32, #tpu.memory_space<vmem>>, vector<16xi32>,
    %swap3A_42 = vector.shape_cast %swap3A_41 : vector<16xi32> to vector<16xi32>
    %swap3A_43 = vector.shape_cast %get3A_39 : vector<16xi32> to vector<16xi32>
    tpu.vector_store %arg10[%swap3A_40], %swap3A_43 {strides = array<i32>} : memref<128xi32, #tpu.memory_space<vmem>>, vector<16xi32>,
    %get3A_44 = arith.constant 32 : index
    %get3A_45 = tpu.vector_load %arg8[%get3A_44] {strides = array<i32>} : memref<256xi32, #tpu.memory_space<vmem>>, vector<16xi32>,
    %get3A_46 = vector.shape_cast %get3A_45 : vector<16xi32> to vector<16xi32>
    %swap3A_47 = arith.constant 32 : index
    %swap3A_48 = tpu.vector_load %arg10[%swap3A_47] {strides = array<i32>} : memref<128xi32, #tpu.memory_space<vmem>>, vector<16xi32>,
    %swap3A_49 = vector.shape_cast %swap3A_48 : vector<16xi32> to vector<16xi32>
    %swap3A_50 = vector.shape_cast %get3A_46 : vector<16xi32> to vector<16xi32>
    tpu.vector_store %arg10[%swap3A_47], %swap3A_50 {strides = array<i32>} : memref<128xi32, #tpu.memory_space<vmem>>, vector<16xi32>,
    %get3A_51 = arith.constant 48 : index
    %get3A_52 = tpu.vector_load %arg8[%get3A_51] {strides = array<i32>} : memref<256xi32, #tpu.memory_space<vmem>>, vector<16xi32>,
    %get3A_53 = vector.shape_cast %get3A_52 : vector<16xi32> to vector<16xi32>
    %swap3A_54 = arith.constant 48 : index
    %swap3A_55 = tpu.vector_load %arg10[%swap3A_54] {strides = array<i32>} : memref<128xi32, #tpu.memory_space<vmem>>, vector<16xi32>,
    %swap3A_56 = vector.shape_cast %swap3A_55 : vector<16xi32> to vector<16xi32>
    %swap3A_57 = vector.shape_cast %get3A_53 : vector<16xi32> to vector<16xi32>
    tpu.vector_store %arg10[%swap3A_54], %swap3A_57 {strides = array<i32>} : memref<128xi32, #tpu.memory_space<vmem>>, vector<16xi32>,
    %get3A_58 = arith.constant 64 : index
    %get3A_59 = tpu.vector_load %arg8[%get3A_58] {strides = array<i32>} : memref<256xi32, #tpu.memory_space<vmem>>, vector<16xi32>,
    %get3A_60 = vector.shape_cast %get3A_59 : vector<16xi32> to vector<16xi32>
    %swap3A_61 = arith.constant 64 : index
    %swap3A_62 = tpu.vector_load %arg10[%swap3A_61] {strides = array<i32>} : memref<128xi32, #tpu.memory_space<vmem>>, vector<16xi32>,
    %swap3A_63 = vector.shape_cast %swap3A_62 : vector<16xi32> to vector<16xi32>
    %swap3A_64 = vector.shape_cast %get3A_60 : vector<16xi32> to vector<16xi32>
    tpu.vector_store %arg10[%swap3A_61], %swap3A_64 {strides = array<i32>} : memref<128xi32, #tpu.memory_space<vmem>>, vector<16xi32>,
    %get3A_65 = arith.constant 80 : index
    %get3A_66 = tpu.vector_load %arg8[%get3A_65] {strides = array<i32>} : memref<256xi32, #tpu.memory_space<vmem>>, vector<16xi32>,
    %get3A_67 = vector.shape_cast %get3A_66 : vector<16xi32> to vector<16xi32>
    %swap3A_68 = arith.constant 80 : index
    %swap3A_69 = tpu.vector_load %arg10[%swap3A_68] {strides = array<i32>} : memref<128xi32, #tpu.memory_space<vmem>>, vector<16xi32>,
    %swap3A_70 = vector.shape_cast %swap3A_69 : vector<16xi32> to vector<16xi32>
    %swap3A_71 = vector.shape_cast %get3A_67 : vector<16xi32> to vector<16xi32>
    tpu.vector_store %arg10[%swap3A_68], %swap3A_71 {strides = array<i32>} : memref<128xi32, #tpu.memory_space<vmem>>, vector<16xi32>,
    %get3A_72 = arith.constant 96 : index
    %get3A_73 = tpu.vector_load %arg8[%get3A_72] {strides = array<i32>} : memref<256xi32, #tpu.memory_space<vmem>>, vector<16xi32>,
    %get3A_74 = vector.shape_cast %get3A_73 : vector<16xi32> to vector<16xi32>
    %swap3A_75 = arith.constant 96 : index
    %swap3A_76 = tpu.vector_load %arg10[%swap3A_75] {strides = array<i32>} : memref<128xi32, #tpu.memory_space<vmem>>, vector<16xi32>,
    %swap3A_77 = vector.shape_cast %swap3A_76 : vector<16xi32> to vector<16xi32>
    %swap3A_78 = vector.shape_cast %get3A_74 : vector<16xi32> to vector<16xi32>
    tpu.vector_store %arg10[%swap3A_75], %swap3A_78 {strides = array<i32>} : memref<128xi32, #tpu.memory_space<vmem>>, vector<16xi32>,
    %get3A_79 = arith.constant 112 : index
    %get3A_80 = tpu.vector_load %arg8[%get3A_79] {strides = array<i32>} : memref<256xi32, #tpu.memory_space<vmem>>, vector<16xi32>,
    %get3A_81 = vector.shape_cast %get3A_80 : vector<16xi32> to vector<16xi32>
    %swap3A_82 = arith.constant 112 : index
    %swap3A_83 = tpu.vector_load %arg10[%swap3A_82] {strides = array<i32>} : memref<128xi32, #tpu.memory_space<vmem>>, vector<16xi32>,
    %swap3A_84 = vector.shape_cast %swap3A_83 : vector<16xi32> to vector<16xi32>
    %swap3A_85 = vector.shape_cast %get3A_81 : vector<16xi32> to vector<16xi32>
    tpu.vector_store %arg10[%swap3A_82], %swap3A_85 {strides = array<i32>} : memref<128xi32, #tpu.memory_space<vmem>>, vector<16xi32>,
    %eq3A = arith.constant 0 : i32
    %eq3A_86 = arith.cmpi eq, %arg0, %eq3A : i32
    %convert_element_type3A = arith.extui %eq3A_86 : i1 to i32
    %cond3A = arith.constant 0 : i32
    %cond3A_87 = arith.cmpi ne, %convert_element_type3A, %cond3A : i32
    scf.if %cond3A_87 {
      %dma_start3A_191 = arith.constant 0 : i32
      %dma_start3A_192 = arith.constant 0 : i32
      %dma_start3A_193 = tpu.memref_slice %arg2[%dma_start3A_191, %dma_start3A_192] : memref<10240x64xf32, #tpu.memory_space<hbm>> -> memref<10240x64xf32, #tpu.memory_space<hbm>>
      tpu.enqueue_indirect_dma source(%dma_start3A_193 : memref<10240x64xf32, #tpu.memory_space<hbm>>) target(%arg14 : memref<128x64xf32, #tpu.memory_space<vmem>>) offsets(%arg10 : memref<128xi32, #tpu.memory_space<vmem>>) semaphore(%arg19 : memref<!tpu.dma_semaphore, #tpu.memory_space<semaphore_mem>>)
    } else {
    }
    %eq3A_88 = arith.constant 1 : i32
    %eq3A_89 = arith.cmpi eq, %arg0, %eq3A_88 : i32
    %convert_element_type3A_90 = arith.extui %eq3A_89 : i1 to i32
    %cond3A_91 = arith.constant 0 : i32
    %cond3A_92 = arith.cmpi ne, %convert_element_type3A_90, %cond3A_91 : i32
    scf.if %cond3A_92 {
      %dma_start3A_191 = arith.constant 0 : i32
      %dma_start3A_192 = arith.constant 0 : i32
      %dma_start3A_193 = tpu.memref_slice %arg3[%dma_start3A_191, %dma_start3A_192] : memref<10240x64xf32, #tpu.memory_space<hbm>> -> memref<10240x64xf32, #tpu.memory_space<hbm>>
      tpu.enqueue_indirect_dma source(%dma_start3A_193 : memref<10240x64xf32, #tpu.memory_space<hbm>>) target(%arg14 : memref<128x64xf32, #tpu.memory_space<vmem>>) offsets(%arg10 : memref<128xi32, #tpu.memory_space<vmem>>) semaphore(%arg19 : memref<!tpu.dma_semaphore, #tpu.memory_space<semaphore_mem>>)
    } else {
    }
    %scan3A_93 = arith.constant 0 : i32
    %scan3A_94 = arith.constant 78 : i32
    %scan3A_95 = arith.addi %scan3A_93, %scan3A_94 : i32
    %scan3A_96 = arith.constant 1 : i32
    scf.for %scan3A_191 = %scan3A_93 to %scan3A_95 step %scan3A_96  : i32 {
      %mul3A_192 = arith.constant 1 : i32
      %mul3A_193 = arith.muli %scan3A_191, %mul3A_192 : i32
      %add3A_194 = arith.constant 0 : i32
      %add3A_195 = arith.addi %add3A_194, %mul3A_193 : i32
      %mul3A_196 = arith.constant 2 : i32
      %mul3A_197 = arith.muli %mul3A_196, %add3A_195 : i32
      %add3A_198 = arith.addi %mul3A_14, %mul3A_197 : i32
      %eq3A_199 = arith.constant 0 : i32
      %eq3A_200 = arith.cmpi eq, %arg0, %eq3A_199 : i32
      %convert_element_type3A_201 = arith.extui %eq3A_200 : i1 to i32
      %cond3A_202 = arith.constant 0 : i32
      %cond3A_203 = arith.cmpi ne, %convert_element_type3A_201, %cond3A_202 : i32
      scf.if %cond3A_203 {
        %dma_wait3A_514 = arith.constant 0 : i32
        %dma_wait3A_515 = arith.constant 0 : i32
        %dma_wait3A_516 = tpu.memref_slice %arg2[%dma_wait3A_514, %dma_wait3A_515] : memref<10240x64xf32, #tpu.memory_space<hbm>> -> memref<10240x64xf32, #tpu.memory_space<hbm>>
        tpu.wait_indirect_dma semaphore(%arg19 : memref<!tpu.dma_semaphore, #tpu.memory_space<semaphore_mem>>) src(%dma_wait3A_516 : memref<10240x64xf32, #tpu.memory_space<hbm>>) dst(%arg14 : memref<128x64xf32, #tpu.memory_space<vmem>>)
      } else {
      }
      %eq3A_204 = arith.constant 1 : i32
      %eq3A_205 = arith.cmpi eq, %arg0, %eq3A_204 : i32
      %convert_element_type3A_206 = arith.extui %eq3A_205 : i1 to i32
      %cond3A_207 = arith.constant 0 : i32
      %cond3A_208 = arith.cmpi ne, %convert_element_type3A_206, %cond3A_207 : i32
      scf.if %cond3A_208 {
        %dma_wait3A_514 = arith.constant 0 : i32
        %dma_wait3A_515 = arith.constant 0 : i32
        %dma_wait3A_516 = tpu.memref_slice %arg3[%dma_wait3A_514, %dma_wait3A_515] : memref<10240x64xf32, #tpu.memory_space<hbm>> -> memref<10240x64xf32, #tpu.memory_space<hbm>>
        tpu.wait_indirect_dma semaphore(%arg19 : memref<!tpu.dma_semaphore, #tpu.memory_space<semaphore_mem>>) src(%dma_wait3A_516 : memref<10240x64xf32, #tpu.memory_space<hbm>>) dst(%arg14 : memref<128x64xf32, #tpu.memory_space<vmem>>)
      } else {
      }
      %get3A_209 = arith.constant 128 : index
      %get3A_210 = tpu.vector_load %arg8[%get3A_209] {strides = array<i32>} : memref<256xi32, #tpu.memory_space<vmem>>, vector<16xi32>,
      %get3A_211 = vector.shape_cast %get3A_210 : vector<16xi32> to vector<16xi32>
      %swap3A_212 = arith.constant 0 : index
      %swap3A_213 = tpu.vector_load %arg12[%swap3A_212] {strides = array<i32>} : memref<128xi32, #tpu.memory_space<vmem>>, vector<16xi32>,
      %swap3A_214 = vector.shape_cast %swap3A_213 : vector<16xi32> to vector<16xi32>
      %swap3A_215 = vector.shape_cast %get3A_211 : vector<16xi32> to vector<16xi32>
      tpu.vector_store %arg12[%swap3A_212], %swap3A_215 {strides = array<i32>} : memref<128xi32, #tpu.memory_space<vmem>>, vector<16xi32>,
      %get3A_216 = arith.constant 144 : index
      %get3A_217 = tpu.vector_load %arg8[%get3A_216] {strides = array<i32>} : memref<256xi32, #tpu.memory_space<vmem>>, vector<16xi32>,
      %get3A_218 = vector.shape_cast %get3A_217 : vector<16xi32> to vector<16xi32>
      %swap3A_219 = arith.constant 16 : index
      %swap3A_220 = tpu.vector_load %arg12[%swap3A_219] {strides = array<i32>} : memref<128xi32, #tpu.memory_space<vmem>>, vector<16xi32>,
      %swap3A_221 = vector.shape_cast %swap3A_220 : vector<16xi32> to vector<16xi32>
      %swap3A_222 = vector.shape_cast %get3A_218 : vector<16xi32> to vector<16xi32>
      tpu.vector_store %arg12[%swap3A_219], %swap3A_222 {strides = array<i32>} : memref<128xi32, #tpu.memory_space<vmem>>, vector<16xi32>,
      %get3A_223 = arith.constant 160 : index
      %get3A_224 = tpu.vector_load %arg8[%get3A_223] {strides = array<i32>} : memref<256xi32, #tpu.memory_space<vmem>>, vector<16xi32>,
      %get3A_225 = vector.shape_cast %get3A_224 : vector<16xi32> to vector<16xi32>
      %swap3A_226 = arith.constant 32 : index
      %swap3A_227 = tpu.vector_load %arg12[%swap3A_226] {strides = array<i32>} : memref<128xi32, #tpu.memory_space<vmem>>, vector<16xi32>,
      %swap3A_228 = vector.shape_cast %swap3A_227 : vector<16xi32> to vector<16xi32>
      %swap3A_229 = vector.shape_cast %get3A_225 : vector<16xi32> to vector<16xi32>
      tpu.vector_store %arg12[%swap3A_226], %swap3A_229 {strides = array<i32>} : memref<128xi32, #tpu.memory_space<vmem>>, vector<16xi32>,
      %get3A_230 = arith.constant 176 : index
      %get3A_231 = tpu.vector_load %arg8[%get3A_230] {strides = array<i32>} : memref<256xi32, #tpu.memory_space<vmem>>, vector<16xi32>,
      %get3A_232 = vector.shape_cast %get3A_231 : vector<16xi32> to vector<16xi32>
      %swap3A_233 = arith.constant 48 : index
      %swap3A_234 = tpu.vector_load %arg12[%swap3A_233] {strides = array<i32>} : memref<128xi32, #tpu.memory_space<vmem>>, vector<16xi32>,
      %swap3A_235 = vector.shape_cast %swap3A_234 : vector<16xi32> to vector<16xi32>
      %swap3A_236 = vector.shape_cast %get3A_232 : vector<16xi32> to vector<16xi32>
      tpu.vector_store %arg12[%swap3A_233], %swap3A_236 {strides = array<i32>} : memref<128xi32, #tpu.memory_space<vmem>>, vector<16xi32>,
      %get3A_237 = arith.constant 192 : index
      %get3A_238 = tpu.vector_load %arg8[%get3A_237] {strides = array<i32>} : memref<256xi32, #tpu.memory_space<vmem>>, vector<16xi32>,
      %get3A_239 = vector.shape_cast %get3A_238 : vector<16xi32> to vector<16xi32>
      %swap3A_240 = arith.constant 64 : index
      %swap3A_241 = tpu.vector_load %arg12[%swap3A_240] {strides = array<i32>} : memref<128xi32, #tpu.memory_space<vmem>>, vector<16xi32>,
      %swap3A_242 = vector.shape_cast %swap3A_241 : vector<16xi32> to vector<16xi32>
      %swap3A_243 = vector.shape_cast %get3A_239 : vector<16xi32> to vector<16xi32>
      tpu.vector_store %arg12[%swap3A_240], %swap3A_243 {strides = array<i32>} : memref<128xi32, #tpu.memory_space<vmem>>, vector<16xi32>,
      %get3A_244 = arith.constant 208 : index
      %get3A_245 = tpu.vector_load %arg8[%get3A_244] {strides = array<i32>} : memref<256xi32, #tpu.memory_space<vmem>>, vector<16xi32>,
      %get3A_246 = vector.shape_cast %get3A_245 : vector<16xi32> to vector<16xi32>
      %swap3A_247 = arith.constant 80 : index
      %swap3A_248 = tpu.vector_load %arg12[%swap3A_247] {strides = array<i32>} : memref<128xi32, #tpu.memory_space<vmem>>, vector<16xi32>,
      %swap3A_249 = vector.shape_cast %swap3A_248 : vector<16xi32> to vector<16xi32>
      %swap3A_250 = vector.shape_cast %get3A_246 : vector<16xi32> to vector<16xi32>
      tpu.vector_store %arg12[%swap3A_247], %swap3A_250 {strides = array<i32>} : memref<128xi32, #tpu.memory_space<vmem>>, vector<16xi32>,
      %get3A_251 = arith.constant 224 : index
      %get3A_252 = tpu.vector_load %arg8[%get3A_251] {strides = array<i32>} : memref<256xi32, #tpu.memory_space<vmem>>, vector<16xi32>,
      %get3A_253 = vector.shape_cast %get3A_252 : vector<16xi32> to vector<16xi32>
      %swap3A_254 = arith.constant 96 : index
      %swap3A_255 = tpu.vector_load %arg12[%swap3A_254] {strides = array<i32>} : memref<128xi32, #tpu.memory_space<vmem>>, vector<16xi32>,
      %swap3A_256 = vector.shape_cast %swap3A_255 : vector<16xi32> to vector<16xi32>
      %swap3A_257 = vector.shape_cast %get3A_253 : vector<16xi32> to vector<16xi32>
      tpu.vector_store %arg12[%swap3A_254], %swap3A_257 {strides = array<i32>} : memref<128xi32, #tpu.memory_space<vmem>>, vector<16xi32>,
      %get3A_258 = arith.constant 240 : index
      %get3A_259 = tpu.vector_load %arg8[%get3A_258] {strides = array<i32>} : memref<256xi32, #tpu.memory_space<vmem>>, vector<16xi32>,
      %get3A_260 = vector.shape_cast %get3A_259 : vector<16xi32> to vector<16xi32>
      %swap3A_261 = arith.constant 112 : index
      %swap3A_262 = tpu.vector_load %arg12[%swap3A_261] {strides = array<i32>} : memref<128xi32, #tpu.memory_space<vmem>>, vector<16xi32>,
      %swap3A_263 = vector.shape_cast %swap3A_262 : vector<16xi32> to vector<16xi32>
      %swap3A_264 = vector.shape_cast %get3A_260 : vector<16xi32> to vector<16xi32>
      tpu.vector_store %arg12[%swap3A_261], %swap3A_264 {strides = array<i32>} : memref<128xi32, #tpu.memory_space<vmem>>, vector<16xi32>,
      %dma_start3A_265 = arith.constant 0 : i32
      %dma_start3A_266 = arith.constant 0 : i32
      %dma_start3A_267 = tpu.memref_slice %arg16[%dma_start3A_265, %dma_start3A_266] : memref<10240x64xf32, #tpu.memory_space<vmem_shared>> -> memref<10240x64xf32, #tpu.memory_space<vmem_shared>>
      tpu.enqueue_indirect_dma source(%arg14 : memref<128x64xf32, #tpu.memory_space<vmem>>) target(%dma_start3A_267 : memref<10240x64xf32, #tpu.memory_space<vmem_shared>>) offsets(%arg12 : memref<128xi32, #tpu.memory_space<vmem>>) semaphore(%arg21 : memref<!tpu.dma_semaphore, #tpu.memory_space<semaphore_mem>>) {add = true}
      %eq3A_268 = arith.constant 0 : i32
      %eq3A_269 = arith.cmpi eq, %arg0, %eq3A_268 : i32
      %convert_element_type3A_270 = arith.extui %eq3A_269 : i1 to i32
      %cond3A_271 = arith.constant 0 : i32
      %cond3A_272 = arith.cmpi ne, %convert_element_type3A_270, %cond3A_271 : i32
      scf.if %cond3A_272 {
        "tpu.region"() ({
          %run_scoped3A = tpu.sem_alloc : memref<!tpu.dma_semaphore, #tpu.memory_space<semaphore_mem>>
          %dma_start3A_514 = arith.constant 0 : i32
          %dma_start3A_515 = arith.constant 0 : i32
          %dma_start3A_516 = tpu.memref_slice %arg24[%dma_start3A_514, %dma_start3A_515] : memref<10240x16xf32, #tpu.memory_space<vmem_shared>> -> memref<10240x16xf32, #tpu.memory_space<vmem_shared>>
          tpu.enqueue_indirect_dma source(%arg23 : memref<128x16xf32, #tpu.memory_space<vmem>>) target(%dma_start3A_516 : memref<10240x16xf32, #tpu.memory_space<vmem_shared>>) offsets(%arg12 : memref<128xi32, #tpu.memory_space<vmem>>) semaphore(%run_scoped3A : memref<!tpu.dma_semaphore, #tpu.memory_space<semaphore_mem>>) {add = true}
          %dma_wait3A_517 = arith.constant 0 : i32
          %dma_wait3A_518 = arith.constant 0 : i32
          %dma_wait3A_519 = tpu.memref_slice %arg24[%dma_wait3A_517, %dma_wait3A_518] : memref<10240x16xf32, #tpu.memory_space<vmem_shared>> -> memref<10240x16xf32, #tpu.memory_space<vmem_shared>>
          tpu.wait_indirect_dma semaphore(%run_scoped3A : memref<!tpu.dma_semaphore, #tpu.memory_space<semaphore_mem>>) src(%arg23 : memref<128x16xf32, #tpu.memory_space<vmem>>) dst(%dma_wait3A_519 : memref<10240x16xf32, #tpu.memory_space<vmem_shared>>)
          tpu.yield
        }) : () -> ()
      } else {
      }
      %add3A_273 = arith.constant 2 : i32
      %add3A_274 = arith.addi %add3A_198, %add3A_273 : i32
      %dma_start3A_275 = arith.constant 0 : i32
      %dma_start3A_276 = tpu.memref_slice %arg4[%add3A_274, %dma_start3A_275] : memref<2512x256xi32, #tpu.memory_space<hbm>> -> memref<1x256xi32, #tpu.memory_space<hbm>>
      %dma_start3A_277 = tpu.memref_squeeze %dma_start3A_276 : memref<1x256xi32, #tpu.memory_space<hbm>> -> memref<256xi32, #tpu.memory_space<hbm>>
      %dma_start3A_278 = arith.constant 0 : i32
      %dma_start3A_279 = tpu.memref_slice %arg4[%add3A_274, %dma_start3A_278] : memref<2512x256xi32, #tpu.memory_space<hbm>> -> memref<1x256xi32, #tpu.memory_space<hbm>>
      %dma_start3A_280 = tpu.memref_squeeze %dma_start3A_279 : memref<1x256xi32, #tpu.memory_space<hbm>> -> memref<256xi32, #tpu.memory_space<hbm>>
      tpu.enqueue_dma source(%dma_start3A_280 : memref<256xi32, #tpu.memory_space<hbm>>) target(%arg8 : memref<256xi32, #tpu.memory_space<vmem>>) target_semaphore(%arg17 : memref<!tpu.dma_semaphore, #tpu.memory_space<semaphore_mem>>)
      %add3A_281 = arith.constant 1 : i32
      %add3A_282 = arith.addi %add3A_198, %add3A_281 : i32
      %dma_wait3A_283 = arith.constant 0 : i32
      %dma_wait3A_284 = tpu.memref_slice %arg4[%add3A_282, %dma_wait3A_283] : memref<2512x256xi32, #tpu.memory_space<hbm>> -> memref<1x256xi32, #tpu.memory_space<hbm>>
      %dma_wait3A_285 = tpu.memref_squeeze %dma_wait3A_284 : memref<1x256xi32, #tpu.memory_space<hbm>> -> memref<256xi32, #tpu.memory_space<hbm>>
      %dma_wait3A_286 = arith.constant 0 : i32
      %dma_wait3A_287 = tpu.memref_slice %arg4[%add3A_282, %dma_wait3A_286] : memref<2512x256xi32, #tpu.memory_space<hbm>> -> memref<1x256xi32, #tpu.memory_space<hbm>>
      %dma_wait3A_288 = tpu.memref_squeeze %dma_wait3A_287 : memref<1x256xi32, #tpu.memory_space<hbm>> -> memref<256xi32, #tpu.memory_space<hbm>>
      tpu.wait_dma2 semaphore(%arg18 : memref<!tpu.dma_semaphore, #tpu.memory_space<semaphore_mem>>) src(%dma_wait3A_288 : memref<256xi32, #tpu.memory_space<hbm>>) dst(%arg9 : memref<256xi32, #tpu.memory_space<vmem>>)
      %gt3A = arith.constant 0 : i32
      %gt3A_289 = arith.cmpi sgt, %add3A_195, %gt3A : i32
      %convert_element_type3A_290 = arith.extui %gt3A_289 : i1 to i32
      %cond3A_291 = arith.constant 0 : i32
      %cond3A_292 = arith.cmpi ne, %convert_element_type3A_290, %cond3A_291 : i32
      scf.if %cond3A_292 {
        %dma_wait3A_514 = arith.constant 0 : i32
        %dma_wait3A_515 = arith.constant 0 : i32
        %dma_wait3A_516 = tpu.memref_slice %arg16[%dma_wait3A_514, %dma_wait3A_515] : memref<10240x64xf32, #tpu.memory_space<vmem_shared>> -> memref<10240x64xf32, #tpu.memory_space<vmem_shared>>
        tpu.wait_indirect_dma semaphore(%arg22 : memref<!tpu.dma_semaphore, #tpu.memory_space<semaphore_mem>>) src(%arg15 : memref<128x64xf32, #tpu.memory_space<vmem>>) dst(%dma_wait3A_516 : memref<10240x64xf32, #tpu.memory_space<vmem_shared>>)
      } else {
      }
      %get3A_293 = arith.constant 0 : index
      %get3A_294 = tpu.vector_load %arg9[%get3A_293] {strides = array<i32>} : memref<256xi32, #tpu.memory_space<vmem>>, vector<16xi32>,
      %get3A_295 = vector.shape_cast %get3A_294 : vector<16xi32> to vector<16xi32>
      %swap3A_296 = arith.constant 0 : index
      %swap3A_297 = tpu.vector_load %arg11[%swap3A_296] {strides = array<i32>} : memref<128xi32, #tpu.memory_space<vmem>>, vector<16xi32>,
      %swap3A_298 = vector.shape_cast %swap3A_297 : vector<16xi32> to vector<16xi32>
      %swap3A_299 = vector.shape_cast %get3A_295 : vector<16xi32> to vector<16xi32>
      tpu.vector_store %arg11[%swap3A_296], %swap3A_299 {strides = array<i32>} : memref<128xi32, #tpu.memory_space<vmem>>, vector<16xi32>,
      %get3A_300 = arith.constant 16 : index
      %get3A_301 = tpu.vector_load %arg9[%get3A_300] {strides = array<i32>} : memref<256xi32, #tpu.memory_space<vmem>>, vector<16xi32>,
      %get3A_302 = vector.shape_cast %get3A_301 : vector<16xi32> to vector<16xi32>
      %swap3A_303 = arith.constant 16 : index
      %swap3A_304 = tpu.vector_load %arg11[%swap3A_303] {strides = array<i32>} : memref<128xi32, #tpu.memory_space<vmem>>, vector<16xi32>,
      %swap3A_305 = vector.shape_cast %swap3A_304 : vector<16xi32> to vector<16xi32>
      %swap3A_306 = vector.shape_cast %get3A_302 : vector<16xi32> to vector<16xi32>
      tpu.vector_store %arg11[%swap3A_303], %swap3A_306 {strides = array<i32>} : memref<128xi32, #tpu.memory_space<vmem>>, vector<16xi32>,
      %get3A_307 = arith.constant 32 : index
      %get3A_308 = tpu.vector_load %arg9[%get3A_307] {strides = array<i32>} : memref<256xi32, #tpu.memory_space<vmem>>, vector<16xi32>,
      %get3A_309 = vector.shape_cast %get3A_308 : vector<16xi32> to vector<16xi32>
      %swap3A_310 = arith.constant 32 : index
      %swap3A_311 = tpu.vector_load %arg11[%swap3A_310] {strides = array<i32>} : memref<128xi32, #tpu.memory_space<vmem>>, vector<16xi32>,
      %swap3A_312 = vector.shape_cast %swap3A_311 : vector<16xi32> to vector<16xi32>
      %swap3A_313 = vector.shape_cast %get3A_309 : vector<16xi32> to vector<16xi32>
      tpu.vector_store %arg11[%swap3A_310], %swap3A_313 {strides = array<i32>} : memref<128xi32, #tpu.memory_space<vmem>>, vector<16xi32>,
      %get3A_314 = arith.constant 48 : index
      %get3A_315 = tpu.vector_load %arg9[%get3A_314] {strides = array<i32>} : memref<256xi32, #tpu.memory_space<vmem>>, vector<16xi32>,
      %get3A_316 = vector.shape_cast %get3A_315 : vector<16xi32> to vector<16xi32>
      %swap3A_317 = arith.constant 48 : index
      %swap3A_318 = tpu.vector_load %arg11[%swap3A_317] {strides = array<i32>} : memref<128xi32, #tpu.memory_space<vmem>>, vector<16xi32>,
      %swap3A_319 = vector.shape_cast %swap3A_318 : vector<16xi32> to vector<16xi32>
      %swap3A_320 = vector.shape_cast %get3A_316 : vector<16xi32> to vector<16xi32>
      tpu.vector_store %arg11[%swap3A_317], %swap3A_320 {strides = array<i32>} : memref<128xi32, #tpu.memory_space<vmem>>, vector<16xi32>,
      %get3A_321 = arith.constant 64 : index
      %get3A_322 = tpu.vector_load %arg9[%get3A_321] {strides = array<i32>} : memref<256xi32, #tpu.memory_space<vmem>>, vector<16xi32>,
      %get3A_323 = vector.shape_cast %get3A_322 : vector<16xi32> to vector<16xi32>
      %swap3A_324 = arith.constant 64 : index
      %swap3A_325 = tpu.vector_load %arg11[%swap3A_324] {strides = array<i32>} : memref<128xi32, #tpu.memory_space<vmem>>, vector<16xi32>,
      %swap3A_326 = vector.shape_cast %swap3A_325 : vector<16xi32> to vector<16xi32>
      %swap3A_327 = vector.shape_cast %get3A_323 : vector<16xi32> to vector<16xi32>
      tpu.vector_store %arg11[%swap3A_324], %swap3A_327 {strides = array<i32>} : memref<128xi32, #tpu.memory_space<vmem>>, vector<16xi32>,
      %get3A_328 = arith.constant 80 : index
      %get3A_329 = tpu.vector_load %arg9[%get3A_328] {strides = array<i32>} : memref<256xi32, #tpu.memory_space<vmem>>, vector<16xi32>,
      %get3A_330 = vector.shape_cast %get3A_329 : vector<16xi32> to vector<16xi32>
      %swap3A_331 = arith.constant 80 : index
      %swap3A_332 = tpu.vector_load %arg11[%swap3A_331] {strides = array<i32>} : memref<128xi32, #tpu.memory_space<vmem>>, vector<16xi32>,
      %swap3A_333 = vector.shape_cast %swap3A_332 : vector<16xi32> to vector<16xi32>
      %swap3A_334 = vector.shape_cast %get3A_330 : vector<16xi32> to vector<16xi32>
      tpu.vector_store %arg11[%swap3A_331], %swap3A_334 {strides = array<i32>} : memref<128xi32, #tpu.memory_space<vmem>>, vector<16xi32>,
      %get3A_335 = arith.constant 96 : index
      %get3A_336 = tpu.vector_load %arg9[%get3A_335] {strides = array<i32>} : memref<256xi32, #tpu.memory_space<vmem>>, vector<16xi32>,
      %get3A_337 = vector.shape_cast %get3A_336 : vector<16xi32> to vector<16xi32>
      %swap3A_338 = arith.constant 96 : index
      %swap3A_339 = tpu.vector_load %arg11[%swap3A_338] {strides = array<i32>} : memref<128xi32, #tpu.memory_space<vmem>>, vector<16xi32>,
      %swap3A_340 = vector.shape_cast %swap3A_339 : vector<16xi32> to vector<16xi32>
      %swap3A_341 = vector.shape_cast %get3A_337 : vector<16xi32> to vector<16xi32>
      tpu.vector_store %arg11[%swap3A_338], %swap3A_341 {strides = array<i32>} : memref<128xi32, #tpu.memory_space<vmem>>, vector<16xi32>,
      %get3A_342 = arith.constant 112 : index
      %get3A_343 = tpu.vector_load %arg9[%get3A_342] {strides = array<i32>} : memref<256xi32, #tpu.memory_space<vmem>>, vector<16xi32>,
      %get3A_344 = vector.shape_cast %get3A_343 : vector<16xi32> to vector<16xi32>
      %swap3A_345 = arith.constant 112 : index
      %swap3A_346 = tpu.vector_load %arg11[%swap3A_345] {strides = array<i32>} : memref<128xi32, #tpu.memory_space<vmem>>, vector<16xi32>,
      %swap3A_347 = vector.shape_cast %swap3A_346 : vector<16xi32> to vector<16xi32>
      %swap3A_348 = vector.shape_cast %get3A_344 : vector<16xi32> to vector<16xi32>
      tpu.vector_store %arg11[%swap3A_345], %swap3A_348 {strides = array<i32>} : memref<128xi32, #tpu.memory_space<vmem>>, vector<16xi32>,
      %eq3A_349 = arith.constant 0 : i32
      %eq3A_350 = arith.cmpi eq, %arg0, %eq3A_349 : i32
      %convert_element_type3A_351 = arith.extui %eq3A_350 : i1 to i32
      %cond3A_352 = arith.constant 0 : i32
      %cond3A_353 = arith.cmpi ne, %convert_element_type3A_351, %cond3A_352 : i32
      scf.if %cond3A_353 {
        %dma_start3A_514 = arith.constant 0 : i32
        %dma_start3A_515 = arith.constant 0 : i32
        %dma_start3A_516 = tpu.memref_slice %arg2[%dma_start3A_514, %dma_start3A_515] : memref<10240x64xf32, #tpu.memory_space<hbm>> -> memref<10240x64xf32, #tpu.memory_space<hbm>>
        tpu.enqueue_indirect_dma source(%dma_start3A_516 : memref<10240x64xf32, #tpu.memory_space<hbm>>) target(%arg15 : memref<128x64xf32, #tpu.memory_space<vmem>>) offsets(%arg11 : memref<128xi32, #tpu.memory_space<vmem>>) semaphore(%arg20 : memref<!tpu.dma_semaphore, #tpu.memory_space<semaphore_mem>>)
      } else {
      }
      %eq3A_354 = arith.constant 1 : i32
      %eq3A_355 = arith.cmpi eq, %arg0, %eq3A_354 : i32
      %convert_element_type3A_356 = arith.extui %eq3A_355 : i1 to i32
      %cond3A_357 = arith.constant 0 : i32
      %cond3A_358 = arith.cmpi ne, %convert_element_type3A_356, %cond3A_357 : i32
      scf.if %cond3A_358 {
        %dma_start3A_514 = arith.constant 0 : i32
        %dma_start3A_515 = arith.constant 0 : i32
        %dma_start3A_516 = tpu.memref_slice %arg3[%dma_start3A_514, %dma_start3A_515] : memref<10240x64xf32, #tpu.memory_space<hbm>> -> memref<10240x64xf32, #tpu.memory_space<hbm>>
        tpu.enqueue_indirect_dma source(%dma_start3A_516 : memref<10240x64xf32, #tpu.memory_space<hbm>>) target(%arg15 : memref<128x64xf32, #tpu.memory_space<vmem>>) offsets(%arg11 : memref<128xi32, #tpu.memory_space<vmem>>) semaphore(%arg20 : memref<!tpu.dma_semaphore, #tpu.memory_space<semaphore_mem>>)
      } else {
      }
      %eq3A_359 = arith.constant 0 : i32
      %eq3A_360 = arith.cmpi eq, %arg0, %eq3A_359 : i32
      %convert_element_type3A_361 = arith.extui %eq3A_360 : i1 to i32
      %cond3A_362 = arith.constant 0 : i32
      %cond3A_363 = arith.cmpi ne, %convert_element_type3A_361, %cond3A_362 : i32
      scf.if %cond3A_363 {
        %dma_wait3A_514 = arith.constant 0 : i32
        %dma_wait3A_515 = arith.constant 0 : i32
        %dma_wait3A_516 = tpu.memref_slice %arg2[%dma_wait3A_514, %dma_wait3A_515] : memref<10240x64xf32, #tpu.memory_space<hbm>> -> memref<10240x64xf32, #tpu.memory_space<hbm>>
        tpu.wait_indirect_dma semaphore(%arg20 : memref<!tpu.dma_semaphore, #tpu.memory_space<semaphore_mem>>) src(%dma_wait3A_516 : memref<10240x64xf32, #tpu.memory_space<hbm>>) dst(%arg15 : memref<128x64xf32, #tpu.memory_space<vmem>>)
      } else {
      }
      %eq3A_364 = arith.constant 1 : i32
      %eq3A_365 = arith.cmpi eq, %arg0, %eq3A_364 : i32
      %convert_element_type3A_366 = arith.extui %eq3A_365 : i1 to i32
      %cond3A_367 = arith.constant 0 : i32
      %cond3A_368 = arith.cmpi ne, %convert_element_type3A_366, %cond3A_367 : i32
      scf.if %cond3A_368 {
        %dma_wait3A_514 = arith.constant 0 : i32
        %dma_wait3A_515 = arith.constant 0 : i32
        %dma_wait3A_516 = tpu.memref_slice %arg3[%dma_wait3A_514, %dma_wait3A_515] : memref<10240x64xf32, #tpu.memory_space<hbm>> -> memref<10240x64xf32, #tpu.memory_space<hbm>>
        tpu.wait_indirect_dma semaphore(%arg20 : memref<!tpu.dma_semaphore, #tpu.memory_space<semaphore_mem>>) src(%dma_wait3A_516 : memref<10240x64xf32, #tpu.memory_space<hbm>>) dst(%arg15 : memref<128x64xf32, #tpu.memory_space<vmem>>)
      } else {
      }
      %get3A_369 = arith.constant 128 : index
      %get3A_370 = tpu.vector_load %arg9[%get3A_369] {strides = array<i32>} : memref<256xi32, #tpu.memory_space<vmem>>, vector<16xi32>,
      %get3A_371 = vector.shape_cast %get3A_370 : vector<16xi32> to vector<16xi32>
      %swap3A_372 = arith.constant 0 : index
      %swap3A_373 = tpu.vector_load %arg13[%swap3A_372] {strides = array<i32>} : memref<128xi32, #tpu.memory_space<vmem>>, vector<16xi32>,
      %swap3A_374 = vector.shape_cast %swap3A_373 : vector<16xi32> to vector<16xi32>
      %swap3A_375 = vector.shape_cast %get3A_371 : vector<16xi32> to vector<16xi32>
      tpu.vector_store %arg13[%swap3A_372], %swap3A_375 {strides = array<i32>} : memref<128xi32, #tpu.memory_space<vmem>>, vector<16xi32>,
      %get3A_376 = arith.constant 144 : index
      %get3A_377 = tpu.vector_load %arg9[%get3A_376] {strides = array<i32>} : memref<256xi32, #tpu.memory_space<vmem>>, vector<16xi32>,
      %get3A_378 = vector.shape_cast %get3A_377 : vector<16xi32> to vector<16xi32>
      %swap3A_379 = arith.constant 16 : index
      %swap3A_380 = tpu.vector_load %arg13[%swap3A_379] {strides = array<i32>} : memref<128xi32, #tpu.memory_space<vmem>>, vector<16xi32>,
      %swap3A_381 = vector.shape_cast %swap3A_380 : vector<16xi32> to vector<16xi32>
      %swap3A_382 = vector.shape_cast %get3A_378 : vector<16xi32> to vector<16xi32>
      tpu.vector_store %arg13[%swap3A_379], %swap3A_382 {strides = array<i32>} : memref<128xi32, #tpu.memory_space<vmem>>, vector<16xi32>,
      %get3A_383 = arith.constant 160 : index
      %get3A_384 = tpu.vector_load %arg9[%get3A_383] {strides = array<i32>} : memref<256xi32, #tpu.memory_space<vmem>>, vector<16xi32>,
      %get3A_385 = vector.shape_cast %get3A_384 : vector<16xi32> to vector<16xi32>
      %swap3A_386 = arith.constant 32 : index
      %swap3A_387 = tpu.vector_load %arg13[%swap3A_386] {strides = array<i32>} : memref<128xi32, #tpu.memory_space<vmem>>, vector<16xi32>,
      %swap3A_388 = vector.shape_cast %swap3A_387 : vector<16xi32> to vector<16xi32>
      %swap3A_389 = vector.shape_cast %get3A_385 : vector<16xi32> to vector<16xi32>
      tpu.vector_store %arg13[%swap3A_386], %swap3A_389 {strides = array<i32>} : memref<128xi32, #tpu.memory_space<vmem>>, vector<16xi32>,
      %get3A_390 = arith.constant 176 : index
      %get3A_391 = tpu.vector_load %arg9[%get3A_390] {strides = array<i32>} : memref<256xi32, #tpu.memory_space<vmem>>, vector<16xi32>,
      %get3A_392 = vector.shape_cast %get3A_391 : vector<16xi32> to vector<16xi32>
      %swap3A_393 = arith.constant 48 : index
      %swap3A_394 = tpu.vector_load %arg13[%swap3A_393] {strides = array<i32>} : memref<128xi32, #tpu.memory_space<vmem>>, vector<16xi32>,
      %swap3A_395 = vector.shape_cast %swap3A_394 : vector<16xi32> to vector<16xi32>
      %swap3A_396 = vector.shape_cast %get3A_392 : vector<16xi32> to vector<16xi32>
      tpu.vector_store %arg13[%swap3A_393], %swap3A_396 {strides = array<i32>} : memref<128xi32, #tpu.memory_space<vmem>>, vector<16xi32>,
      %get3A_397 = arith.constant 192 : index
      %get3A_398 = tpu.vector_load %arg9[%get3A_397] {strides = array<i32>} : memref<256xi32, #tpu.memory_space<vmem>>, vector<16xi32>,
      %get3A_399 = vector.shape_cast %get3A_398 : vector<16xi32> to vector<16xi32>
      %swap3A_400 = arith.constant 64 : index
      %swap3A_401 = tpu.vector_load %arg13[%swap3A_400] {strides = array<i32>} : memref<128xi32, #tpu.memory_space<vmem>>, vector<16xi32>,
      %swap3A_402 = vector.shape_cast %swap3A_401 : vector<16xi32> to vector<16xi32>
      %swap3A_403 = vector.shape_cast %get3A_399 : vector<16xi32> to vector<16xi32>
      tpu.vector_store %arg13[%swap3A_400], %swap3A_403 {strides = array<i32>} : memref<128xi32, #tpu.memory_space<vmem>>, vector<16xi32>,
      %get3A_404 = arith.constant 208 : index
      %get3A_405 = tpu.vector_load %arg9[%get3A_404] {strides = array<i32>} : memref<256xi32, #tpu.memory_space<vmem>>, vector<16xi32>,
      %get3A_406 = vector.shape_cast %get3A_405 : vector<16xi32> to vector<16xi32>
      %swap3A_407 = arith.constant 80 : index
      %swap3A_408 = tpu.vector_load %arg13[%swap3A_407] {strides = array<i32>} : memref<128xi32, #tpu.memory_space<vmem>>, vector<16xi32>,
      %swap3A_409 = vector.shape_cast %swap3A_408 : vector<16xi32> to vector<16xi32>
      %swap3A_410 = vector.shape_cast %get3A_406 : vector<16xi32> to vector<16xi32>
      tpu.vector_store %arg13[%swap3A_407], %swap3A_410 {strides = array<i32>} : memref<128xi32, #tpu.memory_space<vmem>>, vector<16xi32>,
      %get3A_411 = arith.constant 224 : index
      %get3A_412 = tpu.vector_load %arg9[%get3A_411] {strides = array<i32>} : memref<256xi32, #tpu.memory_space<vmem>>, vector<16xi32>,
      %get3A_413 = vector.shape_cast %get3A_412 : vector<16xi32> to vector<16xi32>
      %swap3A_414 = arith.constant 96 : index
      %swap3A_415 = tpu.vector_load %arg13[%swap3A_414] {strides = array<i32>} : memref<128xi32, #tpu.memory_space<vmem>>, vector<16xi32>,
      %swap3A_416 = vector.shape_cast %swap3A_415 : vector<16xi32> to vector<16xi32>
      %swap3A_417 = vector.shape_cast %get3A_413 : vector<16xi32> to vector<16xi32>
      tpu.vector_store %arg13[%swap3A_414], %swap3A_417 {strides = array<i32>} : memref<128xi32, #tpu.memory_space<vmem>>, vector<16xi32>,
      %get3A_418 = arith.constant 240 : index
      %get3A_419 = tpu.vector_load %arg9[%get3A_418] {strides = array<i32>} : memref<256xi32, #tpu.memory_space<vmem>>, vector<16xi32>,
      %get3A_420 = vector.shape_cast %get3A_419 : vector<16xi32> to vector<16xi32>
      %swap3A_421 = arith.constant 112 : index
      %swap3A_422 = tpu.vector_load %arg13[%swap3A_421] {strides = array<i32>} : memref<128xi32, #tpu.memory_space<vmem>>, vector<16xi32>,
      %swap3A_423 = vector.shape_cast %swap3A_422 : vector<16xi32> to vector<16xi32>
      %swap3A_424 = vector.shape_cast %get3A_420 : vector<16xi32> to vector<16xi32>
      tpu.vector_store %arg13[%swap3A_421], %swap3A_424 {strides = array<i32>} : memref<128xi32, #tpu.memory_space<vmem>>, vector<16xi32>,
      %dma_start3A_425 = arith.constant 0 : i32
      %dma_start3A_426 = arith.constant 0 : i32
      %dma_start3A_427 = tpu.memref_slice %arg16[%dma_start3A_425, %dma_start3A_426] : memref<10240x64xf32, #tpu.memory_space<vmem_shared>> -> memref<10240x64xf32, #tpu.memory_space<vmem_shared>>
      tpu.enqueue_indirect_dma source(%arg15 : memref<128x64xf32, #tpu.memory_space<vmem>>) target(%dma_start3A_427 : memref<10240x64xf32, #tpu.memory_space<vmem_shared>>) offsets(%arg13 : memref<128xi32, #tpu.memory_space<vmem>>) semaphore(%arg22 : memref<!tpu.dma_semaphore, #tpu.memory_space<semaphore_mem>>) {add = true}
      %eq3A_428 = arith.constant 0 : i32
      %eq3A_429 = arith.cmpi eq, %arg0, %eq3A_428 : i32
      %convert_element_type3A_430 = arith.extui %eq3A_429 : i1 to i32
      %cond3A_431 = arith.constant 0 : i32
      %cond3A_432 = arith.cmpi ne, %convert_element_type3A_430, %cond3A_431 : i32
      scf.if %cond3A_432 {
        "tpu.region"() ({
          %run_scoped3A = tpu.sem_alloc : memref<!tpu.dma_semaphore, #tpu.memory_space<semaphore_mem>>
          %dma_start3A_514 = arith.constant 0 : i32
          %dma_start3A_515 = arith.constant 0 : i32
          %dma_start3A_516 = tpu.memref_slice %arg24[%dma_start3A_514, %dma_start3A_515] : memref<10240x16xf32, #tpu.memory_space<vmem_shared>> -> memref<10240x16xf32, #tpu.memory_space<vmem_shared>>
          tpu.enqueue_indirect_dma source(%arg23 : memref<128x16xf32, #tpu.memory_space<vmem>>) target(%dma_start3A_516 : memref<10240x16xf32, #tpu.memory_space<vmem_shared>>) offsets(%arg13 : memref<128xi32, #tpu.memory_space<vmem>>) semaphore(%run_scoped3A : memref<!tpu.dma_semaphore, #tpu.memory_space<semaphore_mem>>) {add = true}
          %dma_wait3A_517 = arith.constant 0 : i32
          %dma_wait3A_518 = arith.constant 0 : i32
          %dma_wait3A_519 = tpu.memref_slice %arg24[%dma_wait3A_517, %dma_wait3A_518] : memref<10240x16xf32, #tpu.memory_space<vmem_shared>> -> memref<10240x16xf32, #tpu.memory_space<vmem_shared>>
          tpu.wait_indirect_dma semaphore(%run_scoped3A : memref<!tpu.dma_semaphore, #tpu.memory_space<semaphore_mem>>) src(%arg23 : memref<128x16xf32, #tpu.memory_space<vmem>>) dst(%dma_wait3A_519 : memref<10240x16xf32, #tpu.memory_space<vmem_shared>>)
          tpu.yield
        }) : () -> ()
      } else {
      }
      %lt3A = arith.constant 77 : i32
      %lt3A_433 = arith.cmpi slt, %add3A_195, %lt3A : i32
      %convert_element_type3A_434 = arith.extui %lt3A_433 : i1 to i32
      %cond3A_435 = arith.constant 0 : i32
      %cond3A_436 = arith.cmpi ne, %convert_element_type3A_434, %cond3A_435 : i32
      scf.if %cond3A_436 {
        %add3A_514 = arith.constant 3 : i32
        %add3A_515 = arith.addi %add3A_198, %add3A_514 : i32
        %dma_start3A_516 = arith.constant 0 : i32
        %dma_start3A_517 = tpu.memref_slice %arg4[%add3A_515, %dma_start3A_516] : memref<2512x256xi32, #tpu.memory_space<hbm>> -> memref<1x256xi32, #tpu.memory_space<hbm>>
        %dma_start3A_518 = tpu.memref_squeeze %dma_start3A_517 : memref<1x256xi32, #tpu.memory_space<hbm>> -> memref<256xi32, #tpu.memory_space<hbm>>
        %dma_start3A_519 = arith.constant 0 : i32
        %dma_start3A_520 = tpu.memref_slice %arg4[%add3A_515, %dma_start3A_519] : memref<2512x256xi32, #tpu.memory_space<hbm>> -> memref<1x256xi32, #tpu.memory_space<hbm>>
        %dma_start3A_521 = tpu.memref_squeeze %dma_start3A_520 : memref<1x256xi32, #tpu.memory_space<hbm>> -> memref<256xi32, #tpu.memory_space<hbm>>
        tpu.enqueue_dma source(%dma_start3A_521 : memref<256xi32, #tpu.memory_space<hbm>>) target(%arg9 : memref<256xi32, #tpu.memory_space<vmem>>) target_semaphore(%arg18 : memref<!tpu.dma_semaphore, #tpu.memory_space<semaphore_mem>>)
      } else {
      }
      %add3A_437 = arith.constant 2 : i32
      %add3A_438 = arith.addi %add3A_198, %add3A_437 : i32
      %dma_wait3A_439 = arith.constant 0 : i32
      %dma_wait3A_440 = tpu.memref_slice %arg4[%add3A_438, %dma_wait3A_439] : memref<2512x256xi32, #tpu.memory_space<hbm>> -> memref<1x256xi32, #tpu.memory_space<hbm>>
      %dma_wait3A_441 = tpu.memref_squeeze %dma_wait3A_440 : memref<1x256xi32, #tpu.memory_space<hbm>> -> memref<256xi32, #tpu.memory_space<hbm>>
      %dma_wait3A_442 = arith.constant 0 : i32
      %dma_wait3A_443 = tpu.memref_slice %arg4[%add3A_438, %dma_wait3A_442] : memref<2512x256xi32, #tpu.memory_space<hbm>> -> memref<1x256xi32, #tpu.memory_space<hbm>>
      %dma_wait3A_444 = tpu.memref_squeeze %dma_wait3A_443 : memref<1x256xi32, #tpu.memory_space<hbm>> -> memref<256xi32, #tpu.memory_space<hbm>>
      tpu.wait_dma2 semaphore(%arg17 : memref<!tpu.dma_semaphore, #tpu.memory_space<semaphore_mem>>) src(%dma_wait3A_444 : memref<256xi32, #tpu.memory_space<hbm>>) dst(%arg8 : memref<256xi32, #tpu.memory_space<vmem>>)
      %dma_wait3A_445 = arith.constant 0 : i32
      %dma_wait3A_446 = arith.constant 0 : i32
      %dma_wait3A_447 = tpu.memref_slice %arg16[%dma_wait3A_445, %dma_wait3A_446] : memref<10240x64xf32, #tpu.memory_space<vmem_shared>> -> memref<10240x64xf32, #tpu.memory_space<vmem_shared>>
      tpu.wait_indirect_dma semaphore(%arg21 : memref<!tpu.dma_semaphore, #tpu.memory_space<semaphore_mem>>) src(%arg14 : memref<128x64xf32, #tpu.memory_space<vmem>>) dst(%dma_wait3A_447 : memref<10240x64xf32, #tpu.memory_space<vmem_shared>>)
      %get3A_448 = arith.constant 0 : index
      %get3A_449 = tpu.vector_load %arg8[%get3A_448] {strides = array<i32>} : memref<256xi32, #tpu.memory_space<vmem>>, vector<16xi32>,
      %get3A_450 = vector.shape_cast %get3A_449 : vector<16xi32> to vector<16xi32>
      %swap3A_451 = arith.constant 0 : index
      %swap3A_452 = tpu.vector_load %arg10[%swap3A_451] {strides = array<i32>} : memref<128xi32, #tpu.memory_space<vmem>>, vector<16xi32>,
      %swap3A_453 = vector.shape_cast %swap3A_452 : vector<16xi32> to vector<16xi32>
      %swap3A_454 = vector.shape_cast %get3A_450 : vector<16xi32> to vector<16xi32>
      tpu.vector_store %arg10[%swap3A_451], %swap3A_454 {strides = array<i32>} : memref<128xi32, #tpu.memory_space<vmem>>, vector<16xi32>,
      %get3A_455 = arith.constant 16 : index
      %get3A_456 = tpu.vector_load %arg8[%get3A_455] {strides = array<i32>} : memref<256xi32, #tpu.memory_space<vmem>>, vector<16xi32>,
      %get3A_457 = vector.shape_cast %get3A_456 : vector<16xi32> to vector<16xi32>
      %swap3A_458 = arith.constant 16 : index
      %swap3A_459 = tpu.vector_load %arg10[%swap3A_458] {strides = array<i32>} : memref<128xi32, #tpu.memory_space<vmem>>, vector<16xi32>,
      %swap3A_460 = vector.shape_cast %swap3A_459 : vector<16xi32> to vector<16xi32>
      %swap3A_461 = vector.shape_cast %get3A_457 : vector<16xi32> to vector<16xi32>
      tpu.vector_store %arg10[%swap3A_458], %swap3A_461 {strides = array<i32>} : memref<128xi32, #tpu.memory_space<vmem>>, vector<16xi32>,
      %get3A_462 = arith.constant 32 : index
      %get3A_463 = tpu.vector_load %arg8[%get3A_462] {strides = array<i32>} : memref<256xi32, #tpu.memory_space<vmem>>, vector<16xi32>,
      %get3A_464 = vector.shape_cast %get3A_463 : vector<16xi32> to vector<16xi32>
      %swap3A_465 = arith.constant 32 : index
      %swap3A_466 = tpu.vector_load %arg10[%swap3A_465] {strides = array<i32>} : memref<128xi32, #tpu.memory_space<vmem>>, vector<16xi32>,
      %swap3A_467 = vector.shape_cast %swap3A_466 : vector<16xi32> to vector<16xi32>
      %swap3A_468 = vector.shape_cast %get3A_464 : vector<16xi32> to vector<16xi32>
      tpu.vector_store %arg10[%swap3A_465], %swap3A_468 {strides = array<i32>} : memref<128xi32, #tpu.memory_space<vmem>>, vector<16xi32>,
      %get3A_469 = arith.constant 48 : index
      %get3A_470 = tpu.vector_load %arg8[%get3A_469] {strides = array<i32>} : memref<256xi32, #tpu.memory_space<vmem>>, vector<16xi32>,
      %get3A_471 = vector.shape_cast %get3A_470 : vector<16xi32> to vector<16xi32>
      %swap3A_472 = arith.constant 48 : index
      %swap3A_473 = tpu.vector_load %arg10[%swap3A_472] {strides = array<i32>} : memref<128xi32, #tpu.memory_space<vmem>>, vector<16xi32>,
      %swap3A_474 = vector.shape_cast %swap3A_473 : vector<16xi32> to vector<16xi32>
      %swap3A_475 = vector.shape_cast %get3A_471 : vector<16xi32> to vector<16xi32>
      tpu.vector_store %arg10[%swap3A_472], %swap3A_475 {strides = array<i32>} : memref<128xi32, #tpu.memory_space<vmem>>, vector<16xi32>,
      %get3A_476 = arith.constant 64 : index
      %get3A_477 = tpu.vector_load %arg8[%get3A_476] {strides = array<i32>} : memref<256xi32, #tpu.memory_space<vmem>>, vector<16xi32>,
      %get3A_478 = vector.shape_cast %get3A_477 : vector<16xi32> to vector<16xi32>
      %swap3A_479 = arith.constant 64 : index
      %swap3A_480 = tpu.vector_load %arg10[%swap3A_479] {strides = array<i32>} : memref<128xi32, #tpu.memory_space<vmem>>, vector<16xi32>,
      %swap3A_481 = vector.shape_cast %swap3A_480 : vector<16xi32> to vector<16xi32>
      %swap3A_482 = vector.shape_cast %get3A_478 : vector<16xi32> to vector<16xi32>
      tpu.vector_store %arg10[%swap3A_479], %swap3A_482 {strides = array<i32>} : memref<128xi32, #tpu.memory_space<vmem>>, vector<16xi32>,
      %get3A_483 = arith.constant 80 : index
      %get3A_484 = tpu.vector_load %arg8[%get3A_483] {strides = array<i32>} : memref<256xi32, #tpu.memory_space<vmem>>, vector<16xi32>,
      %get3A_485 = vector.shape_cast %get3A_484 : vector<16xi32> to vector<16xi32>
      %swap3A_486 = arith.constant 80 : index
      %swap3A_487 = tpu.vector_load %arg10[%swap3A_486] {strides = array<i32>} : memref<128xi32, #tpu.memory_space<vmem>>, vector<16xi32>,
      %swap3A_488 = vector.shape_cast %swap3A_487 : vector<16xi32> to vector<16xi32>
      %swap3A_489 = vector.shape_cast %get3A_485 : vector<16xi32> to vector<16xi32>
      tpu.vector_store %arg10[%swap3A_486], %swap3A_489 {strides = array<i32>} : memref<128xi32, #tpu.memory_space<vmem>>, vector<16xi32>,
      %get3A_490 = arith.constant 96 : index
      %get3A_491 = tpu.vector_load %arg8[%get3A_490] {strides = array<i32>} : memref<256xi32, #tpu.memory_space<vmem>>, vector<16xi32>,
      %get3A_492 = vector.shape_cast %get3A_491 : vector<16xi32> to vector<16xi32>
      %swap3A_493 = arith.constant 96 : index
      %swap3A_494 = tpu.vector_load %arg10[%swap3A_493] {strides = array<i32>} : memref<128xi32, #tpu.memory_space<vmem>>, vector<16xi32>,
      %swap3A_495 = vector.shape_cast %swap3A_494 : vector<16xi32> to vector<16xi32>
      %swap3A_496 = vector.shape_cast %get3A_492 : vector<16xi32> to vector<16xi32>
      tpu.vector_store %arg10[%swap3A_493], %swap3A_496 {strides = array<i32>} : memref<128xi32, #tpu.memory_space<vmem>>, vector<16xi32>,
      %get3A_497 = arith.constant 112 : index
      %get3A_498 = tpu.vector_load %arg8[%get3A_497] {strides = array<i32>} : memref<256xi32, #tpu.memory_space<vmem>>, vector<16xi32>,
      %get3A_499 = vector.shape_cast %get3A_498 : vector<16xi32> to vector<16xi32>
      %swap3A_500 = arith.constant 112 : index
      %swap3A_501 = tpu.vector_load %arg10[%swap3A_500] {strides = array<i32>} : memref<128xi32, #tpu.memory_space<vmem>>, vector<16xi32>,
      %swap3A_502 = vector.shape_cast %swap3A_501 : vector<16xi32> to vector<16xi32>
      %swap3A_503 = vector.shape_cast %get3A_499 : vector<16xi32> to vector<16xi32>
      tpu.vector_store %arg10[%swap3A_500], %swap3A_503 {strides = array<i32>} : memref<128xi32, #tpu.memory_space<vmem>>, vector<16xi32>,
      %eq3A_504 = arith.constant 0 : i32
      %eq3A_505 = arith.cmpi eq, %arg0, %eq3A_504 : i32
      %convert_element_type3A_506 = arith.extui %eq3A_505 : i1 to i32
      %cond3A_507 = arith.constant 0 : i32
      %cond3A_508 = arith.cmpi ne, %convert_element_type3A_506, %cond3A_507 : i32
      scf.if %cond3A_508 {
        %dma_start3A_514 = arith.constant 0 : i32
        %dma_start3A_515 = arith.constant 0 : i32
        %dma_start3A_516 = tpu.memref_slice %arg2[%dma_start3A_514, %dma_start3A_515] : memref<10240x64xf32, #tpu.memory_space<hbm>> -> memref<10240x64xf32, #tpu.memory_space<hbm>>
        tpu.enqueue_indirect_dma source(%dma_start3A_516 : memref<10240x64xf32, #tpu.memory_space<hbm>>) target(%arg14 : memref<128x64xf32, #tpu.memory_space<vmem>>) offsets(%arg10 : memref<128xi32, #tpu.memory_space<vmem>>) semaphore(%arg19 : memref<!tpu.dma_semaphore, #tpu.memory_space<semaphore_mem>>)
      } else {
      }
      %eq3A_509 = arith.constant 1 : i32
      %eq3A_510 = arith.cmpi eq, %arg0, %eq3A_509 : i32
      %convert_element_type3A_511 = arith.extui %eq3A_510 : i1 to i32
      %cond3A_512 = arith.constant 0 : i32
      %cond3A_513 = arith.cmpi ne, %convert_element_type3A_511, %cond3A_512 : i32
      scf.if %cond3A_513 {
        %dma_start3A_514 = arith.constant 0 : i32
        %dma_start3A_515 = arith.constant 0 : i32
        %dma_start3A_516 = tpu.memref_slice %arg3[%dma_start3A_514, %dma_start3A_515] : memref<10240x64xf32, #tpu.memory_space<hbm>> -> memref<10240x64xf32, #tpu.memory_space<hbm>>
        tpu.enqueue_indirect_dma source(%dma_start3A_516 : memref<10240x64xf32, #tpu.memory_space<hbm>>) target(%arg14 : memref<128x64xf32, #tpu.memory_space<vmem>>) offsets(%arg10 : memref<128xi32, #tpu.memory_space<vmem>>) semaphore(%arg19 : memref<!tpu.dma_semaphore, #tpu.memory_space<semaphore_mem>>)
      } else {
      }
    }
    %scan3A_97 = arith.constant 78 : i32
    %eq3A_98 = arith.constant 0 : i32
    %eq3A_99 = arith.cmpi eq, %arg0, %eq3A_98 : i32
    %convert_element_type3A_100 = arith.extui %eq3A_99 : i1 to i32
    %cond3A_101 = arith.constant 0 : i32
    %cond3A_102 = arith.cmpi ne, %convert_element_type3A_100, %cond3A_101 : i32
    scf.if %cond3A_102 {
      %dma_wait3A_191 = arith.constant 0 : i32
      %dma_wait3A_192 = arith.constant 0 : i32
      %dma_wait3A_193 = tpu.memref_slice %arg2[%dma_wait3A_191, %dma_wait3A_192] : memref<10240x64xf32, #tpu.memory_space<hbm>> -> memref<10240x64xf32, #tpu.memory_space<hbm>>
      tpu.wait_indirect_dma semaphore(%arg19 : memref<!tpu.dma_semaphore, #tpu.memory_space<semaphore_mem>>) src(%dma_wait3A_193 : memref<10240x64xf32, #tpu.memory_space<hbm>>) dst(%arg14 : memref<128x64xf32, #tpu.memory_space<vmem>>)
    } else {
    }
    %eq3A_103 = arith.constant 1 : i32
    %eq3A_104 = arith.cmpi eq, %arg0, %eq3A_103 : i32
    %convert_element_type3A_105 = arith.extui %eq3A_104 : i1 to i32
    %cond3A_106 = arith.constant 0 : i32
    %cond3A_107 = arith.cmpi ne, %convert_element_type3A_105, %cond3A_106 : i32
    scf.if %cond3A_107 {
      %dma_wait3A_191 = arith.constant 0 : i32
      %dma_wait3A_192 = arith.constant 0 : i32
      %dma_wait3A_193 = tpu.memref_slice %arg3[%dma_wait3A_191, %dma_wait3A_192] : memref<10240x64xf32, #tpu.memory_space<hbm>> -> memref<10240x64xf32, #tpu.memory_space<hbm>>
      tpu.wait_indirect_dma semaphore(%arg19 : memref<!tpu.dma_semaphore, #tpu.memory_space<semaphore_mem>>) src(%dma_wait3A_193 : memref<10240x64xf32, #tpu.memory_space<hbm>>) dst(%arg14 : memref<128x64xf32, #tpu.memory_space<vmem>>)
    } else {
    }
    %get3A_108 = arith.constant 128 : index
    %get3A_109 = tpu.vector_load %arg8[%get3A_108] {strides = array<i32>} : memref<256xi32, #tpu.memory_space<vmem>>, vector<16xi32>,
    %get3A_110 = vector.shape_cast %get3A_109 : vector<16xi32> to vector<16xi32>
    %swap3A_111 = arith.constant 0 : index
    %swap3A_112 = tpu.vector_load %arg12[%swap3A_111] {strides = array<i32>} : memref<128xi32, #tpu.memory_space<vmem>>, vector<16xi32>,
    %swap3A_113 = vector.shape_cast %swap3A_112 : vector<16xi32> to vector<16xi32>
    %swap3A_114 = vector.shape_cast %get3A_110 : vector<16xi32> to vector<16xi32>
    tpu.vector_store %arg12[%swap3A_111], %swap3A_114 {strides = array<i32>} : memref<128xi32, #tpu.memory_space<vmem>>, vector<16xi32>,
    %get3A_115 = arith.constant 144 : index
    %get3A_116 = tpu.vector_load %arg8[%get3A_115] {strides = array<i32>} : memref<256xi32, #tpu.memory_space<vmem>>, vector<16xi32>,
    %get3A_117 = vector.shape_cast %get3A_116 : vector<16xi32> to vector<16xi32>
    %swap3A_118 = arith.constant 16 : index
    %swap3A_119 = tpu.vector_load %arg12[%swap3A_118] {strides = array<i32>} : memref<128xi32, #tpu.memory_space<vmem>>, vector<16xi32>,
    %swap3A_120 = vector.shape_cast %swap3A_119 : vector<16xi32> to vector<16xi32>
    %swap3A_121 = vector.shape_cast %get3A_117 : vector<16xi32> to vector<16xi32>
    tpu.vector_store %arg12[%swap3A_118], %swap3A_121 {strides = array<i32>} : memref<128xi32, #tpu.memory_space<vmem>>, vector<16xi32>,
    %get3A_122 = arith.constant 160 : index
    %get3A_123 = tpu.vector_load %arg8[%get3A_122] {strides = array<i32>} : memref<256xi32, #tpu.memory_space<vmem>>, vector<16xi32>,
    %get3A_124 = vector.shape_cast %get3A_123 : vector<16xi32> to vector<16xi32>
    %swap3A_125 = arith.constant 32 : index
    %swap3A_126 = tpu.vector_load %arg12[%swap3A_125] {strides = array<i32>} : memref<128xi32, #tpu.memory_space<vmem>>, vector<16xi32>,
    %swap3A_127 = vector.shape_cast %swap3A_126 : vector<16xi32> to vector<16xi32>
    %swap3A_128 = vector.shape_cast %get3A_124 : vector<16xi32> to vector<16xi32>
    tpu.vector_store %arg12[%swap3A_125], %swap3A_128 {strides = array<i32>} : memref<128xi32, #tpu.memory_space<vmem>>, vector<16xi32>,
    %get3A_129 = arith.constant 176 : index
    %get3A_130 = tpu.vector_load %arg8[%get3A_129] {strides = array<i32>} : memref<256xi32, #tpu.memory_space<vmem>>, vector<16xi32>,
    %get3A_131 = vector.shape_cast %get3A_130 : vector<16xi32> to vector<16xi32>
    %swap3A_132 = arith.constant 48 : index
    %swap3A_133 = tpu.vector_load %arg12[%swap3A_132] {strides = array<i32>} : memref<128xi32, #tpu.memory_space<vmem>>, vector<16xi32>,
    %swap3A_134 = vector.shape_cast %swap3A_133 : vector<16xi32> to vector<16xi32>
    %swap3A_135 = vector.shape_cast %get3A_131 : vector<16xi32> to vector<16xi32>
    tpu.vector_store %arg12[%swap3A_132], %swap3A_135 {strides = array<i32>} : memref<128xi32, #tpu.memory_space<vmem>>, vector<16xi32>,
    %get3A_136 = arith.constant 192 : index
    %get3A_137 = tpu.vector_load %arg8[%get3A_136] {strides = array<i32>} : memref<256xi32, #tpu.memory_space<vmem>>, vector<16xi32>,
    %get3A_138 = vector.shape_cast %get3A_137 : vector<16xi32> to vector<16xi32>
    %swap3A_139 = arith.constant 64 : index
    %swap3A_140 = tpu.vector_load %arg12[%swap3A_139] {strides = array<i32>} : memref<128xi32, #tpu.memory_space<vmem>>, vector<16xi32>,
    %swap3A_141 = vector.shape_cast %swap3A_140 : vector<16xi32> to vector<16xi32>
    %swap3A_142 = vector.shape_cast %get3A_138 : vector<16xi32> to vector<16xi32>
    tpu.vector_store %arg12[%swap3A_139], %swap3A_142 {strides = array<i32>} : memref<128xi32, #tpu.memory_space<vmem>>, vector<16xi32>,
    %get3A_143 = arith.constant 208 : index
    %get3A_144 = tpu.vector_load %arg8[%get3A_143] {strides = array<i32>} : memref<256xi32, #tpu.memory_space<vmem>>, vector<16xi32>,
    %get3A_145 = vector.shape_cast %get3A_144 : vector<16xi32> to vector<16xi32>
    %swap3A_146 = arith.constant 80 : index
    %swap3A_147 = tpu.vector_load %arg12[%swap3A_146] {strides = array<i32>} : memref<128xi32, #tpu.memory_space<vmem>>, vector<16xi32>,
    %swap3A_148 = vector.shape_cast %swap3A_147 : vector<16xi32> to vector<16xi32>
    %swap3A_149 = vector.shape_cast %get3A_145 : vector<16xi32> to vector<16xi32>
    tpu.vector_store %arg12[%swap3A_146], %swap3A_149 {strides = array<i32>} : memref<128xi32, #tpu.memory_space<vmem>>, vector<16xi32>,
    %get3A_150 = arith.constant 224 : index
    %get3A_151 = tpu.vector_load %arg8[%get3A_150] {strides = array<i32>} : memref<256xi32, #tpu.memory_space<vmem>>, vector<16xi32>,
    %get3A_152 = vector.shape_cast %get3A_151 : vector<16xi32> to vector<16xi32>
    %swap3A_153 = arith.constant 96 : index
    %swap3A_154 = tpu.vector_load %arg12[%swap3A_153] {strides = array<i32>} : memref<128xi32, #tpu.memory_space<vmem>>, vector<16xi32>,
    %swap3A_155 = vector.shape_cast %swap3A_154 : vector<16xi32> to vector<16xi32>
    %swap3A_156 = vector.shape_cast %get3A_152 : vector<16xi32> to vector<16xi32>
    tpu.vector_store %arg12[%swap3A_153], %swap3A_156 {strides = array<i32>} : memref<128xi32, #tpu.memory_space<vmem>>, vector<16xi32>,
    %get3A_157 = arith.constant 240 : index
    %get3A_158 = tpu.vector_load %arg8[%get3A_157] {strides = array<i32>} : memref<256xi32, #tpu.memory_space<vmem>>, vector<16xi32>,
    %get3A_159 = vector.shape_cast %get3A_158 : vector<16xi32> to vector<16xi32>
    %swap3A_160 = arith.constant 112 : index
    %swap3A_161 = tpu.vector_load %arg12[%swap3A_160] {strides = array<i32>} : memref<128xi32, #tpu.memory_space<vmem>>, vector<16xi32>,
    %swap3A_162 = vector.shape_cast %swap3A_161 : vector<16xi32> to vector<16xi32>
    %swap3A_163 = vector.shape_cast %get3A_159 : vector<16xi32> to vector<16xi32>
    tpu.vector_store %arg12[%swap3A_160], %swap3A_163 {strides = array<i32>} : memref<128xi32, #tpu.memory_space<vmem>>, vector<16xi32>,
    %dma_start3A_164 = arith.constant 0 : i32
    %dma_start3A_165 = arith.constant 0 : i32
    %dma_start3A_166 = tpu.memref_slice %arg16[%dma_start3A_164, %dma_start3A_165] : memref<10240x64xf32, #tpu.memory_space<vmem_shared>> -> memref<10240x64xf32, #tpu.memory_space<vmem_shared>>
    tpu.enqueue_indirect_dma source(%arg14 : memref<128x64xf32, #tpu.memory_space<vmem>>) target(%dma_start3A_166 : memref<10240x64xf32, #tpu.memory_space<vmem_shared>>) offsets(%arg12 : memref<128xi32, #tpu.memory_space<vmem>>) semaphore(%arg21 : memref<!tpu.dma_semaphore, #tpu.memory_space<semaphore_mem>>) {add = true}
    %eq3A_167 = arith.constant 0 : i32
    %eq3A_168 = arith.cmpi eq, %arg0, %eq3A_167 : i32
    %convert_element_type3A_169 = arith.extui %eq3A_168 : i1 to i32
    %cond3A_170 = arith.constant 0 : i32
    %cond3A_171 = arith.cmpi ne, %convert_element_type3A_169, %cond3A_170 : i32
    scf.if %cond3A_171 {
      "tpu.region"() ({
        %run_scoped3A = tpu.sem_alloc : memref<!tpu.dma_semaphore, #tpu.memory_space<semaphore_mem>>
        %dma_start3A_191 = arith.constant 0 : i32
        %dma_start3A_192 = arith.constant 0 : i32
        %dma_start3A_193 = tpu.memref_slice %arg24[%dma_start3A_191, %dma_start3A_192] : memref<10240x16xf32, #tpu.memory_space<vmem_shared>> -> memref<10240x16xf32, #tpu.memory_space<vmem_shared>>
        tpu.enqueue_indirect_dma source(%arg23 : memref<128x16xf32, #tpu.memory_space<vmem>>) target(%dma_start3A_193 : memref<10240x16xf32, #tpu.memory_space<vmem_shared>>) offsets(%arg12 : memref<128xi32, #tpu.memory_space<vmem>>) semaphore(%run_scoped3A : memref<!tpu.dma_semaphore, #tpu.memory_space<semaphore_mem>>) {add = true}
        %dma_wait3A_194 = arith.constant 0 : i32
        %dma_wait3A_195 = arith.constant 0 : i32
        %dma_wait3A_196 = tpu.memref_slice %arg24[%dma_wait3A_194, %dma_wait3A_195] : memref<10240x16xf32, #tpu.memory_space<vmem_shared>> -> memref<10240x16xf32, #tpu.memory_space<vmem_shared>>
        tpu.wait_indirect_dma semaphore(%run_scoped3A : memref<!tpu.dma_semaphore, #tpu.memory_space<semaphore_mem>>) src(%arg23 : memref<128x16xf32, #tpu.memory_space<vmem>>) dst(%dma_wait3A_196 : memref<10240x16xf32, #tpu.memory_space<vmem_shared>>)
        tpu.yield
      }) : () -> ()
    } else {
    }
    %dma_wait3A_172 = arith.constant 0 : i32
    %dma_wait3A_173 = arith.constant 0 : i32
    %dma_wait3A_174 = tpu.memref_slice %arg16[%dma_wait3A_172, %dma_wait3A_173] : memref<10240x64xf32, #tpu.memory_space<vmem_shared>> -> memref<10240x64xf32, #tpu.memory_space<vmem_shared>>
    tpu.wait_indirect_dma semaphore(%arg22 : memref<!tpu.dma_semaphore, #tpu.memory_space<semaphore_mem>>) src(%arg15 : memref<128x64xf32, #tpu.memory_space<vmem>>) dst(%dma_wait3A_174 : memref<10240x64xf32, #tpu.memory_space<vmem_shared>>)
    %dma_wait3A_175 = arith.constant 0 : i32
    %dma_wait3A_176 = arith.constant 0 : i32
    %dma_wait3A_177 = tpu.memref_slice %arg16[%dma_wait3A_175, %dma_wait3A_176] : memref<10240x64xf32, #tpu.memory_space<vmem_shared>> -> memref<10240x64xf32, #tpu.memory_space<vmem_shared>>
    tpu.wait_indirect_dma semaphore(%arg21 : memref<!tpu.dma_semaphore, #tpu.memory_space<semaphore_mem>>) src(%arg14 : memref<128x64xf32, #tpu.memory_space<vmem>>) dst(%dma_wait3A_177 : memref<10240x64xf32, #tpu.memory_space<vmem_shared>>)
    %barrier3A_178 = arith.constant 0 : index
    tpu.barrier barrier_id(%barrier3A_178)
    %mul3A_179 = arith.constant 640 : i32
    %mul3A_180 = arith.muli %arg1, %mul3A_179 : i32
    %eq3A_181 = arith.constant 0 : i32
    %eq3A_182 = arith.cmpi eq, %arg0, %eq3A_181 : i32
    %convert_element_type3A_183 = arith.extui %eq3A_182 : i1 to i32
    %cond3A_184 = arith.constant 0 : i32
    %cond3A_185 = arith.cmpi ne, %convert_element_type3A_183, %cond3A_184 : i32
    scf.if %cond3A_185 {
      "tpu.region"() ({
        %run_scoped3A = tpu.sem_alloc : memref<!tpu.dma_semaphore, #tpu.memory_space<semaphore_mem>>
        %dma_start3A_191 = arith.constant 0 : i32
        %dma_start3A_192 = tpu.memref_slice %arg5[%mul3A_180, %dma_start3A_191] : memref<10240x64xf32, #tpu.memory_space<hbm>> -> memref<640x64xf32, #tpu.memory_space<hbm>>
        %dma_start3A_193 = arith.constant 0 : i32
        %dma_start3A_194 = tpu.memref_slice %arg16[%mul3A_180, %dma_start3A_193] : memref<10240x64xf32, #tpu.memory_space<vmem_shared>> -> memref<640x64xf32, #tpu.memory_space<vmem_shared>>
        tpu.enqueue_dma source(%dma_start3A_194 : memref<640x64xf32, #tpu.memory_space<vmem_shared>>) target(%dma_start3A_192 : memref<640x64xf32, #tpu.memory_space<hbm>>) target_semaphore(%run_scoped3A : memref<!tpu.dma_semaphore, #tpu.memory_space<semaphore_mem>>)
        %dma_wait3A_195 = arith.constant 0 : i32
        %dma_wait3A_196 = tpu.memref_slice %arg5[%mul3A_180, %dma_wait3A_195] : memref<10240x64xf32, #tpu.memory_space<hbm>> -> memref<640x64xf32, #tpu.memory_space<hbm>>
        %dma_wait3A_197 = arith.constant 0 : i32
        %dma_wait3A_198 = tpu.memref_slice %arg16[%mul3A_180, %dma_wait3A_197] : memref<10240x64xf32, #tpu.memory_space<vmem_shared>> -> memref<640x64xf32, #tpu.memory_space<vmem_shared>>
        tpu.wait_dma2 semaphore(%run_scoped3A : memref<!tpu.dma_semaphore, #tpu.memory_space<semaphore_mem>>) src(%dma_wait3A_198 : memref<640x64xf32, #tpu.memory_space<vmem_shared>>) dst(%dma_wait3A_196 : memref<640x64xf32, #tpu.memory_space<hbm>>)
        tpu.yield
      }) : () -> ()
      "tpu.region"() ({
        %run_scoped3A = tpu.sem_alloc : memref<!tpu.dma_semaphore, #tpu.memory_space<semaphore_mem>>
        %dma_start3A_191 = arith.constant 0 : i32
        %dma_start3A_192 = tpu.memref_slice %arg7[%mul3A_180, %dma_start3A_191] : memref<10240x16xf32, #tpu.memory_space<hbm>> -> memref<640x16xf32, #tpu.memory_space<hbm>>
        %dma_start3A_193 = arith.constant 0 : i32
        %dma_start3A_194 = tpu.memref_slice %arg24[%mul3A_180, %dma_start3A_193] : memref<10240x16xf32, #tpu.memory_space<vmem_shared>> -> memref<640x16xf32, #tpu.memory_space<vmem_shared>>
        tpu.enqueue_dma source(%dma_start3A_194 : memref<640x16xf32, #tpu.memory_space<vmem_shared>>) target(%dma_start3A_192 : memref<640x16xf32, #tpu.memory_space<hbm>>) target_semaphore(%run_scoped3A : memref<!tpu.dma_semaphore, #tpu.memory_space<semaphore_mem>>)
        %dma_wait3A_195 = arith.constant 0 : i32
        %dma_wait3A_196 = tpu.memref_slice %arg7[%mul3A_180, %dma_wait3A_195] : memref<10240x16xf32, #tpu.memory_space<hbm>> -> memref<640x16xf32, #tpu.memory_space<hbm>>
        %dma_wait3A_197 = arith.constant 0 : i32
        %dma_wait3A_198 = tpu.memref_slice %arg24[%mul3A_180, %dma_wait3A_197] : memref<10240x16xf32, #tpu.memory_space<vmem_shared>> -> memref<640x16xf32, #tpu.memory_space<vmem_shared>>
        tpu.wait_dma2 semaphore(%run_scoped3A : memref<!tpu.dma_semaphore, #tpu.memory_space<semaphore_mem>>) src(%dma_wait3A_198 : memref<640x16xf32, #tpu.memory_space<vmem_shared>>) dst(%dma_wait3A_196 : memref<640x16xf32, #tpu.memory_space<hbm>>)
        tpu.yield
      }) : () -> ()
    } else {
    }
    %eq3A_186 = arith.constant 1 : i32
    %eq3A_187 = arith.cmpi eq, %arg0, %eq3A_186 : i32
    %convert_element_type3A_188 = arith.extui %eq3A_187 : i1 to i32
    %cond3A_189 = arith.constant 0 : i32
    %cond3A_190 = arith.cmpi ne, %convert_element_type3A_188, %cond3A_189 : i32
    scf.if %cond3A_190 {
      "tpu.region"() ({
        %run_scoped3A = tpu.sem_alloc : memref<!tpu.dma_semaphore, #tpu.memory_space<semaphore_mem>>
        %dma_start3A_191 = arith.constant 0 : i32
        %dma_start3A_192 = tpu.memref_slice %arg6[%mul3A_180, %dma_start3A_191] : memref<10240x64xf32, #tpu.memory_space<hbm>> -> memref<640x64xf32, #tpu.memory_space<hbm>>
        %dma_start3A_193 = arith.constant 0 : i32
        %dma_start3A_194 = tpu.memref_slice %arg16[%mul3A_180, %dma_start3A_193] : memref<10240x64xf32, #tpu.memory_space<vmem_shared>> -> memref<640x64xf32, #tpu.memory_space<vmem_shared>>
        tpu.enqueue_dma source(%dma_start3A_194 : memref<640x64xf32, #tpu.memory_space<vmem_shared>>) target(%dma_start3A_192 : memref<640x64xf32, #tpu.memory_space<hbm>>) target_semaphore(%run_scoped3A : memref<!tpu.dma_semaphore, #tpu.memory_space<semaphore_mem>>)
        %dma_wait3A_195 = arith.constant 0 : i32
        %dma_wait3A_196 = tpu.memref_slice %arg6[%mul3A_180, %dma_wait3A_195] : memref<10240x64xf32, #tpu.memory_space<hbm>> -> memref<640x64xf32, #tpu.memory_space<hbm>>
        %dma_wait3A_197 = arith.constant 0 : i32
        %dma_wait3A_198 = tpu.memref_slice %arg16[%mul3A_180, %dma_wait3A_197] : memref<10240x64xf32, #tpu.memory_space<vmem_shared>> -> memref<640x64xf32, #tpu.memory_space<vmem_shared>>
        tpu.wait_dma2 semaphore(%run_scoped3A : memref<!tpu.dma_semaphore, #tpu.memory_space<semaphore_mem>>) src(%dma_wait3A_198 : memref<640x64xf32, #tpu.memory_space<vmem_shared>>) dst(%dma_wait3A_196 : memref<640x64xf32, #tpu.memory_space<hbm>>)
        tpu.yield
      }) : () -> ()
    } else {
    }
    return
  }
}

#map = affine_map<(d0, d1) -> (0, 0)>
module attributes {stable_mosaic.version = 14 : i64} {
  func.func @body(%arg0: i32, %arg1: i32, %arg2: memref<10240x128xf32, #tpu.memory_space<hbm>>, %arg3: memref<10240x128xf32, #tpu.memory_space<hbm>>, %arg4: memref<2512x256xi32, #tpu.memory_space<hbm>>, %arg5: memref<10240x128xf32, #tpu.memory_space<hbm>>, %arg6: memref<10240x128xf32, #tpu.memory_space<hbm>>, %arg7: memref<256xi32, #tpu.memory_space<vmem>>, %arg8: memref<256xi32, #tpu.memory_space<vmem>>, %arg9: memref<128xi32, #tpu.memory_space<vmem>>, %arg10: memref<128xi32, #tpu.memory_space<vmem>>, %arg11: memref<128xi32, #tpu.memory_space<vmem>>, %arg12: memref<128xi32, #tpu.memory_space<vmem>>, %arg13: memref<128x128xf32, #tpu.memory_space<vmem>>, %arg14: memref<128x128xf32, #tpu.memory_space<vmem>>, %arg15: memref<10240x128xf32, #tpu.memory_space<vmem_shared>>, %arg16: memref<!tpu.dma_semaphore, #tpu.memory_space<semaphore_mem>>, %arg17: memref<!tpu.dma_semaphore, #tpu.memory_space<semaphore_mem>>, %arg18: memref<!tpu.dma_semaphore, #tpu.memory_space<semaphore_mem>>, %arg19: memref<!tpu.dma_semaphore, #tpu.memory_space<semaphore_mem>>, %arg20: memref<!tpu.dma_semaphore, #tpu.memory_space<semaphore_mem>>, %arg21: memref<!tpu.dma_semaphore, #tpu.memory_space<semaphore_mem>>) attributes {dimension_semantics = [#tpu.dimension_semantics<core_parallel>, #tpu.dimension_semantics<subcore_parallel>], iteration_bounds = array<i64: 2, 16>, scalar_prefetch = 0 : i64, scratch_operands = 15 : i64, tpu.core_type = #tpu.core_type<sc_vector_subcore>, window_params = [{transform_indices = #map}, {transform_indices = #map}, {transform_indices = #map}, {transform_indices = #map}, {transform_indices = #map}]} {
    %scan3A = arith.constant 0 : i32
    %scan3A_0 = arith.constant 128 : i32
    %scan3A_1 = arith.addi %scan3A, %scan3A_0 : i32
    %scan3A_2 = arith.constant 1 : i32
    scf.for %scan3A_181 = %scan3A to %scan3A_1 step %scan3A_2  : i32 {
      %mul3A_182 = arith.constant 1 : i32
      %mul3A_183 = arith.muli %scan3A_181, %mul3A_182 : i32
      %add3A_184 = arith.constant 0 : i32
      %add3A_185 = arith.addi %add3A_184, %mul3A_183 : i32
      %scan3A_186 = arith.constant 0 : i32
      %scan3A_187 = arith.constant 8 : i32
      %scan3A_188 = arith.addi %scan3A_186, %scan3A_187 : i32
      %scan3A_189 = arith.constant 1 : i32
      scf.for %scan3A_191 = %scan3A_186 to %scan3A_188 step %scan3A_189  : i32 {
        %mul3A_192 = arith.constant 1 : i32
        %mul3A_193 = arith.muli %scan3A_191, %mul3A_192 : i32
        %add3A_194 = arith.constant 0 : i32
        %add3A_195 = arith.addi %add3A_194, %mul3A_193 : i32
        %broadcast_in_dim3A = arith.constant 0.000000e+00 : f32
        %broadcast_in_dim3A_196 = vector.broadcast %broadcast_in_dim3A : f32 to vector<16xf32>
        %mul3A_197 = arith.constant 16 : i32
        %mul3A_198 = arith.muli %add3A_195, %mul3A_197 : i32
        %swap3A_199 = arith.index_cast %add3A_185 : i32 to index
        %swap3A_200 = arith.index_cast %mul3A_198 : i32 to index
        %swap3A_201 = tpu.vector_load %arg13[%swap3A_199, %swap3A_200] {strides = array<i32>} : memref<128x128xf32, #tpu.memory_space<vmem>>, vector<1x16xf32>,
        %swap3A_202 = vector.shape_cast %swap3A_201 : vector<1x16xf32> to vector<16xf32>
        %swap3A_203 = vector.shape_cast %broadcast_in_dim3A_196 : vector<16xf32> to vector<1x16xf32>
        tpu.vector_store %arg13[%swap3A_199, %swap3A_200], %swap3A_203 {strides = array<i32>} : memref<128x128xf32, #tpu.memory_space<vmem>>, vector<1x16xf32>,
      }
      %scan3A_190 = arith.constant 8 : i32
    }
    %scan3A_3 = arith.constant 128 : i32
    %scan3A_4 = arith.constant 0 : i32
    %scan3A_5 = arith.constant 5 : i32
    %scan3A_6 = arith.addi %scan3A_4, %scan3A_5 : i32
    %scan3A_7 = arith.constant 1 : i32
    scf.for %scan3A_181 = %scan3A_4 to %scan3A_6 step %scan3A_7  : i32 {
      %mul3A_182 = arith.constant 1 : i32
      %mul3A_183 = arith.muli %scan3A_181, %mul3A_182 : i32
      %add3A_184 = arith.constant 0 : i32
      %add3A_185 = arith.addi %add3A_184, %mul3A_183 : i32
      %mul3A_186 = arith.constant 640 : i32
      %mul3A_187 = arith.muli %arg1, %mul3A_186 : i32
      %mul3A_188 = arith.constant 128 : i32
      %mul3A_189 = arith.muli %add3A_185, %mul3A_188 : i32
      %add3A_190 = arith.addi %mul3A_187, %mul3A_189 : i32
      "tpu.region"() ({
        %run_scoped3A = tpu.sem_alloc : memref<!tpu.dma_semaphore, #tpu.memory_space<semaphore_mem>>
        %dma_start3A_191 = arith.constant 0 : i32
        %dma_start3A_192 = tpu.memref_slice %arg15[%add3A_190, %dma_start3A_191] : memref<10240x128xf32, #tpu.memory_space<vmem_shared>> -> memref<128x128xf32, #tpu.memory_space<vmem_shared>>
        %dma_start3A_193 = arith.constant 0 : i32
        %dma_start3A_194 = tpu.memref_slice %arg15[%add3A_190, %dma_start3A_193] : memref<10240x128xf32, #tpu.memory_space<vmem_shared>> -> memref<128x128xf32, #tpu.memory_space<vmem_shared>>
        tpu.enqueue_dma source(%arg13 : memref<128x128xf32, #tpu.memory_space<vmem>>) target(%dma_start3A_194 : memref<128x128xf32, #tpu.memory_space<vmem_shared>>) target_semaphore(%run_scoped3A : memref<!tpu.dma_semaphore, #tpu.memory_space<semaphore_mem>>)
        %dma_wait3A_195 = arith.constant 0 : i32
        %dma_wait3A_196 = tpu.memref_slice %arg15[%add3A_190, %dma_wait3A_195] : memref<10240x128xf32, #tpu.memory_space<vmem_shared>> -> memref<128x128xf32, #tpu.memory_space<vmem_shared>>
        %dma_wait3A_197 = arith.constant 0 : i32
        %dma_wait3A_198 = tpu.memref_slice %arg15[%add3A_190, %dma_wait3A_197] : memref<10240x128xf32, #tpu.memory_space<vmem_shared>> -> memref<128x128xf32, #tpu.memory_space<vmem_shared>>
        tpu.wait_dma2 semaphore(%run_scoped3A : memref<!tpu.dma_semaphore, #tpu.memory_space<semaphore_mem>>) src(%arg13 : memref<128x128xf32, #tpu.memory_space<vmem>>) dst(%dma_wait3A_198 : memref<128x128xf32, #tpu.memory_space<vmem_shared>>)
        tpu.yield
      }) : () -> ()
    }
    %scan3A_8 = arith.constant 5 : i32
    %barrier3A = arith.constant 0 : index
    tpu.barrier barrier_id(%barrier3A)
    %mul3A = arith.constant 157 : i32
    %mul3A_9 = arith.muli %arg1, %mul3A : i32
    %dma_start3A = arith.constant 0 : i32
    %dma_start3A_10 = tpu.memref_slice %arg4[%mul3A_9, %dma_start3A] : memref<2512x256xi32, #tpu.memory_space<hbm>> -> memref<1x256xi32, #tpu.memory_space<hbm>>
    %dma_start3A_11 = tpu.memref_squeeze %dma_start3A_10 : memref<1x256xi32, #tpu.memory_space<hbm>> -> memref<256xi32, #tpu.memory_space<hbm>>
    %dma_start3A_12 = arith.constant 0 : i32
    %dma_start3A_13 = tpu.memref_slice %arg4[%mul3A_9, %dma_start3A_12] : memref<2512x256xi32, #tpu.memory_space<hbm>> -> memref<1x256xi32, #tpu.memory_space<hbm>>
    %dma_start3A_14 = tpu.memref_squeeze %dma_start3A_13 : memref<1x256xi32, #tpu.memory_space<hbm>> -> memref<256xi32, #tpu.memory_space<hbm>>
    tpu.enqueue_dma source(%dma_start3A_14 : memref<256xi32, #tpu.memory_space<hbm>>) target(%arg7 : memref<256xi32, #tpu.memory_space<vmem>>) target_semaphore(%arg16 : memref<!tpu.dma_semaphore, #tpu.memory_space<semaphore_mem>>)
    %add3A = arith.constant 1 : i32
    %add3A_15 = arith.addi %mul3A_9, %add3A : i32
    %dma_start3A_16 = arith.constant 0 : i32
    %dma_start3A_17 = tpu.memref_slice %arg4[%add3A_15, %dma_start3A_16] : memref<2512x256xi32, #tpu.memory_space<hbm>> -> memref<1x256xi32, #tpu.memory_space<hbm>>
    %dma_start3A_18 = tpu.memref_squeeze %dma_start3A_17 : memref<1x256xi32, #tpu.memory_space<hbm>> -> memref<256xi32, #tpu.memory_space<hbm>>
    %dma_start3A_19 = arith.constant 0 : i32
    %dma_start3A_20 = tpu.memref_slice %arg4[%add3A_15, %dma_start3A_19] : memref<2512x256xi32, #tpu.memory_space<hbm>> -> memref<1x256xi32, #tpu.memory_space<hbm>>
    %dma_start3A_21 = tpu.memref_squeeze %dma_start3A_20 : memref<1x256xi32, #tpu.memory_space<hbm>> -> memref<256xi32, #tpu.memory_space<hbm>>
    tpu.enqueue_dma source(%dma_start3A_21 : memref<256xi32, #tpu.memory_space<hbm>>) target(%arg8 : memref<256xi32, #tpu.memory_space<vmem>>) target_semaphore(%arg17 : memref<!tpu.dma_semaphore, #tpu.memory_space<semaphore_mem>>)
    %dma_wait3A = arith.constant 0 : i32
    %dma_wait3A_22 = tpu.memref_slice %arg4[%mul3A_9, %dma_wait3A] : memref<2512x256xi32, #tpu.memory_space<hbm>> -> memref<1x256xi32, #tpu.memory_space<hbm>>
    %dma_wait3A_23 = tpu.memref_squeeze %dma_wait3A_22 : memref<1x256xi32, #tpu.memory_space<hbm>> -> memref<256xi32, #tpu.memory_space<hbm>>
    %dma_wait3A_24 = arith.constant 0 : i32
    %dma_wait3A_25 = tpu.memref_slice %arg4[%mul3A_9, %dma_wait3A_24] : memref<2512x256xi32, #tpu.memory_space<hbm>> -> memref<1x256xi32, #tpu.memory_space<hbm>>
    %dma_wait3A_26 = tpu.memref_squeeze %dma_wait3A_25 : memref<1x256xi32, #tpu.memory_space<hbm>> -> memref<256xi32, #tpu.memory_space<hbm>>
    tpu.wait_dma2 semaphore(%arg16 : memref<!tpu.dma_semaphore, #tpu.memory_space<semaphore_mem>>) src(%dma_wait3A_26 : memref<256xi32, #tpu.memory_space<hbm>>) dst(%arg7 : memref<256xi32, #tpu.memory_space<vmem>>)
    %get3A = arith.constant 0 : index
    %get3A_27 = tpu.vector_load %arg7[%get3A] {strides = array<i32>} : memref<256xi32, #tpu.memory_space<vmem>>, vector<16xi32>,
    %get3A_28 = vector.shape_cast %get3A_27 : vector<16xi32> to vector<16xi32>
    %swap3A = arith.constant 0 : index
    %swap3A_29 = tpu.vector_load %arg9[%swap3A] {strides = array<i32>} : memref<128xi32, #tpu.memory_space<vmem>>, vector<16xi32>,
    %swap3A_30 = vector.shape_cast %swap3A_29 : vector<16xi32> to vector<16xi32>
    %swap3A_31 = vector.shape_cast %get3A_28 : vector<16xi32> to vector<16xi32>
    tpu.vector_store %arg9[%swap3A], %swap3A_31 {strides = array<i32>} : memref<128xi32, #tpu.memory_space<vmem>>, vector<16xi32>,
    %get3A_32 = arith.constant 16 : index
    %get3A_33 = tpu.vector_load %arg7[%get3A_32] {strides = array<i32>} : memref<256xi32, #tpu.memory_space<vmem>>, vector<16xi32>,
    %get3A_34 = vector.shape_cast %get3A_33 : vector<16xi32> to vector<16xi32>
    %swap3A_35 = arith.constant 16 : index
    %swap3A_36 = tpu.vector_load %arg9[%swap3A_35] {strides = array<i32>} : memref<128xi32, #tpu.memory_space<vmem>>, vector<16xi32>,
    %swap3A_37 = vector.shape_cast %swap3A_36 : vector<16xi32> to vector<16xi32>
    %swap3A_38 = vector.shape_cast %get3A_34 : vector<16xi32> to vector<16xi32>
    tpu.vector_store %arg9[%swap3A_35], %swap3A_38 {strides = array<i32>} : memref<128xi32, #tpu.memory_space<vmem>>, vector<16xi32>,
    %get3A_39 = arith.constant 32 : index
    %get3A_40 = tpu.vector_load %arg7[%get3A_39] {strides = array<i32>} : memref<256xi32, #tpu.memory_space<vmem>>, vector<16xi32>,
    %get3A_41 = vector.shape_cast %get3A_40 : vector<16xi32> to vector<16xi32>
    %swap3A_42 = arith.constant 32 : index
    %swap3A_43 = tpu.vector_load %arg9[%swap3A_42] {strides = array<i32>} : memref<128xi32, #tpu.memory_space<vmem>>, vector<16xi32>,
    %swap3A_44 = vector.shape_cast %swap3A_43 : vector<16xi32> to vector<16xi32>
    %swap3A_45 = vector.shape_cast %get3A_41 : vector<16xi32> to vector<16xi32>
    tpu.vector_store %arg9[%swap3A_42], %swap3A_45 {strides = array<i32>} : memref<128xi32, #tpu.memory_space<vmem>>, vector<16xi32>,
    %get3A_46 = arith.constant 48 : index
    %get3A_47 = tpu.vector_load %arg7[%get3A_46] {strides = array<i32>} : memref<256xi32, #tpu.memory_space<vmem>>, vector<16xi32>,
    %get3A_48 = vector.shape_cast %get3A_47 : vector<16xi32> to vector<16xi32>
    %swap3A_49 = arith.constant 48 : index
    %swap3A_50 = tpu.vector_load %arg9[%swap3A_49] {strides = array<i32>} : memref<128xi32, #tpu.memory_space<vmem>>, vector<16xi32>,
    %swap3A_51 = vector.shape_cast %swap3A_50 : vector<16xi32> to vector<16xi32>
    %swap3A_52 = vector.shape_cast %get3A_48 : vector<16xi32> to vector<16xi32>
    tpu.vector_store %arg9[%swap3A_49], %swap3A_52 {strides = array<i32>} : memref<128xi32, #tpu.memory_space<vmem>>, vector<16xi32>,
    %get3A_53 = arith.constant 64 : index
    %get3A_54 = tpu.vector_load %arg7[%get3A_53] {strides = array<i32>} : memref<256xi32, #tpu.memory_space<vmem>>, vector<16xi32>,
    %get3A_55 = vector.shape_cast %get3A_54 : vector<16xi32> to vector<16xi32>
    %swap3A_56 = arith.constant 64 : index
    %swap3A_57 = tpu.vector_load %arg9[%swap3A_56] {strides = array<i32>} : memref<128xi32, #tpu.memory_space<vmem>>, vector<16xi32>,
    %swap3A_58 = vector.shape_cast %swap3A_57 : vector<16xi32> to vector<16xi32>
    %swap3A_59 = vector.shape_cast %get3A_55 : vector<16xi32> to vector<16xi32>
    tpu.vector_store %arg9[%swap3A_56], %swap3A_59 {strides = array<i32>} : memref<128xi32, #tpu.memory_space<vmem>>, vector<16xi32>,
    %get3A_60 = arith.constant 80 : index
    %get3A_61 = tpu.vector_load %arg7[%get3A_60] {strides = array<i32>} : memref<256xi32, #tpu.memory_space<vmem>>, vector<16xi32>,
    %get3A_62 = vector.shape_cast %get3A_61 : vector<16xi32> to vector<16xi32>
    %swap3A_63 = arith.constant 80 : index
    %swap3A_64 = tpu.vector_load %arg9[%swap3A_63] {strides = array<i32>} : memref<128xi32, #tpu.memory_space<vmem>>, vector<16xi32>,
    %swap3A_65 = vector.shape_cast %swap3A_64 : vector<16xi32> to vector<16xi32>
    %swap3A_66 = vector.shape_cast %get3A_62 : vector<16xi32> to vector<16xi32>
    tpu.vector_store %arg9[%swap3A_63], %swap3A_66 {strides = array<i32>} : memref<128xi32, #tpu.memory_space<vmem>>, vector<16xi32>,
    %get3A_67 = arith.constant 96 : index
    %get3A_68 = tpu.vector_load %arg7[%get3A_67] {strides = array<i32>} : memref<256xi32, #tpu.memory_space<vmem>>, vector<16xi32>,
    %get3A_69 = vector.shape_cast %get3A_68 : vector<16xi32> to vector<16xi32>
    %swap3A_70 = arith.constant 96 : index
    %swap3A_71 = tpu.vector_load %arg9[%swap3A_70] {strides = array<i32>} : memref<128xi32, #tpu.memory_space<vmem>>, vector<16xi32>,
    %swap3A_72 = vector.shape_cast %swap3A_71 : vector<16xi32> to vector<16xi32>
    %swap3A_73 = vector.shape_cast %get3A_69 : vector<16xi32> to vector<16xi32>
    tpu.vector_store %arg9[%swap3A_70], %swap3A_73 {strides = array<i32>} : memref<128xi32, #tpu.memory_space<vmem>>, vector<16xi32>,
    %get3A_74 = arith.constant 112 : index
    %get3A_75 = tpu.vector_load %arg7[%get3A_74] {strides = array<i32>} : memref<256xi32, #tpu.memory_space<vmem>>, vector<16xi32>,
    %get3A_76 = vector.shape_cast %get3A_75 : vector<16xi32> to vector<16xi32>
    %swap3A_77 = arith.constant 112 : index
    %swap3A_78 = tpu.vector_load %arg9[%swap3A_77] {strides = array<i32>} : memref<128xi32, #tpu.memory_space<vmem>>, vector<16xi32>,
    %swap3A_79 = vector.shape_cast %swap3A_78 : vector<16xi32> to vector<16xi32>
    %swap3A_80 = vector.shape_cast %get3A_76 : vector<16xi32> to vector<16xi32>
    tpu.vector_store %arg9[%swap3A_77], %swap3A_80 {strides = array<i32>} : memref<128xi32, #tpu.memory_space<vmem>>, vector<16xi32>,
    %eq3A = arith.constant 0 : i32
    %eq3A_81 = arith.cmpi eq, %arg0, %eq3A : i32
    %convert_element_type3A = arith.extui %eq3A_81 : i1 to i32
    %cond3A = arith.constant 0 : i32
    %cond3A_82 = arith.cmpi ne, %convert_element_type3A, %cond3A : i32
    scf.if %cond3A_82 {
      %dma_start3A_181 = arith.constant 0 : i32
      %dma_start3A_182 = arith.constant 0 : i32
      %dma_start3A_183 = tpu.memref_slice %arg2[%dma_start3A_181, %dma_start3A_182] : memref<10240x128xf32, #tpu.memory_space<hbm>> -> memref<10240x128xf32, #tpu.memory_space<hbm>>
      tpu.enqueue_indirect_dma source(%dma_start3A_183 : memref<10240x128xf32, #tpu.memory_space<hbm>>) target(%arg13 : memref<128x128xf32, #tpu.memory_space<vmem>>) offsets(%arg9 : memref<128xi32, #tpu.memory_space<vmem>>) semaphore(%arg18 : memref<!tpu.dma_semaphore, #tpu.memory_space<semaphore_mem>>)
    } else {
    }
    %eq3A_83 = arith.constant 1 : i32
    %eq3A_84 = arith.cmpi eq, %arg0, %eq3A_83 : i32
    %convert_element_type3A_85 = arith.extui %eq3A_84 : i1 to i32
    %cond3A_86 = arith.constant 0 : i32
    %cond3A_87 = arith.cmpi ne, %convert_element_type3A_85, %cond3A_86 : i32
    scf.if %cond3A_87 {
      %dma_start3A_181 = arith.constant 0 : i32
      %dma_start3A_182 = arith.constant 0 : i32
      %dma_start3A_183 = tpu.memref_slice %arg3[%dma_start3A_181, %dma_start3A_182] : memref<10240x128xf32, #tpu.memory_space<hbm>> -> memref<10240x128xf32, #tpu.memory_space<hbm>>
      tpu.enqueue_indirect_dma source(%dma_start3A_183 : memref<10240x128xf32, #tpu.memory_space<hbm>>) target(%arg13 : memref<128x128xf32, #tpu.memory_space<vmem>>) offsets(%arg9 : memref<128xi32, #tpu.memory_space<vmem>>) semaphore(%arg18 : memref<!tpu.dma_semaphore, #tpu.memory_space<semaphore_mem>>)
    } else {
    }
    %scan3A_88 = arith.constant 0 : i32
    %scan3A_89 = arith.constant 78 : i32
    %scan3A_90 = arith.addi %scan3A_88, %scan3A_89 : i32
    %scan3A_91 = arith.constant 1 : i32
    scf.for %scan3A_181 = %scan3A_88 to %scan3A_90 step %scan3A_91  : i32 {
      %mul3A_182 = arith.constant 1 : i32
      %mul3A_183 = arith.muli %scan3A_181, %mul3A_182 : i32
      %add3A_184 = arith.constant 0 : i32
      %add3A_185 = arith.addi %add3A_184, %mul3A_183 : i32
      %mul3A_186 = arith.constant 2 : i32
      %mul3A_187 = arith.muli %mul3A_186, %add3A_185 : i32
      %add3A_188 = arith.addi %mul3A_9, %mul3A_187 : i32
      %eq3A_189 = arith.constant 0 : i32
      %eq3A_190 = arith.cmpi eq, %arg0, %eq3A_189 : i32
      %convert_element_type3A_191 = arith.extui %eq3A_190 : i1 to i32
      %cond3A_192 = arith.constant 0 : i32
      %cond3A_193 = arith.cmpi ne, %convert_element_type3A_191, %cond3A_192 : i32
      scf.if %cond3A_193 {
        %dma_wait3A_494 = arith.constant 0 : i32
        %dma_wait3A_495 = arith.constant 0 : i32
        %dma_wait3A_496 = tpu.memref_slice %arg2[%dma_wait3A_494, %dma_wait3A_495] : memref<10240x128xf32, #tpu.memory_space<hbm>> -> memref<10240x128xf32, #tpu.memory_space<hbm>>
        tpu.wait_indirect_dma semaphore(%arg18 : memref<!tpu.dma_semaphore, #tpu.memory_space<semaphore_mem>>) src(%dma_wait3A_496 : memref<10240x128xf32, #tpu.memory_space<hbm>>) dst(%arg13 : memref<128x128xf32, #tpu.memory_space<vmem>>)
      } else {
      }
      %eq3A_194 = arith.constant 1 : i32
      %eq3A_195 = arith.cmpi eq, %arg0, %eq3A_194 : i32
      %convert_element_type3A_196 = arith.extui %eq3A_195 : i1 to i32
      %cond3A_197 = arith.constant 0 : i32
      %cond3A_198 = arith.cmpi ne, %convert_element_type3A_196, %cond3A_197 : i32
      scf.if %cond3A_198 {
        %dma_wait3A_494 = arith.constant 0 : i32
        %dma_wait3A_495 = arith.constant 0 : i32
        %dma_wait3A_496 = tpu.memref_slice %arg3[%dma_wait3A_494, %dma_wait3A_495] : memref<10240x128xf32, #tpu.memory_space<hbm>> -> memref<10240x128xf32, #tpu.memory_space<hbm>>
        tpu.wait_indirect_dma semaphore(%arg18 : memref<!tpu.dma_semaphore, #tpu.memory_space<semaphore_mem>>) src(%dma_wait3A_496 : memref<10240x128xf32, #tpu.memory_space<hbm>>) dst(%arg13 : memref<128x128xf32, #tpu.memory_space<vmem>>)
      } else {
      }
      %get3A_199 = arith.constant 128 : index
      %get3A_200 = tpu.vector_load %arg7[%get3A_199] {strides = array<i32>} : memref<256xi32, #tpu.memory_space<vmem>>, vector<16xi32>,
      %get3A_201 = vector.shape_cast %get3A_200 : vector<16xi32> to vector<16xi32>
      %swap3A_202 = arith.constant 0 : index
      %swap3A_203 = tpu.vector_load %arg11[%swap3A_202] {strides = array<i32>} : memref<128xi32, #tpu.memory_space<vmem>>, vector<16xi32>,
      %swap3A_204 = vector.shape_cast %swap3A_203 : vector<16xi32> to vector<16xi32>
      %swap3A_205 = vector.shape_cast %get3A_201 : vector<16xi32> to vector<16xi32>
      tpu.vector_store %arg11[%swap3A_202], %swap3A_205 {strides = array<i32>} : memref<128xi32, #tpu.memory_space<vmem>>, vector<16xi32>,
      %get3A_206 = arith.constant 144 : index
      %get3A_207 = tpu.vector_load %arg7[%get3A_206] {strides = array<i32>} : memref<256xi32, #tpu.memory_space<vmem>>, vector<16xi32>,
      %get3A_208 = vector.shape_cast %get3A_207 : vector<16xi32> to vector<16xi32>
      %swap3A_209 = arith.constant 16 : index
      %swap3A_210 = tpu.vector_load %arg11[%swap3A_209] {strides = array<i32>} : memref<128xi32, #tpu.memory_space<vmem>>, vector<16xi32>,
      %swap3A_211 = vector.shape_cast %swap3A_210 : vector<16xi32> to vector<16xi32>
      %swap3A_212 = vector.shape_cast %get3A_208 : vector<16xi32> to vector<16xi32>
      tpu.vector_store %arg11[%swap3A_209], %swap3A_212 {strides = array<i32>} : memref<128xi32, #tpu.memory_space<vmem>>, vector<16xi32>,
      %get3A_213 = arith.constant 160 : index
      %get3A_214 = tpu.vector_load %arg7[%get3A_213] {strides = array<i32>} : memref<256xi32, #tpu.memory_space<vmem>>, vector<16xi32>,
      %get3A_215 = vector.shape_cast %get3A_214 : vector<16xi32> to vector<16xi32>
      %swap3A_216 = arith.constant 32 : index
      %swap3A_217 = tpu.vector_load %arg11[%swap3A_216] {strides = array<i32>} : memref<128xi32, #tpu.memory_space<vmem>>, vector<16xi32>,
      %swap3A_218 = vector.shape_cast %swap3A_217 : vector<16xi32> to vector<16xi32>
      %swap3A_219 = vector.shape_cast %get3A_215 : vector<16xi32> to vector<16xi32>
      tpu.vector_store %arg11[%swap3A_216], %swap3A_219 {strides = array<i32>} : memref<128xi32, #tpu.memory_space<vmem>>, vector<16xi32>,
      %get3A_220 = arith.constant 176 : index
      %get3A_221 = tpu.vector_load %arg7[%get3A_220] {strides = array<i32>} : memref<256xi32, #tpu.memory_space<vmem>>, vector<16xi32>,
      %get3A_222 = vector.shape_cast %get3A_221 : vector<16xi32> to vector<16xi32>
      %swap3A_223 = arith.constant 48 : index
      %swap3A_224 = tpu.vector_load %arg11[%swap3A_223] {strides = array<i32>} : memref<128xi32, #tpu.memory_space<vmem>>, vector<16xi32>,
      %swap3A_225 = vector.shape_cast %swap3A_224 : vector<16xi32> to vector<16xi32>
      %swap3A_226 = vector.shape_cast %get3A_222 : vector<16xi32> to vector<16xi32>
      tpu.vector_store %arg11[%swap3A_223], %swap3A_226 {strides = array<i32>} : memref<128xi32, #tpu.memory_space<vmem>>, vector<16xi32>,
      %get3A_227 = arith.constant 192 : index
      %get3A_228 = tpu.vector_load %arg7[%get3A_227] {strides = array<i32>} : memref<256xi32, #tpu.memory_space<vmem>>, vector<16xi32>,
      %get3A_229 = vector.shape_cast %get3A_228 : vector<16xi32> to vector<16xi32>
      %swap3A_230 = arith.constant 64 : index
      %swap3A_231 = tpu.vector_load %arg11[%swap3A_230] {strides = array<i32>} : memref<128xi32, #tpu.memory_space<vmem>>, vector<16xi32>,
      %swap3A_232 = vector.shape_cast %swap3A_231 : vector<16xi32> to vector<16xi32>
      %swap3A_233 = vector.shape_cast %get3A_229 : vector<16xi32> to vector<16xi32>
      tpu.vector_store %arg11[%swap3A_230], %swap3A_233 {strides = array<i32>} : memref<128xi32, #tpu.memory_space<vmem>>, vector<16xi32>,
      %get3A_234 = arith.constant 208 : index
      %get3A_235 = tpu.vector_load %arg7[%get3A_234] {strides = array<i32>} : memref<256xi32, #tpu.memory_space<vmem>>, vector<16xi32>,
      %get3A_236 = vector.shape_cast %get3A_235 : vector<16xi32> to vector<16xi32>
      %swap3A_237 = arith.constant 80 : index
      %swap3A_238 = tpu.vector_load %arg11[%swap3A_237] {strides = array<i32>} : memref<128xi32, #tpu.memory_space<vmem>>, vector<16xi32>,
      %swap3A_239 = vector.shape_cast %swap3A_238 : vector<16xi32> to vector<16xi32>
      %swap3A_240 = vector.shape_cast %get3A_236 : vector<16xi32> to vector<16xi32>
      tpu.vector_store %arg11[%swap3A_237], %swap3A_240 {strides = array<i32>} : memref<128xi32, #tpu.memory_space<vmem>>, vector<16xi32>,
      %get3A_241 = arith.constant 224 : index
      %get3A_242 = tpu.vector_load %arg7[%get3A_241] {strides = array<i32>} : memref<256xi32, #tpu.memory_space<vmem>>, vector<16xi32>,
      %get3A_243 = vector.shape_cast %get3A_242 : vector<16xi32> to vector<16xi32>
      %swap3A_244 = arith.constant 96 : index
      %swap3A_245 = tpu.vector_load %arg11[%swap3A_244] {strides = array<i32>} : memref<128xi32, #tpu.memory_space<vmem>>, vector<16xi32>,
      %swap3A_246 = vector.shape_cast %swap3A_245 : vector<16xi32> to vector<16xi32>
      %swap3A_247 = vector.shape_cast %get3A_243 : vector<16xi32> to vector<16xi32>
      tpu.vector_store %arg11[%swap3A_244], %swap3A_247 {strides = array<i32>} : memref<128xi32, #tpu.memory_space<vmem>>, vector<16xi32>,
      %get3A_248 = arith.constant 240 : index
      %get3A_249 = tpu.vector_load %arg7[%get3A_248] {strides = array<i32>} : memref<256xi32, #tpu.memory_space<vmem>>, vector<16xi32>,
      %get3A_250 = vector.shape_cast %get3A_249 : vector<16xi32> to vector<16xi32>
      %swap3A_251 = arith.constant 112 : index
      %swap3A_252 = tpu.vector_load %arg11[%swap3A_251] {strides = array<i32>} : memref<128xi32, #tpu.memory_space<vmem>>, vector<16xi32>,
      %swap3A_253 = vector.shape_cast %swap3A_252 : vector<16xi32> to vector<16xi32>
      %swap3A_254 = vector.shape_cast %get3A_250 : vector<16xi32> to vector<16xi32>
      tpu.vector_store %arg11[%swap3A_251], %swap3A_254 {strides = array<i32>} : memref<128xi32, #tpu.memory_space<vmem>>, vector<16xi32>,
      %dma_start3A_255 = arith.constant 0 : i32
      %dma_start3A_256 = arith.constant 0 : i32
      %dma_start3A_257 = tpu.memref_slice %arg15[%dma_start3A_255, %dma_start3A_256] : memref<10240x128xf32, #tpu.memory_space<vmem_shared>> -> memref<10240x128xf32, #tpu.memory_space<vmem_shared>>
      tpu.enqueue_indirect_dma source(%arg13 : memref<128x128xf32, #tpu.memory_space<vmem>>) target(%dma_start3A_257 : memref<10240x128xf32, #tpu.memory_space<vmem_shared>>) offsets(%arg11 : memref<128xi32, #tpu.memory_space<vmem>>) semaphore(%arg20 : memref<!tpu.dma_semaphore, #tpu.memory_space<semaphore_mem>>) {add = true}
      %add3A_258 = arith.constant 2 : i32
      %add3A_259 = arith.addi %add3A_188, %add3A_258 : i32
      %dma_start3A_260 = arith.constant 0 : i32
      %dma_start3A_261 = tpu.memref_slice %arg4[%add3A_259, %dma_start3A_260] : memref<2512x256xi32, #tpu.memory_space<hbm>> -> memref<1x256xi32, #tpu.memory_space<hbm>>
      %dma_start3A_262 = tpu.memref_squeeze %dma_start3A_261 : memref<1x256xi32, #tpu.memory_space<hbm>> -> memref<256xi32, #tpu.memory_space<hbm>>
      %dma_start3A_263 = arith.constant 0 : i32
      %dma_start3A_264 = tpu.memref_slice %arg4[%add3A_259, %dma_start3A_263] : memref<2512x256xi32, #tpu.memory_space<hbm>> -> memref<1x256xi32, #tpu.memory_space<hbm>>
      %dma_start3A_265 = tpu.memref_squeeze %dma_start3A_264 : memref<1x256xi32, #tpu.memory_space<hbm>> -> memref<256xi32, #tpu.memory_space<hbm>>
      tpu.enqueue_dma source(%dma_start3A_265 : memref<256xi32, #tpu.memory_space<hbm>>) target(%arg7 : memref<256xi32, #tpu.memory_space<vmem>>) target_semaphore(%arg16 : memref<!tpu.dma_semaphore, #tpu.memory_space<semaphore_mem>>)
      %add3A_266 = arith.constant 1 : i32
      %add3A_267 = arith.addi %add3A_188, %add3A_266 : i32
      %dma_wait3A_268 = arith.constant 0 : i32
      %dma_wait3A_269 = tpu.memref_slice %arg4[%add3A_267, %dma_wait3A_268] : memref<2512x256xi32, #tpu.memory_space<hbm>> -> memref<1x256xi32, #tpu.memory_space<hbm>>
      %dma_wait3A_270 = tpu.memref_squeeze %dma_wait3A_269 : memref<1x256xi32, #tpu.memory_space<hbm>> -> memref<256xi32, #tpu.memory_space<hbm>>
      %dma_wait3A_271 = arith.constant 0 : i32
      %dma_wait3A_272 = tpu.memref_slice %arg4[%add3A_267, %dma_wait3A_271] : memref<2512x256xi32, #tpu.memory_space<hbm>> -> memref<1x256xi32, #tpu.memory_space<hbm>>
      %dma_wait3A_273 = tpu.memref_squeeze %dma_wait3A_272 : memref<1x256xi32, #tpu.memory_space<hbm>> -> memref<256xi32, #tpu.memory_space<hbm>>
      tpu.wait_dma2 semaphore(%arg17 : memref<!tpu.dma_semaphore, #tpu.memory_space<semaphore_mem>>) src(%dma_wait3A_273 : memref<256xi32, #tpu.memory_space<hbm>>) dst(%arg8 : memref<256xi32, #tpu.memory_space<vmem>>)
      %gt3A = arith.constant 0 : i32
      %gt3A_274 = arith.cmpi sgt, %add3A_185, %gt3A : i32
      %convert_element_type3A_275 = arith.extui %gt3A_274 : i1 to i32
      %cond3A_276 = arith.constant 0 : i32
      %cond3A_277 = arith.cmpi ne, %convert_element_type3A_275, %cond3A_276 : i32
      scf.if %cond3A_277 {
        %dma_wait3A_494 = arith.constant 0 : i32
        %dma_wait3A_495 = arith.constant 0 : i32
        %dma_wait3A_496 = tpu.memref_slice %arg15[%dma_wait3A_494, %dma_wait3A_495] : memref<10240x128xf32, #tpu.memory_space<vmem_shared>> -> memref<10240x128xf32, #tpu.memory_space<vmem_shared>>
        tpu.wait_indirect_dma semaphore(%arg21 : memref<!tpu.dma_semaphore, #tpu.memory_space<semaphore_mem>>) src(%arg14 : memref<128x128xf32, #tpu.memory_space<vmem>>) dst(%dma_wait3A_496 : memref<10240x128xf32, #tpu.memory_space<vmem_shared>>)
      } else {
      }
      %get3A_278 = arith.constant 0 : index
      %get3A_279 = tpu.vector_load %arg8[%get3A_278] {strides = array<i32>} : memref<256xi32, #tpu.memory_space<vmem>>, vector<16xi32>,
      %get3A_280 = vector.shape_cast %get3A_279 : vector<16xi32> to vector<16xi32>
      %swap3A_281 = arith.constant 0 : index
      %swap3A_282 = tpu.vector_load %arg10[%swap3A_281] {strides = array<i32>} : memref<128xi32, #tpu.memory_space<vmem>>, vector<16xi32>,
      %swap3A_283 = vector.shape_cast %swap3A_282 : vector<16xi32> to vector<16xi32>
      %swap3A_284 = vector.shape_cast %get3A_280 : vector<16xi32> to vector<16xi32>
      tpu.vector_store %arg10[%swap3A_281], %swap3A_284 {strides = array<i32>} : memref<128xi32, #tpu.memory_space<vmem>>, vector<16xi32>,
      %get3A_285 = arith.constant 16 : index
      %get3A_286 = tpu.vector_load %arg8[%get3A_285] {strides = array<i32>} : memref<256xi32, #tpu.memory_space<vmem>>, vector<16xi32>,
      %get3A_287 = vector.shape_cast %get3A_286 : vector<16xi32> to vector<16xi32>
      %swap3A_288 = arith.constant 16 : index
      %swap3A_289 = tpu.vector_load %arg10[%swap3A_288] {strides = array<i32>} : memref<128xi32, #tpu.memory_space<vmem>>, vector<16xi32>,
      %swap3A_290 = vector.shape_cast %swap3A_289 : vector<16xi32> to vector<16xi32>
      %swap3A_291 = vector.shape_cast %get3A_287 : vector<16xi32> to vector<16xi32>
      tpu.vector_store %arg10[%swap3A_288], %swap3A_291 {strides = array<i32>} : memref<128xi32, #tpu.memory_space<vmem>>, vector<16xi32>,
      %get3A_292 = arith.constant 32 : index
      %get3A_293 = tpu.vector_load %arg8[%get3A_292] {strides = array<i32>} : memref<256xi32, #tpu.memory_space<vmem>>, vector<16xi32>,
      %get3A_294 = vector.shape_cast %get3A_293 : vector<16xi32> to vector<16xi32>
      %swap3A_295 = arith.constant 32 : index
      %swap3A_296 = tpu.vector_load %arg10[%swap3A_295] {strides = array<i32>} : memref<128xi32, #tpu.memory_space<vmem>>, vector<16xi32>,
      %swap3A_297 = vector.shape_cast %swap3A_296 : vector<16xi32> to vector<16xi32>
      %swap3A_298 = vector.shape_cast %get3A_294 : vector<16xi32> to vector<16xi32>
      tpu.vector_store %arg10[%swap3A_295], %swap3A_298 {strides = array<i32>} : memref<128xi32, #tpu.memory_space<vmem>>, vector<16xi32>,
      %get3A_299 = arith.constant 48 : index
      %get3A_300 = tpu.vector_load %arg8[%get3A_299] {strides = array<i32>} : memref<256xi32, #tpu.memory_space<vmem>>, vector<16xi32>,
      %get3A_301 = vector.shape_cast %get3A_300 : vector<16xi32> to vector<16xi32>
      %swap3A_302 = arith.constant 48 : index
      %swap3A_303 = tpu.vector_load %arg10[%swap3A_302] {strides = array<i32>} : memref<128xi32, #tpu.memory_space<vmem>>, vector<16xi32>,
      %swap3A_304 = vector.shape_cast %swap3A_303 : vector<16xi32> to vector<16xi32>
      %swap3A_305 = vector.shape_cast %get3A_301 : vector<16xi32> to vector<16xi32>
      tpu.vector_store %arg10[%swap3A_302], %swap3A_305 {strides = array<i32>} : memref<128xi32, #tpu.memory_space<vmem>>, vector<16xi32>,
      %get3A_306 = arith.constant 64 : index
      %get3A_307 = tpu.vector_load %arg8[%get3A_306] {strides = array<i32>} : memref<256xi32, #tpu.memory_space<vmem>>, vector<16xi32>,
      %get3A_308 = vector.shape_cast %get3A_307 : vector<16xi32> to vector<16xi32>
      %swap3A_309 = arith.constant 64 : index
      %swap3A_310 = tpu.vector_load %arg10[%swap3A_309] {strides = array<i32>} : memref<128xi32, #tpu.memory_space<vmem>>, vector<16xi32>,
      %swap3A_311 = vector.shape_cast %swap3A_310 : vector<16xi32> to vector<16xi32>
      %swap3A_312 = vector.shape_cast %get3A_308 : vector<16xi32> to vector<16xi32>
      tpu.vector_store %arg10[%swap3A_309], %swap3A_312 {strides = array<i32>} : memref<128xi32, #tpu.memory_space<vmem>>, vector<16xi32>,
      %get3A_313 = arith.constant 80 : index
      %get3A_314 = tpu.vector_load %arg8[%get3A_313] {strides = array<i32>} : memref<256xi32, #tpu.memory_space<vmem>>, vector<16xi32>,
      %get3A_315 = vector.shape_cast %get3A_314 : vector<16xi32> to vector<16xi32>
      %swap3A_316 = arith.constant 80 : index
      %swap3A_317 = tpu.vector_load %arg10[%swap3A_316] {strides = array<i32>} : memref<128xi32, #tpu.memory_space<vmem>>, vector<16xi32>,
      %swap3A_318 = vector.shape_cast %swap3A_317 : vector<16xi32> to vector<16xi32>
      %swap3A_319 = vector.shape_cast %get3A_315 : vector<16xi32> to vector<16xi32>
      tpu.vector_store %arg10[%swap3A_316], %swap3A_319 {strides = array<i32>} : memref<128xi32, #tpu.memory_space<vmem>>, vector<16xi32>,
      %get3A_320 = arith.constant 96 : index
      %get3A_321 = tpu.vector_load %arg8[%get3A_320] {strides = array<i32>} : memref<256xi32, #tpu.memory_space<vmem>>, vector<16xi32>,
      %get3A_322 = vector.shape_cast %get3A_321 : vector<16xi32> to vector<16xi32>
      %swap3A_323 = arith.constant 96 : index
      %swap3A_324 = tpu.vector_load %arg10[%swap3A_323] {strides = array<i32>} : memref<128xi32, #tpu.memory_space<vmem>>, vector<16xi32>,
      %swap3A_325 = vector.shape_cast %swap3A_324 : vector<16xi32> to vector<16xi32>
      %swap3A_326 = vector.shape_cast %get3A_322 : vector<16xi32> to vector<16xi32>
      tpu.vector_store %arg10[%swap3A_323], %swap3A_326 {strides = array<i32>} : memref<128xi32, #tpu.memory_space<vmem>>, vector<16xi32>,
      %get3A_327 = arith.constant 112 : index
      %get3A_328 = tpu.vector_load %arg8[%get3A_327] {strides = array<i32>} : memref<256xi32, #tpu.memory_space<vmem>>, vector<16xi32>,
      %get3A_329 = vector.shape_cast %get3A_328 : vector<16xi32> to vector<16xi32>
      %swap3A_330 = arith.constant 112 : index
      %swap3A_331 = tpu.vector_load %arg10[%swap3A_330] {strides = array<i32>} : memref<128xi32, #tpu.memory_space<vmem>>, vector<16xi32>,
      %swap3A_332 = vector.shape_cast %swap3A_331 : vector<16xi32> to vector<16xi32>
      %swap3A_333 = vector.shape_cast %get3A_329 : vector<16xi32> to vector<16xi32>
      tpu.vector_store %arg10[%swap3A_330], %swap3A_333 {strides = array<i32>} : memref<128xi32, #tpu.memory_space<vmem>>, vector<16xi32>,
      %eq3A_334 = arith.constant 0 : i32
      %eq3A_335 = arith.cmpi eq, %arg0, %eq3A_334 : i32
      %convert_element_type3A_336 = arith.extui %eq3A_335 : i1 to i32
      %cond3A_337 = arith.constant 0 : i32
      %cond3A_338 = arith.cmpi ne, %convert_element_type3A_336, %cond3A_337 : i32
      scf.if %cond3A_338 {
        %dma_start3A_494 = arith.constant 0 : i32
        %dma_start3A_495 = arith.constant 0 : i32
        %dma_start3A_496 = tpu.memref_slice %arg2[%dma_start3A_494, %dma_start3A_495] : memref<10240x128xf32, #tpu.memory_space<hbm>> -> memref<10240x128xf32, #tpu.memory_space<hbm>>
        tpu.enqueue_indirect_dma source(%dma_start3A_496 : memref<10240x128xf32, #tpu.memory_space<hbm>>) target(%arg14 : memref<128x128xf32, #tpu.memory_space<vmem>>) offsets(%arg10 : memref<128xi32, #tpu.memory_space<vmem>>) semaphore(%arg19 : memref<!tpu.dma_semaphore, #tpu.memory_space<semaphore_mem>>)
      } else {
      }
      %eq3A_339 = arith.constant 1 : i32
      %eq3A_340 = arith.cmpi eq, %arg0, %eq3A_339 : i32
      %convert_element_type3A_341 = arith.extui %eq3A_340 : i1 to i32
      %cond3A_342 = arith.constant 0 : i32
      %cond3A_343 = arith.cmpi ne, %convert_element_type3A_341, %cond3A_342 : i32
      scf.if %cond3A_343 {
        %dma_start3A_494 = arith.constant 0 : i32
        %dma_start3A_495 = arith.constant 0 : i32
        %dma_start3A_496 = tpu.memref_slice %arg3[%dma_start3A_494, %dma_start3A_495] : memref<10240x128xf32, #tpu.memory_space<hbm>> -> memref<10240x128xf32, #tpu.memory_space<hbm>>
        tpu.enqueue_indirect_dma source(%dma_start3A_496 : memref<10240x128xf32, #tpu.memory_space<hbm>>) target(%arg14 : memref<128x128xf32, #tpu.memory_space<vmem>>) offsets(%arg10 : memref<128xi32, #tpu.memory_space<vmem>>) semaphore(%arg19 : memref<!tpu.dma_semaphore, #tpu.memory_space<semaphore_mem>>)
      } else {
      }
      %eq3A_344 = arith.constant 0 : i32
      %eq3A_345 = arith.cmpi eq, %arg0, %eq3A_344 : i32
      %convert_element_type3A_346 = arith.extui %eq3A_345 : i1 to i32
      %cond3A_347 = arith.constant 0 : i32
      %cond3A_348 = arith.cmpi ne, %convert_element_type3A_346, %cond3A_347 : i32
      scf.if %cond3A_348 {
        %dma_wait3A_494 = arith.constant 0 : i32
        %dma_wait3A_495 = arith.constant 0 : i32
        %dma_wait3A_496 = tpu.memref_slice %arg2[%dma_wait3A_494, %dma_wait3A_495] : memref<10240x128xf32, #tpu.memory_space<hbm>> -> memref<10240x128xf32, #tpu.memory_space<hbm>>
        tpu.wait_indirect_dma semaphore(%arg19 : memref<!tpu.dma_semaphore, #tpu.memory_space<semaphore_mem>>) src(%dma_wait3A_496 : memref<10240x128xf32, #tpu.memory_space<hbm>>) dst(%arg14 : memref<128x128xf32, #tpu.memory_space<vmem>>)
      } else {
      }
      %eq3A_349 = arith.constant 1 : i32
      %eq3A_350 = arith.cmpi eq, %arg0, %eq3A_349 : i32
      %convert_element_type3A_351 = arith.extui %eq3A_350 : i1 to i32
      %cond3A_352 = arith.constant 0 : i32
      %cond3A_353 = arith.cmpi ne, %convert_element_type3A_351, %cond3A_352 : i32
      scf.if %cond3A_353 {
        %dma_wait3A_494 = arith.constant 0 : i32
        %dma_wait3A_495 = arith.constant 0 : i32
        %dma_wait3A_496 = tpu.memref_slice %arg3[%dma_wait3A_494, %dma_wait3A_495] : memref<10240x128xf32, #tpu.memory_space<hbm>> -> memref<10240x128xf32, #tpu.memory_space<hbm>>
        tpu.wait_indirect_dma semaphore(%arg19 : memref<!tpu.dma_semaphore, #tpu.memory_space<semaphore_mem>>) src(%dma_wait3A_496 : memref<10240x128xf32, #tpu.memory_space<hbm>>) dst(%arg14 : memref<128x128xf32, #tpu.memory_space<vmem>>)
      } else {
      }
      %get3A_354 = arith.constant 128 : index
      %get3A_355 = tpu.vector_load %arg8[%get3A_354] {strides = array<i32>} : memref<256xi32, #tpu.memory_space<vmem>>, vector<16xi32>,
      %get3A_356 = vector.shape_cast %get3A_355 : vector<16xi32> to vector<16xi32>
      %swap3A_357 = arith.constant 0 : index
      %swap3A_358 = tpu.vector_load %arg12[%swap3A_357] {strides = array<i32>} : memref<128xi32, #tpu.memory_space<vmem>>, vector<16xi32>,
      %swap3A_359 = vector.shape_cast %swap3A_358 : vector<16xi32> to vector<16xi32>
      %swap3A_360 = vector.shape_cast %get3A_356 : vector<16xi32> to vector<16xi32>
      tpu.vector_store %arg12[%swap3A_357], %swap3A_360 {strides = array<i32>} : memref<128xi32, #tpu.memory_space<vmem>>, vector<16xi32>,
      %get3A_361 = arith.constant 144 : index
      %get3A_362 = tpu.vector_load %arg8[%get3A_361] {strides = array<i32>} : memref<256xi32, #tpu.memory_space<vmem>>, vector<16xi32>,
      %get3A_363 = vector.shape_cast %get3A_362 : vector<16xi32> to vector<16xi32>
      %swap3A_364 = arith.constant 16 : index
      %swap3A_365 = tpu.vector_load %arg12[%swap3A_364] {strides = array<i32>} : memref<128xi32, #tpu.memory_space<vmem>>, vector<16xi32>,
      %swap3A_366 = vector.shape_cast %swap3A_365 : vector<16xi32> to vector<16xi32>
      %swap3A_367 = vector.shape_cast %get3A_363 : vector<16xi32> to vector<16xi32>
      tpu.vector_store %arg12[%swap3A_364], %swap3A_367 {strides = array<i32>} : memref<128xi32, #tpu.memory_space<vmem>>, vector<16xi32>,
      %get3A_368 = arith.constant 160 : index
      %get3A_369 = tpu.vector_load %arg8[%get3A_368] {strides = array<i32>} : memref<256xi32, #tpu.memory_space<vmem>>, vector<16xi32>,
      %get3A_370 = vector.shape_cast %get3A_369 : vector<16xi32> to vector<16xi32>
      %swap3A_371 = arith.constant 32 : index
      %swap3A_372 = tpu.vector_load %arg12[%swap3A_371] {strides = array<i32>} : memref<128xi32, #tpu.memory_space<vmem>>, vector<16xi32>,
      %swap3A_373 = vector.shape_cast %swap3A_372 : vector<16xi32> to vector<16xi32>
      %swap3A_374 = vector.shape_cast %get3A_370 : vector<16xi32> to vector<16xi32>
      tpu.vector_store %arg12[%swap3A_371], %swap3A_374 {strides = array<i32>} : memref<128xi32, #tpu.memory_space<vmem>>, vector<16xi32>,
      %get3A_375 = arith.constant 176 : index
      %get3A_376 = tpu.vector_load %arg8[%get3A_375] {strides = array<i32>} : memref<256xi32, #tpu.memory_space<vmem>>, vector<16xi32>,
      %get3A_377 = vector.shape_cast %get3A_376 : vector<16xi32> to vector<16xi32>
      %swap3A_378 = arith.constant 48 : index
      %swap3A_379 = tpu.vector_load %arg12[%swap3A_378] {strides = array<i32>} : memref<128xi32, #tpu.memory_space<vmem>>, vector<16xi32>,
      %swap3A_380 = vector.shape_cast %swap3A_379 : vector<16xi32> to vector<16xi32>
      %swap3A_381 = vector.shape_cast %get3A_377 : vector<16xi32> to vector<16xi32>
      tpu.vector_store %arg12[%swap3A_378], %swap3A_381 {strides = array<i32>} : memref<128xi32, #tpu.memory_space<vmem>>, vector<16xi32>,
      %get3A_382 = arith.constant 192 : index
      %get3A_383 = tpu.vector_load %arg8[%get3A_382] {strides = array<i32>} : memref<256xi32, #tpu.memory_space<vmem>>, vector<16xi32>,
      %get3A_384 = vector.shape_cast %get3A_383 : vector<16xi32> to vector<16xi32>
      %swap3A_385 = arith.constant 64 : index
      %swap3A_386 = tpu.vector_load %arg12[%swap3A_385] {strides = array<i32>} : memref<128xi32, #tpu.memory_space<vmem>>, vector<16xi32>,
      %swap3A_387 = vector.shape_cast %swap3A_386 : vector<16xi32> to vector<16xi32>
      %swap3A_388 = vector.shape_cast %get3A_384 : vector<16xi32> to vector<16xi32>
      tpu.vector_store %arg12[%swap3A_385], %swap3A_388 {strides = array<i32>} : memref<128xi32, #tpu.memory_space<vmem>>, vector<16xi32>,
      %get3A_389 = arith.constant 208 : index
      %get3A_390 = tpu.vector_load %arg8[%get3A_389] {strides = array<i32>} : memref<256xi32, #tpu.memory_space<vmem>>, vector<16xi32>,
      %get3A_391 = vector.shape_cast %get3A_390 : vector<16xi32> to vector<16xi32>
      %swap3A_392 = arith.constant 80 : index
      %swap3A_393 = tpu.vector_load %arg12[%swap3A_392] {strides = array<i32>} : memref<128xi32, #tpu.memory_space<vmem>>, vector<16xi32>,
      %swap3A_394 = vector.shape_cast %swap3A_393 : vector<16xi32> to vector<16xi32>
      %swap3A_395 = vector.shape_cast %get3A_391 : vector<16xi32> to vector<16xi32>
      tpu.vector_store %arg12[%swap3A_392], %swap3A_395 {strides = array<i32>} : memref<128xi32, #tpu.memory_space<vmem>>, vector<16xi32>,
      %get3A_396 = arith.constant 224 : index
      %get3A_397 = tpu.vector_load %arg8[%get3A_396] {strides = array<i32>} : memref<256xi32, #tpu.memory_space<vmem>>, vector<16xi32>,
      %get3A_398 = vector.shape_cast %get3A_397 : vector<16xi32> to vector<16xi32>
      %swap3A_399 = arith.constant 96 : index
      %swap3A_400 = tpu.vector_load %arg12[%swap3A_399] {strides = array<i32>} : memref<128xi32, #tpu.memory_space<vmem>>, vector<16xi32>,
      %swap3A_401 = vector.shape_cast %swap3A_400 : vector<16xi32> to vector<16xi32>
      %swap3A_402 = vector.shape_cast %get3A_398 : vector<16xi32> to vector<16xi32>
      tpu.vector_store %arg12[%swap3A_399], %swap3A_402 {strides = array<i32>} : memref<128xi32, #tpu.memory_space<vmem>>, vector<16xi32>,
      %get3A_403 = arith.constant 240 : index
      %get3A_404 = tpu.vector_load %arg8[%get3A_403] {strides = array<i32>} : memref<256xi32, #tpu.memory_space<vmem>>, vector<16xi32>,
      %get3A_405 = vector.shape_cast %get3A_404 : vector<16xi32> to vector<16xi32>
      %swap3A_406 = arith.constant 112 : index
      %swap3A_407 = tpu.vector_load %arg12[%swap3A_406] {strides = array<i32>} : memref<128xi32, #tpu.memory_space<vmem>>, vector<16xi32>,
      %swap3A_408 = vector.shape_cast %swap3A_407 : vector<16xi32> to vector<16xi32>
      %swap3A_409 = vector.shape_cast %get3A_405 : vector<16xi32> to vector<16xi32>
      tpu.vector_store %arg12[%swap3A_406], %swap3A_409 {strides = array<i32>} : memref<128xi32, #tpu.memory_space<vmem>>, vector<16xi32>,
      %dma_start3A_410 = arith.constant 0 : i32
      %dma_start3A_411 = arith.constant 0 : i32
      %dma_start3A_412 = tpu.memref_slice %arg15[%dma_start3A_410, %dma_start3A_411] : memref<10240x128xf32, #tpu.memory_space<vmem_shared>> -> memref<10240x128xf32, #tpu.memory_space<vmem_shared>>
      tpu.enqueue_indirect_dma source(%arg14 : memref<128x128xf32, #tpu.memory_space<vmem>>) target(%dma_start3A_412 : memref<10240x128xf32, #tpu.memory_space<vmem_shared>>) offsets(%arg12 : memref<128xi32, #tpu.memory_space<vmem>>) semaphore(%arg21 : memref<!tpu.dma_semaphore, #tpu.memory_space<semaphore_mem>>) {add = true}
      %lt3A = arith.constant 77 : i32
      %lt3A_413 = arith.cmpi slt, %add3A_185, %lt3A : i32
      %convert_element_type3A_414 = arith.extui %lt3A_413 : i1 to i32
      %cond3A_415 = arith.constant 0 : i32
      %cond3A_416 = arith.cmpi ne, %convert_element_type3A_414, %cond3A_415 : i32
      scf.if %cond3A_416 {
        %add3A_494 = arith.constant 3 : i32
        %add3A_495 = arith.addi %add3A_188, %add3A_494 : i32
        %dma_start3A_496 = arith.constant 0 : i32
        %dma_start3A_497 = tpu.memref_slice %arg4[%add3A_495, %dma_start3A_496] : memref<2512x256xi32, #tpu.memory_space<hbm>> -> memref<1x256xi32, #tpu.memory_space<hbm>>
        %dma_start3A_498 = tpu.memref_squeeze %dma_start3A_497 : memref<1x256xi32, #tpu.memory_space<hbm>> -> memref<256xi32, #tpu.memory_space<hbm>>
        %dma_start3A_499 = arith.constant 0 : i32
        %dma_start3A_500 = tpu.memref_slice %arg4[%add3A_495, %dma_start3A_499] : memref<2512x256xi32, #tpu.memory_space<hbm>> -> memref<1x256xi32, #tpu.memory_space<hbm>>
        %dma_start3A_501 = tpu.memref_squeeze %dma_start3A_500 : memref<1x256xi32, #tpu.memory_space<hbm>> -> memref<256xi32, #tpu.memory_space<hbm>>
        tpu.enqueue_dma source(%dma_start3A_501 : memref<256xi32, #tpu.memory_space<hbm>>) target(%arg8 : memref<256xi32, #tpu.memory_space<vmem>>) target_semaphore(%arg17 : memref<!tpu.dma_semaphore, #tpu.memory_space<semaphore_mem>>)
      } else {
      }
      %add3A_417 = arith.constant 2 : i32
      %add3A_418 = arith.addi %add3A_188, %add3A_417 : i32
      %dma_wait3A_419 = arith.constant 0 : i32
      %dma_wait3A_420 = tpu.memref_slice %arg4[%add3A_418, %dma_wait3A_419] : memref<2512x256xi32, #tpu.memory_space<hbm>> -> memref<1x256xi32, #tpu.memory_space<hbm>>
      %dma_wait3A_421 = tpu.memref_squeeze %dma_wait3A_420 : memref<1x256xi32, #tpu.memory_space<hbm>> -> memref<256xi32, #tpu.memory_space<hbm>>
      %dma_wait3A_422 = arith.constant 0 : i32
      %dma_wait3A_423 = tpu.memref_slice %arg4[%add3A_418, %dma_wait3A_422] : memref<2512x256xi32, #tpu.memory_space<hbm>> -> memref<1x256xi32, #tpu.memory_space<hbm>>
      %dma_wait3A_424 = tpu.memref_squeeze %dma_wait3A_423 : memref<1x256xi32, #tpu.memory_space<hbm>> -> memref<256xi32, #tpu.memory_space<hbm>>
      tpu.wait_dma2 semaphore(%arg16 : memref<!tpu.dma_semaphore, #tpu.memory_space<semaphore_mem>>) src(%dma_wait3A_424 : memref<256xi32, #tpu.memory_space<hbm>>) dst(%arg7 : memref<256xi32, #tpu.memory_space<vmem>>)
      %dma_wait3A_425 = arith.constant 0 : i32
      %dma_wait3A_426 = arith.constant 0 : i32
      %dma_wait3A_427 = tpu.memref_slice %arg15[%dma_wait3A_425, %dma_wait3A_426] : memref<10240x128xf32, #tpu.memory_space<vmem_shared>> -> memref<10240x128xf32, #tpu.memory_space<vmem_shared>>
      tpu.wait_indirect_dma semaphore(%arg20 : memref<!tpu.dma_semaphore, #tpu.memory_space<semaphore_mem>>) src(%arg13 : memref<128x128xf32, #tpu.memory_space<vmem>>) dst(%dma_wait3A_427 : memref<10240x128xf32, #tpu.memory_space<vmem_shared>>)
      %get3A_428 = arith.constant 0 : index
      %get3A_429 = tpu.vector_load %arg7[%get3A_428] {strides = array<i32>} : memref<256xi32, #tpu.memory_space<vmem>>, vector<16xi32>,
      %get3A_430 = vector.shape_cast %get3A_429 : vector<16xi32> to vector<16xi32>
      %swap3A_431 = arith.constant 0 : index
      %swap3A_432 = tpu.vector_load %arg9[%swap3A_431] {strides = array<i32>} : memref<128xi32, #tpu.memory_space<vmem>>, vector<16xi32>,
      %swap3A_433 = vector.shape_cast %swap3A_432 : vector<16xi32> to vector<16xi32>
      %swap3A_434 = vector.shape_cast %get3A_430 : vector<16xi32> to vector<16xi32>
      tpu.vector_store %arg9[%swap3A_431], %swap3A_434 {strides = array<i32>} : memref<128xi32, #tpu.memory_space<vmem>>, vector<16xi32>,
      %get3A_435 = arith.constant 16 : index
      %get3A_436 = tpu.vector_load %arg7[%get3A_435] {strides = array<i32>} : memref<256xi32, #tpu.memory_space<vmem>>, vector<16xi32>,
      %get3A_437 = vector.shape_cast %get3A_436 : vector<16xi32> to vector<16xi32>
      %swap3A_438 = arith.constant 16 : index
      %swap3A_439 = tpu.vector_load %arg9[%swap3A_438] {strides = array<i32>} : memref<128xi32, #tpu.memory_space<vmem>>, vector<16xi32>,
      %swap3A_440 = vector.shape_cast %swap3A_439 : vector<16xi32> to vector<16xi32>
      %swap3A_441 = vector.shape_cast %get3A_437 : vector<16xi32> to vector<16xi32>
      tpu.vector_store %arg9[%swap3A_438], %swap3A_441 {strides = array<i32>} : memref<128xi32, #tpu.memory_space<vmem>>, vector<16xi32>,
      %get3A_442 = arith.constant 32 : index
      %get3A_443 = tpu.vector_load %arg7[%get3A_442] {strides = array<i32>} : memref<256xi32, #tpu.memory_space<vmem>>, vector<16xi32>,
      %get3A_444 = vector.shape_cast %get3A_443 : vector<16xi32> to vector<16xi32>
      %swap3A_445 = arith.constant 32 : index
      %swap3A_446 = tpu.vector_load %arg9[%swap3A_445] {strides = array<i32>} : memref<128xi32, #tpu.memory_space<vmem>>, vector<16xi32>,
      %swap3A_447 = vector.shape_cast %swap3A_446 : vector<16xi32> to vector<16xi32>
      %swap3A_448 = vector.shape_cast %get3A_444 : vector<16xi32> to vector<16xi32>
      tpu.vector_store %arg9[%swap3A_445], %swap3A_448 {strides = array<i32>} : memref<128xi32, #tpu.memory_space<vmem>>, vector<16xi32>,
      %get3A_449 = arith.constant 48 : index
      %get3A_450 = tpu.vector_load %arg7[%get3A_449] {strides = array<i32>} : memref<256xi32, #tpu.memory_space<vmem>>, vector<16xi32>,
      %get3A_451 = vector.shape_cast %get3A_450 : vector<16xi32> to vector<16xi32>
      %swap3A_452 = arith.constant 48 : index
      %swap3A_453 = tpu.vector_load %arg9[%swap3A_452] {strides = array<i32>} : memref<128xi32, #tpu.memory_space<vmem>>, vector<16xi32>,
      %swap3A_454 = vector.shape_cast %swap3A_453 : vector<16xi32> to vector<16xi32>
      %swap3A_455 = vector.shape_cast %get3A_451 : vector<16xi32> to vector<16xi32>
      tpu.vector_store %arg9[%swap3A_452], %swap3A_455 {strides = array<i32>} : memref<128xi32, #tpu.memory_space<vmem>>, vector<16xi32>,
      %get3A_456 = arith.constant 64 : index
      %get3A_457 = tpu.vector_load %arg7[%get3A_456] {strides = array<i32>} : memref<256xi32, #tpu.memory_space<vmem>>, vector<16xi32>,
      %get3A_458 = vector.shape_cast %get3A_457 : vector<16xi32> to vector<16xi32>
      %swap3A_459 = arith.constant 64 : index
      %swap3A_460 = tpu.vector_load %arg9[%swap3A_459] {strides = array<i32>} : memref<128xi32, #tpu.memory_space<vmem>>, vector<16xi32>,
      %swap3A_461 = vector.shape_cast %swap3A_460 : vector<16xi32> to vector<16xi32>
      %swap3A_462 = vector.shape_cast %get3A_458 : vector<16xi32> to vector<16xi32>
      tpu.vector_store %arg9[%swap3A_459], %swap3A_462 {strides = array<i32>} : memref<128xi32, #tpu.memory_space<vmem>>, vector<16xi32>,
      %get3A_463 = arith.constant 80 : index
      %get3A_464 = tpu.vector_load %arg7[%get3A_463] {strides = array<i32>} : memref<256xi32, #tpu.memory_space<vmem>>, vector<16xi32>,
      %get3A_465 = vector.shape_cast %get3A_464 : vector<16xi32> to vector<16xi32>
      %swap3A_466 = arith.constant 80 : index
      %swap3A_467 = tpu.vector_load %arg9[%swap3A_466] {strides = array<i32>} : memref<128xi32, #tpu.memory_space<vmem>>, vector<16xi32>,
      %swap3A_468 = vector.shape_cast %swap3A_467 : vector<16xi32> to vector<16xi32>
      %swap3A_469 = vector.shape_cast %get3A_465 : vector<16xi32> to vector<16xi32>
      tpu.vector_store %arg9[%swap3A_466], %swap3A_469 {strides = array<i32>} : memref<128xi32, #tpu.memory_space<vmem>>, vector<16xi32>,
      %get3A_470 = arith.constant 96 : index
      %get3A_471 = tpu.vector_load %arg7[%get3A_470] {strides = array<i32>} : memref<256xi32, #tpu.memory_space<vmem>>, vector<16xi32>,
      %get3A_472 = vector.shape_cast %get3A_471 : vector<16xi32> to vector<16xi32>
      %swap3A_473 = arith.constant 96 : index
      %swap3A_474 = tpu.vector_load %arg9[%swap3A_473] {strides = array<i32>} : memref<128xi32, #tpu.memory_space<vmem>>, vector<16xi32>,
      %swap3A_475 = vector.shape_cast %swap3A_474 : vector<16xi32> to vector<16xi32>
      %swap3A_476 = vector.shape_cast %get3A_472 : vector<16xi32> to vector<16xi32>
      tpu.vector_store %arg9[%swap3A_473], %swap3A_476 {strides = array<i32>} : memref<128xi32, #tpu.memory_space<vmem>>, vector<16xi32>,
      %get3A_477 = arith.constant 112 : index
      %get3A_478 = tpu.vector_load %arg7[%get3A_477] {strides = array<i32>} : memref<256xi32, #tpu.memory_space<vmem>>, vector<16xi32>,
      %get3A_479 = vector.shape_cast %get3A_478 : vector<16xi32> to vector<16xi32>
      %swap3A_480 = arith.constant 112 : index
      %swap3A_481 = tpu.vector_load %arg9[%swap3A_480] {strides = array<i32>} : memref<128xi32, #tpu.memory_space<vmem>>, vector<16xi32>,
      %swap3A_482 = vector.shape_cast %swap3A_481 : vector<16xi32> to vector<16xi32>
      %swap3A_483 = vector.shape_cast %get3A_479 : vector<16xi32> to vector<16xi32>
      tpu.vector_store %arg9[%swap3A_480], %swap3A_483 {strides = array<i32>} : memref<128xi32, #tpu.memory_space<vmem>>, vector<16xi32>,
      %eq3A_484 = arith.constant 0 : i32
      %eq3A_485 = arith.cmpi eq, %arg0, %eq3A_484 : i32
      %convert_element_type3A_486 = arith.extui %eq3A_485 : i1 to i32
      %cond3A_487 = arith.constant 0 : i32
      %cond3A_488 = arith.cmpi ne, %convert_element_type3A_486, %cond3A_487 : i32
      scf.if %cond3A_488 {
        %dma_start3A_494 = arith.constant 0 : i32
        %dma_start3A_495 = arith.constant 0 : i32
        %dma_start3A_496 = tpu.memref_slice %arg2[%dma_start3A_494, %dma_start3A_495] : memref<10240x128xf32, #tpu.memory_space<hbm>> -> memref<10240x128xf32, #tpu.memory_space<hbm>>
        tpu.enqueue_indirect_dma source(%dma_start3A_496 : memref<10240x128xf32, #tpu.memory_space<hbm>>) target(%arg13 : memref<128x128xf32, #tpu.memory_space<vmem>>) offsets(%arg9 : memref<128xi32, #tpu.memory_space<vmem>>) semaphore(%arg18 : memref<!tpu.dma_semaphore, #tpu.memory_space<semaphore_mem>>)
      } else {
      }
      %eq3A_489 = arith.constant 1 : i32
      %eq3A_490 = arith.cmpi eq, %arg0, %eq3A_489 : i32
      %convert_element_type3A_491 = arith.extui %eq3A_490 : i1 to i32
      %cond3A_492 = arith.constant 0 : i32
      %cond3A_493 = arith.cmpi ne, %convert_element_type3A_491, %cond3A_492 : i32
      scf.if %cond3A_493 {
        %dma_start3A_494 = arith.constant 0 : i32
        %dma_start3A_495 = arith.constant 0 : i32
        %dma_start3A_496 = tpu.memref_slice %arg3[%dma_start3A_494, %dma_start3A_495] : memref<10240x128xf32, #tpu.memory_space<hbm>> -> memref<10240x128xf32, #tpu.memory_space<hbm>>
        tpu.enqueue_indirect_dma source(%dma_start3A_496 : memref<10240x128xf32, #tpu.memory_space<hbm>>) target(%arg13 : memref<128x128xf32, #tpu.memory_space<vmem>>) offsets(%arg9 : memref<128xi32, #tpu.memory_space<vmem>>) semaphore(%arg18 : memref<!tpu.dma_semaphore, #tpu.memory_space<semaphore_mem>>)
      } else {
      }
    }
    %scan3A_92 = arith.constant 78 : i32
    %eq3A_93 = arith.constant 0 : i32
    %eq3A_94 = arith.cmpi eq, %arg0, %eq3A_93 : i32
    %convert_element_type3A_95 = arith.extui %eq3A_94 : i1 to i32
    %cond3A_96 = arith.constant 0 : i32
    %cond3A_97 = arith.cmpi ne, %convert_element_type3A_95, %cond3A_96 : i32
    scf.if %cond3A_97 {
      %dma_wait3A_181 = arith.constant 0 : i32
      %dma_wait3A_182 = arith.constant 0 : i32
      %dma_wait3A_183 = tpu.memref_slice %arg2[%dma_wait3A_181, %dma_wait3A_182] : memref<10240x128xf32, #tpu.memory_space<hbm>> -> memref<10240x128xf32, #tpu.memory_space<hbm>>
      tpu.wait_indirect_dma semaphore(%arg18 : memref<!tpu.dma_semaphore, #tpu.memory_space<semaphore_mem>>) src(%dma_wait3A_183 : memref<10240x128xf32, #tpu.memory_space<hbm>>) dst(%arg13 : memref<128x128xf32, #tpu.memory_space<vmem>>)
    } else {
    }
    %eq3A_98 = arith.constant 1 : i32
    %eq3A_99 = arith.cmpi eq, %arg0, %eq3A_98 : i32
    %convert_element_type3A_100 = arith.extui %eq3A_99 : i1 to i32
    %cond3A_101 = arith.constant 0 : i32
    %cond3A_102 = arith.cmpi ne, %convert_element_type3A_100, %cond3A_101 : i32
    scf.if %cond3A_102 {
      %dma_wait3A_181 = arith.constant 0 : i32
      %dma_wait3A_182 = arith.constant 0 : i32
      %dma_wait3A_183 = tpu.memref_slice %arg3[%dma_wait3A_181, %dma_wait3A_182] : memref<10240x128xf32, #tpu.memory_space<hbm>> -> memref<10240x128xf32, #tpu.memory_space<hbm>>
      tpu.wait_indirect_dma semaphore(%arg18 : memref<!tpu.dma_semaphore, #tpu.memory_space<semaphore_mem>>) src(%dma_wait3A_183 : memref<10240x128xf32, #tpu.memory_space<hbm>>) dst(%arg13 : memref<128x128xf32, #tpu.memory_space<vmem>>)
    } else {
    }
    %get3A_103 = arith.constant 128 : index
    %get3A_104 = tpu.vector_load %arg7[%get3A_103] {strides = array<i32>} : memref<256xi32, #tpu.memory_space<vmem>>, vector<16xi32>,
    %get3A_105 = vector.shape_cast %get3A_104 : vector<16xi32> to vector<16xi32>
    %swap3A_106 = arith.constant 0 : index
    %swap3A_107 = tpu.vector_load %arg11[%swap3A_106] {strides = array<i32>} : memref<128xi32, #tpu.memory_space<vmem>>, vector<16xi32>,
    %swap3A_108 = vector.shape_cast %swap3A_107 : vector<16xi32> to vector<16xi32>
    %swap3A_109 = vector.shape_cast %get3A_105 : vector<16xi32> to vector<16xi32>
    tpu.vector_store %arg11[%swap3A_106], %swap3A_109 {strides = array<i32>} : memref<128xi32, #tpu.memory_space<vmem>>, vector<16xi32>,
    %get3A_110 = arith.constant 144 : index
    %get3A_111 = tpu.vector_load %arg7[%get3A_110] {strides = array<i32>} : memref<256xi32, #tpu.memory_space<vmem>>, vector<16xi32>,
    %get3A_112 = vector.shape_cast %get3A_111 : vector<16xi32> to vector<16xi32>
    %swap3A_113 = arith.constant 16 : index
    %swap3A_114 = tpu.vector_load %arg11[%swap3A_113] {strides = array<i32>} : memref<128xi32, #tpu.memory_space<vmem>>, vector<16xi32>,
    %swap3A_115 = vector.shape_cast %swap3A_114 : vector<16xi32> to vector<16xi32>
    %swap3A_116 = vector.shape_cast %get3A_112 : vector<16xi32> to vector<16xi32>
    tpu.vector_store %arg11[%swap3A_113], %swap3A_116 {strides = array<i32>} : memref<128xi32, #tpu.memory_space<vmem>>, vector<16xi32>,
    %get3A_117 = arith.constant 160 : index
    %get3A_118 = tpu.vector_load %arg7[%get3A_117] {strides = array<i32>} : memref<256xi32, #tpu.memory_space<vmem>>, vector<16xi32>,
    %get3A_119 = vector.shape_cast %get3A_118 : vector<16xi32> to vector<16xi32>
    %swap3A_120 = arith.constant 32 : index
    %swap3A_121 = tpu.vector_load %arg11[%swap3A_120] {strides = array<i32>} : memref<128xi32, #tpu.memory_space<vmem>>, vector<16xi32>,
    %swap3A_122 = vector.shape_cast %swap3A_121 : vector<16xi32> to vector<16xi32>
    %swap3A_123 = vector.shape_cast %get3A_119 : vector<16xi32> to vector<16xi32>
    tpu.vector_store %arg11[%swap3A_120], %swap3A_123 {strides = array<i32>} : memref<128xi32, #tpu.memory_space<vmem>>, vector<16xi32>,
    %get3A_124 = arith.constant 176 : index
    %get3A_125 = tpu.vector_load %arg7[%get3A_124] {strides = array<i32>} : memref<256xi32, #tpu.memory_space<vmem>>, vector<16xi32>,
    %get3A_126 = vector.shape_cast %get3A_125 : vector<16xi32> to vector<16xi32>
    %swap3A_127 = arith.constant 48 : index
    %swap3A_128 = tpu.vector_load %arg11[%swap3A_127] {strides = array<i32>} : memref<128xi32, #tpu.memory_space<vmem>>, vector<16xi32>,
    %swap3A_129 = vector.shape_cast %swap3A_128 : vector<16xi32> to vector<16xi32>
    %swap3A_130 = vector.shape_cast %get3A_126 : vector<16xi32> to vector<16xi32>
    tpu.vector_store %arg11[%swap3A_127], %swap3A_130 {strides = array<i32>} : memref<128xi32, #tpu.memory_space<vmem>>, vector<16xi32>,
    %get3A_131 = arith.constant 192 : index
    %get3A_132 = tpu.vector_load %arg7[%get3A_131] {strides = array<i32>} : memref<256xi32, #tpu.memory_space<vmem>>, vector<16xi32>,
    %get3A_133 = vector.shape_cast %get3A_132 : vector<16xi32> to vector<16xi32>
    %swap3A_134 = arith.constant 64 : index
    %swap3A_135 = tpu.vector_load %arg11[%swap3A_134] {strides = array<i32>} : memref<128xi32, #tpu.memory_space<vmem>>, vector<16xi32>,
    %swap3A_136 = vector.shape_cast %swap3A_135 : vector<16xi32> to vector<16xi32>
    %swap3A_137 = vector.shape_cast %get3A_133 : vector<16xi32> to vector<16xi32>
    tpu.vector_store %arg11[%swap3A_134], %swap3A_137 {strides = array<i32>} : memref<128xi32, #tpu.memory_space<vmem>>, vector<16xi32>,
    %get3A_138 = arith.constant 208 : index
    %get3A_139 = tpu.vector_load %arg7[%get3A_138] {strides = array<i32>} : memref<256xi32, #tpu.memory_space<vmem>>, vector<16xi32>,
    %get3A_140 = vector.shape_cast %get3A_139 : vector<16xi32> to vector<16xi32>
    %swap3A_141 = arith.constant 80 : index
    %swap3A_142 = tpu.vector_load %arg11[%swap3A_141] {strides = array<i32>} : memref<128xi32, #tpu.memory_space<vmem>>, vector<16xi32>,
    %swap3A_143 = vector.shape_cast %swap3A_142 : vector<16xi32> to vector<16xi32>
    %swap3A_144 = vector.shape_cast %get3A_140 : vector<16xi32> to vector<16xi32>
    tpu.vector_store %arg11[%swap3A_141], %swap3A_144 {strides = array<i32>} : memref<128xi32, #tpu.memory_space<vmem>>, vector<16xi32>,
    %get3A_145 = arith.constant 224 : index
    %get3A_146 = tpu.vector_load %arg7[%get3A_145] {strides = array<i32>} : memref<256xi32, #tpu.memory_space<vmem>>, vector<16xi32>,
    %get3A_147 = vector.shape_cast %get3A_146 : vector<16xi32> to vector<16xi32>
    %swap3A_148 = arith.constant 96 : index
    %swap3A_149 = tpu.vector_load %arg11[%swap3A_148] {strides = array<i32>} : memref<128xi32, #tpu.memory_space<vmem>>, vector<16xi32>,
    %swap3A_150 = vector.shape_cast %swap3A_149 : vector<16xi32> to vector<16xi32>
    %swap3A_151 = vector.shape_cast %get3A_147 : vector<16xi32> to vector<16xi32>
    tpu.vector_store %arg11[%swap3A_148], %swap3A_151 {strides = array<i32>} : memref<128xi32, #tpu.memory_space<vmem>>, vector<16xi32>,
    %get3A_152 = arith.constant 240 : index
    %get3A_153 = tpu.vector_load %arg7[%get3A_152] {strides = array<i32>} : memref<256xi32, #tpu.memory_space<vmem>>, vector<16xi32>,
    %get3A_154 = vector.shape_cast %get3A_153 : vector<16xi32> to vector<16xi32>
    %swap3A_155 = arith.constant 112 : index
    %swap3A_156 = tpu.vector_load %arg11[%swap3A_155] {strides = array<i32>} : memref<128xi32, #tpu.memory_space<vmem>>, vector<16xi32>,
    %swap3A_157 = vector.shape_cast %swap3A_156 : vector<16xi32> to vector<16xi32>
    %swap3A_158 = vector.shape_cast %get3A_154 : vector<16xi32> to vector<16xi32>
    tpu.vector_store %arg11[%swap3A_155], %swap3A_158 {strides = array<i32>} : memref<128xi32, #tpu.memory_space<vmem>>, vector<16xi32>,
    %dma_start3A_159 = arith.constant 0 : i32
    %dma_start3A_160 = arith.constant 0 : i32
    %dma_start3A_161 = tpu.memref_slice %arg15[%dma_start3A_159, %dma_start3A_160] : memref<10240x128xf32, #tpu.memory_space<vmem_shared>> -> memref<10240x128xf32, #tpu.memory_space<vmem_shared>>
    tpu.enqueue_indirect_dma source(%arg13 : memref<128x128xf32, #tpu.memory_space<vmem>>) target(%dma_start3A_161 : memref<10240x128xf32, #tpu.memory_space<vmem_shared>>) offsets(%arg11 : memref<128xi32, #tpu.memory_space<vmem>>) semaphore(%arg20 : memref<!tpu.dma_semaphore, #tpu.memory_space<semaphore_mem>>) {add = true}
    %dma_wait3A_162 = arith.constant 0 : i32
    %dma_wait3A_163 = arith.constant 0 : i32
    %dma_wait3A_164 = tpu.memref_slice %arg15[%dma_wait3A_162, %dma_wait3A_163] : memref<10240x128xf32, #tpu.memory_space<vmem_shared>> -> memref<10240x128xf32, #tpu.memory_space<vmem_shared>>
    tpu.wait_indirect_dma semaphore(%arg21 : memref<!tpu.dma_semaphore, #tpu.memory_space<semaphore_mem>>) src(%arg14 : memref<128x128xf32, #tpu.memory_space<vmem>>) dst(%dma_wait3A_164 : memref<10240x128xf32, #tpu.memory_space<vmem_shared>>)
    %dma_wait3A_165 = arith.constant 0 : i32
    %dma_wait3A_166 = arith.constant 0 : i32
    %dma_wait3A_167 = tpu.memref_slice %arg15[%dma_wait3A_165, %dma_wait3A_166] : memref<10240x128xf32, #tpu.memory_space<vmem_shared>> -> memref<10240x128xf32, #tpu.memory_space<vmem_shared>>
    tpu.wait_indirect_dma semaphore(%arg20 : memref<!tpu.dma_semaphore, #tpu.memory_space<semaphore_mem>>) src(%arg13 : memref<128x128xf32, #tpu.memory_space<vmem>>) dst(%dma_wait3A_167 : memref<10240x128xf32, #tpu.memory_space<vmem_shared>>)
    %barrier3A_168 = arith.constant 0 : index
    tpu.barrier barrier_id(%barrier3A_168)
    %mul3A_169 = arith.constant 640 : i32
    %mul3A_170 = arith.muli %arg1, %mul3A_169 : i32
    %eq3A_171 = arith.constant 0 : i32
    %eq3A_172 = arith.cmpi eq, %arg0, %eq3A_171 : i32
    %convert_element_type3A_173 = arith.extui %eq3A_172 : i1 to i32
    %cond3A_174 = arith.constant 0 : i32
    %cond3A_175 = arith.cmpi ne, %convert_element_type3A_173, %cond3A_174 : i32
    scf.if %cond3A_175 {
      "tpu.region"() ({
        %run_scoped3A = tpu.sem_alloc : memref<!tpu.dma_semaphore, #tpu.memory_space<semaphore_mem>>
        %dma_start3A_181 = arith.constant 0 : i32
        %dma_start3A_182 = tpu.memref_slice %arg5[%mul3A_170, %dma_start3A_181] : memref<10240x128xf32, #tpu.memory_space<hbm>> -> memref<640x128xf32, #tpu.memory_space<hbm>>
        %dma_start3A_183 = arith.constant 0 : i32
        %dma_start3A_184 = tpu.memref_slice %arg15[%mul3A_170, %dma_start3A_183] : memref<10240x128xf32, #tpu.memory_space<vmem_shared>> -> memref<640x128xf32, #tpu.memory_space<vmem_shared>>
        tpu.enqueue_dma source(%dma_start3A_184 : memref<640x128xf32, #tpu.memory_space<vmem_shared>>) target(%dma_start3A_182 : memref<640x128xf32, #tpu.memory_space<hbm>>) target_semaphore(%run_scoped3A : memref<!tpu.dma_semaphore, #tpu.memory_space<semaphore_mem>>)
        %dma_wait3A_185 = arith.constant 0 : i32
        %dma_wait3A_186 = tpu.memref_slice %arg5[%mul3A_170, %dma_wait3A_185] : memref<10240x128xf32, #tpu.memory_space<hbm>> -> memref<640x128xf32, #tpu.memory_space<hbm>>
        %dma_wait3A_187 = arith.constant 0 : i32
        %dma_wait3A_188 = tpu.memref_slice %arg15[%mul3A_170, %dma_wait3A_187] : memref<10240x128xf32, #tpu.memory_space<vmem_shared>> -> memref<640x128xf32, #tpu.memory_space<vmem_shared>>
        tpu.wait_dma2 semaphore(%run_scoped3A : memref<!tpu.dma_semaphore, #tpu.memory_space<semaphore_mem>>) src(%dma_wait3A_188 : memref<640x128xf32, #tpu.memory_space<vmem_shared>>) dst(%dma_wait3A_186 : memref<640x128xf32, #tpu.memory_space<hbm>>)
        tpu.yield
      }) : () -> ()
    } else {
    }
    %eq3A_176 = arith.constant 1 : i32
    %eq3A_177 = arith.cmpi eq, %arg0, %eq3A_176 : i32
    %convert_element_type3A_178 = arith.extui %eq3A_177 : i1 to i32
    %cond3A_179 = arith.constant 0 : i32
    %cond3A_180 = arith.cmpi ne, %convert_element_type3A_178, %cond3A_179 : i32
    scf.if %cond3A_180 {
      "tpu.region"() ({
        %run_scoped3A = tpu.sem_alloc : memref<!tpu.dma_semaphore, #tpu.memory_space<semaphore_mem>>
        %dma_start3A_181 = arith.constant 0 : i32
        %dma_start3A_182 = tpu.memref_slice %arg6[%mul3A_170, %dma_start3A_181] : memref<10240x128xf32, #tpu.memory_space<hbm>> -> memref<640x128xf32, #tpu.memory_space<hbm>>
        %dma_start3A_183 = arith.constant 0 : i32
        %dma_start3A_184 = tpu.memref_slice %arg15[%mul3A_170, %dma_start3A_183] : memref<10240x128xf32, #tpu.memory_space<vmem_shared>> -> memref<640x128xf32, #tpu.memory_space<vmem_shared>>
        tpu.enqueue_dma source(%dma_start3A_184 : memref<640x128xf32, #tpu.memory_space<vmem_shared>>) target(%dma_start3A_182 : memref<640x128xf32, #tpu.memory_space<hbm>>) target_semaphore(%run_scoped3A : memref<!tpu.dma_semaphore, #tpu.memory_space<semaphore_mem>>)
        %dma_wait3A_185 = arith.constant 0 : i32
        %dma_wait3A_186 = tpu.memref_slice %arg6[%mul3A_170, %dma_wait3A_185] : memref<10240x128xf32, #tpu.memory_space<hbm>> -> memref<640x128xf32, #tpu.memory_space<hbm>>
        %dma_wait3A_187 = arith.constant 0 : i32
        %dma_wait3A_188 = tpu.memref_slice %arg15[%mul3A_170, %dma_wait3A_187] : memref<10240x128xf32, #tpu.memory_space<vmem_shared>> -> memref<640x128xf32, #tpu.memory_space<vmem_shared>>
        tpu.wait_dma2 semaphore(%run_scoped3A : memref<!tpu.dma_semaphore, #tpu.memory_space<semaphore_mem>>) src(%dma_wait3A_188 : memref<640x128xf32, #tpu.memory_space<vmem_shared>>) dst(%dma_wait3A_186 : memref<640x128xf32, #tpu.memory_space<hbm>>)
        tpu.yield
      }) : () -> ()
    } else {
    }
    return
  }
}

#map = affine_map<(d0, d1) -> (0, 0)>
module attributes {stable_mosaic.version = 14 : i64} {
  func.func @body(%arg0: i32, %arg1: i32, %arg2: memref<10240x128xf32, #tpu.memory_space<hbm>>, %arg3: memref<10240x128xf32, #tpu.memory_space<hbm>>, %arg4: memref<2512x256xi32, #tpu.memory_space<hbm>>, %arg5: memref<10240x128xf32, #tpu.memory_space<hbm>>, %arg6: memref<10240x128xf32, #tpu.memory_space<hbm>>, %arg7: memref<256xi32, #tpu.memory_space<vmem>>, %arg8: memref<256xi32, #tpu.memory_space<vmem>>, %arg9: memref<128xi32, #tpu.memory_space<vmem>>, %arg10: memref<128xi32, #tpu.memory_space<vmem>>, %arg11: memref<128xi32, #tpu.memory_space<vmem>>, %arg12: memref<128xi32, #tpu.memory_space<vmem>>, %arg13: memref<128x128xf32, #tpu.memory_space<vmem>>, %arg14: memref<128x128xf32, #tpu.memory_space<vmem>>, %arg15: memref<10240x128xf32, #tpu.memory_space<vmem_shared>>, %arg16: memref<!tpu.dma_semaphore, #tpu.memory_space<semaphore_mem>>, %arg17: memref<!tpu.dma_semaphore, #tpu.memory_space<semaphore_mem>>, %arg18: memref<!tpu.dma_semaphore, #tpu.memory_space<semaphore_mem>>, %arg19: memref<!tpu.dma_semaphore, #tpu.memory_space<semaphore_mem>>, %arg20: memref<!tpu.dma_semaphore, #tpu.memory_space<semaphore_mem>>, %arg21: memref<!tpu.dma_semaphore, #tpu.memory_space<semaphore_mem>>) attributes {dimension_semantics = [#tpu.dimension_semantics<core_parallel>, #tpu.dimension_semantics<subcore_parallel>], iteration_bounds = array<i64: 2, 16>, scalar_prefetch = 0 : i64, scratch_operands = 15 : i64, tpu.core_type = #tpu.core_type<sc_vector_subcore>, window_params = [{transform_indices = #map}, {transform_indices = #map}, {transform_indices = #map}, {transform_indices = #map}, {transform_indices = #map}]} {
    %scan3A = arith.constant 0 : i32
    %scan3A_0 = arith.constant 128 : i32
    %scan3A_1 = arith.addi %scan3A, %scan3A_0 : i32
    %scan3A_2 = arith.constant 1 : i32
    scf.for %scan3A_181 = %scan3A to %scan3A_1 step %scan3A_2  : i32 {
      %mul3A_182 = arith.constant 1 : i32
      %mul3A_183 = arith.muli %scan3A_181, %mul3A_182 : i32
      %add3A_184 = arith.constant 0 : i32
      %add3A_185 = arith.addi %add3A_184, %mul3A_183 : i32
      %scan3A_186 = arith.constant 0 : i32
      %scan3A_187 = arith.constant 8 : i32
      %scan3A_188 = arith.addi %scan3A_186, %scan3A_187 : i32
      %scan3A_189 = arith.constant 1 : i32
      scf.for %scan3A_191 = %scan3A_186 to %scan3A_188 step %scan3A_189  : i32 {
        %mul3A_192 = arith.constant 1 : i32
        %mul3A_193 = arith.muli %scan3A_191, %mul3A_192 : i32
        %add3A_194 = arith.constant 0 : i32
        %add3A_195 = arith.addi %add3A_194, %mul3A_193 : i32
        %broadcast_in_dim3A = arith.constant 0.000000e+00 : f32
        %broadcast_in_dim3A_196 = vector.broadcast %broadcast_in_dim3A : f32 to vector<16xf32>
        %mul3A_197 = arith.constant 16 : i32
        %mul3A_198 = arith.muli %add3A_195, %mul3A_197 : i32
        %swap3A_199 = arith.index_cast %add3A_185 : i32 to index
        %swap3A_200 = arith.index_cast %mul3A_198 : i32 to index
        %swap3A_201 = tpu.vector_load %arg13[%swap3A_199, %swap3A_200] {strides = array<i32>} : memref<128x128xf32, #tpu.memory_space<vmem>>, vector<1x16xf32>,
        %swap3A_202 = vector.shape_cast %swap3A_201 : vector<1x16xf32> to vector<16xf32>
        %swap3A_203 = vector.shape_cast %broadcast_in_dim3A_196 : vector<16xf32> to vector<1x16xf32>
        tpu.vector_store %arg13[%swap3A_199, %swap3A_200], %swap3A_203 {strides = array<i32>} : memref<128x128xf32, #tpu.memory_space<vmem>>, vector<1x16xf32>,
      }
      %scan3A_190 = arith.constant 8 : i32
    }
    %scan3A_3 = arith.constant 128 : i32
    %scan3A_4 = arith.constant 0 : i32
    %scan3A_5 = arith.constant 5 : i32
    %scan3A_6 = arith.addi %scan3A_4, %scan3A_5 : i32
    %scan3A_7 = arith.constant 1 : i32
    scf.for %scan3A_181 = %scan3A_4 to %scan3A_6 step %scan3A_7  : i32 {
      %mul3A_182 = arith.constant 1 : i32
      %mul3A_183 = arith.muli %scan3A_181, %mul3A_182 : i32
      %add3A_184 = arith.constant 0 : i32
      %add3A_185 = arith.addi %add3A_184, %mul3A_183 : i32
      %mul3A_186 = arith.constant 640 : i32
      %mul3A_187 = arith.muli %arg1, %mul3A_186 : i32
      %mul3A_188 = arith.constant 128 : i32
      %mul3A_189 = arith.muli %add3A_185, %mul3A_188 : i32
      %add3A_190 = arith.addi %mul3A_187, %mul3A_189 : i32
      "tpu.region"() ({
        %run_scoped3A = tpu.sem_alloc : memref<!tpu.dma_semaphore, #tpu.memory_space<semaphore_mem>>
        %dma_start3A_191 = arith.constant 0 : i32
        %dma_start3A_192 = tpu.memref_slice %arg15[%add3A_190, %dma_start3A_191] : memref<10240x128xf32, #tpu.memory_space<vmem_shared>> -> memref<128x128xf32, #tpu.memory_space<vmem_shared>>
        %dma_start3A_193 = arith.constant 0 : i32
        %dma_start3A_194 = tpu.memref_slice %arg15[%add3A_190, %dma_start3A_193] : memref<10240x128xf32, #tpu.memory_space<vmem_shared>> -> memref<128x128xf32, #tpu.memory_space<vmem_shared>>
        tpu.enqueue_dma source(%arg13 : memref<128x128xf32, #tpu.memory_space<vmem>>) target(%dma_start3A_194 : memref<128x128xf32, #tpu.memory_space<vmem_shared>>) target_semaphore(%run_scoped3A : memref<!tpu.dma_semaphore, #tpu.memory_space<semaphore_mem>>)
        %dma_wait3A_195 = arith.constant 0 : i32
        %dma_wait3A_196 = tpu.memref_slice %arg15[%add3A_190, %dma_wait3A_195] : memref<10240x128xf32, #tpu.memory_space<vmem_shared>> -> memref<128x128xf32, #tpu.memory_space<vmem_shared>>
        %dma_wait3A_197 = arith.constant 0 : i32
        %dma_wait3A_198 = tpu.memref_slice %arg15[%add3A_190, %dma_wait3A_197] : memref<10240x128xf32, #tpu.memory_space<vmem_shared>> -> memref<128x128xf32, #tpu.memory_space<vmem_shared>>
        tpu.wait_dma2 semaphore(%run_scoped3A : memref<!tpu.dma_semaphore, #tpu.memory_space<semaphore_mem>>) src(%arg13 : memref<128x128xf32, #tpu.memory_space<vmem>>) dst(%dma_wait3A_198 : memref<128x128xf32, #tpu.memory_space<vmem_shared>>)
        tpu.yield
      }) : () -> ()
    }
    %scan3A_8 = arith.constant 5 : i32
    %barrier3A = arith.constant 0 : index
    tpu.barrier barrier_id(%barrier3A)
    %mul3A = arith.constant 157 : i32
    %mul3A_9 = arith.muli %arg1, %mul3A : i32
    %dma_start3A = arith.constant 0 : i32
    %dma_start3A_10 = tpu.memref_slice %arg4[%mul3A_9, %dma_start3A] : memref<2512x256xi32, #tpu.memory_space<hbm>> -> memref<1x256xi32, #tpu.memory_space<hbm>>
    %dma_start3A_11 = tpu.memref_squeeze %dma_start3A_10 : memref<1x256xi32, #tpu.memory_space<hbm>> -> memref<256xi32, #tpu.memory_space<hbm>>
    %dma_start3A_12 = arith.constant 0 : i32
    %dma_start3A_13 = tpu.memref_slice %arg4[%mul3A_9, %dma_start3A_12] : memref<2512x256xi32, #tpu.memory_space<hbm>> -> memref<1x256xi32, #tpu.memory_space<hbm>>
    %dma_start3A_14 = tpu.memref_squeeze %dma_start3A_13 : memref<1x256xi32, #tpu.memory_space<hbm>> -> memref<256xi32, #tpu.memory_space<hbm>>
    tpu.enqueue_dma source(%dma_start3A_14 : memref<256xi32, #tpu.memory_space<hbm>>) target(%arg7 : memref<256xi32, #tpu.memory_space<vmem>>) target_semaphore(%arg16 : memref<!tpu.dma_semaphore, #tpu.memory_space<semaphore_mem>>)
    %add3A = arith.constant 1 : i32
    %add3A_15 = arith.addi %mul3A_9, %add3A : i32
    %dma_start3A_16 = arith.constant 0 : i32
    %dma_start3A_17 = tpu.memref_slice %arg4[%add3A_15, %dma_start3A_16] : memref<2512x256xi32, #tpu.memory_space<hbm>> -> memref<1x256xi32, #tpu.memory_space<hbm>>
    %dma_start3A_18 = tpu.memref_squeeze %dma_start3A_17 : memref<1x256xi32, #tpu.memory_space<hbm>> -> memref<256xi32, #tpu.memory_space<hbm>>
    %dma_start3A_19 = arith.constant 0 : i32
    %dma_start3A_20 = tpu.memref_slice %arg4[%add3A_15, %dma_start3A_19] : memref<2512x256xi32, #tpu.memory_space<hbm>> -> memref<1x256xi32, #tpu.memory_space<hbm>>
    %dma_start3A_21 = tpu.memref_squeeze %dma_start3A_20 : memref<1x256xi32, #tpu.memory_space<hbm>> -> memref<256xi32, #tpu.memory_space<hbm>>
    tpu.enqueue_dma source(%dma_start3A_21 : memref<256xi32, #tpu.memory_space<hbm>>) target(%arg8 : memref<256xi32, #tpu.memory_space<vmem>>) target_semaphore(%arg17 : memref<!tpu.dma_semaphore, #tpu.memory_space<semaphore_mem>>)
    %dma_wait3A = arith.constant 0 : i32
    %dma_wait3A_22 = tpu.memref_slice %arg4[%mul3A_9, %dma_wait3A] : memref<2512x256xi32, #tpu.memory_space<hbm>> -> memref<1x256xi32, #tpu.memory_space<hbm>>
    %dma_wait3A_23 = tpu.memref_squeeze %dma_wait3A_22 : memref<1x256xi32, #tpu.memory_space<hbm>> -> memref<256xi32, #tpu.memory_space<hbm>>
    %dma_wait3A_24 = arith.constant 0 : i32
    %dma_wait3A_25 = tpu.memref_slice %arg4[%mul3A_9, %dma_wait3A_24] : memref<2512x256xi32, #tpu.memory_space<hbm>> -> memref<1x256xi32, #tpu.memory_space<hbm>>
    %dma_wait3A_26 = tpu.memref_squeeze %dma_wait3A_25 : memref<1x256xi32, #tpu.memory_space<hbm>> -> memref<256xi32, #tpu.memory_space<hbm>>
    tpu.wait_dma2 semaphore(%arg16 : memref<!tpu.dma_semaphore, #tpu.memory_space<semaphore_mem>>) src(%dma_wait3A_26 : memref<256xi32, #tpu.memory_space<hbm>>) dst(%arg7 : memref<256xi32, #tpu.memory_space<vmem>>)
    %get3A = arith.constant 0 : index
    %get3A_27 = tpu.vector_load %arg7[%get3A] {strides = array<i32>} : memref<256xi32, #tpu.memory_space<vmem>>, vector<16xi32>,
    %get3A_28 = vector.shape_cast %get3A_27 : vector<16xi32> to vector<16xi32>
    %swap3A = arith.constant 0 : index
    %swap3A_29 = tpu.vector_load %arg9[%swap3A] {strides = array<i32>} : memref<128xi32, #tpu.memory_space<vmem>>, vector<16xi32>,
    %swap3A_30 = vector.shape_cast %swap3A_29 : vector<16xi32> to vector<16xi32>
    %swap3A_31 = vector.shape_cast %get3A_28 : vector<16xi32> to vector<16xi32>
    tpu.vector_store %arg9[%swap3A], %swap3A_31 {strides = array<i32>} : memref<128xi32, #tpu.memory_space<vmem>>, vector<16xi32>,
    %get3A_32 = arith.constant 16 : index
    %get3A_33 = tpu.vector_load %arg7[%get3A_32] {strides = array<i32>} : memref<256xi32, #tpu.memory_space<vmem>>, vector<16xi32>,
    %get3A_34 = vector.shape_cast %get3A_33 : vector<16xi32> to vector<16xi32>
    %swap3A_35 = arith.constant 16 : index
    %swap3A_36 = tpu.vector_load %arg9[%swap3A_35] {strides = array<i32>} : memref<128xi32, #tpu.memory_space<vmem>>, vector<16xi32>,
    %swap3A_37 = vector.shape_cast %swap3A_36 : vector<16xi32> to vector<16xi32>
    %swap3A_38 = vector.shape_cast %get3A_34 : vector<16xi32> to vector<16xi32>
    tpu.vector_store %arg9[%swap3A_35], %swap3A_38 {strides = array<i32>} : memref<128xi32, #tpu.memory_space<vmem>>, vector<16xi32>,
    %get3A_39 = arith.constant 32 : index
    %get3A_40 = tpu.vector_load %arg7[%get3A_39] {strides = array<i32>} : memref<256xi32, #tpu.memory_space<vmem>>, vector<16xi32>,
    %get3A_41 = vector.shape_cast %get3A_40 : vector<16xi32> to vector<16xi32>
    %swap3A_42 = arith.constant 32 : index
    %swap3A_43 = tpu.vector_load %arg9[%swap3A_42] {strides = array<i32>} : memref<128xi32, #tpu.memory_space<vmem>>, vector<16xi32>,
    %swap3A_44 = vector.shape_cast %swap3A_43 : vector<16xi32> to vector<16xi32>
    %swap3A_45 = vector.shape_cast %get3A_41 : vector<16xi32> to vector<16xi32>
    tpu.vector_store %arg9[%swap3A_42], %swap3A_45 {strides = array<i32>} : memref<128xi32, #tpu.memory_space<vmem>>, vector<16xi32>,
    %get3A_46 = arith.constant 48 : index
    %get3A_47 = tpu.vector_load %arg7[%get3A_46] {strides = array<i32>} : memref<256xi32, #tpu.memory_space<vmem>>, vector<16xi32>,
    %get3A_48 = vector.shape_cast %get3A_47 : vector<16xi32> to vector<16xi32>
    %swap3A_49 = arith.constant 48 : index
    %swap3A_50 = tpu.vector_load %arg9[%swap3A_49] {strides = array<i32>} : memref<128xi32, #tpu.memory_space<vmem>>, vector<16xi32>,
    %swap3A_51 = vector.shape_cast %swap3A_50 : vector<16xi32> to vector<16xi32>
    %swap3A_52 = vector.shape_cast %get3A_48 : vector<16xi32> to vector<16xi32>
    tpu.vector_store %arg9[%swap3A_49], %swap3A_52 {strides = array<i32>} : memref<128xi32, #tpu.memory_space<vmem>>, vector<16xi32>,
    %get3A_53 = arith.constant 64 : index
    %get3A_54 = tpu.vector_load %arg7[%get3A_53] {strides = array<i32>} : memref<256xi32, #tpu.memory_space<vmem>>, vector<16xi32>,
    %get3A_55 = vector.shape_cast %get3A_54 : vector<16xi32> to vector<16xi32>
    %swap3A_56 = arith.constant 64 : index
    %swap3A_57 = tpu.vector_load %arg9[%swap3A_56] {strides = array<i32>} : memref<128xi32, #tpu.memory_space<vmem>>, vector<16xi32>,
    %swap3A_58 = vector.shape_cast %swap3A_57 : vector<16xi32> to vector<16xi32>
    %swap3A_59 = vector.shape_cast %get3A_55 : vector<16xi32> to vector<16xi32>
    tpu.vector_store %arg9[%swap3A_56], %swap3A_59 {strides = array<i32>} : memref<128xi32, #tpu.memory_space<vmem>>, vector<16xi32>,
    %get3A_60 = arith.constant 80 : index
    %get3A_61 = tpu.vector_load %arg7[%get3A_60] {strides = array<i32>} : memref<256xi32, #tpu.memory_space<vmem>>, vector<16xi32>,
    %get3A_62 = vector.shape_cast %get3A_61 : vector<16xi32> to vector<16xi32>
    %swap3A_63 = arith.constant 80 : index
    %swap3A_64 = tpu.vector_load %arg9[%swap3A_63] {strides = array<i32>} : memref<128xi32, #tpu.memory_space<vmem>>, vector<16xi32>,
    %swap3A_65 = vector.shape_cast %swap3A_64 : vector<16xi32> to vector<16xi32>
    %swap3A_66 = vector.shape_cast %get3A_62 : vector<16xi32> to vector<16xi32>
    tpu.vector_store %arg9[%swap3A_63], %swap3A_66 {strides = array<i32>} : memref<128xi32, #tpu.memory_space<vmem>>, vector<16xi32>,
    %get3A_67 = arith.constant 96 : index
    %get3A_68 = tpu.vector_load %arg7[%get3A_67] {strides = array<i32>} : memref<256xi32, #tpu.memory_space<vmem>>, vector<16xi32>,
    %get3A_69 = vector.shape_cast %get3A_68 : vector<16xi32> to vector<16xi32>
    %swap3A_70 = arith.constant 96 : index
    %swap3A_71 = tpu.vector_load %arg9[%swap3A_70] {strides = array<i32>} : memref<128xi32, #tpu.memory_space<vmem>>, vector<16xi32>,
    %swap3A_72 = vector.shape_cast %swap3A_71 : vector<16xi32> to vector<16xi32>
    %swap3A_73 = vector.shape_cast %get3A_69 : vector<16xi32> to vector<16xi32>
    tpu.vector_store %arg9[%swap3A_70], %swap3A_73 {strides = array<i32>} : memref<128xi32, #tpu.memory_space<vmem>>, vector<16xi32>,
    %get3A_74 = arith.constant 112 : index
    %get3A_75 = tpu.vector_load %arg7[%get3A_74] {strides = array<i32>} : memref<256xi32, #tpu.memory_space<vmem>>, vector<16xi32>,
    %get3A_76 = vector.shape_cast %get3A_75 : vector<16xi32> to vector<16xi32>
    %swap3A_77 = arith.constant 112 : index
    %swap3A_78 = tpu.vector_load %arg9[%swap3A_77] {strides = array<i32>} : memref<128xi32, #tpu.memory_space<vmem>>, vector<16xi32>,
    %swap3A_79 = vector.shape_cast %swap3A_78 : vector<16xi32> to vector<16xi32>
    %swap3A_80 = vector.shape_cast %get3A_76 : vector<16xi32> to vector<16xi32>
    tpu.vector_store %arg9[%swap3A_77], %swap3A_80 {strides = array<i32>} : memref<128xi32, #tpu.memory_space<vmem>>, vector<16xi32>,
    %eq3A = arith.constant 0 : i32
    %eq3A_81 = arith.cmpi eq, %arg0, %eq3A : i32
    %convert_element_type3A = arith.extui %eq3A_81 : i1 to i32
    %cond3A = arith.constant 0 : i32
    %cond3A_82 = arith.cmpi ne, %convert_element_type3A, %cond3A : i32
    scf.if %cond3A_82 {
      %dma_start3A_181 = arith.constant 0 : i32
      %dma_start3A_182 = arith.constant 0 : i32
      %dma_start3A_183 = tpu.memref_slice %arg2[%dma_start3A_181, %dma_start3A_182] : memref<10240x128xf32, #tpu.memory_space<hbm>> -> memref<10240x128xf32, #tpu.memory_space<hbm>>
      tpu.enqueue_indirect_dma source(%dma_start3A_183 : memref<10240x128xf32, #tpu.memory_space<hbm>>) target(%arg13 : memref<128x128xf32, #tpu.memory_space<vmem>>) offsets(%arg9 : memref<128xi32, #tpu.memory_space<vmem>>) semaphore(%arg18 : memref<!tpu.dma_semaphore, #tpu.memory_space<semaphore_mem>>)
    } else {
    }
    %eq3A_83 = arith.constant 1 : i32
    %eq3A_84 = arith.cmpi eq, %arg0, %eq3A_83 : i32
    %convert_element_type3A_85 = arith.extui %eq3A_84 : i1 to i32
    %cond3A_86 = arith.constant 0 : i32
    %cond3A_87 = arith.cmpi ne, %convert_element_type3A_85, %cond3A_86 : i32
    scf.if %cond3A_87 {
      %dma_start3A_181 = arith.constant 0 : i32
      %dma_start3A_182 = arith.constant 0 : i32
      %dma_start3A_183 = tpu.memref_slice %arg3[%dma_start3A_181, %dma_start3A_182] : memref<10240x128xf32, #tpu.memory_space<hbm>> -> memref<10240x128xf32, #tpu.memory_space<hbm>>
      tpu.enqueue_indirect_dma source(%dma_start3A_183 : memref<10240x128xf32, #tpu.memory_space<hbm>>) target(%arg13 : memref<128x128xf32, #tpu.memory_space<vmem>>) offsets(%arg9 : memref<128xi32, #tpu.memory_space<vmem>>) semaphore(%arg18 : memref<!tpu.dma_semaphore, #tpu.memory_space<semaphore_mem>>)
    } else {
    }
    %scan3A_88 = arith.constant 0 : i32
    %scan3A_89 = arith.constant 78 : i32
    %scan3A_90 = arith.addi %scan3A_88, %scan3A_89 : i32
    %scan3A_91 = arith.constant 1 : i32
    scf.for %scan3A_181 = %scan3A_88 to %scan3A_90 step %scan3A_91  : i32 {
      %mul3A_182 = arith.constant 1 : i32
      %mul3A_183 = arith.muli %scan3A_181, %mul3A_182 : i32
      %add3A_184 = arith.constant 0 : i32
      %add3A_185 = arith.addi %add3A_184, %mul3A_183 : i32
      %mul3A_186 = arith.constant 2 : i32
      %mul3A_187 = arith.muli %mul3A_186, %add3A_185 : i32
      %add3A_188 = arith.addi %mul3A_9, %mul3A_187 : i32
      %eq3A_189 = arith.constant 0 : i32
      %eq3A_190 = arith.cmpi eq, %arg0, %eq3A_189 : i32
      %convert_element_type3A_191 = arith.extui %eq3A_190 : i1 to i32
      %cond3A_192 = arith.constant 0 : i32
      %cond3A_193 = arith.cmpi ne, %convert_element_type3A_191, %cond3A_192 : i32
      scf.if %cond3A_193 {
        %dma_wait3A_494 = arith.constant 0 : i32
        %dma_wait3A_495 = arith.constant 0 : i32
        %dma_wait3A_496 = tpu.memref_slice %arg2[%dma_wait3A_494, %dma_wait3A_495] : memref<10240x128xf32, #tpu.memory_space<hbm>> -> memref<10240x128xf32, #tpu.memory_space<hbm>>
        tpu.wait_indirect_dma semaphore(%arg18 : memref<!tpu.dma_semaphore, #tpu.memory_space<semaphore_mem>>) src(%dma_wait3A_496 : memref<10240x128xf32, #tpu.memory_space<hbm>>) dst(%arg13 : memref<128x128xf32, #tpu.memory_space<vmem>>)
      } else {
      }
      %eq3A_194 = arith.constant 1 : i32
      %eq3A_195 = arith.cmpi eq, %arg0, %eq3A_194 : i32
      %convert_element_type3A_196 = arith.extui %eq3A_195 : i1 to i32
      %cond3A_197 = arith.constant 0 : i32
      %cond3A_198 = arith.cmpi ne, %convert_element_type3A_196, %cond3A_197 : i32
      scf.if %cond3A_198 {
        %dma_wait3A_494 = arith.constant 0 : i32
        %dma_wait3A_495 = arith.constant 0 : i32
        %dma_wait3A_496 = tpu.memref_slice %arg3[%dma_wait3A_494, %dma_wait3A_495] : memref<10240x128xf32, #tpu.memory_space<hbm>> -> memref<10240x128xf32, #tpu.memory_space<hbm>>
        tpu.wait_indirect_dma semaphore(%arg18 : memref<!tpu.dma_semaphore, #tpu.memory_space<semaphore_mem>>) src(%dma_wait3A_496 : memref<10240x128xf32, #tpu.memory_space<hbm>>) dst(%arg13 : memref<128x128xf32, #tpu.memory_space<vmem>>)
      } else {
      }
      %get3A_199 = arith.constant 128 : index
      %get3A_200 = tpu.vector_load %arg7[%get3A_199] {strides = array<i32>} : memref<256xi32, #tpu.memory_space<vmem>>, vector<16xi32>,
      %get3A_201 = vector.shape_cast %get3A_200 : vector<16xi32> to vector<16xi32>
      %swap3A_202 = arith.constant 0 : index
      %swap3A_203 = tpu.vector_load %arg11[%swap3A_202] {strides = array<i32>} : memref<128xi32, #tpu.memory_space<vmem>>, vector<16xi32>,
      %swap3A_204 = vector.shape_cast %swap3A_203 : vector<16xi32> to vector<16xi32>
      %swap3A_205 = vector.shape_cast %get3A_201 : vector<16xi32> to vector<16xi32>
      tpu.vector_store %arg11[%swap3A_202], %swap3A_205 {strides = array<i32>} : memref<128xi32, #tpu.memory_space<vmem>>, vector<16xi32>,
      %get3A_206 = arith.constant 144 : index
      %get3A_207 = tpu.vector_load %arg7[%get3A_206] {strides = array<i32>} : memref<256xi32, #tpu.memory_space<vmem>>, vector<16xi32>,
      %get3A_208 = vector.shape_cast %get3A_207 : vector<16xi32> to vector<16xi32>
      %swap3A_209 = arith.constant 16 : index
      %swap3A_210 = tpu.vector_load %arg11[%swap3A_209] {strides = array<i32>} : memref<128xi32, #tpu.memory_space<vmem>>, vector<16xi32>,
      %swap3A_211 = vector.shape_cast %swap3A_210 : vector<16xi32> to vector<16xi32>
      %swap3A_212 = vector.shape_cast %get3A_208 : vector<16xi32> to vector<16xi32>
      tpu.vector_store %arg11[%swap3A_209], %swap3A_212 {strides = array<i32>} : memref<128xi32, #tpu.memory_space<vmem>>, vector<16xi32>,
      %get3A_213 = arith.constant 160 : index
      %get3A_214 = tpu.vector_load %arg7[%get3A_213] {strides = array<i32>} : memref<256xi32, #tpu.memory_space<vmem>>, vector<16xi32>,
      %get3A_215 = vector.shape_cast %get3A_214 : vector<16xi32> to vector<16xi32>
      %swap3A_216 = arith.constant 32 : index
      %swap3A_217 = tpu.vector_load %arg11[%swap3A_216] {strides = array<i32>} : memref<128xi32, #tpu.memory_space<vmem>>, vector<16xi32>,
      %swap3A_218 = vector.shape_cast %swap3A_217 : vector<16xi32> to vector<16xi32>
      %swap3A_219 = vector.shape_cast %get3A_215 : vector<16xi32> to vector<16xi32>
      tpu.vector_store %arg11[%swap3A_216], %swap3A_219 {strides = array<i32>} : memref<128xi32, #tpu.memory_space<vmem>>, vector<16xi32>,
      %get3A_220 = arith.constant 176 : index
      %get3A_221 = tpu.vector_load %arg7[%get3A_220] {strides = array<i32>} : memref<256xi32, #tpu.memory_space<vmem>>, vector<16xi32>,
      %get3A_222 = vector.shape_cast %get3A_221 : vector<16xi32> to vector<16xi32>
      %swap3A_223 = arith.constant 48 : index
      %swap3A_224 = tpu.vector_load %arg11[%swap3A_223] {strides = array<i32>} : memref<128xi32, #tpu.memory_space<vmem>>, vector<16xi32>,
      %swap3A_225 = vector.shape_cast %swap3A_224 : vector<16xi32> to vector<16xi32>
      %swap3A_226 = vector.shape_cast %get3A_222 : vector<16xi32> to vector<16xi32>
      tpu.vector_store %arg11[%swap3A_223], %swap3A_226 {strides = array<i32>} : memref<128xi32, #tpu.memory_space<vmem>>, vector<16xi32>,
      %get3A_227 = arith.constant 192 : index
      %get3A_228 = tpu.vector_load %arg7[%get3A_227] {strides = array<i32>} : memref<256xi32, #tpu.memory_space<vmem>>, vector<16xi32>,
      %get3A_229 = vector.shape_cast %get3A_228 : vector<16xi32> to vector<16xi32>
      %swap3A_230 = arith.constant 64 : index
      %swap3A_231 = tpu.vector_load %arg11[%swap3A_230] {strides = array<i32>} : memref<128xi32, #tpu.memory_space<vmem>>, vector<16xi32>,
      %swap3A_232 = vector.shape_cast %swap3A_231 : vector<16xi32> to vector<16xi32>
      %swap3A_233 = vector.shape_cast %get3A_229 : vector<16xi32> to vector<16xi32>
      tpu.vector_store %arg11[%swap3A_230], %swap3A_233 {strides = array<i32>} : memref<128xi32, #tpu.memory_space<vmem>>, vector<16xi32>,
      %get3A_234 = arith.constant 208 : index
      %get3A_235 = tpu.vector_load %arg7[%get3A_234] {strides = array<i32>} : memref<256xi32, #tpu.memory_space<vmem>>, vector<16xi32>,
      %get3A_236 = vector.shape_cast %get3A_235 : vector<16xi32> to vector<16xi32>
      %swap3A_237 = arith.constant 80 : index
      %swap3A_238 = tpu.vector_load %arg11[%swap3A_237] {strides = array<i32>} : memref<128xi32, #tpu.memory_space<vmem>>, vector<16xi32>,
      %swap3A_239 = vector.shape_cast %swap3A_238 : vector<16xi32> to vector<16xi32>
      %swap3A_240 = vector.shape_cast %get3A_236 : vector<16xi32> to vector<16xi32>
      tpu.vector_store %arg11[%swap3A_237], %swap3A_240 {strides = array<i32>} : memref<128xi32, #tpu.memory_space<vmem>>, vector<16xi32>,
      %get3A_241 = arith.constant 224 : index
      %get3A_242 = tpu.vector_load %arg7[%get3A_241] {strides = array<i32>} : memref<256xi32, #tpu.memory_space<vmem>>, vector<16xi32>,
      %get3A_243 = vector.shape_cast %get3A_242 : vector<16xi32> to vector<16xi32>
      %swap3A_244 = arith.constant 96 : index
      %swap3A_245 = tpu.vector_load %arg11[%swap3A_244] {strides = array<i32>} : memref<128xi32, #tpu.memory_space<vmem>>, vector<16xi32>,
      %swap3A_246 = vector.shape_cast %swap3A_245 : vector<16xi32> to vector<16xi32>
      %swap3A_247 = vector.shape_cast %get3A_243 : vector<16xi32> to vector<16xi32>
      tpu.vector_store %arg11[%swap3A_244], %swap3A_247 {strides = array<i32>} : memref<128xi32, #tpu.memory_space<vmem>>, vector<16xi32>,
      %get3A_248 = arith.constant 240 : index
      %get3A_249 = tpu.vector_load %arg7[%get3A_248] {strides = array<i32>} : memref<256xi32, #tpu.memory_space<vmem>>, vector<16xi32>,
      %get3A_250 = vector.shape_cast %get3A_249 : vector<16xi32> to vector<16xi32>
      %swap3A_251 = arith.constant 112 : index
      %swap3A_252 = tpu.vector_load %arg11[%swap3A_251] {strides = array<i32>} : memref<128xi32, #tpu.memory_space<vmem>>, vector<16xi32>,
      %swap3A_253 = vector.shape_cast %swap3A_252 : vector<16xi32> to vector<16xi32>
      %swap3A_254 = vector.shape_cast %get3A_250 : vector<16xi32> to vector<16xi32>
      tpu.vector_store %arg11[%swap3A_251], %swap3A_254 {strides = array<i32>} : memref<128xi32, #tpu.memory_space<vmem>>, vector<16xi32>,
      %dma_start3A_255 = arith.constant 0 : i32
      %dma_start3A_256 = arith.constant 0 : i32
      %dma_start3A_257 = tpu.memref_slice %arg15[%dma_start3A_255, %dma_start3A_256] : memref<10240x128xf32, #tpu.memory_space<vmem_shared>> -> memref<10240x128xf32, #tpu.memory_space<vmem_shared>>
      tpu.enqueue_indirect_dma source(%arg13 : memref<128x128xf32, #tpu.memory_space<vmem>>) target(%dma_start3A_257 : memref<10240x128xf32, #tpu.memory_space<vmem_shared>>) offsets(%arg11 : memref<128xi32, #tpu.memory_space<vmem>>) semaphore(%arg20 : memref<!tpu.dma_semaphore, #tpu.memory_space<semaphore_mem>>) {add = true}
      %add3A_258 = arith.constant 2 : i32
      %add3A_259 = arith.addi %add3A_188, %add3A_258 : i32
      %dma_start3A_260 = arith.constant 0 : i32
      %dma_start3A_261 = tpu.memref_slice %arg4[%add3A_259, %dma_start3A_260] : memref<2512x256xi32, #tpu.memory_space<hbm>> -> memref<1x256xi32, #tpu.memory_space<hbm>>
      %dma_start3A_262 = tpu.memref_squeeze %dma_start3A_261 : memref<1x256xi32, #tpu.memory_space<hbm>> -> memref<256xi32, #tpu.memory_space<hbm>>
      %dma_start3A_263 = arith.constant 0 : i32
      %dma_start3A_264 = tpu.memref_slice %arg4[%add3A_259, %dma_start3A_263] : memref<2512x256xi32, #tpu.memory_space<hbm>> -> memref<1x256xi32, #tpu.memory_space<hbm>>
      %dma_start3A_265 = tpu.memref_squeeze %dma_start3A_264 : memref<1x256xi32, #tpu.memory_space<hbm>> -> memref<256xi32, #tpu.memory_space<hbm>>
      tpu.enqueue_dma source(%dma_start3A_265 : memref<256xi32, #tpu.memory_space<hbm>>) target(%arg7 : memref<256xi32, #tpu.memory_space<vmem>>) target_semaphore(%arg16 : memref<!tpu.dma_semaphore, #tpu.memory_space<semaphore_mem>>)
      %add3A_266 = arith.constant 1 : i32
      %add3A_267 = arith.addi %add3A_188, %add3A_266 : i32
      %dma_wait3A_268 = arith.constant 0 : i32
      %dma_wait3A_269 = tpu.memref_slice %arg4[%add3A_267, %dma_wait3A_268] : memref<2512x256xi32, #tpu.memory_space<hbm>> -> memref<1x256xi32, #tpu.memory_space<hbm>>
      %dma_wait3A_270 = tpu.memref_squeeze %dma_wait3A_269 : memref<1x256xi32, #tpu.memory_space<hbm>> -> memref<256xi32, #tpu.memory_space<hbm>>
      %dma_wait3A_271 = arith.constant 0 : i32
      %dma_wait3A_272 = tpu.memref_slice %arg4[%add3A_267, %dma_wait3A_271] : memref<2512x256xi32, #tpu.memory_space<hbm>> -> memref<1x256xi32, #tpu.memory_space<hbm>>
      %dma_wait3A_273 = tpu.memref_squeeze %dma_wait3A_272 : memref<1x256xi32, #tpu.memory_space<hbm>> -> memref<256xi32, #tpu.memory_space<hbm>>
      tpu.wait_dma2 semaphore(%arg17 : memref<!tpu.dma_semaphore, #tpu.memory_space<semaphore_mem>>) src(%dma_wait3A_273 : memref<256xi32, #tpu.memory_space<hbm>>) dst(%arg8 : memref<256xi32, #tpu.memory_space<vmem>>)
      %gt3A = arith.constant 0 : i32
      %gt3A_274 = arith.cmpi sgt, %add3A_185, %gt3A : i32
      %convert_element_type3A_275 = arith.extui %gt3A_274 : i1 to i32
      %cond3A_276 = arith.constant 0 : i32
      %cond3A_277 = arith.cmpi ne, %convert_element_type3A_275, %cond3A_276 : i32
      scf.if %cond3A_277 {
        %dma_wait3A_494 = arith.constant 0 : i32
        %dma_wait3A_495 = arith.constant 0 : i32
        %dma_wait3A_496 = tpu.memref_slice %arg15[%dma_wait3A_494, %dma_wait3A_495] : memref<10240x128xf32, #tpu.memory_space<vmem_shared>> -> memref<10240x128xf32, #tpu.memory_space<vmem_shared>>
        tpu.wait_indirect_dma semaphore(%arg21 : memref<!tpu.dma_semaphore, #tpu.memory_space<semaphore_mem>>) src(%arg14 : memref<128x128xf32, #tpu.memory_space<vmem>>) dst(%dma_wait3A_496 : memref<10240x128xf32, #tpu.memory_space<vmem_shared>>)
      } else {
      }
      %get3A_278 = arith.constant 0 : index
      %get3A_279 = tpu.vector_load %arg8[%get3A_278] {strides = array<i32>} : memref<256xi32, #tpu.memory_space<vmem>>, vector<16xi32>,
      %get3A_280 = vector.shape_cast %get3A_279 : vector<16xi32> to vector<16xi32>
      %swap3A_281 = arith.constant 0 : index
      %swap3A_282 = tpu.vector_load %arg10[%swap3A_281] {strides = array<i32>} : memref<128xi32, #tpu.memory_space<vmem>>, vector<16xi32>,
      %swap3A_283 = vector.shape_cast %swap3A_282 : vector<16xi32> to vector<16xi32>
      %swap3A_284 = vector.shape_cast %get3A_280 : vector<16xi32> to vector<16xi32>
      tpu.vector_store %arg10[%swap3A_281], %swap3A_284 {strides = array<i32>} : memref<128xi32, #tpu.memory_space<vmem>>, vector<16xi32>,
      %get3A_285 = arith.constant 16 : index
      %get3A_286 = tpu.vector_load %arg8[%get3A_285] {strides = array<i32>} : memref<256xi32, #tpu.memory_space<vmem>>, vector<16xi32>,
      %get3A_287 = vector.shape_cast %get3A_286 : vector<16xi32> to vector<16xi32>
      %swap3A_288 = arith.constant 16 : index
      %swap3A_289 = tpu.vector_load %arg10[%swap3A_288] {strides = array<i32>} : memref<128xi32, #tpu.memory_space<vmem>>, vector<16xi32>,
      %swap3A_290 = vector.shape_cast %swap3A_289 : vector<16xi32> to vector<16xi32>
      %swap3A_291 = vector.shape_cast %get3A_287 : vector<16xi32> to vector<16xi32>
      tpu.vector_store %arg10[%swap3A_288], %swap3A_291 {strides = array<i32>} : memref<128xi32, #tpu.memory_space<vmem>>, vector<16xi32>,
      %get3A_292 = arith.constant 32 : index
      %get3A_293 = tpu.vector_load %arg8[%get3A_292] {strides = array<i32>} : memref<256xi32, #tpu.memory_space<vmem>>, vector<16xi32>,
      %get3A_294 = vector.shape_cast %get3A_293 : vector<16xi32> to vector<16xi32>
      %swap3A_295 = arith.constant 32 : index
      %swap3A_296 = tpu.vector_load %arg10[%swap3A_295] {strides = array<i32>} : memref<128xi32, #tpu.memory_space<vmem>>, vector<16xi32>,
      %swap3A_297 = vector.shape_cast %swap3A_296 : vector<16xi32> to vector<16xi32>
      %swap3A_298 = vector.shape_cast %get3A_294 : vector<16xi32> to vector<16xi32>
      tpu.vector_store %arg10[%swap3A_295], %swap3A_298 {strides = array<i32>} : memref<128xi32, #tpu.memory_space<vmem>>, vector<16xi32>,
      %get3A_299 = arith.constant 48 : index
      %get3A_300 = tpu.vector_load %arg8[%get3A_299] {strides = array<i32>} : memref<256xi32, #tpu.memory_space<vmem>>, vector<16xi32>,
      %get3A_301 = vector.shape_cast %get3A_300 : vector<16xi32> to vector<16xi32>
      %swap3A_302 = arith.constant 48 : index
      %swap3A_303 = tpu.vector_load %arg10[%swap3A_302] {strides = array<i32>} : memref<128xi32, #tpu.memory_space<vmem>>, vector<16xi32>,
      %swap3A_304 = vector.shape_cast %swap3A_303 : vector<16xi32> to vector<16xi32>
      %swap3A_305 = vector.shape_cast %get3A_301 : vector<16xi32> to vector<16xi32>
      tpu.vector_store %arg10[%swap3A_302], %swap3A_305 {strides = array<i32>} : memref<128xi32, #tpu.memory_space<vmem>>, vector<16xi32>,
      %get3A_306 = arith.constant 64 : index
      %get3A_307 = tpu.vector_load %arg8[%get3A_306] {strides = array<i32>} : memref<256xi32, #tpu.memory_space<vmem>>, vector<16xi32>,
      %get3A_308 = vector.shape_cast %get3A_307 : vector<16xi32> to vector<16xi32>
      %swap3A_309 = arith.constant 64 : index
      %swap3A_310 = tpu.vector_load %arg10[%swap3A_309] {strides = array<i32>} : memref<128xi32, #tpu.memory_space<vmem>>, vector<16xi32>,
      %swap3A_311 = vector.shape_cast %swap3A_310 : vector<16xi32> to vector<16xi32>
      %swap3A_312 = vector.shape_cast %get3A_308 : vector<16xi32> to vector<16xi32>
      tpu.vector_store %arg10[%swap3A_309], %swap3A_312 {strides = array<i32>} : memref<128xi32, #tpu.memory_space<vmem>>, vector<16xi32>,
      %get3A_313 = arith.constant 80 : index
      %get3A_314 = tpu.vector_load %arg8[%get3A_313] {strides = array<i32>} : memref<256xi32, #tpu.memory_space<vmem>>, vector<16xi32>,
      %get3A_315 = vector.shape_cast %get3A_314 : vector<16xi32> to vector<16xi32>
      %swap3A_316 = arith.constant 80 : index
      %swap3A_317 = tpu.vector_load %arg10[%swap3A_316] {strides = array<i32>} : memref<128xi32, #tpu.memory_space<vmem>>, vector<16xi32>,
      %swap3A_318 = vector.shape_cast %swap3A_317 : vector<16xi32> to vector<16xi32>
      %swap3A_319 = vector.shape_cast %get3A_315 : vector<16xi32> to vector<16xi32>
      tpu.vector_store %arg10[%swap3A_316], %swap3A_319 {strides = array<i32>} : memref<128xi32, #tpu.memory_space<vmem>>, vector<16xi32>,
      %get3A_320 = arith.constant 96 : index
      %get3A_321 = tpu.vector_load %arg8[%get3A_320] {strides = array<i32>} : memref<256xi32, #tpu.memory_space<vmem>>, vector<16xi32>,
      %get3A_322 = vector.shape_cast %get3A_321 : vector<16xi32> to vector<16xi32>
      %swap3A_323 = arith.constant 96 : index
      %swap3A_324 = tpu.vector_load %arg10[%swap3A_323] {strides = array<i32>} : memref<128xi32, #tpu.memory_space<vmem>>, vector<16xi32>,
      %swap3A_325 = vector.shape_cast %swap3A_324 : vector<16xi32> to vector<16xi32>
      %swap3A_326 = vector.shape_cast %get3A_322 : vector<16xi32> to vector<16xi32>
      tpu.vector_store %arg10[%swap3A_323], %swap3A_326 {strides = array<i32>} : memref<128xi32, #tpu.memory_space<vmem>>, vector<16xi32>,
      %get3A_327 = arith.constant 112 : index
      %get3A_328 = tpu.vector_load %arg8[%get3A_327] {strides = array<i32>} : memref<256xi32, #tpu.memory_space<vmem>>, vector<16xi32>,
      %get3A_329 = vector.shape_cast %get3A_328 : vector<16xi32> to vector<16xi32>
      %swap3A_330 = arith.constant 112 : index
      %swap3A_331 = tpu.vector_load %arg10[%swap3A_330] {strides = array<i32>} : memref<128xi32, #tpu.memory_space<vmem>>, vector<16xi32>,
      %swap3A_332 = vector.shape_cast %swap3A_331 : vector<16xi32> to vector<16xi32>
      %swap3A_333 = vector.shape_cast %get3A_329 : vector<16xi32> to vector<16xi32>
      tpu.vector_store %arg10[%swap3A_330], %swap3A_333 {strides = array<i32>} : memref<128xi32, #tpu.memory_space<vmem>>, vector<16xi32>,
      %eq3A_334 = arith.constant 0 : i32
      %eq3A_335 = arith.cmpi eq, %arg0, %eq3A_334 : i32
      %convert_element_type3A_336 = arith.extui %eq3A_335 : i1 to i32
      %cond3A_337 = arith.constant 0 : i32
      %cond3A_338 = arith.cmpi ne, %convert_element_type3A_336, %cond3A_337 : i32
      scf.if %cond3A_338 {
        %dma_start3A_494 = arith.constant 0 : i32
        %dma_start3A_495 = arith.constant 0 : i32
        %dma_start3A_496 = tpu.memref_slice %arg2[%dma_start3A_494, %dma_start3A_495] : memref<10240x128xf32, #tpu.memory_space<hbm>> -> memref<10240x128xf32, #tpu.memory_space<hbm>>
        tpu.enqueue_indirect_dma source(%dma_start3A_496 : memref<10240x128xf32, #tpu.memory_space<hbm>>) target(%arg14 : memref<128x128xf32, #tpu.memory_space<vmem>>) offsets(%arg10 : memref<128xi32, #tpu.memory_space<vmem>>) semaphore(%arg19 : memref<!tpu.dma_semaphore, #tpu.memory_space<semaphore_mem>>)
      } else {
      }
      %eq3A_339 = arith.constant 1 : i32
      %eq3A_340 = arith.cmpi eq, %arg0, %eq3A_339 : i32
      %convert_element_type3A_341 = arith.extui %eq3A_340 : i1 to i32
      %cond3A_342 = arith.constant 0 : i32
      %cond3A_343 = arith.cmpi ne, %convert_element_type3A_341, %cond3A_342 : i32
      scf.if %cond3A_343 {
        %dma_start3A_494 = arith.constant 0 : i32
        %dma_start3A_495 = arith.constant 0 : i32
        %dma_start3A_496 = tpu.memref_slice %arg3[%dma_start3A_494, %dma_start3A_495] : memref<10240x128xf32, #tpu.memory_space<hbm>> -> memref<10240x128xf32, #tpu.memory_space<hbm>>
        tpu.enqueue_indirect_dma source(%dma_start3A_496 : memref<10240x128xf32, #tpu.memory_space<hbm>>) target(%arg14 : memref<128x128xf32, #tpu.memory_space<vmem>>) offsets(%arg10 : memref<128xi32, #tpu.memory_space<vmem>>) semaphore(%arg19 : memref<!tpu.dma_semaphore, #tpu.memory_space<semaphore_mem>>)
      } else {
      }
      %eq3A_344 = arith.constant 0 : i32
      %eq3A_345 = arith.cmpi eq, %arg0, %eq3A_344 : i32
      %convert_element_type3A_346 = arith.extui %eq3A_345 : i1 to i32
      %cond3A_347 = arith.constant 0 : i32
      %cond3A_348 = arith.cmpi ne, %convert_element_type3A_346, %cond3A_347 : i32
      scf.if %cond3A_348 {
        %dma_wait3A_494 = arith.constant 0 : i32
        %dma_wait3A_495 = arith.constant 0 : i32
        %dma_wait3A_496 = tpu.memref_slice %arg2[%dma_wait3A_494, %dma_wait3A_495] : memref<10240x128xf32, #tpu.memory_space<hbm>> -> memref<10240x128xf32, #tpu.memory_space<hbm>>
        tpu.wait_indirect_dma semaphore(%arg19 : memref<!tpu.dma_semaphore, #tpu.memory_space<semaphore_mem>>) src(%dma_wait3A_496 : memref<10240x128xf32, #tpu.memory_space<hbm>>) dst(%arg14 : memref<128x128xf32, #tpu.memory_space<vmem>>)
      } else {
      }
      %eq3A_349 = arith.constant 1 : i32
      %eq3A_350 = arith.cmpi eq, %arg0, %eq3A_349 : i32
      %convert_element_type3A_351 = arith.extui %eq3A_350 : i1 to i32
      %cond3A_352 = arith.constant 0 : i32
      %cond3A_353 = arith.cmpi ne, %convert_element_type3A_351, %cond3A_352 : i32
      scf.if %cond3A_353 {
        %dma_wait3A_494 = arith.constant 0 : i32
        %dma_wait3A_495 = arith.constant 0 : i32
        %dma_wait3A_496 = tpu.memref_slice %arg3[%dma_wait3A_494, %dma_wait3A_495] : memref<10240x128xf32, #tpu.memory_space<hbm>> -> memref<10240x128xf32, #tpu.memory_space<hbm>>
        tpu.wait_indirect_dma semaphore(%arg19 : memref<!tpu.dma_semaphore, #tpu.memory_space<semaphore_mem>>) src(%dma_wait3A_496 : memref<10240x128xf32, #tpu.memory_space<hbm>>) dst(%arg14 : memref<128x128xf32, #tpu.memory_space<vmem>>)
      } else {
      }
      %get3A_354 = arith.constant 128 : index
      %get3A_355 = tpu.vector_load %arg8[%get3A_354] {strides = array<i32>} : memref<256xi32, #tpu.memory_space<vmem>>, vector<16xi32>,
      %get3A_356 = vector.shape_cast %get3A_355 : vector<16xi32> to vector<16xi32>
      %swap3A_357 = arith.constant 0 : index
      %swap3A_358 = tpu.vector_load %arg12[%swap3A_357] {strides = array<i32>} : memref<128xi32, #tpu.memory_space<vmem>>, vector<16xi32>,
      %swap3A_359 = vector.shape_cast %swap3A_358 : vector<16xi32> to vector<16xi32>
      %swap3A_360 = vector.shape_cast %get3A_356 : vector<16xi32> to vector<16xi32>
      tpu.vector_store %arg12[%swap3A_357], %swap3A_360 {strides = array<i32>} : memref<128xi32, #tpu.memory_space<vmem>>, vector<16xi32>,
      %get3A_361 = arith.constant 144 : index
      %get3A_362 = tpu.vector_load %arg8[%get3A_361] {strides = array<i32>} : memref<256xi32, #tpu.memory_space<vmem>>, vector<16xi32>,
      %get3A_363 = vector.shape_cast %get3A_362 : vector<16xi32> to vector<16xi32>
      %swap3A_364 = arith.constant 16 : index
      %swap3A_365 = tpu.vector_load %arg12[%swap3A_364] {strides = array<i32>} : memref<128xi32, #tpu.memory_space<vmem>>, vector<16xi32>,
      %swap3A_366 = vector.shape_cast %swap3A_365 : vector<16xi32> to vector<16xi32>
      %swap3A_367 = vector.shape_cast %get3A_363 : vector<16xi32> to vector<16xi32>
      tpu.vector_store %arg12[%swap3A_364], %swap3A_367 {strides = array<i32>} : memref<128xi32, #tpu.memory_space<vmem>>, vector<16xi32>,
      %get3A_368 = arith.constant 160 : index
      %get3A_369 = tpu.vector_load %arg8[%get3A_368] {strides = array<i32>} : memref<256xi32, #tpu.memory_space<vmem>>, vector<16xi32>,
      %get3A_370 = vector.shape_cast %get3A_369 : vector<16xi32> to vector<16xi32>
      %swap3A_371 = arith.constant 32 : index
      %swap3A_372 = tpu.vector_load %arg12[%swap3A_371] {strides = array<i32>} : memref<128xi32, #tpu.memory_space<vmem>>, vector<16xi32>,
      %swap3A_373 = vector.shape_cast %swap3A_372 : vector<16xi32> to vector<16xi32>
      %swap3A_374 = vector.shape_cast %get3A_370 : vector<16xi32> to vector<16xi32>
      tpu.vector_store %arg12[%swap3A_371], %swap3A_374 {strides = array<i32>} : memref<128xi32, #tpu.memory_space<vmem>>, vector<16xi32>,
      %get3A_375 = arith.constant 176 : index
      %get3A_376 = tpu.vector_load %arg8[%get3A_375] {strides = array<i32>} : memref<256xi32, #tpu.memory_space<vmem>>, vector<16xi32>,
      %get3A_377 = vector.shape_cast %get3A_376 : vector<16xi32> to vector<16xi32>
      %swap3A_378 = arith.constant 48 : index
      %swap3A_379 = tpu.vector_load %arg12[%swap3A_378] {strides = array<i32>} : memref<128xi32, #tpu.memory_space<vmem>>, vector<16xi32>,
      %swap3A_380 = vector.shape_cast %swap3A_379 : vector<16xi32> to vector<16xi32>
      %swap3A_381 = vector.shape_cast %get3A_377 : vector<16xi32> to vector<16xi32>
      tpu.vector_store %arg12[%swap3A_378], %swap3A_381 {strides = array<i32>} : memref<128xi32, #tpu.memory_space<vmem>>, vector<16xi32>,
      %get3A_382 = arith.constant 192 : index
      %get3A_383 = tpu.vector_load %arg8[%get3A_382] {strides = array<i32>} : memref<256xi32, #tpu.memory_space<vmem>>, vector<16xi32>,
      %get3A_384 = vector.shape_cast %get3A_383 : vector<16xi32> to vector<16xi32>
      %swap3A_385 = arith.constant 64 : index
      %swap3A_386 = tpu.vector_load %arg12[%swap3A_385] {strides = array<i32>} : memref<128xi32, #tpu.memory_space<vmem>>, vector<16xi32>,
      %swap3A_387 = vector.shape_cast %swap3A_386 : vector<16xi32> to vector<16xi32>
      %swap3A_388 = vector.shape_cast %get3A_384 : vector<16xi32> to vector<16xi32>
      tpu.vector_store %arg12[%swap3A_385], %swap3A_388 {strides = array<i32>} : memref<128xi32, #tpu.memory_space<vmem>>, vector<16xi32>,
      %get3A_389 = arith.constant 208 : index
      %get3A_390 = tpu.vector_load %arg8[%get3A_389] {strides = array<i32>} : memref<256xi32, #tpu.memory_space<vmem>>, vector<16xi32>,
      %get3A_391 = vector.shape_cast %get3A_390 : vector<16xi32> to vector<16xi32>
      %swap3A_392 = arith.constant 80 : index
      %swap3A_393 = tpu.vector_load %arg12[%swap3A_392] {strides = array<i32>} : memref<128xi32, #tpu.memory_space<vmem>>, vector<16xi32>,
      %swap3A_394 = vector.shape_cast %swap3A_393 : vector<16xi32> to vector<16xi32>
      %swap3A_395 = vector.shape_cast %get3A_391 : vector<16xi32> to vector<16xi32>
      tpu.vector_store %arg12[%swap3A_392], %swap3A_395 {strides = array<i32>} : memref<128xi32, #tpu.memory_space<vmem>>, vector<16xi32>,
      %get3A_396 = arith.constant 224 : index
      %get3A_397 = tpu.vector_load %arg8[%get3A_396] {strides = array<i32>} : memref<256xi32, #tpu.memory_space<vmem>>, vector<16xi32>,
      %get3A_398 = vector.shape_cast %get3A_397 : vector<16xi32> to vector<16xi32>
      %swap3A_399 = arith.constant 96 : index
      %swap3A_400 = tpu.vector_load %arg12[%swap3A_399] {strides = array<i32>} : memref<128xi32, #tpu.memory_space<vmem>>, vector<16xi32>,
      %swap3A_401 = vector.shape_cast %swap3A_400 : vector<16xi32> to vector<16xi32>
      %swap3A_402 = vector.shape_cast %get3A_398 : vector<16xi32> to vector<16xi32>
      tpu.vector_store %arg12[%swap3A_399], %swap3A_402 {strides = array<i32>} : memref<128xi32, #tpu.memory_space<vmem>>, vector<16xi32>,
      %get3A_403 = arith.constant 240 : index
      %get3A_404 = tpu.vector_load %arg8[%get3A_403] {strides = array<i32>} : memref<256xi32, #tpu.memory_space<vmem>>, vector<16xi32>,
      %get3A_405 = vector.shape_cast %get3A_404 : vector<16xi32> to vector<16xi32>
      %swap3A_406 = arith.constant 112 : index
      %swap3A_407 = tpu.vector_load %arg12[%swap3A_406] {strides = array<i32>} : memref<128xi32, #tpu.memory_space<vmem>>, vector<16xi32>,
      %swap3A_408 = vector.shape_cast %swap3A_407 : vector<16xi32> to vector<16xi32>
      %swap3A_409 = vector.shape_cast %get3A_405 : vector<16xi32> to vector<16xi32>
      tpu.vector_store %arg12[%swap3A_406], %swap3A_409 {strides = array<i32>} : memref<128xi32, #tpu.memory_space<vmem>>, vector<16xi32>,
      %dma_start3A_410 = arith.constant 0 : i32
      %dma_start3A_411 = arith.constant 0 : i32
      %dma_start3A_412 = tpu.memref_slice %arg15[%dma_start3A_410, %dma_start3A_411] : memref<10240x128xf32, #tpu.memory_space<vmem_shared>> -> memref<10240x128xf32, #tpu.memory_space<vmem_shared>>
      tpu.enqueue_indirect_dma source(%arg14 : memref<128x128xf32, #tpu.memory_space<vmem>>) target(%dma_start3A_412 : memref<10240x128xf32, #tpu.memory_space<vmem_shared>>) offsets(%arg12 : memref<128xi32, #tpu.memory_space<vmem>>) semaphore(%arg21 : memref<!tpu.dma_semaphore, #tpu.memory_space<semaphore_mem>>) {add = true}
      %lt3A = arith.constant 77 : i32
      %lt3A_413 = arith.cmpi slt, %add3A_185, %lt3A : i32
      %convert_element_type3A_414 = arith.extui %lt3A_413 : i1 to i32
      %cond3A_415 = arith.constant 0 : i32
      %cond3A_416 = arith.cmpi ne, %convert_element_type3A_414, %cond3A_415 : i32
      scf.if %cond3A_416 {
        %add3A_494 = arith.constant 3 : i32
        %add3A_495 = arith.addi %add3A_188, %add3A_494 : i32
        %dma_start3A_496 = arith.constant 0 : i32
        %dma_start3A_497 = tpu.memref_slice %arg4[%add3A_495, %dma_start3A_496] : memref<2512x256xi32, #tpu.memory_space<hbm>> -> memref<1x256xi32, #tpu.memory_space<hbm>>
        %dma_start3A_498 = tpu.memref_squeeze %dma_start3A_497 : memref<1x256xi32, #tpu.memory_space<hbm>> -> memref<256xi32, #tpu.memory_space<hbm>>
        %dma_start3A_499 = arith.constant 0 : i32
        %dma_start3A_500 = tpu.memref_slice %arg4[%add3A_495, %dma_start3A_499] : memref<2512x256xi32, #tpu.memory_space<hbm>> -> memref<1x256xi32, #tpu.memory_space<hbm>>
        %dma_start3A_501 = tpu.memref_squeeze %dma_start3A_500 : memref<1x256xi32, #tpu.memory_space<hbm>> -> memref<256xi32, #tpu.memory_space<hbm>>
        tpu.enqueue_dma source(%dma_start3A_501 : memref<256xi32, #tpu.memory_space<hbm>>) target(%arg8 : memref<256xi32, #tpu.memory_space<vmem>>) target_semaphore(%arg17 : memref<!tpu.dma_semaphore, #tpu.memory_space<semaphore_mem>>)
      } else {
      }
      %add3A_417 = arith.constant 2 : i32
      %add3A_418 = arith.addi %add3A_188, %add3A_417 : i32
      %dma_wait3A_419 = arith.constant 0 : i32
      %dma_wait3A_420 = tpu.memref_slice %arg4[%add3A_418, %dma_wait3A_419] : memref<2512x256xi32, #tpu.memory_space<hbm>> -> memref<1x256xi32, #tpu.memory_space<hbm>>
      %dma_wait3A_421 = tpu.memref_squeeze %dma_wait3A_420 : memref<1x256xi32, #tpu.memory_space<hbm>> -> memref<256xi32, #tpu.memory_space<hbm>>
      %dma_wait3A_422 = arith.constant 0 : i32
      %dma_wait3A_423 = tpu.memref_slice %arg4[%add3A_418, %dma_wait3A_422] : memref<2512x256xi32, #tpu.memory_space<hbm>> -> memref<1x256xi32, #tpu.memory_space<hbm>>
      %dma_wait3A_424 = tpu.memref_squeeze %dma_wait3A_423 : memref<1x256xi32, #tpu.memory_space<hbm>> -> memref<256xi32, #tpu.memory_space<hbm>>
      tpu.wait_dma2 semaphore(%arg16 : memref<!tpu.dma_semaphore, #tpu.memory_space<semaphore_mem>>) src(%dma_wait3A_424 : memref<256xi32, #tpu.memory_space<hbm>>) dst(%arg7 : memref<256xi32, #tpu.memory_space<vmem>>)
      %dma_wait3A_425 = arith.constant 0 : i32
      %dma_wait3A_426 = arith.constant 0 : i32
      %dma_wait3A_427 = tpu.memref_slice %arg15[%dma_wait3A_425, %dma_wait3A_426] : memref<10240x128xf32, #tpu.memory_space<vmem_shared>> -> memref<10240x128xf32, #tpu.memory_space<vmem_shared>>
      tpu.wait_indirect_dma semaphore(%arg20 : memref<!tpu.dma_semaphore, #tpu.memory_space<semaphore_mem>>) src(%arg13 : memref<128x128xf32, #tpu.memory_space<vmem>>) dst(%dma_wait3A_427 : memref<10240x128xf32, #tpu.memory_space<vmem_shared>>)
      %get3A_428 = arith.constant 0 : index
      %get3A_429 = tpu.vector_load %arg7[%get3A_428] {strides = array<i32>} : memref<256xi32, #tpu.memory_space<vmem>>, vector<16xi32>,
      %get3A_430 = vector.shape_cast %get3A_429 : vector<16xi32> to vector<16xi32>
      %swap3A_431 = arith.constant 0 : index
      %swap3A_432 = tpu.vector_load %arg9[%swap3A_431] {strides = array<i32>} : memref<128xi32, #tpu.memory_space<vmem>>, vector<16xi32>,
      %swap3A_433 = vector.shape_cast %swap3A_432 : vector<16xi32> to vector<16xi32>
      %swap3A_434 = vector.shape_cast %get3A_430 : vector<16xi32> to vector<16xi32>
      tpu.vector_store %arg9[%swap3A_431], %swap3A_434 {strides = array<i32>} : memref<128xi32, #tpu.memory_space<vmem>>, vector<16xi32>,
      %get3A_435 = arith.constant 16 : index
      %get3A_436 = tpu.vector_load %arg7[%get3A_435] {strides = array<i32>} : memref<256xi32, #tpu.memory_space<vmem>>, vector<16xi32>,
      %get3A_437 = vector.shape_cast %get3A_436 : vector<16xi32> to vector<16xi32>
      %swap3A_438 = arith.constant 16 : index
      %swap3A_439 = tpu.vector_load %arg9[%swap3A_438] {strides = array<i32>} : memref<128xi32, #tpu.memory_space<vmem>>, vector<16xi32>,
      %swap3A_440 = vector.shape_cast %swap3A_439 : vector<16xi32> to vector<16xi32>
      %swap3A_441 = vector.shape_cast %get3A_437 : vector<16xi32> to vector<16xi32>
      tpu.vector_store %arg9[%swap3A_438], %swap3A_441 {strides = array<i32>} : memref<128xi32, #tpu.memory_space<vmem>>, vector<16xi32>,
      %get3A_442 = arith.constant 32 : index
      %get3A_443 = tpu.vector_load %arg7[%get3A_442] {strides = array<i32>} : memref<256xi32, #tpu.memory_space<vmem>>, vector<16xi32>,
      %get3A_444 = vector.shape_cast %get3A_443 : vector<16xi32> to vector<16xi32>
      %swap3A_445 = arith.constant 32 : index
      %swap3A_446 = tpu.vector_load %arg9[%swap3A_445] {strides = array<i32>} : memref<128xi32, #tpu.memory_space<vmem>>, vector<16xi32>,
      %swap3A_447 = vector.shape_cast %swap3A_446 : vector<16xi32> to vector<16xi32>
      %swap3A_448 = vector.shape_cast %get3A_444 : vector<16xi32> to vector<16xi32>
      tpu.vector_store %arg9[%swap3A_445], %swap3A_448 {strides = array<i32>} : memref<128xi32, #tpu.memory_space<vmem>>, vector<16xi32>,
      %get3A_449 = arith.constant 48 : index
      %get3A_450 = tpu.vector_load %arg7[%get3A_449] {strides = array<i32>} : memref<256xi32, #tpu.memory_space<vmem>>, vector<16xi32>,
      %get3A_451 = vector.shape_cast %get3A_450 : vector<16xi32> to vector<16xi32>
      %swap3A_452 = arith.constant 48 : index
      %swap3A_453 = tpu.vector_load %arg9[%swap3A_452] {strides = array<i32>} : memref<128xi32, #tpu.memory_space<vmem>>, vector<16xi32>,
      %swap3A_454 = vector.shape_cast %swap3A_453 : vector<16xi32> to vector<16xi32>
      %swap3A_455 = vector.shape_cast %get3A_451 : vector<16xi32> to vector<16xi32>
      tpu.vector_store %arg9[%swap3A_452], %swap3A_455 {strides = array<i32>} : memref<128xi32, #tpu.memory_space<vmem>>, vector<16xi32>,
      %get3A_456 = arith.constant 64 : index
      %get3A_457 = tpu.vector_load %arg7[%get3A_456] {strides = array<i32>} : memref<256xi32, #tpu.memory_space<vmem>>, vector<16xi32>,
      %get3A_458 = vector.shape_cast %get3A_457 : vector<16xi32> to vector<16xi32>
      %swap3A_459 = arith.constant 64 : index
      %swap3A_460 = tpu.vector_load %arg9[%swap3A_459] {strides = array<i32>} : memref<128xi32, #tpu.memory_space<vmem>>, vector<16xi32>,
      %swap3A_461 = vector.shape_cast %swap3A_460 : vector<16xi32> to vector<16xi32>
      %swap3A_462 = vector.shape_cast %get3A_458 : vector<16xi32> to vector<16xi32>
      tpu.vector_store %arg9[%swap3A_459], %swap3A_462 {strides = array<i32>} : memref<128xi32, #tpu.memory_space<vmem>>, vector<16xi32>,
      %get3A_463 = arith.constant 80 : index
      %get3A_464 = tpu.vector_load %arg7[%get3A_463] {strides = array<i32>} : memref<256xi32, #tpu.memory_space<vmem>>, vector<16xi32>,
      %get3A_465 = vector.shape_cast %get3A_464 : vector<16xi32> to vector<16xi32>
      %swap3A_466 = arith.constant 80 : index
      %swap3A_467 = tpu.vector_load %arg9[%swap3A_466] {strides = array<i32>} : memref<128xi32, #tpu.memory_space<vmem>>, vector<16xi32>,
      %swap3A_468 = vector.shape_cast %swap3A_467 : vector<16xi32> to vector<16xi32>
      %swap3A_469 = vector.shape_cast %get3A_465 : vector<16xi32> to vector<16xi32>
      tpu.vector_store %arg9[%swap3A_466], %swap3A_469 {strides = array<i32>} : memref<128xi32, #tpu.memory_space<vmem>>, vector<16xi32>,
      %get3A_470 = arith.constant 96 : index
      %get3A_471 = tpu.vector_load %arg7[%get3A_470] {strides = array<i32>} : memref<256xi32, #tpu.memory_space<vmem>>, vector<16xi32>,
      %get3A_472 = vector.shape_cast %get3A_471 : vector<16xi32> to vector<16xi32>
      %swap3A_473 = arith.constant 96 : index
      %swap3A_474 = tpu.vector_load %arg9[%swap3A_473] {strides = array<i32>} : memref<128xi32, #tpu.memory_space<vmem>>, vector<16xi32>,
      %swap3A_475 = vector.shape_cast %swap3A_474 : vector<16xi32> to vector<16xi32>
      %swap3A_476 = vector.shape_cast %get3A_472 : vector<16xi32> to vector<16xi32>
      tpu.vector_store %arg9[%swap3A_473], %swap3A_476 {strides = array<i32>} : memref<128xi32, #tpu.memory_space<vmem>>, vector<16xi32>,
      %get3A_477 = arith.constant 112 : index
      %get3A_478 = tpu.vector_load %arg7[%get3A_477] {strides = array<i32>} : memref<256xi32, #tpu.memory_space<vmem>>, vector<16xi32>,
      %get3A_479 = vector.shape_cast %get3A_478 : vector<16xi32> to vector<16xi32>
      %swap3A_480 = arith.constant 112 : index
      %swap3A_481 = tpu.vector_load %arg9[%swap3A_480] {strides = array<i32>} : memref<128xi32, #tpu.memory_space<vmem>>, vector<16xi32>,
      %swap3A_482 = vector.shape_cast %swap3A_481 : vector<16xi32> to vector<16xi32>
      %swap3A_483 = vector.shape_cast %get3A_479 : vector<16xi32> to vector<16xi32>
      tpu.vector_store %arg9[%swap3A_480], %swap3A_483 {strides = array<i32>} : memref<128xi32, #tpu.memory_space<vmem>>, vector<16xi32>,
      %eq3A_484 = arith.constant 0 : i32
      %eq3A_485 = arith.cmpi eq, %arg0, %eq3A_484 : i32
      %convert_element_type3A_486 = arith.extui %eq3A_485 : i1 to i32
      %cond3A_487 = arith.constant 0 : i32
      %cond3A_488 = arith.cmpi ne, %convert_element_type3A_486, %cond3A_487 : i32
      scf.if %cond3A_488 {
        %dma_start3A_494 = arith.constant 0 : i32
        %dma_start3A_495 = arith.constant 0 : i32
        %dma_start3A_496 = tpu.memref_slice %arg2[%dma_start3A_494, %dma_start3A_495] : memref<10240x128xf32, #tpu.memory_space<hbm>> -> memref<10240x128xf32, #tpu.memory_space<hbm>>
        tpu.enqueue_indirect_dma source(%dma_start3A_496 : memref<10240x128xf32, #tpu.memory_space<hbm>>) target(%arg13 : memref<128x128xf32, #tpu.memory_space<vmem>>) offsets(%arg9 : memref<128xi32, #tpu.memory_space<vmem>>) semaphore(%arg18 : memref<!tpu.dma_semaphore, #tpu.memory_space<semaphore_mem>>)
      } else {
      }
      %eq3A_489 = arith.constant 1 : i32
      %eq3A_490 = arith.cmpi eq, %arg0, %eq3A_489 : i32
      %convert_element_type3A_491 = arith.extui %eq3A_490 : i1 to i32
      %cond3A_492 = arith.constant 0 : i32
      %cond3A_493 = arith.cmpi ne, %convert_element_type3A_491, %cond3A_492 : i32
      scf.if %cond3A_493 {
        %dma_start3A_494 = arith.constant 0 : i32
        %dma_start3A_495 = arith.constant 0 : i32
        %dma_start3A_496 = tpu.memref_slice %arg3[%dma_start3A_494, %dma_start3A_495] : memref<10240x128xf32, #tpu.memory_space<hbm>> -> memref<10240x128xf32, #tpu.memory_space<hbm>>
        tpu.enqueue_indirect_dma source(%dma_start3A_496 : memref<10240x128xf32, #tpu.memory_space<hbm>>) target(%arg13 : memref<128x128xf32, #tpu.memory_space<vmem>>) offsets(%arg9 : memref<128xi32, #tpu.memory_space<vmem>>) semaphore(%arg18 : memref<!tpu.dma_semaphore, #tpu.memory_space<semaphore_mem>>)
      } else {
      }
    }
    %scan3A_92 = arith.constant 78 : i32
    %eq3A_93 = arith.constant 0 : i32
    %eq3A_94 = arith.cmpi eq, %arg0, %eq3A_93 : i32
    %convert_element_type3A_95 = arith.extui %eq3A_94 : i1 to i32
    %cond3A_96 = arith.constant 0 : i32
    %cond3A_97 = arith.cmpi ne, %convert_element_type3A_95, %cond3A_96 : i32
    scf.if %cond3A_97 {
      %dma_wait3A_181 = arith.constant 0 : i32
      %dma_wait3A_182 = arith.constant 0 : i32
      %dma_wait3A_183 = tpu.memref_slice %arg2[%dma_wait3A_181, %dma_wait3A_182] : memref<10240x128xf32, #tpu.memory_space<hbm>> -> memref<10240x128xf32, #tpu.memory_space<hbm>>
      tpu.wait_indirect_dma semaphore(%arg18 : memref<!tpu.dma_semaphore, #tpu.memory_space<semaphore_mem>>) src(%dma_wait3A_183 : memref<10240x128xf32, #tpu.memory_space<hbm>>) dst(%arg13 : memref<128x128xf32, #tpu.memory_space<vmem>>)
    } else {
    }
    %eq3A_98 = arith.constant 1 : i32
    %eq3A_99 = arith.cmpi eq, %arg0, %eq3A_98 : i32
    %convert_element_type3A_100 = arith.extui %eq3A_99 : i1 to i32
    %cond3A_101 = arith.constant 0 : i32
    %cond3A_102 = arith.cmpi ne, %convert_element_type3A_100, %cond3A_101 : i32
    scf.if %cond3A_102 {
      %dma_wait3A_181 = arith.constant 0 : i32
      %dma_wait3A_182 = arith.constant 0 : i32
      %dma_wait3A_183 = tpu.memref_slice %arg3[%dma_wait3A_181, %dma_wait3A_182] : memref<10240x128xf32, #tpu.memory_space<hbm>> -> memref<10240x128xf32, #tpu.memory_space<hbm>>
      tpu.wait_indirect_dma semaphore(%arg18 : memref<!tpu.dma_semaphore, #tpu.memory_space<semaphore_mem>>) src(%dma_wait3A_183 : memref<10240x128xf32, #tpu.memory_space<hbm>>) dst(%arg13 : memref<128x128xf32, #tpu.memory_space<vmem>>)
    } else {
    }
    %get3A_103 = arith.constant 128 : index
    %get3A_104 = tpu.vector_load %arg7[%get3A_103] {strides = array<i32>} : memref<256xi32, #tpu.memory_space<vmem>>, vector<16xi32>,
    %get3A_105 = vector.shape_cast %get3A_104 : vector<16xi32> to vector<16xi32>
    %swap3A_106 = arith.constant 0 : index
    %swap3A_107 = tpu.vector_load %arg11[%swap3A_106] {strides = array<i32>} : memref<128xi32, #tpu.memory_space<vmem>>, vector<16xi32>,
    %swap3A_108 = vector.shape_cast %swap3A_107 : vector<16xi32> to vector<16xi32>
    %swap3A_109 = vector.shape_cast %get3A_105 : vector<16xi32> to vector<16xi32>
    tpu.vector_store %arg11[%swap3A_106], %swap3A_109 {strides = array<i32>} : memref<128xi32, #tpu.memory_space<vmem>>, vector<16xi32>,
    %get3A_110 = arith.constant 144 : index
    %get3A_111 = tpu.vector_load %arg7[%get3A_110] {strides = array<i32>} : memref<256xi32, #tpu.memory_space<vmem>>, vector<16xi32>,
    %get3A_112 = vector.shape_cast %get3A_111 : vector<16xi32> to vector<16xi32>
    %swap3A_113 = arith.constant 16 : index
    %swap3A_114 = tpu.vector_load %arg11[%swap3A_113] {strides = array<i32>} : memref<128xi32, #tpu.memory_space<vmem>>, vector<16xi32>,
    %swap3A_115 = vector.shape_cast %swap3A_114 : vector<16xi32> to vector<16xi32>
    %swap3A_116 = vector.shape_cast %get3A_112 : vector<16xi32> to vector<16xi32>
    tpu.vector_store %arg11[%swap3A_113], %swap3A_116 {strides = array<i32>} : memref<128xi32, #tpu.memory_space<vmem>>, vector<16xi32>,
    %get3A_117 = arith.constant 160 : index
    %get3A_118 = tpu.vector_load %arg7[%get3A_117] {strides = array<i32>} : memref<256xi32, #tpu.memory_space<vmem>>, vector<16xi32>,
    %get3A_119 = vector.shape_cast %get3A_118 : vector<16xi32> to vector<16xi32>
    %swap3A_120 = arith.constant 32 : index
    %swap3A_121 = tpu.vector_load %arg11[%swap3A_120] {strides = array<i32>} : memref<128xi32, #tpu.memory_space<vmem>>, vector<16xi32>,
    %swap3A_122 = vector.shape_cast %swap3A_121 : vector<16xi32> to vector<16xi32>
    %swap3A_123 = vector.shape_cast %get3A_119 : vector<16xi32> to vector<16xi32>
    tpu.vector_store %arg11[%swap3A_120], %swap3A_123 {strides = array<i32>} : memref<128xi32, #tpu.memory_space<vmem>>, vector<16xi32>,
    %get3A_124 = arith.constant 176 : index
    %get3A_125 = tpu.vector_load %arg7[%get3A_124] {strides = array<i32>} : memref<256xi32, #tpu.memory_space<vmem>>, vector<16xi32>,
    %get3A_126 = vector.shape_cast %get3A_125 : vector<16xi32> to vector<16xi32>
    %swap3A_127 = arith.constant 48 : index
    %swap3A_128 = tpu.vector_load %arg11[%swap3A_127] {strides = array<i32>} : memref<128xi32, #tpu.memory_space<vmem>>, vector<16xi32>,
    %swap3A_129 = vector.shape_cast %swap3A_128 : vector<16xi32> to vector<16xi32>
    %swap3A_130 = vector.shape_cast %get3A_126 : vector<16xi32> to vector<16xi32>
    tpu.vector_store %arg11[%swap3A_127], %swap3A_130 {strides = array<i32>} : memref<128xi32, #tpu.memory_space<vmem>>, vector<16xi32>,
    %get3A_131 = arith.constant 192 : index
    %get3A_132 = tpu.vector_load %arg7[%get3A_131] {strides = array<i32>} : memref<256xi32, #tpu.memory_space<vmem>>, vector<16xi32>,
    %get3A_133 = vector.shape_cast %get3A_132 : vector<16xi32> to vector<16xi32>
    %swap3A_134 = arith.constant 64 : index
    %swap3A_135 = tpu.vector_load %arg11[%swap3A_134] {strides = array<i32>} : memref<128xi32, #tpu.memory_space<vmem>>, vector<16xi32>,
    %swap3A_136 = vector.shape_cast %swap3A_135 : vector<16xi32> to vector<16xi32>
    %swap3A_137 = vector.shape_cast %get3A_133 : vector<16xi32> to vector<16xi32>
    tpu.vector_store %arg11[%swap3A_134], %swap3A_137 {strides = array<i32>} : memref<128xi32, #tpu.memory_space<vmem>>, vector<16xi32>,
    %get3A_138 = arith.constant 208 : index
    %get3A_139 = tpu.vector_load %arg7[%get3A_138] {strides = array<i32>} : memref<256xi32, #tpu.memory_space<vmem>>, vector<16xi32>,
    %get3A_140 = vector.shape_cast %get3A_139 : vector<16xi32> to vector<16xi32>
    %swap3A_141 = arith.constant 80 : index
    %swap3A_142 = tpu.vector_load %arg11[%swap3A_141] {strides = array<i32>} : memref<128xi32, #tpu.memory_space<vmem>>, vector<16xi32>,
    %swap3A_143 = vector.shape_cast %swap3A_142 : vector<16xi32> to vector<16xi32>
    %swap3A_144 = vector.shape_cast %get3A_140 : vector<16xi32> to vector<16xi32>
    tpu.vector_store %arg11[%swap3A_141], %swap3A_144 {strides = array<i32>} : memref<128xi32, #tpu.memory_space<vmem>>, vector<16xi32>,
    %get3A_145 = arith.constant 224 : index
    %get3A_146 = tpu.vector_load %arg7[%get3A_145] {strides = array<i32>} : memref<256xi32, #tpu.memory_space<vmem>>, vector<16xi32>,
    %get3A_147 = vector.shape_cast %get3A_146 : vector<16xi32> to vector<16xi32>
    %swap3A_148 = arith.constant 96 : index
    %swap3A_149 = tpu.vector_load %arg11[%swap3A_148] {strides = array<i32>} : memref<128xi32, #tpu.memory_space<vmem>>, vector<16xi32>,
    %swap3A_150 = vector.shape_cast %swap3A_149 : vector<16xi32> to vector<16xi32>
    %swap3A_151 = vector.shape_cast %get3A_147 : vector<16xi32> to vector<16xi32>
    tpu.vector_store %arg11[%swap3A_148], %swap3A_151 {strides = array<i32>} : memref<128xi32, #tpu.memory_space<vmem>>, vector<16xi32>,
    %get3A_152 = arith.constant 240 : index
    %get3A_153 = tpu.vector_load %arg7[%get3A_152] {strides = array<i32>} : memref<256xi32, #tpu.memory_space<vmem>>, vector<16xi32>,
    %get3A_154 = vector.shape_cast %get3A_153 : vector<16xi32> to vector<16xi32>
    %swap3A_155 = arith.constant 112 : index
    %swap3A_156 = tpu.vector_load %arg11[%swap3A_155] {strides = array<i32>} : memref<128xi32, #tpu.memory_space<vmem>>, vector<16xi32>,
    %swap3A_157 = vector.shape_cast %swap3A_156 : vector<16xi32> to vector<16xi32>
    %swap3A_158 = vector.shape_cast %get3A_154 : vector<16xi32> to vector<16xi32>
    tpu.vector_store %arg11[%swap3A_155], %swap3A_158 {strides = array<i32>} : memref<128xi32, #tpu.memory_space<vmem>>, vector<16xi32>,
    %dma_start3A_159 = arith.constant 0 : i32
    %dma_start3A_160 = arith.constant 0 : i32
    %dma_start3A_161 = tpu.memref_slice %arg15[%dma_start3A_159, %dma_start3A_160] : memref<10240x128xf32, #tpu.memory_space<vmem_shared>> -> memref<10240x128xf32, #tpu.memory_space<vmem_shared>>
    tpu.enqueue_indirect_dma source(%arg13 : memref<128x128xf32, #tpu.memory_space<vmem>>) target(%dma_start3A_161 : memref<10240x128xf32, #tpu.memory_space<vmem_shared>>) offsets(%arg11 : memref<128xi32, #tpu.memory_space<vmem>>) semaphore(%arg20 : memref<!tpu.dma_semaphore, #tpu.memory_space<semaphore_mem>>) {add = true}
    %dma_wait3A_162 = arith.constant 0 : i32
    %dma_wait3A_163 = arith.constant 0 : i32
    %dma_wait3A_164 = tpu.memref_slice %arg15[%dma_wait3A_162, %dma_wait3A_163] : memref<10240x128xf32, #tpu.memory_space<vmem_shared>> -> memref<10240x128xf32, #tpu.memory_space<vmem_shared>>
    tpu.wait_indirect_dma semaphore(%arg21 : memref<!tpu.dma_semaphore, #tpu.memory_space<semaphore_mem>>) src(%arg14 : memref<128x128xf32, #tpu.memory_space<vmem>>) dst(%dma_wait3A_164 : memref<10240x128xf32, #tpu.memory_space<vmem_shared>>)
    %dma_wait3A_165 = arith.constant 0 : i32
    %dma_wait3A_166 = arith.constant 0 : i32
    %dma_wait3A_167 = tpu.memref_slice %arg15[%dma_wait3A_165, %dma_wait3A_166] : memref<10240x128xf32, #tpu.memory_space<vmem_shared>> -> memref<10240x128xf32, #tpu.memory_space<vmem_shared>>
    tpu.wait_indirect_dma semaphore(%arg20 : memref<!tpu.dma_semaphore, #tpu.memory_space<semaphore_mem>>) src(%arg13 : memref<128x128xf32, #tpu.memory_space<vmem>>) dst(%dma_wait3A_167 : memref<10240x128xf32, #tpu.memory_space<vmem_shared>>)
    %barrier3A_168 = arith.constant 0 : index
    tpu.barrier barrier_id(%barrier3A_168)
    %mul3A_169 = arith.constant 640 : i32
    %mul3A_170 = arith.muli %arg1, %mul3A_169 : i32
    %eq3A_171 = arith.constant 0 : i32
    %eq3A_172 = arith.cmpi eq, %arg0, %eq3A_171 : i32
    %convert_element_type3A_173 = arith.extui %eq3A_172 : i1 to i32
    %cond3A_174 = arith.constant 0 : i32
    %cond3A_175 = arith.cmpi ne, %convert_element_type3A_173, %cond3A_174 : i32
    scf.if %cond3A_175 {
      "tpu.region"() ({
        %run_scoped3A = tpu.sem_alloc : memref<!tpu.dma_semaphore, #tpu.memory_space<semaphore_mem>>
        %dma_start3A_181 = arith.constant 0 : i32
        %dma_start3A_182 = tpu.memref_slice %arg5[%mul3A_170, %dma_start3A_181] : memref<10240x128xf32, #tpu.memory_space<hbm>> -> memref<640x128xf32, #tpu.memory_space<hbm>>
        %dma_start3A_183 = arith.constant 0 : i32
        %dma_start3A_184 = tpu.memref_slice %arg15[%mul3A_170, %dma_start3A_183] : memref<10240x128xf32, #tpu.memory_space<vmem_shared>> -> memref<640x128xf32, #tpu.memory_space<vmem_shared>>
        tpu.enqueue_dma source(%dma_start3A_184 : memref<640x128xf32, #tpu.memory_space<vmem_shared>>) target(%dma_start3A_182 : memref<640x128xf32, #tpu.memory_space<hbm>>) target_semaphore(%run_scoped3A : memref<!tpu.dma_semaphore, #tpu.memory_space<semaphore_mem>>)
        %dma_wait3A_185 = arith.constant 0 : i32
        %dma_wait3A_186 = tpu.memref_slice %arg5[%mul3A_170, %dma_wait3A_185] : memref<10240x128xf32, #tpu.memory_space<hbm>> -> memref<640x128xf32, #tpu.memory_space<hbm>>
        %dma_wait3A_187 = arith.constant 0 : i32
        %dma_wait3A_188 = tpu.memref_slice %arg15[%mul3A_170, %dma_wait3A_187] : memref<10240x128xf32, #tpu.memory_space<vmem_shared>> -> memref<640x128xf32, #tpu.memory_space<vmem_shared>>
        tpu.wait_dma2 semaphore(%run_scoped3A : memref<!tpu.dma_semaphore, #tpu.memory_space<semaphore_mem>>) src(%dma_wait3A_188 : memref<640x128xf32, #tpu.memory_space<vmem_shared>>) dst(%dma_wait3A_186 : memref<640x128xf32, #tpu.memory_space<hbm>>)
        tpu.yield
      }) : () -> ()
    } else {
    }
    %eq3A_176 = arith.constant 1 : i32
    %eq3A_177 = arith.cmpi eq, %arg0, %eq3A_176 : i32
    %convert_element_type3A_178 = arith.extui %eq3A_177 : i1 to i32
    %cond3A_179 = arith.constant 0 : i32
    %cond3A_180 = arith.cmpi ne, %convert_element_type3A_178, %cond3A_179 : i32
    scf.if %cond3A_180 {
      "tpu.region"() ({
        %run_scoped3A = tpu.sem_alloc : memref<!tpu.dma_semaphore, #tpu.memory_space<semaphore_mem>>
        %dma_start3A_181 = arith.constant 0 : i32
        %dma_start3A_182 = tpu.memref_slice %arg6[%mul3A_170, %dma_start3A_181] : memref<10240x128xf32, #tpu.memory_space<hbm>> -> memref<640x128xf32, #tpu.memory_space<hbm>>
        %dma_start3A_183 = arith.constant 0 : i32
        %dma_start3A_184 = tpu.memref_slice %arg15[%mul3A_170, %dma_start3A_183] : memref<10240x128xf32, #tpu.memory_space<vmem_shared>> -> memref<640x128xf32, #tpu.memory_space<vmem_shared>>
        tpu.enqueue_dma source(%dma_start3A_184 : memref<640x128xf32, #tpu.memory_space<vmem_shared>>) target(%dma_start3A_182 : memref<640x128xf32, #tpu.memory_space<hbm>>) target_semaphore(%run_scoped3A : memref<!tpu.dma_semaphore, #tpu.memory_space<semaphore_mem>>)
        %dma_wait3A_185 = arith.constant 0 : i32
        %dma_wait3A_186 = tpu.memref_slice %arg6[%mul3A_170, %dma_wait3A_185] : memref<10240x128xf32, #tpu.memory_space<hbm>> -> memref<640x128xf32, #tpu.memory_space<hbm>>
        %dma_wait3A_187 = arith.constant 0 : i32
        %dma_wait3A_188 = tpu.memref_slice %arg15[%mul3A_170, %dma_wait3A_187] : memref<10240x128xf32, #tpu.memory_space<vmem_shared>> -> memref<640x128xf32, #tpu.memory_space<vmem_shared>>
        tpu.wait_dma2 semaphore(%run_scoped3A : memref<!tpu.dma_semaphore, #tpu.memory_space<semaphore_mem>>) src(%dma_wait3A_188 : memref<640x128xf32, #tpu.memory_space<vmem_shared>>) dst(%dma_wait3A_186 : memref<640x128xf32, #tpu.memory_space<hbm>>)
        tpu.yield
      }) : () -> ()
    } else {
    }
    return
  }
}

module attributes {stable_mosaic.version = 14 : i64} {
  func.func @_layer_body(%arg0: i32, %arg1: memref<2048x64xf32, #tpu.memory_space<vmem>>, %arg2: memref<2048x64xf32, #tpu.memory_space<vmem>>, %arg3: memref<2048x16xf32, #tpu.memory_space<vmem>>, %arg4: memref<2048x64xf32, #tpu.memory_space<vmem>>, %arg5: memref<2048x64xf32, #tpu.memory_space<vmem>>, %arg6: memref<256x128xf32, #tpu.memory_space<vmem>>, %arg7: memref<1x256xf32, #tpu.memory_space<vmem>>, %arg8: memref<256x128xf32, #tpu.memory_space<vmem>>, %arg9: memref<1x256xf32, #tpu.memory_space<vmem>>, %arg10: memref<1x256xf32, #tpu.memory_space<vmem>>, %arg11: memref<2048x128xf32, #tpu.memory_space<vmem>>, %arg12: memref<2048x128xf32, #tpu.memory_space<vmem>>) attributes {dimension_semantics = [#tpu.dimension_semantics<arbitrary>], iteration_bounds = array<i64: 5>, scalar_prefetch = 0 : i64, scratch_operands = 0 : i64, tpu.core_type = #tpu.core_type<tc>, window_params = [{transform_indices = @transform_0, window_bounds = array<i64: 2048, 64>}, {transform_indices = @transform_1, window_bounds = array<i64: 2048, 64>}, {transform_indices = @transform_2, window_bounds = array<i64: 2048, 16>}, {transform_indices = @transform_3, window_bounds = array<i64: 2048, 64>}, {transform_indices = @transform_4, window_bounds = array<i64: 2048, 64>}, {pipeline_mode = #tpu.pipeline_mode<synchronous>, transform_indices = @transform_5, window_bounds = array<i64: 256, 128>}, {pipeline_mode = #tpu.pipeline_mode<synchronous>, transform_indices = @transform_6, window_bounds = array<i64: 1, 256>}, {pipeline_mode = #tpu.pipeline_mode<synchronous>, transform_indices = @transform_7, window_bounds = array<i64: 256, 128>}, {pipeline_mode = #tpu.pipeline_mode<synchronous>, transform_indices = @transform_8, window_bounds = array<i64: 1, 256>}, {pipeline_mode = #tpu.pipeline_mode<synchronous>, transform_indices = @transform_9, window_bounds = array<i64: 1, 256>}, {transform_indices = @transform_10, window_bounds = array<i64: 2048, 128>}, {transform_indices = @transform_11, window_bounds = array<i64: 2048, 128>}]} {
    %get3A = arith.constant 0 : index
    %get3A_0 = arith.constant 0 : index
    %get3A_1 = vector.load %arg3[%get3A, %get3A_0] : memref<2048x16xf32, #tpu.memory_space<vmem>>, vector<2048x16xf32>
    %slice3A = vector.extract_strided_slice %get3A_1 {offsets = [0, 0], sizes = [2048, 1], strides = [1, 1]} : vector<2048x16xf32> to vector<2048x1xf32>
    %max3A = arith.constant 1.000000e+00 : f32
    %max3A_2 = vector.broadcast %max3A : f32 to vector<2048x1xf32>
    %max3A_3 = arith.maximumf %slice3A, %max3A_2 : vector<2048x1xf32>
    %div3A = arith.constant 1.000000e+00 : f32
    %div3A_4 = vector.broadcast %div3A : f32 to vector<2048x1xf32>
    %div3A_5 = arith.divf %div3A_4, %max3A_3 : vector<2048x1xf32>
    %get3A_6 = arith.constant 0 : index
    %get3A_7 = arith.constant 0 : index
    %get3A_8 = vector.load %arg1[%get3A_6, %get3A_7] : memref<2048x64xf32, #tpu.memory_space<vmem>>, vector<2048x64xf32>
    %get3A_9 = arith.constant 0 : index
    %get3A_10 = arith.constant 0 : index
    %get3A_11 = vector.load %arg2[%get3A_9, %get3A_10] : memref<2048x64xf32, #tpu.memory_space<vmem>>, vector<2048x64xf32>
    %concatenate3A = tpu.concatenate %get3A_8, %get3A_11 in 1 : vector<2048x64xf32>, vector<2048x64xf32> -> vector<2048x128xf32>
    %mul3A = vector.broadcast %div3A_5 : vector<2048x1xf32> to vector<2048x128xf32>
    %mul3A_12 = arith.mulf %concatenate3A, %mul3A : vector<2048x128xf32>
    %get3A_13 = arith.constant 0 : index
    %get3A_14 = arith.constant 0 : index
    %get3A_15 = vector.load %arg4[%get3A_13, %get3A_14] : memref<2048x64xf32, #tpu.memory_space<vmem>>, vector<2048x64xf32>
    %get3A_16 = arith.constant 0 : index
    %get3A_17 = arith.constant 0 : index
    %get3A_18 = vector.load %arg5[%get3A_16, %get3A_17] : memref<2048x64xf32, #tpu.memory_space<vmem>>, vector<2048x64xf32>
    %concatenate3A_19 = tpu.concatenate %get3A_15, %get3A_18 in 1 : vector<2048x64xf32>, vector<2048x64xf32> -> vector<2048x128xf32>
    %get3A_20 = arith.constant 0 : index
    %get3A_21 = arith.constant 0 : index
    %get3A_22 = vector.load %arg6[%get3A_20, %get3A_21] : memref<256x128xf32, #tpu.memory_space<vmem>>, vector<256x128xf32>
    %dot_general3A = arith.constant dense<0.000000e+00> : vector<2048x256xf32>
    %dot_general3A_23 = tpu.matmul %mul3A_12, %get3A_22, %dot_general3A {dimension_numbers = #tpu.dot_dimension_numbers<[1], [1], [0], [0], [0, 0, 1, 0], [], []>, precision = #tpu.contract_precision<fp32>, transpose_lhs_hint = false} : vector<2048x128xf32>, vector<256x128xf32>, vector<2048x256xf32> -> vector<2048x256xf32>
    %get3A_24 = arith.constant 0 : index
    %get3A_25 = arith.constant 0 : index
    %get3A_26 = vector.load %arg8[%get3A_24, %get3A_25] : memref<256x128xf32, #tpu.memory_space<vmem>>, vector<256x128xf32>
    %dot_general3A_27 = arith.constant dense<0.000000e+00> : vector<2048x256xf32>
    %dot_general3A_28 = tpu.matmul %concatenate3A_19, %get3A_26, %dot_general3A_27 {dimension_numbers = #tpu.dot_dimension_numbers<[1], [1], [0], [0], [0, 0, 1, 0], [], []>, precision = #tpu.contract_precision<fp32>, transpose_lhs_hint = false} : vector<2048x128xf32>, vector<256x128xf32>, vector<2048x256xf32> -> vector<2048x256xf32>
    %add3A = arith.addf %dot_general3A_23, %dot_general3A_28 : vector<2048x256xf32>
    %get3A_29 = arith.constant 0 : index
    %get3A_30 = arith.constant 0 : index
    %get3A_31 = vector.load %arg7[%get3A_29, %get3A_30] : memref<1x256xf32, #tpu.memory_space<vmem>>, vector<1x256xf32>
    %add3A_32 = vector.broadcast %get3A_31 : vector<1x256xf32> to vector<2048x256xf32>
    %add3A_33 = arith.addf %add3A, %add3A_32 : vector<2048x256xf32>
    %get3A_34 = arith.constant 0 : index
    %get3A_35 = arith.constant 0 : index
    %get3A_36 = vector.load %arg9[%get3A_34, %get3A_35] : memref<1x256xf32, #tpu.memory_space<vmem>>, vector<1x256xf32>
    %mul3A_37 = arith.constant 0.999994993 : f32
    %mul3A_38 = vector.broadcast %mul3A_37 : f32 to vector<2048x256xf32>
    %mul3A_39 = arith.mulf %add3A_33, %mul3A_38 : vector<2048x256xf32>
    %mul3A_40 = vector.broadcast %get3A_36 : vector<1x256xf32> to vector<2048x256xf32>
    %mul3A_41 = arith.mulf %mul3A_40, %mul3A_39 : vector<2048x256xf32>
    %get3A_42 = arith.constant 0 : index
    %get3A_43 = arith.constant 0 : index
    %get3A_44 = vector.load %arg10[%get3A_42, %get3A_43] : memref<1x256xf32, #tpu.memory_space<vmem>>, vector<1x256xf32>
    %add3A_45 = vector.broadcast %get3A_44 : vector<1x256xf32> to vector<2048x256xf32>
    %add3A_46 = arith.addf %mul3A_41, %add3A_45 : vector<2048x256xf32>
    %max3A_47 = arith.constant 0.000000e+00 : f32
    %max3A_48 = vector.broadcast %max3A_47 : f32 to vector<2048x256xf32>
    %max3A_49 = arith.maximumf %add3A_46, %max3A_48 : vector<2048x256xf32>
    %slice3A_50 = vector.extract_strided_slice %max3A_49 {offsets = [0, 0], sizes = [2048, 128], strides = [1, 1]} : vector<2048x256xf32> to vector<2048x128xf32>
    %swap3A = arith.constant 0 : index
    %swap3A_51 = arith.constant 0 : index
    %swap3A_52 = vector.load %arg11[%swap3A, %swap3A_51] : memref<2048x128xf32, #tpu.memory_space<vmem>>, vector<2048x128xf32>
    tpu.vector_store %arg11[%swap3A, %swap3A_51], %slice3A_50 {strides = array<i32>} : memref<2048x128xf32, #tpu.memory_space<vmem>>, vector<2048x128xf32>,
    %slice3A_53 = vector.extract_strided_slice %max3A_49 {offsets = [0, 128], sizes = [2048, 128], strides = [1, 1]} : vector<2048x256xf32> to vector<2048x128xf32>
    %swap3A_54 = arith.constant 0 : index
    %swap3A_55 = arith.constant 0 : index
    %swap3A_56 = vector.load %arg12[%swap3A_54, %swap3A_55] : memref<2048x128xf32, #tpu.memory_space<vmem>>, vector<2048x128xf32>
    tpu.vector_store %arg12[%swap3A_54, %swap3A_55], %slice3A_53 {strides = array<i32>} : memref<2048x128xf32, #tpu.memory_space<vmem>>, vector<2048x128xf32>,
    return
  }
  func.func @transform_0(%arg0: i32) -> (i32, i32) {
    %c0_i32 = arith.constant 0 : i32
    %c0_i32_0 = arith.constant 0 : i32
    return %arg0, %c0_i32 : i32, i32
  }
  func.func @transform_1(%arg0: i32) -> (i32, i32) {
    %c0_i32 = arith.constant 0 : i32
    %c0_i32_0 = arith.constant 0 : i32
    return %arg0, %c0_i32 : i32, i32
  }
  func.func @transform_2(%arg0: i32) -> (i32, i32) {
    %c0_i32 = arith.constant 0 : i32
    %c0_i32_0 = arith.constant 0 : i32
    return %arg0, %c0_i32 : i32, i32
  }
  func.func @transform_3(%arg0: i32) -> (i32, i32) {
    %c0_i32 = arith.constant 0 : i32
    %c0_i32_0 = arith.constant 0 : i32
    return %arg0, %c0_i32 : i32, i32
  }
  func.func @transform_4(%arg0: i32) -> (i32, i32) {
    %c0_i32 = arith.constant 0 : i32
    %c0_i32_0 = arith.constant 0 : i32
    return %arg0, %c0_i32 : i32, i32
  }
  func.func @transform_5(%arg0: i32) -> (i32, i32) {
    %c0_i32 = arith.constant 0 : i32
    %c0_i32_0 = arith.constant 0 : i32
    %c0_i32_1 = arith.constant 0 : i32
    return %c0_i32, %c0_i32_0 : i32, i32
  }
  func.func @transform_6(%arg0: i32) -> (i32, i32) {
    %c0_i32 = arith.constant 0 : i32
    %c0_i32_0 = arith.constant 0 : i32
    %c0_i32_1 = arith.constant 0 : i32
    return %c0_i32, %c0_i32_0 : i32, i32
  }
  func.func @transform_7(%arg0: i32) -> (i32, i32) {
    %c0_i32 = arith.constant 0 : i32
    %c0_i32_0 = arith.constant 0 : i32
    %c0_i32_1 = arith.constant 0 : i32
    return %c0_i32, %c0_i32_0 : i32, i32
  }
  func.func @transform_8(%arg0: i32) -> (i32, i32) {
    %c0_i32 = arith.constant 0 : i32
    %c0_i32_0 = arith.constant 0 : i32
    %c0_i32_1 = arith.constant 0 : i32
    return %c0_i32, %c0_i32_0 : i32, i32
  }
  func.func @transform_9(%arg0: i32) -> (i32, i32) {
    %c0_i32 = arith.constant 0 : i32
    %c0_i32_0 = arith.constant 0 : i32
    %c0_i32_1 = arith.constant 0 : i32
    return %c0_i32, %c0_i32_0 : i32, i32
  }
  func.func @transform_10(%arg0: i32) -> (i32, i32) {
    %c0_i32 = arith.constant 0 : i32
    %c0_i32_0 = arith.constant 0 : i32
    return %arg0, %c0_i32 : i32, i32
  }
  func.func @transform_11(%arg0: i32) -> (i32, i32) {
    %c0_i32 = arith.constant 0 : i32
    %c0_i32_0 = arith.constant 0 : i32
    return %arg0, %c0_i32 : i32, i32
  }
}

module attributes {stable_mosaic.version = 14 : i64} {
  func.func @_layer_body(%arg0: i32, %arg1: memref<2048x128xf32, #tpu.memory_space<vmem>>, %arg2: memref<2048x128xf32, #tpu.memory_space<vmem>>, %arg3: memref<2048x16xf32, #tpu.memory_space<vmem>>, %arg4: memref<2048x128xf32, #tpu.memory_space<vmem>>, %arg5: memref<2048x128xf32, #tpu.memory_space<vmem>>, %arg6: memref<256x256xf32, #tpu.memory_space<vmem>>, %arg7: memref<1x256xf32, #tpu.memory_space<vmem>>, %arg8: memref<256x256xf32, #tpu.memory_space<vmem>>, %arg9: memref<1x256xf32, #tpu.memory_space<vmem>>, %arg10: memref<1x256xf32, #tpu.memory_space<vmem>>, %arg11: memref<2048x128xf32, #tpu.memory_space<vmem>>, %arg12: memref<2048x128xf32, #tpu.memory_space<vmem>>) attributes {dimension_semantics = [#tpu.dimension_semantics<arbitrary>], iteration_bounds = array<i64: 5>, scalar_prefetch = 0 : i64, scratch_operands = 0 : i64, tpu.core_type = #tpu.core_type<tc>, window_params = [{transform_indices = @transform_0, window_bounds = array<i64: 2048, 128>}, {transform_indices = @transform_1, window_bounds = array<i64: 2048, 128>}, {transform_indices = @transform_2, window_bounds = array<i64: 2048, 16>}, {transform_indices = @transform_3, window_bounds = array<i64: 2048, 128>}, {transform_indices = @transform_4, window_bounds = array<i64: 2048, 128>}, {pipeline_mode = #tpu.pipeline_mode<synchronous>, transform_indices = @transform_5, window_bounds = array<i64: 256, 256>}, {pipeline_mode = #tpu.pipeline_mode<synchronous>, transform_indices = @transform_6, window_bounds = array<i64: 1, 256>}, {pipeline_mode = #tpu.pipeline_mode<synchronous>, transform_indices = @transform_7, window_bounds = array<i64: 256, 256>}, {pipeline_mode = #tpu.pipeline_mode<synchronous>, transform_indices = @transform_8, window_bounds = array<i64: 1, 256>}, {pipeline_mode = #tpu.pipeline_mode<synchronous>, transform_indices = @transform_9, window_bounds = array<i64: 1, 256>}, {transform_indices = @transform_10, window_bounds = array<i64: 2048, 128>}, {transform_indices = @transform_11, window_bounds = array<i64: 2048, 128>}]} {
    %get3A = arith.constant 0 : index
    %get3A_0 = arith.constant 0 : index
    %get3A_1 = vector.load %arg3[%get3A, %get3A_0] : memref<2048x16xf32, #tpu.memory_space<vmem>>, vector<2048x16xf32>
    %slice3A = vector.extract_strided_slice %get3A_1 {offsets = [0, 0], sizes = [2048, 1], strides = [1, 1]} : vector<2048x16xf32> to vector<2048x1xf32>
    %max3A = arith.constant 1.000000e+00 : f32
    %max3A_2 = vector.broadcast %max3A : f32 to vector<2048x1xf32>
    %max3A_3 = arith.maximumf %slice3A, %max3A_2 : vector<2048x1xf32>
    %div3A = arith.constant 1.000000e+00 : f32
    %div3A_4 = vector.broadcast %div3A : f32 to vector<2048x1xf32>
    %div3A_5 = arith.divf %div3A_4, %max3A_3 : vector<2048x1xf32>
    %get3A_6 = arith.constant 0 : index
    %get3A_7 = arith.constant 0 : index
    %get3A_8 = vector.load %arg1[%get3A_6, %get3A_7] : memref<2048x128xf32, #tpu.memory_space<vmem>>, vector<2048x128xf32>
    %get3A_9 = arith.constant 0 : index
    %get3A_10 = arith.constant 0 : index
    %get3A_11 = vector.load %arg2[%get3A_9, %get3A_10] : memref<2048x128xf32, #tpu.memory_space<vmem>>, vector<2048x128xf32>
    %concatenate3A = tpu.concatenate %get3A_8, %get3A_11 in 1 : vector<2048x128xf32>, vector<2048x128xf32> -> vector<2048x256xf32>
    %mul3A = vector.broadcast %div3A_5 : vector<2048x1xf32> to vector<2048x256xf32>
    %mul3A_12 = arith.mulf %concatenate3A, %mul3A : vector<2048x256xf32>
    %get3A_13 = arith.constant 0 : index
    %get3A_14 = arith.constant 0 : index
    %get3A_15 = vector.load %arg4[%get3A_13, %get3A_14] : memref<2048x128xf32, #tpu.memory_space<vmem>>, vector<2048x128xf32>
    %get3A_16 = arith.constant 0 : index
    %get3A_17 = arith.constant 0 : index
    %get3A_18 = vector.load %arg5[%get3A_16, %get3A_17] : memref<2048x128xf32, #tpu.memory_space<vmem>>, vector<2048x128xf32>
    %concatenate3A_19 = tpu.concatenate %get3A_15, %get3A_18 in 1 : vector<2048x128xf32>, vector<2048x128xf32> -> vector<2048x256xf32>
    %get3A_20 = arith.constant 0 : index
    %get3A_21 = arith.constant 0 : index
    %get3A_22 = vector.load %arg6[%get3A_20, %get3A_21] : memref<256x256xf32, #tpu.memory_space<vmem>>, vector<256x256xf32>
    %dot_general3A = arith.constant dense<0.000000e+00> : vector<2048x256xf32>
    %dot_general3A_23 = tpu.matmul %mul3A_12, %get3A_22, %dot_general3A {dimension_numbers = #tpu.dot_dimension_numbers<[1], [1], [0], [0], [0, 0, 1, 0], [], []>, precision = #tpu.contract_precision<fp32>, transpose_lhs_hint = false} : vector<2048x256xf32>, vector<256x256xf32>, vector<2048x256xf32> -> vector<2048x256xf32>
    %get3A_24 = arith.constant 0 : index
    %get3A_25 = arith.constant 0 : index
    %get3A_26 = vector.load %arg8[%get3A_24, %get3A_25] : memref<256x256xf32, #tpu.memory_space<vmem>>, vector<256x256xf32>
    %dot_general3A_27 = arith.constant dense<0.000000e+00> : vector<2048x256xf32>
    %dot_general3A_28 = tpu.matmul %concatenate3A_19, %get3A_26, %dot_general3A_27 {dimension_numbers = #tpu.dot_dimension_numbers<[1], [1], [0], [0], [0, 0, 1, 0], [], []>, precision = #tpu.contract_precision<fp32>, transpose_lhs_hint = false} : vector<2048x256xf32>, vector<256x256xf32>, vector<2048x256xf32> -> vector<2048x256xf32>
    %add3A = arith.addf %dot_general3A_23, %dot_general3A_28 : vector<2048x256xf32>
    %get3A_29 = arith.constant 0 : index
    %get3A_30 = arith.constant 0 : index
    %get3A_31 = vector.load %arg7[%get3A_29, %get3A_30] : memref<1x256xf32, #tpu.memory_space<vmem>>, vector<1x256xf32>
    %add3A_32 = vector.broadcast %get3A_31 : vector<1x256xf32> to vector<2048x256xf32>
    %add3A_33 = arith.addf %add3A, %add3A_32 : vector<2048x256xf32>
    %get3A_34 = arith.constant 0 : index
    %get3A_35 = arith.constant 0 : index
    %get3A_36 = vector.load %arg9[%get3A_34, %get3A_35] : memref<1x256xf32, #tpu.memory_space<vmem>>, vector<1x256xf32>
    %mul3A_37 = arith.constant 0.999994993 : f32
    %mul3A_38 = vector.broadcast %mul3A_37 : f32 to vector<2048x256xf32>
    %mul3A_39 = arith.mulf %add3A_33, %mul3A_38 : vector<2048x256xf32>
    %mul3A_40 = vector.broadcast %get3A_36 : vector<1x256xf32> to vector<2048x256xf32>
    %mul3A_41 = arith.mulf %mul3A_40, %mul3A_39 : vector<2048x256xf32>
    %get3A_42 = arith.constant 0 : index
    %get3A_43 = arith.constant 0 : index
    %get3A_44 = vector.load %arg10[%get3A_42, %get3A_43] : memref<1x256xf32, #tpu.memory_space<vmem>>, vector<1x256xf32>
    %add3A_45 = vector.broadcast %get3A_44 : vector<1x256xf32> to vector<2048x256xf32>
    %add3A_46 = arith.addf %mul3A_41, %add3A_45 : vector<2048x256xf32>
    %max3A_47 = arith.constant 0.000000e+00 : f32
    %max3A_48 = vector.broadcast %max3A_47 : f32 to vector<2048x256xf32>
    %max3A_49 = arith.maximumf %add3A_46, %max3A_48 : vector<2048x256xf32>
    %slice3A_50 = vector.extract_strided_slice %max3A_49 {offsets = [0, 0], sizes = [2048, 128], strides = [1, 1]} : vector<2048x256xf32> to vector<2048x128xf32>
    %swap3A = arith.constant 0 : index
    %swap3A_51 = arith.constant 0 : index
    %swap3A_52 = vector.load %arg11[%swap3A, %swap3A_51] : memref<2048x128xf32, #tpu.memory_space<vmem>>, vector<2048x128xf32>
    tpu.vector_store %arg11[%swap3A, %swap3A_51], %slice3A_50 {strides = array<i32>} : memref<2048x128xf32, #tpu.memory_space<vmem>>, vector<2048x128xf32>,
    %slice3A_53 = vector.extract_strided_slice %max3A_49 {offsets = [0, 128], sizes = [2048, 128], strides = [1, 1]} : vector<2048x256xf32> to vector<2048x128xf32>
    %swap3A_54 = arith.constant 0 : index
    %swap3A_55 = arith.constant 0 : index
    %swap3A_56 = vector.load %arg12[%swap3A_54, %swap3A_55] : memref<2048x128xf32, #tpu.memory_space<vmem>>, vector<2048x128xf32>
    tpu.vector_store %arg12[%swap3A_54, %swap3A_55], %slice3A_53 {strides = array<i32>} : memref<2048x128xf32, #tpu.memory_space<vmem>>, vector<2048x128xf32>,
    return
  }
  func.func @transform_0(%arg0: i32) -> (i32, i32) {
    %c0_i32 = arith.constant 0 : i32
    %c0_i32_0 = arith.constant 0 : i32
    return %arg0, %c0_i32 : i32, i32
  }
  func.func @transform_1(%arg0: i32) -> (i32, i32) {
    %c0_i32 = arith.constant 0 : i32
    %c0_i32_0 = arith.constant 0 : i32
    return %arg0, %c0_i32 : i32, i32
  }
  func.func @transform_2(%arg0: i32) -> (i32, i32) {
    %c0_i32 = arith.constant 0 : i32
    %c0_i32_0 = arith.constant 0 : i32
    return %arg0, %c0_i32 : i32, i32
  }
  func.func @transform_3(%arg0: i32) -> (i32, i32) {
    %c0_i32 = arith.constant 0 : i32
    %c0_i32_0 = arith.constant 0 : i32
    return %arg0, %c0_i32 : i32, i32
  }
  func.func @transform_4(%arg0: i32) -> (i32, i32) {
    %c0_i32 = arith.constant 0 : i32
    %c0_i32_0 = arith.constant 0 : i32
    return %arg0, %c0_i32 : i32, i32
  }
  func.func @transform_5(%arg0: i32) -> (i32, i32) {
    %c0_i32 = arith.constant 0 : i32
    %c0_i32_0 = arith.constant 0 : i32
    %c0_i32_1 = arith.constant 0 : i32
    return %c0_i32, %c0_i32_0 : i32, i32
  }
  func.func @transform_6(%arg0: i32) -> (i32, i32) {
    %c0_i32 = arith.constant 0 : i32
    %c0_i32_0 = arith.constant 0 : i32
    %c0_i32_1 = arith.constant 0 : i32
    return %c0_i32, %c0_i32_0 : i32, i32
  }
  func.func @transform_7(%arg0: i32) -> (i32, i32) {
    %c0_i32 = arith.constant 0 : i32
    %c0_i32_0 = arith.constant 0 : i32
    %c0_i32_1 = arith.constant 0 : i32
    return %c0_i32, %c0_i32_0 : i32, i32
  }
  func.func @transform_8(%arg0: i32) -> (i32, i32) {
    %c0_i32 = arith.constant 0 : i32
    %c0_i32_0 = arith.constant 0 : i32
    %c0_i32_1 = arith.constant 0 : i32
    return %c0_i32, %c0_i32_0 : i32, i32
  }
  func.func @transform_9(%arg0: i32) -> (i32, i32) {
    %c0_i32 = arith.constant 0 : i32
    %c0_i32_0 = arith.constant 0 : i32
    %c0_i32_1 = arith.constant 0 : i32
    return %c0_i32, %c0_i32_0 : i32, i32
  }
  func.func @transform_10(%arg0: i32) -> (i32, i32) {
    %c0_i32 = arith.constant 0 : i32
    %c0_i32_0 = arith.constant 0 : i32
    return %arg0, %c0_i32 : i32, i32
  }
  func.func @transform_11(%arg0: i32) -> (i32, i32) {
    %c0_i32 = arith.constant 0 : i32
    %c0_i32_0 = arith.constant 0 : i32
    return %arg0, %c0_i32 : i32, i32
  }
}

module attributes {stable_mosaic.version = 14 : i64} {
  func.func @_head_body(%arg0: i32, %arg1: memref<2048x128xf32, #tpu.memory_space<vmem>>, %arg2: memref<2048x128xf32, #tpu.memory_space<vmem>>, %arg3: memref<2048x16xf32, #tpu.memory_space<vmem>>, %arg4: memref<2048x128xf32, #tpu.memory_space<vmem>>, %arg5: memref<2048x128xf32, #tpu.memory_space<vmem>>, %arg6: memref<256x256xf32, #tpu.memory_space<vmem>>, %arg7: memref<1x256xf32, #tpu.memory_space<vmem>>, %arg8: memref<256x256xf32, #tpu.memory_space<vmem>>, %arg9: memref<1x256xf32, #tpu.memory_space<vmem>>, %arg10: memref<1x256xf32, #tpu.memory_space<vmem>>, %arg11: memref<128x256xf32, #tpu.memory_space<vmem>>, %arg12: memref<1x128xf32, #tpu.memory_space<vmem>>, %arg13: memref<2x128xf32, #tpu.memory_space<vmem>>, %arg14: memref<1x2xf32, #tpu.memory_space<vmem>>, %arg15: memref<2048x2xf32, #tpu.memory_space<vmem>>) attributes {dimension_semantics = [#tpu.dimension_semantics<arbitrary>], iteration_bounds = array<i64: 5>, scalar_prefetch = 0 : i64, scratch_operands = 0 : i64, tpu.core_type = #tpu.core_type<tc>, window_params = [{transform_indices = @transform_0, window_bounds = array<i64: 2048, 128>}, {transform_indices = @transform_1, window_bounds = array<i64: 2048, 128>}, {transform_indices = @transform_2, window_bounds = array<i64: 2048, 16>}, {transform_indices = @transform_3, window_bounds = array<i64: 2048, 128>}, {transform_indices = @transform_4, window_bounds = array<i64: 2048, 128>}, {pipeline_mode = #tpu.pipeline_mode<synchronous>, transform_indices = @transform_5, window_bounds = array<i64: 256, 256>}, {pipeline_mode = #tpu.pipeline_mode<synchronous>, transform_indices = @transform_6, window_bounds = array<i64: 1, 256>}, {pipeline_mode = #tpu.pipeline_mode<synchronous>, transform_indices = @transform_7, window_bounds = array<i64: 256, 256>}, {pipeline_mode = #tpu.pipeline_mode<synchronous>, transform_indices = @transform_8, window_bounds = array<i64: 1, 256>}, {pipeline_mode = #tpu.pipeline_mode<synchronous>, transform_indices = @transform_9, window_bounds = array<i64: 1, 256>}, {pipeline_mode = #tpu.pipeline_mode<synchronous>, transform_indices = @transform_10, window_bounds = array<i64: 128, 256>}, {pipeline_mode = #tpu.pipeline_mode<synchronous>, transform_indices = @transform_11, window_bounds = array<i64: 1, 128>}, {pipeline_mode = #tpu.pipeline_mode<synchronous>, transform_indices = @transform_12, window_bounds = array<i64: 2, 128>}, {pipeline_mode = #tpu.pipeline_mode<synchronous>, transform_indices = @transform_13, window_bounds = array<i64: 1, 2>}, {transform_indices = @transform_14, window_bounds = array<i64: 2048, 2>}]} {
    %get3A = arith.constant 0 : index
    %get3A_0 = arith.constant 0 : index
    %get3A_1 = vector.load %arg3[%get3A, %get3A_0] : memref<2048x16xf32, #tpu.memory_space<vmem>>, vector<2048x16xf32>
    %slice3A = vector.extract_strided_slice %get3A_1 {offsets = [0, 0], sizes = [2048, 1], strides = [1, 1]} : vector<2048x16xf32> to vector<2048x1xf32>
    %max3A = arith.constant 1.000000e+00 : f32
    %max3A_2 = vector.broadcast %max3A : f32 to vector<2048x1xf32>
    %max3A_3 = arith.maximumf %slice3A, %max3A_2 : vector<2048x1xf32>
    %div3A = arith.constant 1.000000e+00 : f32
    %div3A_4 = vector.broadcast %div3A : f32 to vector<2048x1xf32>
    %div3A_5 = arith.divf %div3A_4, %max3A_3 : vector<2048x1xf32>
    %get3A_6 = arith.constant 0 : index
    %get3A_7 = arith.constant 0 : index
    %get3A_8 = vector.load %arg1[%get3A_6, %get3A_7] : memref<2048x128xf32, #tpu.memory_space<vmem>>, vector<2048x128xf32>
    %get3A_9 = arith.constant 0 : index
    %get3A_10 = arith.constant 0 : index
    %get3A_11 = vector.load %arg2[%get3A_9, %get3A_10] : memref<2048x128xf32, #tpu.memory_space<vmem>>, vector<2048x128xf32>
    %concatenate3A = tpu.concatenate %get3A_8, %get3A_11 in 1 : vector<2048x128xf32>, vector<2048x128xf32> -> vector<2048x256xf32>
    %mul3A = vector.broadcast %div3A_5 : vector<2048x1xf32> to vector<2048x256xf32>
    %mul3A_12 = arith.mulf %concatenate3A, %mul3A : vector<2048x256xf32>
    %get3A_13 = arith.constant 0 : index
    %get3A_14 = arith.constant 0 : index
    %get3A_15 = vector.load %arg4[%get3A_13, %get3A_14] : memref<2048x128xf32, #tpu.memory_space<vmem>>, vector<2048x128xf32>
    %get3A_16 = arith.constant 0 : index
    %get3A_17 = arith.constant 0 : index
    %get3A_18 = vector.load %arg5[%get3A_16, %get3A_17] : memref<2048x128xf32, #tpu.memory_space<vmem>>, vector<2048x128xf32>
    %concatenate3A_19 = tpu.concatenate %get3A_15, %get3A_18 in 1 : vector<2048x128xf32>, vector<2048x128xf32> -> vector<2048x256xf32>
    %get3A_20 = arith.constant 0 : index
    %get3A_21 = arith.constant 0 : index
    %get3A_22 = vector.load %arg6[%get3A_20, %get3A_21] : memref<256x256xf32, #tpu.memory_space<vmem>>, vector<256x256xf32>
    %dot_general3A = arith.constant dense<0.000000e+00> : vector<2048x256xf32>
    %dot_general3A_23 = tpu.matmul %mul3A_12, %get3A_22, %dot_general3A {dimension_numbers = #tpu.dot_dimension_numbers<[1], [1], [0], [0], [0, 0, 1, 0], [], []>, precision = #tpu.contract_precision<fp32>, transpose_lhs_hint = false} : vector<2048x256xf32>, vector<256x256xf32>, vector<2048x256xf32> -> vector<2048x256xf32>
    %get3A_24 = arith.constant 0 : index
    %get3A_25 = arith.constant 0 : index
    %get3A_26 = vector.load %arg8[%get3A_24, %get3A_25] : memref<256x256xf32, #tpu.memory_space<vmem>>, vector<256x256xf32>
    %dot_general3A_27 = arith.constant dense<0.000000e+00> : vector<2048x256xf32>
    %dot_general3A_28 = tpu.matmul %concatenate3A_19, %get3A_26, %dot_general3A_27 {dimension_numbers = #tpu.dot_dimension_numbers<[1], [1], [0], [0], [0, 0, 1, 0], [], []>, precision = #tpu.contract_precision<fp32>, transpose_lhs_hint = false} : vector<2048x256xf32>, vector<256x256xf32>, vector<2048x256xf32> -> vector<2048x256xf32>
    %add3A = arith.addf %dot_general3A_23, %dot_general3A_28 : vector<2048x256xf32>
    %get3A_29 = arith.constant 0 : index
    %get3A_30 = arith.constant 0 : index
    %get3A_31 = vector.load %arg7[%get3A_29, %get3A_30] : memref<1x256xf32, #tpu.memory_space<vmem>>, vector<1x256xf32>
    %add3A_32 = vector.broadcast %get3A_31 : vector<1x256xf32> to vector<2048x256xf32>
    %add3A_33 = arith.addf %add3A, %add3A_32 : vector<2048x256xf32>
    %get3A_34 = arith.constant 0 : index
    %get3A_35 = arith.constant 0 : index
    %get3A_36 = vector.load %arg9[%get3A_34, %get3A_35] : memref<1x256xf32, #tpu.memory_space<vmem>>, vector<1x256xf32>
    %mul3A_37 = arith.constant 0.999994993 : f32
    %mul3A_38 = vector.broadcast %mul3A_37 : f32 to vector<2048x256xf32>
    %mul3A_39 = arith.mulf %add3A_33, %mul3A_38 : vector<2048x256xf32>
    %mul3A_40 = vector.broadcast %get3A_36 : vector<1x256xf32> to vector<2048x256xf32>
    %mul3A_41 = arith.mulf %mul3A_40, %mul3A_39 : vector<2048x256xf32>
    %get3A_42 = arith.constant 0 : index
    %get3A_43 = arith.constant 0 : index
    %get3A_44 = vector.load %arg10[%get3A_42, %get3A_43] : memref<1x256xf32, #tpu.memory_space<vmem>>, vector<1x256xf32>
    %add3A_45 = vector.broadcast %get3A_44 : vector<1x256xf32> to vector<2048x256xf32>
    %add3A_46 = arith.addf %mul3A_41, %add3A_45 : vector<2048x256xf32>
    %max3A_47 = arith.constant 0.000000e+00 : f32
    %max3A_48 = vector.broadcast %max3A_47 : f32 to vector<2048x256xf32>
    %max3A_49 = arith.maximumf %add3A_46, %max3A_48 : vector<2048x256xf32>
    %get3A_50 = arith.constant 0 : index
    %get3A_51 = arith.constant 0 : index
    %get3A_52 = vector.load %arg11[%get3A_50, %get3A_51] : memref<128x256xf32, #tpu.memory_space<vmem>>, vector<128x256xf32>
    %dot_general3A_53 = arith.constant dense<0.000000e+00> : vector<2048x128xf32>
    %dot_general3A_54 = tpu.matmul %max3A_49, %get3A_52, %dot_general3A_53 {dimension_numbers = #tpu.dot_dimension_numbers<[1], [1], [0], [0], [0, 0, 1, 0], [], []>, precision = #tpu.contract_precision<fp32>, transpose_lhs_hint = false} : vector<2048x256xf32>, vector<128x256xf32>, vector<2048x128xf32> -> vector<2048x128xf32>
    %get3A_55 = arith.constant 0 : index
    %get3A_56 = arith.constant 0 : index
    %get3A_57 = vector.load %arg12[%get3A_55, %get3A_56] : memref<1x128xf32, #tpu.memory_space<vmem>>, vector<1x128xf32>
    %add3A_58 = vector.broadcast %get3A_57 : vector<1x128xf32> to vector<2048x128xf32>
    %add3A_59 = arith.addf %dot_general3A_54, %add3A_58 : vector<2048x128xf32>
    %max3A_60 = arith.constant 0.000000e+00 : f32
    %max3A_61 = vector.broadcast %max3A_60 : f32 to vector<2048x128xf32>
    %max3A_62 = arith.maximumf %add3A_59, %max3A_61 : vector<2048x128xf32>
    %get3A_63 = arith.constant 0 : index
    %get3A_64 = arith.constant 0 : index
    %get3A_65 = vector.load %arg13[%get3A_63, %get3A_64] : memref<2x128xf32, #tpu.memory_space<vmem>>, vector<2x128xf32>
    %dot_general3A_66 = arith.constant dense<0.000000e+00> : vector<2048x2xf32>
    %dot_general3A_67 = tpu.matmul %max3A_62, %get3A_65, %dot_general3A_66 {dimension_numbers = #tpu.dot_dimension_numbers<[1], [1], [0], [0], [0, 0, 1, 0], [], []>, precision = #tpu.contract_precision<fp32>, transpose_lhs_hint = false} : vector<2048x128xf32>, vector<2x128xf32>, vector<2048x2xf32> -> vector<2048x2xf32>
    %get3A_68 = arith.constant 0 : index
    %get3A_69 = arith.constant 0 : index
    %get3A_70 = vector.load %arg14[%get3A_68, %get3A_69] : memref<1x2xf32, #tpu.memory_space<vmem>>, vector<1x2xf32>
    %add3A_71 = vector.broadcast %get3A_70 : vector<1x2xf32> to vector<2048x2xf32>
    %add3A_72 = arith.addf %dot_general3A_67, %add3A_71 : vector<2048x2xf32>
    %reduce_max3A = arith.constant dense<0xFF800000> : vector<2048xf32>
    %reduce_max3A_73 = vector.multi_reduction <maximumf>, %add3A_72, %reduce_max3A [1] : vector<2048x2xf32> to vector<2048xf32>
    %broadcast_in_dim3A = vector.shape_cast %reduce_max3A_73 : vector<2048xf32> to vector<2048x1xf32>
    %sub3A = vector.broadcast %broadcast_in_dim3A : vector<2048x1xf32> to vector<2048x2xf32>
    %sub3A_74 = arith.subf %add3A_72, %sub3A : vector<2048x2xf32>
    %exp3A = math.exp %sub3A_74 : vector<2048x2xf32>
    %reduce_sum3A = arith.constant dense<0.000000e+00> : vector<2048xf32>
    %reduce_sum3A_75 = vector.multi_reduction <add>, %exp3A, %reduce_sum3A [1] : vector<2048x2xf32> to vector<2048xf32>
    %broadcast_in_dim3A_76 = vector.shape_cast %reduce_sum3A_75 : vector<2048xf32> to vector<2048x1xf32>
    %log3A = math.log %broadcast_in_dim3A_76 : vector<2048x1xf32>
    %add3A_77 = arith.addf %broadcast_in_dim3A, %log3A : vector<2048x1xf32>
    %sub3A_78 = vector.broadcast %add3A_77 : vector<2048x1xf32> to vector<2048x2xf32>
    %sub3A_79 = arith.subf %add3A_72, %sub3A_78 : vector<2048x2xf32>
    %swap3A = arith.constant 0 : index
    %swap3A_80 = arith.constant 0 : index
    %swap3A_81 = vector.load %arg15[%swap3A, %swap3A_80] : memref<2048x2xf32, #tpu.memory_space<vmem>>, vector<2048x2xf32>
    tpu.vector_store %arg15[%swap3A, %swap3A_80], %sub3A_79 {strides = array<i32>} : memref<2048x2xf32, #tpu.memory_space<vmem>>, vector<2048x2xf32>,
    return
  }
  func.func @transform_0(%arg0: i32) -> (i32, i32) {
    %c0_i32 = arith.constant 0 : i32
    %c0_i32_0 = arith.constant 0 : i32
    return %arg0, %c0_i32 : i32, i32
  }
  func.func @transform_1(%arg0: i32) -> (i32, i32) {
    %c0_i32 = arith.constant 0 : i32
    %c0_i32_0 = arith.constant 0 : i32
    return %arg0, %c0_i32 : i32, i32
  }
  func.func @transform_2(%arg0: i32) -> (i32, i32) {
    %c0_i32 = arith.constant 0 : i32
    %c0_i32_0 = arith.constant 0 : i32
    return %arg0, %c0_i32 : i32, i32
  }
  func.func @transform_3(%arg0: i32) -> (i32, i32) {
    %c0_i32 = arith.constant 0 : i32
    %c0_i32_0 = arith.constant 0 : i32
    return %arg0, %c0_i32 : i32, i32
  }
  func.func @transform_4(%arg0: i32) -> (i32, i32) {
    %c0_i32 = arith.constant 0 : i32
    %c0_i32_0 = arith.constant 0 : i32
    return %arg0, %c0_i32 : i32, i32
  }
  func.func @transform_5(%arg0: i32) -> (i32, i32) {
    %c0_i32 = arith.constant 0 : i32
    %c0_i32_0 = arith.constant 0 : i32
    %c0_i32_1 = arith.constant 0 : i32
    return %c0_i32, %c0_i32_0 : i32, i32
  }
  func.func @transform_6(%arg0: i32) -> (i32, i32) {
    %c0_i32 = arith.constant 0 : i32
    %c0_i32_0 = arith.constant 0 : i32
    %c0_i32_1 = arith.constant 0 : i32
    return %c0_i32, %c0_i32_0 : i32, i32
  }
  func.func @transform_7(%arg0: i32) -> (i32, i32) {
    %c0_i32 = arith.constant 0 : i32
    %c0_i32_0 = arith.constant 0 : i32
    %c0_i32_1 = arith.constant 0 : i32
    return %c0_i32, %c0_i32_0 : i32, i32
  }
  func.func @transform_8(%arg0: i32) -> (i32, i32) {
    %c0_i32 = arith.constant 0 : i32
    %c0_i32_0 = arith.constant 0 : i32
    %c0_i32_1 = arith.constant 0 : i32
    return %c0_i32, %c0_i32_0 : i32, i32
  }
  func.func @transform_9(%arg0: i32) -> (i32, i32) {
    %c0_i32 = arith.constant 0 : i32
    %c0_i32_0 = arith.constant 0 : i32
    %c0_i32_1 = arith.constant 0 : i32
    return %c0_i32, %c0_i32_0 : i32, i32
  }
  func.func @transform_10(%arg0: i32) -> (i32, i32) {
    %c0_i32 = arith.constant 0 : i32
    %c0_i32_0 = arith.constant 0 : i32
    %c0_i32_1 = arith.constant 0 : i32
    return %c0_i32, %c0_i32_0 : i32, i32
  }
  func.func @transform_11(%arg0: i32) -> (i32, i32) {
    %c0_i32 = arith.constant 0 : i32
    %c0_i32_0 = arith.constant 0 : i32
    %c0_i32_1 = arith.constant 0 : i32
    return %c0_i32, %c0_i32_0 : i32, i32
  }
  func.func @transform_12(%arg0: i32) -> (i32, i32) {
    %c0_i32 = arith.constant 0 : i32
    %c0_i32_0 = arith.constant 0 : i32
    %c0_i32_1 = arith.constant 0 : i32
    return %c0_i32, %c0_i32_0 : i32, i32
  }
  func.func @transform_13(%arg0: i32) -> (i32, i32) {
    %c0_i32 = arith.constant 0 : i32
    %c0_i32_0 = arith.constant 0 : i32
    %c0_i32_1 = arith.constant 0 : i32
    return %c0_i32, %c0_i32_0 : i32, i32
  }
  func.func @transform_14(%arg0: i32) -> (i32, i32) {
    %c0_i32 = arith.constant 0 : i32
    %c0_i32_0 = arith.constant 0 : i32
    return %arg0, %c0_i32 : i32, i32
  }
}

</mosaic_0001>

<sc_bundles>
// kernel: kernel.11.cloned.1.call-start
scs
__scs_entry_jumppad:
0x0: {  	(pc) =	sbr.rel $0x88, $3  }
0x1: {  	(tag) =	ssettag $0x0;
	lr =	simm.s32 $0x1  }
0x2: {  	[smem:$0x3F8C] =	sst lr;
	_ =	strace $0xD0000000  }
0x3: {  	_ = 	snop  }
0x4: {  	_ = 	snop  }
0x5: {  	_ = 	snop  }
0x6: {  	_ = 	snop  }
0x7: {  	_ = 	snop  }
__scs_overlays_trampoline_lowered:
0x8: {  	[smem:$0x3F9B] =	sst s0  }
0x9: {  	[smem:$0x3F9C] =	sst s1  }
0xa: {  	[smem:$0x3F9D] =	sst s2  }
0xb: {  	[smem:$0x3F9E] =	sst s3  }
0xc: {  	[smem:$0x3F9F] =	sst s4  }
0xd: {  	[smem:$0x3FA0] =	sst s5  }
0xe: {  	[smem:$0x3FA1] =	sst s6  }
0xf: {  	[smem:$0x3FA2] =	sst s7  }
0x10: {  	[smem:$0x3FA3] =	sst s8  }
0x11: {  	[smem:$0x3FA4] =	sst s9;
	s0 =	simm.s32 @!p0 $0x0  }
0x12: {  	s1 =	sld [smem:$0x3F8A];
	s0 =	simm.s32 @p0 $0x1  }
0x13: {  	[smem:$0x3FA5] =	sst s0;
	s0 =	simm.s32 @!p1 $0x0  }
0x14: {  	s2 =	sld [smem:$0x3F89];
	s0 =	simm.s32 @p1 $0x1  }
0x15: {  	[smem:$0x3FA6] =	sst s0;
	s0 =	simm.s32 @!p2 $0x0  }
0x16: {  	s3 =	sld [smem:$0x3FDB];
	s0 =	simm.s32 @p2 $0x1  }
0x17: {  	s4 =	simm.s32 $0x1BF5;
	[smem:$0x3FA8] =	sst s0  }
0x18: {  	s0 =	sld [smem:$0x3F8B];
	_ =	swait.ge [sflag:s4], $0x0  }
0x19: {  	s7 =	sld [smem:$0x3F8C]  }
0x1a: {  	s8 =	sadd.s32 $0xFFFFE003, lr  }
0x1b: {  	s9 =	sadd.s32 $0xFFFFFEF7, lr;
	s5 =	simm.s32 $0xFFFFFFFF;
	p2 =	slt.u32 s8, $0xFFFFF086  }
0x1c: {  	p1 =	slt.u32 s9, $0xF7A;
	s5 =	simm.s32 @!p2 $0x0  }
0x1d: {  	s5 =	simm.s32 @p1 $0x1;
	p0 =	seq.s32 s7, s2  }
0x1e: {  	s7 =	smul.u32 @!p0 $0xF7A, s2;
	p2 =	seq.s32 @!p0 s5, $0x0  }
0x1f: {  	s9 =	smul.u32 $0xF7A, s1;
	s8 =	simm.s32 @!p0 $0x1BF5;
	p2 =	por !p2, p0  }
0x20: {  	[sflag:s8] =	ssyncset.s32 @!p0 $0xFFFFF086;
	s6 =	sadd.s32 @!p0 s3, s7;
	s7 =	simm.s32 @!p0 $0x108  }
0x21: {  	s3 =	sadd.s32 s3, s9;
	s6 =	sadd.s32 @!p0 $0x88, s6;
	s7 =	simm.s32 @p2 $0x1082  }
0x22: {  	[simem:s7], [sflag:s8] =	dma.local @!p0 [hbm:s6], $0xF7A  }
0x23: {  	s9 =	sor.u32 $0xD0000000, s2;
	s6 =	simm.s32 $0x108;
	_ =	swait.ge @!p0 [sflag:s8], $0x0  }
0x24: {  	s3 =	sadd.s32 $0x88, s3;
	s6 =	simm.s32 @!p1 $0x1082;
	[sflag:s4] =	ssyncset.s32 $0xFFFFF086  }
0x25: {  	[simem:s6], [sflag:s4] =	dma.local [hbm:s3], $0xF7A  }
0x26: {  	[smem:$0x3F8C] =	sst s1;
	(tag) =	ssettag s2;
	_ =	strace s9  }
0x27: {  	s1 =	sld [smem:$0x3F9C]  }
0x28: {  	s2 =	sld [smem:$0x3F9D]  }
0x29: {  	s4 =	sld [smem:$0x3F9F]  }
0x2a: {  	p0 =	seq.s32 s5, $0x0;
	s5 =	sld [smem:$0x3FA0]  }
0x2b: {  	s6 =	sld [smem:$0x3FA1]  }
0x2c: {  	s7 =	sld [smem:$0x3FA2]  }
0x2d: {  	s3 =	simm.s32 $0x108;
	s8 =	sld [smem:$0x3FA3]  }
0x2e: {  	s3 =	simm.s32 @!p0 $0x1082;
	s9 =	sld [smem:$0x3FA4]  }
0x2f: {  	lr =	sadd.s32 s0, s3;
	s0 =	sld [smem:$0x3F9B]  }
0x30: {  	s3 =	sld [smem:$0x3F9E]  }
0x31: {  	[smem:$0x3FA7] =	sst s10  }
0x32: {  	s10 =	sld [smem:$0x3FA5];
	_ =	sdelay $0x3  }
0x33: {  	p0 =	seq.s32 s10, $0x1;
	s10 =	sld [smem:$0x3FA7];
	_ =	sdelay $0x3  }
0x34: {  	[smem:$0x3FA7] =	sst s10  }
0x35: {  	s10 =	sld [smem:$0x3FA6];
	_ =	sdelay $0x3  }
0x36: {  	p1 =	seq.s32 s10, $0x1;
	s10 =	sld [smem:$0x3FA7];
	_ =	sdelay $0x3  }
0x37: {  	[smem:$0x3FA7] =	sst s10  }
0x38: {  	s10 =	sld [smem:$0x3FA8]  }
0x39: {  	_ = 	snop;
	(pc) =	sbr.ind lr, $3  }
0x3a: {  	_ = 	snop  }
0x3b: {  	_ = 	snop  }
0x3c: {  	p2 =	seq.s32 s10, $0x1;
	s10 =	sld [smem:$0x3FA7]  }
0x3d: {  	_ =	shalt  }
0x3e: {  	_ =	shalt  }
0x3f: {  	_ =	shalt  }
0x40: {  	_ =	shalt  }
0x41: {  	_ =	shalt  }
0x42: {  	_ =	shalt  }
0x43: {  	_ =	shalt  }
0x44: {  	_ =	shalt  }
0x45: {  	_ =	shalt  }
0x46: {  	_ =	shalt  }
0x47: {  	_ =	shalt  }
0x48: {  	_ =	shalt  }
0x49: {  	_ =	shalt  }
0x4a: {  	_ =	shalt  }
0x4b: {  	_ =	shalt  }
0x4c: {  	_ =	shalt  }
0x4d: {  	_ =	shalt  }
0x4e: {  	_ =	shalt  }
0x4f: {  	_ =	shalt  }
0x50: {  	_ =	shalt  }
0x51: {  	_ =	shalt  }
0x52: {  	_ =	shalt  }
0x53: {  	_ =	shalt  }
0x54: {  	_ =	shalt  }
0x55: {  	_ =	shalt  }
0x56: {  	_ =	shalt  }
0x57: {  	_ =	shalt  }
0x58: {  	_ =	shalt  }
0x59: {  	_ =	shalt  }
0x5a: {  	_ =	shalt  }
0x5b: {  	_ =	shalt  }
0x5c: {  	_ =	shalt  }
0x5d: {  	_ =	shalt  }
0x5e: {  	_ =	shalt  }
0x5f: {  	_ =	shalt  }
0x60: {  	_ =	shalt  }
0x61: {  	_ =	shalt  }
0x62: {  	_ =	shalt  }
0x63: {  	_ =	shalt  }
0x64: {  	_ =	shalt  }
0x65: {  	_ =	shalt  }
0x66: {  	_ =	shalt  }
0x67: {  	_ =	shalt  }
0x68: {  	_ =	shalt  }
0x69: {  	_ =	shalt  }
0x6a: {  	_ =	shalt  }
0x6b: {  	_ =	shalt  }
0x6c: {  	_ =	shalt  }
0x6d: {  	_ =	shalt  }
0x6e: {  	_ =	shalt  }
0x6f: {  	_ =	shalt  }
0x70: {  	_ =	shalt  }
0x71: {  	_ =	shalt  }
0x72: {  	_ =	shalt  }
0x73: {  	_ =	shalt  }
0x74: {  	_ =	shalt  }
0x75: {  	_ =	shalt  }
0x76: {  	_ =	shalt  }
0x77: {  	_ =	shalt  }
0x78: {  	_ =	shalt  }
0x79: {  	_ =	shalt  }
0x7a: {  	_ =	shalt  }
0x7b: {  	_ =	shalt  }
0x7c: {  	_ =	shalt  }
0x7d: {  	_ =	shalt  }
0x7e: {  	_ =	shalt  }
0x7f: {  	_ =	shalt  }
0x80: {  	_ =	shalt  }
0x81: {  	_ =	shalt  }
0x82: {  	_ =	shalt  }
0x83: {  	_ =	shalt  }
0x84: {  	_ =	shalt  }
0x85: {  	_ =	shalt  }
0x86: {  	_ =	shalt  }
0x87: {  	_ =	shalt  }
.Lfunc_end0:
.L_simem_size_0:
called_computation.1_lowered:
.L_overlay_start_0:
0x88: {  	s2 =	sld [smem:$0x3FD9]  }
0x89: {  	s3 =	sld [smem:$0x3FFE];
	_ =	sdelay $0x1  }
0x8a: {  	s1 =	srdreg.scid  }
0x8b: {  	s0 =	sand.u32 $0x1, s1  }
0x8c: {  	s16 =	sshll.u32 s0, $0xA;
	s2 =	sadd.s32 s3, s2  }
0x8d: {  	s2 =	sadd.s32 s2, s16  }
0x8e: {  	[smem:$0x3FB3] =	sst s2  }
0x8f: {  	_ = 	snop  }
0x90: {  	(tm) =	ssettm $0x1  }
0x91: {  	s17 =	sld [smem:$0x3FFB];
	_ =	sdelay $0x3  }
0x92: {  	_ =	strace s17  }
0x93: {  	s2 =	sld [smem:$0x3FFC];
	_ =	sdelay $0x3  }
0x94: {  	_ =	strace s2  }
0x95: {  	s2 =	sld [smem:$0x3FFD];
	_ =	sdelay $0x3  }
0x96: {  	_ =	strace s2  }
0x97: {  	_ =	strace $0x8FFFFFFF  }
0x98: {  	s18 =	sld [smem:$0x3FDB];
	_ =	sdelay $0x1  }
0x99: {  	s19 =	simm.s32 $_scs_section_size  }
0x9a: {  	s4 =	simm.s32 $_size__tile_overlayer_lowered;
	s5 =	simm.s32 $_tile_overlayer_lowered  }
0x9b: {  	s22 =	simm.s32 $0x1BFF;
	s21 =	sshll.u32 s5, $0x1;
	s2 =	sadd.s32 s19, s18  }
0x9c: {  	s6 =	simm.s32 $0x0;
	s20 =	sshll.u32 s4, $0x1;
	s4 =	sadd.s32 s21, s2  }
0x9d: {  	[timem:s6], [sflag:s22] =	dma.local [hbm:s4], s20  }
0x9e: {  	_ =	swait.ge [sflag:s22], s20  }
0x9f: {  	s3 =	ssub.s32 $0x0, s20;
	[sflag:s22] =	ssyncset.done $0x0  }
0xa0: {  	[sflag:s22] =	ssyncadd.s32 s3;
	_ =	sdelay $0x1  }
0xa1: {  	s23 =	simm.s32 $0x1B8B  }
0xa2: {  	_ =	swait.ge [sflag:s23], $0x1  }
0xa3: {  	[sflag:s23] =	ssyncset.done $0x0  }
0xa4: {  	s25 =	simm.s32 $0x1B8E;
	s24 =	sld [smem:$0x3FFE];
	[sflag:s23] =	ssyncadd.s32 $0xFFFFFFFF  }
0xa5: {  	s26 =	simm.s32 $execute0_lowered;
	[smem:$0x3FD2] =	sst s25  }
0xa6: {  	s4 =	sshll.u32 s26, $0x1;
	_ =	strace $0x80000049;
	[dreg:$0x1] =	wrdreg $0xFFFFFFFF  }
0xa7: {  	s28 =	simm.s32 $_size_execute0_lowered;
	s2 =	sadd.s32 s2, s4;
	[dreg:$0x0] =	wrdreg $0x0  }
0xa8: {  	s4 =	sshll.u32 s28, $0x1;
	[dreg:$0x2] =	wrdreg s2  }
0xa9: {  	[dreg:$0x3] =	wrdreg s4  }
0xaa: {  	[dreg:$0x4] =	wrdreg $0xC0  }
0xab: {  	_ =	task [dreg:s6], $0x5FFFF  }
0xac: {  	[dreg:$0x1] =	wrdreg $0xFFFFFFFF  }
0xad: {  	[dreg:$0x0] =	wrdreg $0x60  }
0xae: {  	[dreg:$0x2] =	wrdreg s24  }
0xaf: {  	[dreg:$0x3] =	wrdreg $0x84000  }
0xb0: {  	[dreg:$0x4] =	wrdreg $0x9  }
0xb1: {  	_ =	task.clear_ibuf [dreg:s6], $0x5FFFF;
	_ =	strace $0x90000049  }
0xb2: {  	s29 =	simm.s32 $0x9;
	_ =	strace $0x8000004B  }
0xb3: {  	_ =	swait.ge [sflag:s29], $0x1  }
0xb4: {  	[sflag:s29] =	ssyncadd.s32 $0xFFFFFFFF  }
0xb5: {  	_ =	strace $0x9000004B  }
0xb6: {  	_ =	sfence  }
0xb7: {  	s30 =	sld [smem:$0x0];
	_ =	sdelay $0x2  }
0xb8: {  	s31 =	sshll.u32 s1, $0xD;
	s1 =	sshrl.u32 s1, $0x2  }
0xb9: {  	s3 =	sand.u32 $0x4000, s31;
	s1 =	sadd.s32 s1, s30  }
0xba: {  	s0 =	sor.u32 s3, s0;
	s1 =	sshll.u32 s1, $0x11  }
0xbb: {  	s0 =	sor.u32 s1, s0  }
0xbc: {  	s0 =	sadd.s32 $0x8F2B, s0  }
0xbd: {  	[sflag:s0] =	ssyncadd.remote.s32 $0x1  }
0xbe: {  	_ =	sfence.sel $0xFFFF  }
0xbf: {  	[dreg:$0x0] =	wrdreg $0xFFFFFFFF;
	(pc) =	sbr.abs _section_cstart, $3  }
0xc0: {  	[dreg:$0x1] =	wrdreg $0xFFFFFFFF  }
0xc1: {  	_ =	task.clear_ibuf [dreg:s6], $0x2FFFF;
	_ =	strace $0x9FFFFFFF  }
0xc2: {  	(tm) =	ssettm $0x7FFFFFFF  }
0xc3: {  	_ =	shalt  }
tec
execute0_lowered:
.L_overlay_start_1:
0x0: {  	(tag) =	ssettag $0x1  }
0x1: {  	s0 =	rddreg [dreg:$0x0]  }
0x2: {  	s1 =	rddreg [dreg:$0x1];
	s2 =	simm.s32 $0x0;
	s4 =	srdreg.scid  }
0x3: {  	s3 =	stileid.u32;
	s17 =	simm.s32 $0x1;
	s18 =	simm.s32 $0x80  }
0x4: {  	s19 =	simm.s32 $0x200;
	s20 =	simm.s32 $0x3;
	s21 =	simm.s32 $0x300  }
0x5: {  	s22 =	simm.s32 $0x2;
	s28 =	simm.s32 $0x380;
	s29 =	simm.s32 $0x5  }
0x6: {  	s30 =	simm.s32 $0x6;
	s31 =	simm.s32 $0x0;
	[smem:$0x7FF] =	sst s2  }
0x7: {  	s13 =	sadd.s32 $0x1A000, s0;
	s8 =	sand.u32 $0x1, s4;
	s6 =	smul.u32 $0x50000, s3  }
0x8: {  	s4 =	sadd.s32 $0x42000, s0;
	s7 =	sadd.s32 $0x6600, s0;
	s10 =	smul.u32 $0x9D00, s3  }
0x9: {  	s14 =	sadd.s32 $0x92000, s0;
	s0 =	sadd.s32 $0xBA000, s0;
	s24 =	smul.u32 $0x13A0, s3  }
0xa: {  	s11 =	smul.u32 $0x14000, s3;
	_ =	strace $0x8000004A;
	s5 =	ssub.s32 $0x2, s8  }
0xb: {  	p0 =	seq.s32 s8, $0x0;
	s9 =	sshrl.u32 s5, $0x1;
	s23 =	sshrl.u32 s6, $0x2  }
0xc: {  	s10 =	sshrl.u32 s10, $0x3;
	s6 =	sadd.s32 s7, s24;
	s15 =	sshrl.u32 s11, $0x3  }
0xd: {  	s16 =	sadd.s32 s11, s1;
	s4 =	smov.u32 @p0 s13;
	s0 =	smov.u32 @p0 s14  }
0xe: {  	s14 =	simm.s32 $0x400;
	s24 =	simm.s32 $0x4400;
	s9 =	ssub.s32 s5, s9  }
0xf: {  	s5 =	sadd.s32 s23, s1;
	s10 =	sadd.s32 s7, s10;
	s13 =	sadd.s32 s0, s15  }
0x10: {  	s15 =	simm.s32 $0x7;
	s23 =	simm.s32 $0x280;
	s25 =	sadd.s32 $0x20, s10  }
0x11: {  	s26 =	smax.u32 s9, $0x1;
	s9 =	sadd.s32 $0x4000, s5;
	s10 =	sadd.s32 $0x8000, s5  }
0x12: {  	s11 =	sadd.s32 $0xC000, s5;
	s12 =	sadd.s32 $0x10000, s5;
	[dreg:$0x3] =	wrdreg s25  }
0x13: {  	v0 =	vimm.f32 $0.0e+00;
	[dreg:$0x4] =	wrdreg s26;
	s25 =	sshrl.u32 s16, $0x3;
	s26 =	simm.s32 $0x4  }
.LBB2_1:
0x14: {  	s0 =	simm.s32 $0x0;
	s16 =	simm.s32 $0x200  }
.LBB2_2:
0x15: {  	p0 =	sne.s32 s16, $0xFE00;
	[tilespmem:s0+$0x470] =	vst v0  }
0x16: {  	[tilespmem:s0+$0x400] =	vst v0  }
0x17: {  	[tilespmem:s0+$0x410] =	vst v0  }
.Ltmp0:
0x18: {  	[tilespmem:s0+$0x420] =	vst v0;
	(pc) =	sbr.rel @p0 .LBB2_2-.Ltmp0, $4  }
0x19: {  	[tilespmem:s0+$0x430] =	vst v0  }
0x1a: {  	[tilespmem:s0+$0x440] =	vst v0  }
0x1b: {  	[tilespmem:s0+$0x450] =	vst v0  }
0x1c: {  	[tilespmem:s0+$0x460] =	vst v0;
	s0 =	sshra.s32 s16, $0x2;
	s16 =	sadd.s32 $0x200, s16  }
0x1d: {  	[tilespmem:s0+$0x470] =	vst v0  }
0x1e: {  	[tilespmem:s0+$0x400] =	vst v0  }
0x1f: {  	[tilespmem:s0+$0x410] =	vst v0  }
0x20: {  	[tilespmem:s0+$0x420] =	vst v0  }
0x21: {  	[tilespmem:s0+$0x430] =	vst v0  }
0x22: {  	[tilespmem:s0+$0x440] =	vst v0  }
0x23: {  	[tilespmem:s0+$0x450] =	vst v0  }
0x24: {  	[tilespmem:s0+$0x460] =	vst v0  }
0x25: {  	[spmem:s5] =	stream.linear.scatter [tilespmem:s14], [sflag:$0x7], $0x4000, $0x38;
	[tilespmem:$0x1C400] =	vst v63  }
0x26: {  	_ =	swait.ge [sflag:s15], $0x4000  }
0x27: {  	[sflag:s15] =	ssyncset.done $0x0  }
0x28: {  	[sflag:s15] =	ssyncadd.s32 $0xFFFFC000  }
0x29: {  	[spmem:s9] =	stream.linear.scatter [tilespmem:s14], [sflag:$0x7], $0x4000, $0x38;
	[tilespmem:$0x1C400] =	vst v63  }
0x2a: {  	_ =	swait.ge [sflag:s15], $0x4000  }
0x2b: {  	[sflag:s15] =	ssyncset.done $0x0  }
0x2c: {  	[sflag:s15] =	ssyncadd.s32 $0xFFFFC000  }
0x2d: {  	[spmem:s10] =	stream.linear.scatter [tilespmem:s14], [sflag:$0x7], $0x4000, $0x38;
	[tilespmem:$0x1C400] =	vst v63  }
0x2e: {  	_ =	swait.ge [sflag:s15], $0x4000  }
0x2f: {  	[sflag:s15] =	ssyncset.done $0x0  }
0x30: {  	[sflag:s15] =	ssyncadd.s32 $0xFFFFC000  }
0x31: {  	[spmem:s11] =	stream.linear.scatter [tilespmem:s14], [sflag:$0x7], $0x4000, $0x38;
	[tilespmem:$0x1C400] =	vst v63  }
0x32: {  	_ =	swait.ge [sflag:s15], $0x4000  }
0x33: {  	[sflag:s15] =	ssyncset.done $0x0  }
0x34: {  	[sflag:s15] =	ssyncadd.s32 $0xFFFFC000  }
0x35: {  	[spmem:s12] =	stream.linear.scatter [tilespmem:s14], [sflag:$0x7], $0x4000, $0x38;
	[tilespmem:$0x1C400] =	vst v63  }
0x36: {  	_ =	swait.ge [sflag:s15], $0x4000  }
0x37: {  	[sflag:s15] =	ssyncset.done $0x0  }
0x38: {  	[sflag:s15] =	ssyncadd.s32 $0xFFFFC000  }
0x39: {  	s0 =	simm.s32 $0x0;
	[bflag:$0x0] =	sbarrier.arrive $0xFFFF  }
0x3a: {  	[tilespmem:s0], [sflag:$0x1] =	stream.linear.gather [hbm4b:s6+s0], $0x100, $0x38;
	[tilespmem:$0x1C400] =	vst v63  }
0x3b: {  	s7 =	simm.s32 $0x100;
	s3 =	rddreg [dreg:$0x3]  }
0x3c: {  	[tilespmem:s7], [sflag:$0x2] =	stream.linear.gather [hbm4b:s3+s0], $0x100, $0x38;
	[tilespmem:$0x1C400] =	vst v63  }
0x3d: {  	_ =	swait.ge [sflag:s17], $0x100  }
0x3e: {  	[sflag:s17] =	ssyncset.done $0x0  }
0x3f: {  	[sflag:s17] =	ssyncadd.s32 $0xFFFFFF00  }
0x40: {  	v1 =	vld [tilespmem:$0x0]  }
0x41: {  	v2 =	vld [tilespmem:$0x10]  }
0x42: {  	v3 =	vld [tilespmem:$0x20]  }
0x43: {  	v4 =	vld [tilespmem:$0x30]  }
0x44: {  	v5 =	vld [tilespmem:$0x40]  }
0x45: {  	[tilespmem:$0x200] =	vst v1;
	v1 =	vld [tilespmem:$0x50]  }
0x46: {  	[tilespmem:$0x210] =	vst v2;
	v2 =	vld [tilespmem:$0x60]  }
0x47: {  	[tilespmem:$0x220] =	vst v3;
	v3 =	vld [tilespmem:$0x70]  }
0x48: {  	[tilespmem:$0x230] =	vst v4  }
0x49: {  	[tilespmem:$0x240] =	vst v5  }
0x4a: {  	[tilespmem:$0x250] =	vst v1  }
0x4b: {  	[tilespmem:$0x260] =	vst v2  }
0x4c: {  	[tilespmem:$0x270] =	vst v3  }
0x4d: {  	[tilespmem:s14], [sflag:$0x3] =	stream.indirect.gather [hbm4b:s4+s18], $0x80, s19, s18, $0xb8;
	[tilespmem:$0x1C400] =	vst v63  }
0x4e: {  	_ =	swait.ge [sflag:s20], $0x4000  }
0x4f: {  	[sflag:s20] =	ssyncset.done $0x0  }
0x50: {  	[sflag:s20] =	ssyncadd.s32 $0xFFFFC000  }
0x51: {  	v1 =	vld [tilespmem:$0xD0]  }
0x52: {  	v2 =	vld [tilespmem:$0xE0]  }
0x53: {  	v3 =	vld [tilespmem:$0xB0]  }
0x54: {  	v4 =	vld [tilespmem:$0xC0]  }
0x55: {  	v5 =	vld [tilespmem:$0x80]  }
0x56: {  	v6 =	vld [tilespmem:$0xA0];
	[tilespmem:$0x350] =	vst v1  }
0x57: {  	v1 =	vld [tilespmem:$0x90];
	[tilespmem:$0x360] =	vst v2  }
0x58: {  	[tilespmem:$0x330] =	vst v3;
	v2 =	vld [tilespmem:$0xF0]  }
0x59: {  	[tilespmem:$0x340] =	vst v4  }
0x5a: {  	[tilespmem:$0x300] =	vst v5  }
0x5b: {  	[tilespmem:$0x320] =	vst v6  }
0x5c: {  	[tilespmem:$0x310] =	vst v1  }
0x5d: {  	s16 =	sadd.s32 $0x0, s6;
	[tilespmem:$0x370] =	vst v2  }
0x5e: {  	[spmem:s1] =	stream.indirect.scatter.add.f32 [tilespmem:s14], [sflag:$0x5], $0x80, s21, s18, $0xb8;
	[tilespmem:$0x1C400] =	vst v63  }
0x5f: {  	s16 =	sadd.s32 $0x40, s16  }
0x60: {  	[tilespmem:s2], [sflag:$0x1] =	stream.linear.gather [hbm4b:s16+s2], $0x100, $0x38;
	[tilespmem:$0x1C400] =	vst v63  }
0x61: {  	_ =	swait.ge [sflag:s22], $0x100  }
0x62: {  	p0 =	por $0x1, $0x1;
	[sflag:s22] =	ssyncset.done $0x0  }
0x63: {  	s16 =	simm.s32 @!p0 $0x6;
	[sflag:s22] =	ssyncadd.s32 $0xFFFFFF00  }
0x64: {  	_ =	swait.ge @!p0 [sflag:s16], $0x4000  }
0x65: {  	[sflag:s16] =	ssyncset.done @!p0 $0x0  }
0x66: {  	[sflag:s16] =	ssyncadd.s32 @!p0 $0xFFFFC000  }
0x67: {  	v1 =	vld [tilespmem:$0x140]  }
0x68: {  	v3 =	vld [tilespmem:$0x120]  }
0x69: {  	v4 =	vld [tilespmem:$0x110]  }
0x6a: {  	v5 =	vld [tilespmem:$0x160]  }
0x6b: {  	v2 =	vld [tilespmem:$0x170]  }
0x6c: {  	[tilespmem:$0x2C0] =	vst v1;
	v1 =	vld [tilespmem:$0x150]  }
0x6d: {  	[tilespmem:$0x2A0] =	vst v3;
	v3 =	vld [tilespmem:$0x130]  }
0x6e: {  	[tilespmem:$0x290] =	vst v4;
	v4 =	vld [tilespmem:$0x100]  }
0x6f: {  	s16 =	simm.s32 $0x40;
	[tilespmem:$0x2E0] =	vst v5  }
.LBB2_4:
0x70: {  	[tilespmem:$0x2F0] =	vst v2;
	s3 =	smov.u32 s16;
	s16 =	sadd.s32 $0x40, s16  }
0x71: {  	p0 =	sne.s32 s16, $0x1380;
	[tilespmem:$0x2D0] =	vst v1  }
0x72: {  	[tilespmem:$0x2B0] =	vst v3  }
0x73: {  	[tilespmem:$0x280] =	vst v4  }
0x74: {  	[tilespmem:s24], [sflag:$0x4] =	stream.indirect.gather [hbm4b:s4+s18], $0x80, s23, s18, $0xb8;
	[tilespmem:$0x1C400] =	vst v63  }
0x75: {  	_ =	swait.ge [sflag:s26], $0x4000  }
0x76: {  	[sflag:s26] =	ssyncset.done $0x0  }
0x77: {  	[sflag:s26] =	ssyncadd.s32 $0xFFFFC000  }
0x78: {  	v1 =	vld [tilespmem:$0x180]  }
0x79: {  	v2 =	vld [tilespmem:$0x1C0]  }
0x7a: {  	p1 =	seq.s32 s0, $0x1340;
	v3 =	vld [tilespmem:$0x1E0]  }
0x7b: {  	s7 =	sadd.s32 @!p1 s0, s6;
	s0 =	smov.u32 s3;
	v4 =	vld [tilespmem:$0x1B0]  }
0x7c: {  	v5 =	vld [tilespmem:$0x1F0]  }
0x7d: {  	s8 =	simm.s32 @!p1 $0x100;
	s3 =	sadd.s32 @!p1 $0x60, s7;
	s7 =	simm.s32 @!p1 $0x0;
	[tilespmem:$0x380] =	vst v1;
	v1 =	vld [tilespmem:$0x1D0]  }
0x7e: {  	v6 =	vld [tilespmem:$0x1A0];
	[tilespmem:$0x3C0] =	vst v2  }
0x7f: {  	v2 =	vld [tilespmem:$0x190];
	[tilespmem:$0x3E0] =	vst v3  }
0x80: {  	[tilespmem:$0x3B0] =	vst v4  }
0x81: {  	[tilespmem:$0x3F0] =	vst v5  }
0x82: {  	[tilespmem:$0x3D0] =	vst v1  }
0x83: {  	[tilespmem:$0x3A0] =	vst v6  }
0x84: {  	[tilespmem:$0x390] =	vst v2  }
0x85: {  	[spmem:s1] =	stream.indirect.scatter.add.f32 [tilespmem:s24], [sflag:$0x6], $0x80, s28, s18, $0xb8;
	[tilespmem:$0x1C400] =	vst v63  }
0x86: {  	_ = 	snop  }
0x87: {  	[tilespmem:s8], [sflag:$0x2] =	stream.linear.gather @!p1 [hbm4b:s3+s7], $0x100, $0x38;
	[tilespmem:$0x1C400] =	vst v63  }
0x88: {  	_ =	swait.ge [sflag:s17], $0x100  }
0x89: {  	[sflag:s17] =	ssyncset.done $0x0  }
0x8a: {  	[sflag:s17] =	ssyncadd.s32 $0xFFFFFF00  }
0x8b: {  	_ =	swait.ge [sflag:s29], $0x4000  }
0x8c: {  	[sflag:s29] =	ssyncset.done $0x0  }
0x8d: {  	[sflag:s29] =	ssyncadd.s32 $0xFFFFC000  }
0x8e: {  	v1 =	vld [tilespmem:$0x0]  }
0x8f: {  	v2 =	vld [tilespmem:$0x50]  }
0x90: {  	v3 =	vld [tilespmem:$0x20]  }
0x91: {  	v4 =	vld [tilespmem:$0x30]  }
0x92: {  	v5 =	vld [tilespmem:$0x40]  }
0x93: {  	[tilespmem:$0x200] =	vst v1;
	v1 =	vld [tilespmem:$0x70]  }
0x94: {  	[tilespmem:$0x250] =	vst v2;
	v2 =	vld [tilespmem:$0x60]  }
0x95: {  	v6 =	vld [tilespmem:$0x10];
	[tilespmem:$0x220] =	vst v3  }
0x96: {  	[tilespmem:$0x230] =	vst v4  }
0x97: {  	[tilespmem:$0x240] =	vst v5  }
0x98: {  	[tilespmem:$0x270] =	vst v1  }
0x99: {  	[tilespmem:$0x260] =	vst v2  }
0x9a: {  	[tilespmem:$0x210] =	vst v6  }
0x9b: {  	[tilespmem:s14], [sflag:$0x3] =	stream.indirect.gather [hbm4b:s4+s18], $0x80, s19, s18, $0xb8;
	[tilespmem:$0x1C400] =	vst v63  }
0x9c: {  	_ =	swait.ge [sflag:s20], $0x4000  }
0x9d: {  	[sflag:s20] =	ssyncset.done $0x0  }
0x9e: {  	[sflag:s20] =	ssyncadd.s32 $0xFFFFC000  }
0x9f: {  	v1 =	vld [tilespmem:$0xD0]  }
0xa0: {  	v2 =	vld [tilespmem:$0xE0]  }
0xa1: {  	s3 =	sadd.s32 s0, s6;
	v3 =	vld [tilespmem:$0xB0]  }
0xa2: {  	v4 =	vld [tilespmem:$0xC0]  }
0xa3: {  	s3 =	sadd.s32 $0x40, s3;
	v5 =	vld [tilespmem:$0x80]  }
0xa4: {  	v6 =	vld [tilespmem:$0xA0];
	[tilespmem:$0x350] =	vst v1  }
0xa5: {  	v1 =	vld [tilespmem:$0x90];
	[tilespmem:$0x360] =	vst v2  }
0xa6: {  	p1 =	seq.s32 s0, $0x0;
	[tilespmem:$0x330] =	vst v3;
	v2 =	vld [tilespmem:$0xF0]  }
0xa7: {  	s7 =	simm.s32 @!p1 $0x6;
	[tilespmem:$0x340] =	vst v4  }
0xa8: {  	[tilespmem:$0x300] =	vst v5  }
0xa9: {  	[tilespmem:$0x320] =	vst v6  }
0xaa: {  	[tilespmem:$0x310] =	vst v1  }
0xab: {  	[tilespmem:$0x370] =	vst v2  }
0xac: {  	[spmem:s1] =	stream.indirect.scatter.add.f32 [tilespmem:s14], [sflag:$0x5], $0x80, s21, s18, $0xb8;
	[tilespmem:$0x1C400] =	vst v63  }
0xad: {  	_ = 	snop  }
0xae: {  	[tilespmem:s2], [sflag:$0x1] =	stream.linear.gather [hbm4b:s3+s2], $0x100, $0x38;
	[tilespmem:$0x1C400] =	vst v63  }
0xaf: {  	_ =	swait.ge [sflag:s22], $0x100  }
0xb0: {  	[sflag:s22] =	ssyncset.done $0x0  }
0xb1: {  	[sflag:s22] =	ssyncadd.s32 $0xFFFFFF00  }
0xb2: {  	_ =	swait.ge @!p1 [sflag:s7], $0x4000  }
0xb3: {  	[sflag:s7] =	ssyncset.done @!p1 $0x0  }
0xb4: {  	[sflag:s7] =	ssyncadd.s32 @!p1 $0xFFFFC000  }
0xb5: {  	v1 =	vld [tilespmem:$0x140]  }
0xb6: {  	v3 =	vld [tilespmem:$0x120]  }
0xb7: {  	v5 =	vld [tilespmem:$0x110]  }
0xb8: {  	v6 =	vld [tilespmem:$0x160]  }
.Ltmp1:
0xb9: {  	v2 =	vld [tilespmem:$0x170];
	(pc) =	sbr.rel @p0 .LBB2_4-.Ltmp1, $4  }
0xba: {  	[tilespmem:$0x2C0] =	vst v1;
	v1 =	vld [tilespmem:$0x150]  }
0xbb: {  	[tilespmem:$0x2A0] =	vst v3;
	v3 =	vld [tilespmem:$0x130]  }
0xbc: {  	v4 =	vld [tilespmem:$0x100];
	[tilespmem:$0x290] =	vst v5  }
0xbd: {  	[tilespmem:$0x2E0] =	vst v6  }
0xbe: {  	[tilespmem:$0x2F0] =	vst v2  }
0xbf: {  	[tilespmem:$0x2D0] =	vst v1  }
0xc0: {  	[tilespmem:$0x2B0] =	vst v3  }
0xc1: {  	[tilespmem:$0x280] =	vst v4  }
0xc2: {  	[tilespmem:s24], [sflag:$0x4] =	stream.indirect.gather [hbm4b:s4+s18], $0x80, s23, s18, $0xb8;
	[tilespmem:$0x1C400] =	vst v63  }
0xc3: {  	_ =	swait.ge [sflag:s26], $0x4000  }
0xc4: {  	[sflag:s26] =	ssyncset.done $0x0  }
0xc5: {  	[sflag:s26] =	ssyncadd.s32 $0xFFFFC000  }
0xc6: {  	v1 =	vld [tilespmem:$0x180]  }
0xc7: {  	v2 =	vld [tilespmem:$0x1C0]  }
0xc8: {  	v3 =	vld [tilespmem:$0x1E0]  }
0xc9: {  	v58 =	vld [tilespmem:$0x1B0]  }
0xca: {  	v5 =	vld [tilespmem:$0x1F0]  }
0xcb: {  	v6 =	vld [tilespmem:$0x1A0];
	[tilespmem:$0x380] =	vst v1  }
0xcc: {  	v1 =	vld [tilespmem:$0x1D0];
	[tilespmem:$0x3C0] =	vst v2  }
0xcd: {  	v2 =	vld [tilespmem:$0x190];
	[tilespmem:$0x3E0] =	vst v3  }
0xce: {  	[tilespmem:$0x3B0] =	vst v58  }
0xcf: {  	[tilespmem:$0x3F0] =	vst v5  }
0xd0: {  	[tilespmem:$0x3A0] =	vst v6  }
0xd1: {  	p0 =	seq.s32 s0, $0x1340;
	[tilespmem:$0x3D0] =	vst v1  }
0xd2: {  	s0 =	sadd.s32 @!p0 s0, s6;
	[tilespmem:$0x390] =	vst v2  }
0xd3: {  	[spmem:s1] =	stream.indirect.scatter.add.f32 [tilespmem:s24], [sflag:$0x6], $0x80, s28, s18, $0xb8;
	[tilespmem:$0x1C400] =	vst v63  }
0xd4: {  	s3 =	simm.s32 @!p0 $0x0;
	s7 =	simm.s32 @!p0 $0x100;
	s0 =	sadd.s32 @!p0 $0x60, s0  }
0xd5: {  	[tilespmem:s7], [sflag:$0x2] =	stream.linear.gather @!p0 [hbm4b:s0+s3], $0x100, $0x38;
	[tilespmem:$0x1C400] =	vst v63  }
0xd6: {  	_ =	swait.ge [sflag:s17], $0x100  }
0xd7: {  	[sflag:s17] =	ssyncset.done $0x0  }
0xd8: {  	[sflag:s17] =	ssyncadd.s32 $0xFFFFFF00  }
0xd9: {  	_ =	swait.ge [sflag:s29], $0x4000  }
0xda: {  	[sflag:s29] =	ssyncset.done $0x0  }
0xdb: {  	[sflag:s29] =	ssyncadd.s32 $0xFFFFC000  }
0xdc: {  	v1 =	vld [tilespmem:$0x0]  }
0xdd: {  	v2 =	vld [tilespmem:$0x50]  }
0xde: {  	v3 =	vld [tilespmem:$0x20]  }
0xdf: {  	v59 =	vld [tilespmem:$0x30]  }
0xe0: {  	v60 =	vld [tilespmem:$0x40]  }
0xe1: {  	v61 =	vld [tilespmem:$0x10];
	[tilespmem:$0x200] =	vst v1  }
0xe2: {  	v1 =	vld [tilespmem:$0x70];
	[tilespmem:$0x250] =	vst v2  }
0xe3: {  	v2 =	vld [tilespmem:$0x60];
	[tilespmem:$0x220] =	vst v3  }
0xe4: {  	[tilespmem:$0x230] =	vst v59  }
0xe5: {  	[tilespmem:$0x240] =	vst v60  }
0xe6: {  	[tilespmem:$0x210] =	vst v61  }
0xe7: {  	[tilespmem:$0x270] =	vst v1  }
0xe8: {  	[tilespmem:$0x260] =	vst v2  }
0xe9: {  	[tilespmem:s14], [sflag:$0x3] =	stream.indirect.gather [hbm4b:s4+s18], $0x80, s19, s18, $0xb8;
	[tilespmem:$0x1C400] =	vst v63  }
0xea: {  	_ =	swait.ge [sflag:s20], $0x4000  }
0xeb: {  	[sflag:s20] =	ssyncset.done $0x0  }
0xec: {  	[sflag:s20] =	ssyncadd.s32 $0xFFFFC000  }
0xed: {  	v1 =	vld [tilespmem:$0x80]  }
0xee: {  	v2 =	vld [tilespmem:$0x90]  }
0xef: {  	v3 =	vld [tilespmem:$0xA0]  }
0xf0: {  	v62 =	vld [tilespmem:$0xB0]  }
0xf1: {  	v63 =	vld [tilespmem:$0xC0]  }
0xf2: {  	[tilespmem:$0x300] =	vst v1;
	v1 =	vld [tilespmem:$0xD0]  }
0xf3: {  	[tilespmem:$0x310] =	vst v2;
	v2 =	vld [tilespmem:$0xE0]  }
0xf4: {  	[tilespmem:$0x320] =	vst v3;
	v3 =	vld [tilespmem:$0xF0]  }
0xf5: {  	[tilespmem:$0x330] =	vst v62  }
0xf6: {  	[tilespmem:$0x340] =	vst v63  }
0xf7: {  	[tilespmem:$0x350] =	vst v1  }
0xf8: {  	[tilespmem:$0x360] =	vst v2  }
0xf9: {  	[tilespmem:$0x370] =	vst v3  }
0xfa: {  	[spmem:s1] =	stream.indirect.scatter.add.f32 [tilespmem:s14], [sflag:$0x5], $0x80, s21, s18, $0xb8;
	[tilespmem:$0x1C400] =	vst v63  }
0xfb: {  	_ =	swait.ge [sflag:s30], $0x4000  }
0xfc: {  	[sflag:s30] =	ssyncset.done $0x0  }
0xfd: {  	[sflag:s30] =	ssyncadd.s32 $0xFFFFC000  }
0xfe: {  	_ =	swait.ge [sflag:s29], $0x4000  }
0xff: {  	s8 =	stileid.u32;
	[sflag:s29] =	ssyncset.done $0x0  }
0x100: {  	s0 =	sshll.u32 s8, $0x6;
	[sflag:s29] =	ssyncadd.s32 $0xFFFFC000  }
0x101: {  	s0 =	sor.u32 $0x1C07, s0;
	[bflag:$0x0] =	sbarrier.arrive $0xFFFF  }
0x102: {  	[hbm:s13], [sflag:s0] =	dma.local [spmem:s25], $0x2800  }
0x103: {  	_ =	swait.ge [sflag:s15], $0x2800  }
0x104: {  	s31 =	sadd.s32 $0x1, s31;
	s16 =	rddreg [dreg:$0x4]  }
0x105: {  	p0 =	sne.s32 s31, s16  }
.Ltmp2:
0x106: {  	_ = 	snop;
	(pc) =	sbr.rel @p0 .LBB2_1-.Ltmp2, $3  }
0x107: {  	_ =	sdelay $0x1  }
0x108: {  	[sflag:s15] =	ssyncset.done $0x0  }
0x109: {  	[sflag:s15] =	ssyncadd.s32 $0xFFFFD800  }
0x10a: {  	_ =	sfence.sel $0x180000  }
0x10b: {  	[bflag:$0x0] =	sbarrier.arrive $0xFFFF  }
0x10c: {  	_ =	strace $0x9000004A  }
0x10d: {  	s0 =	stileid.u32;
	[bflag:$0x2] =	sbarrier.arrive $0xFFFF  }
0x10e: {  	p0 =	sne.s32 s0, $0x0;
	s0 =	rddreg [dreg:$0x2]  }
0x10f: {  	s0 =	sadd.s32 @!p0 $0x100000, s0  }
0x110: {  	[sflag:s0] =	ssyncadd.tile.s32 @!p0 $0x1;
	_ =	shalt  }
.Lfunc_end2:
_tile_overlayer_lowered:
.L_overlay_start_2:
0x111: {  	(tag) =	ssettag $0x2  }
0x112: {  	s0 =	rddreg [dreg:$0x0];
	s2 =	stileid.u32  }
0x113: {  	s1 =	rddreg [dreg:$0x1];
	p0 =	sne.s32 s2, $0x0  }
0x114: {  	s3 =	rddreg [dreg:$0x2];
	[bflag:$0x3] =	sbarrier.arrive $0xFFFF;
	s2 =	simm.s32 @!p0 $0x1C07  }
0x115: {  	[timem:s3], [sflag:s2] =	dma.local @!p0 [hbm:s0], s1  }
0x116: {  	s0 =	simm.s32 @!p0 $0x7  }
0x117: {  	_ =	swait.ge @!p0 [sflag:s0], s1  }
0x118: {  	s1 =	ssub.s32 @!p0 $0x0, s1;
	[sflag:s0] =	ssyncset.done @!p0 $0x0  }
0x119: {  	[sflag:s0] =	ssyncadd.s32 @!p0 s1  }
0x11a: {  	[bflag:$0x3] =	sbarrier.arrive $0xFFFF  }
0x11b: {  	_ =	shalt  }

// kernel: kernel.14.cloned.1.call-start
scs
__scs_entry_jumppad:
0x0: {  	(pc) =	sbr.rel $0x88, $3  }
0x1: {  	(tag) =	ssettag $0x0;
	lr =	simm.s32 $0x1  }
0x2: {  	[smem:$0x3F8C] =	sst lr;
	_ =	strace $0xD0000000  }
0x3: {  	_ = 	snop  }
0x4: {  	_ = 	snop  }
0x5: {  	_ = 	snop  }
0x6: {  	_ = 	snop  }
0x7: {  	_ = 	snop  }
__scs_overlays_trampoline_lowered:
0x8: {  	[smem:$0x3F9B] =	sst s0  }
0x9: {  	[smem:$0x3F9C] =	sst s1  }
0xa: {  	[smem:$0x3F9D] =	sst s2  }
0xb: {  	[smem:$0x3F9E] =	sst s3  }
0xc: {  	[smem:$0x3F9F] =	sst s4  }
0xd: {  	[smem:$0x3FA0] =	sst s5  }
0xe: {  	[smem:$0x3FA1] =	sst s6  }
0xf: {  	[smem:$0x3FA2] =	sst s7  }
0x10: {  	[smem:$0x3FA3] =	sst s8  }
0x11: {  	[smem:$0x3FA4] =	sst s9;
	s0 =	simm.s32 @!p0 $0x0  }
0x12: {  	s1 =	sld [smem:$0x3F8A];
	s0 =	simm.s32 @p0 $0x1  }
0x13: {  	[smem:$0x3FA5] =	sst s0;
	s0 =	simm.s32 @!p1 $0x0  }
0x14: {  	s2 =	sld [smem:$0x3F89];
	s0 =	simm.s32 @p1 $0x1  }
0x15: {  	[smem:$0x3FA6] =	sst s0;
	s0 =	simm.s32 @!p2 $0x0  }
0x16: {  	s3 =	sld [smem:$0x3FDB];
	s0 =	simm.s32 @p2 $0x1  }
0x17: {  	s4 =	simm.s32 $0x1BF5;
	[smem:$0x3FA8] =	sst s0  }
0x18: {  	s0 =	sld [smem:$0x3F8B];
	_ =	swait.ge [sflag:s4], $0x0  }
0x19: {  	s7 =	sld [smem:$0x3F8C]  }
0x1a: {  	s8 =	sadd.s32 $0xFFFFE003, lr  }
0x1b: {  	s9 =	sadd.s32 $0xFFFFFEF7, lr;
	s5 =	simm.s32 $0xFFFFFFFF;
	p2 =	slt.u32 s8, $0xFFFFF086  }
0x1c: {  	p1 =	slt.u32 s9, $0xF7A;
	s5 =	simm.s32 @!p2 $0x0  }
0x1d: {  	s5 =	simm.s32 @p1 $0x1;
	p0 =	seq.s32 s7, s2  }
0x1e: {  	s7 =	smul.u32 @!p0 $0xF7A, s2;
	p2 =	seq.s32 @!p0 s5, $0x0  }
0x1f: {  	s9 =	smul.u32 $0xF7A, s1;
	s8 =	simm.s32 @!p0 $0x1BF5;
	p2 =	por !p2, p0  }
0x20: {  	[sflag:s8] =	ssyncset.s32 @!p0 $0xFFFFF086;
	s6 =	sadd.s32 @!p0 s3, s7;
	s7 =	simm.s32 @!p0 $0x108  }
0x21: {  	s3 =	sadd.s32 s3, s9;
	s6 =	sadd.s32 @!p0 $0x88, s6;
	s7 =	simm.s32 @p2 $0x1082  }
0x22: {  	[simem:s7], [sflag:s8] =	dma.local @!p0 [hbm:s6], $0xF7A  }
0x23: {  	s9 =	sor.u32 $0xD0000000, s2;
	s6 =	simm.s32 $0x108;
	_ =	swait.ge @!p0 [sflag:s8], $0x0  }
0x24: {  	s3 =	sadd.s32 $0x88, s3;
	s6 =	simm.s32 @!p1 $0x1082;
	[sflag:s4] =	ssyncset.s32 $0xFFFFF086  }
0x25: {  	[simem:s6], [sflag:s4] =	dma.local [hbm:s3], $0xF7A  }
0x26: {  	[smem:$0x3F8C] =	sst s1;
	(tag) =	ssettag s2;
	_ =	strace s9  }
0x27: {  	s1 =	sld [smem:$0x3F9C]  }
0x28: {  	s2 =	sld [smem:$0x3F9D]  }
0x29: {  	s4 =	sld [smem:$0x3F9F]  }
0x2a: {  	p0 =	seq.s32 s5, $0x0;
	s5 =	sld [smem:$0x3FA0]  }
0x2b: {  	s6 =	sld [smem:$0x3FA1]  }
0x2c: {  	s7 =	sld [smem:$0x3FA2]  }
0x2d: {  	s3 =	simm.s32 $0x108;
	s8 =	sld [smem:$0x3FA3]  }
0x2e: {  	s3 =	simm.s32 @!p0 $0x1082;
	s9 =	sld [smem:$0x3FA4]  }
0x2f: {  	lr =	sadd.s32 s0, s3;
	s0 =	sld [smem:$0x3F9B]  }
0x30: {  	s3 =	sld [smem:$0x3F9E]  }
0x31: {  	[smem:$0x3FA7] =	sst s10  }
0x32: {  	s10 =	sld [smem:$0x3FA5];
	_ =	sdelay $0x3  }
0x33: {  	p0 =	seq.s32 s10, $0x1;
	s10 =	sld [smem:$0x3FA7];
	_ =	sdelay $0x3  }
0x34: {  	[smem:$0x3FA7] =	sst s10  }
0x35: {  	s10 =	sld [smem:$0x3FA6];
	_ =	sdelay $0x3  }
0x36: {  	p1 =	seq.s32 s10, $0x1;
	s10 =	sld [smem:$0x3FA7];
	_ =	sdelay $0x3  }
0x37: {  	[smem:$0x3FA7] =	sst s10  }
0x38: {  	s10 =	sld [smem:$0x3FA8]  }
0x39: {  	_ = 	snop;
	(pc) =	sbr.ind lr, $3  }
0x3a: {  	_ = 	snop  }
0x3b: {  	_ = 	snop  }
0x3c: {  	p2 =	seq.s32 s10, $0x1;
	s10 =	sld [smem:$0x3FA7]  }
0x3d: {  	_ =	shalt  }
0x3e: {  	_ =	shalt  }
0x3f: {  	_ =	shalt  }
0x40: {  	_ =	shalt  }
0x41: {  	_ =	shalt  }
0x42: {  	_ =	shalt  }
0x43: {  	_ =	shalt  }
0x44: {  	_ =	shalt  }
0x45: {  	_ =	shalt  }
0x46: {  	_ =	shalt  }
0x47: {  	_ =	shalt  }
0x48: {  	_ =	shalt  }
0x49: {  	_ =	shalt  }
0x4a: {  	_ =	shalt  }
0x4b: {  	_ =	shalt  }
0x4c: {  	_ =	shalt  }
0x4d: {  	_ =	shalt  }
0x4e: {  	_ =	shalt  }
0x4f: {  	_ =	shalt  }
0x50: {  	_ =	shalt  }
0x51: {  	_ =	shalt  }
0x52: {  	_ =	shalt  }
0x53: {  	_ =	shalt  }
0x54: {  	_ =	shalt  }
0x55: {  	_ =	shalt  }
0x56: {  	_ =	shalt  }
0x57: {  	_ =	shalt  }
0x58: {  	_ =	shalt  }
0x59: {  	_ =	shalt  }
0x5a: {  	_ =	shalt  }
0x5b: {  	_ =	shalt  }
0x5c: {  	_ =	shalt  }
0x5d: {  	_ =	shalt  }
0x5e: {  	_ =	shalt  }
0x5f: {  	_ =	shalt  }
0x60: {  	_ =	shalt  }
0x61: {  	_ =	shalt  }
0x62: {  	_ =	shalt  }
0x63: {  	_ =	shalt  }
0x64: {  	_ =	shalt  }
0x65: {  	_ =	shalt  }
0x66: {  	_ =	shalt  }
0x67: {  	_ =	shalt  }
0x68: {  	_ =	shalt  }
0x69: {  	_ =	shalt  }
0x6a: {  	_ =	shalt  }
0x6b: {  	_ =	shalt  }
0x6c: {  	_ =	shalt  }
0x6d: {  	_ =	shalt  }
0x6e: {  	_ =	shalt  }
0x6f: {  	_ =	shalt  }
0x70: {  	_ =	shalt  }
0x71: {  	_ =	shalt  }
0x72: {  	_ =	shalt  }
0x73: {  	_ =	shalt  }
0x74: {  	_ =	shalt  }
0x75: {  	_ =	shalt  }
0x76: {  	_ =	shalt  }
0x77: {  	_ =	shalt  }
0x78: {  	_ =	shalt  }
0x79: {  	_ =	shalt  }
0x7a: {  	_ =	shalt  }
0x7b: {  	_ =	shalt  }
0x7c: {  	_ =	shalt  }
0x7d: {  	_ =	shalt  }
0x7e: {  	_ =	shalt  }
0x7f: {  	_ =	shalt  }
0x80: {  	_ =	shalt  }
0x81: {  	_ =	shalt  }
0x82: {  	_ =	shalt  }
0x83: {  	_ =	shalt  }
0x84: {  	_ =	shalt  }
0x85: {  	_ =	shalt  }
0x86: {  	_ =	shalt  }
0x87: {  	_ =	shalt  }
.Lfunc_end0:
.L_simem_size_0:
called_computation.2_lowered:
.L_overlay_start_0:
0x88: {  	s2 =	sld [smem:$0x3FD9]  }
0x89: {  	s3 =	sld [smem:$0x3FFE];
	_ =	sdelay $0x1  }
0x8a: {  	s1 =	srdreg.scid  }
0x8b: {  	s0 =	sand.u32 $0x1, s1  }
0x8c: {  	s16 =	sshll.u32 s0, $0xA;
	s2 =	sadd.s32 s3, s2  }
0x8d: {  	s2 =	sadd.s32 s2, s16  }
0x8e: {  	[smem:$0x3FB3] =	sst s2  }
0x8f: {  	_ = 	snop  }
0x90: {  	(tm) =	ssettm $0x1  }
0x91: {  	s17 =	sld [smem:$0x3FFB];
	_ =	sdelay $0x3  }
0x92: {  	_ =	strace s17  }
0x93: {  	s2 =	sld [smem:$0x3FFC];
	_ =	sdelay $0x3  }
0x94: {  	_ =	strace s2  }
0x95: {  	s2 =	sld [smem:$0x3FFD];
	_ =	sdelay $0x3  }
0x96: {  	_ =	strace s2  }
0x97: {  	_ =	strace $0x8FFFFFFF  }
0x98: {  	s18 =	sld [smem:$0x3FDB];
	_ =	sdelay $0x1  }
0x99: {  	s19 =	simm.s32 $_scs_section_size  }
0x9a: {  	s4 =	simm.s32 $_size__tile_overlayer_lowered;
	s5 =	simm.s32 $_tile_overlayer_lowered  }
0x9b: {  	s22 =	simm.s32 $0x1BFF;
	s21 =	sshll.u32 s5, $0x1;
	s2 =	sadd.s32 s19, s18  }
0x9c: {  	s6 =	simm.s32 $0x0;
	s20 =	sshll.u32 s4, $0x1;
	s4 =	sadd.s32 s21, s2  }
0x9d: {  	[timem:s6], [sflag:s22] =	dma.local [hbm:s4], s20  }
0x9e: {  	_ =	swait.ge [sflag:s22], s20  }
0x9f: {  	s3 =	ssub.s32 $0x0, s20;
	[sflag:s22] =	ssyncset.done $0x0  }
0xa0: {  	[sflag:s22] =	ssyncadd.s32 s3;
	_ =	sdelay $0x1  }
0xa1: {  	s23 =	simm.s32 $0x1B8B  }
0xa2: {  	_ =	swait.ge [sflag:s23], $0x1  }
0xa3: {  	[sflag:s23] =	ssyncset.done $0x0  }
0xa4: {  	s25 =	simm.s32 $0x1B8E;
	s24 =	sld [smem:$0x3FFE];
	[sflag:s23] =	ssyncadd.s32 $0xFFFFFFFF  }
0xa5: {  	s26 =	simm.s32 $execute0_lowered;
	[smem:$0x3FD2] =	sst s25  }
0xa6: {  	s4 =	sshll.u32 s26, $0x1;
	_ =	strace $0x8000004C;
	[dreg:$0x1] =	wrdreg $0xFFFFFFFF  }
0xa7: {  	s28 =	simm.s32 $_size_execute0_lowered;
	s2 =	sadd.s32 s2, s4;
	[dreg:$0x0] =	wrdreg $0x0  }
0xa8: {  	s4 =	sshll.u32 s28, $0x1;
	[dreg:$0x2] =	wrdreg s2  }
0xa9: {  	[dreg:$0x3] =	wrdreg s4  }
0xaa: {  	[dreg:$0x4] =	wrdreg $0xC0  }
0xab: {  	_ =	task [dreg:s6], $0x5FFFF  }
0xac: {  	[dreg:$0x1] =	wrdreg $0xFFFFFFFF  }
0xad: {  	[dreg:$0x0] =	wrdreg $0x60  }
0xae: {  	[dreg:$0x2] =	wrdreg s24  }
0xaf: {  	[dreg:$0x3] =	wrdreg $0x84000  }
0xb0: {  	[dreg:$0x4] =	wrdreg $0x9  }
0xb1: {  	_ =	task.clear_ibuf [dreg:s6], $0x5FFFF;
	_ =	strace $0x9000004C  }
0xb2: {  	s29 =	simm.s32 $0x9;
	_ =	strace $0x8000004E  }
0xb3: {  	_ =	swait.ge [sflag:s29], $0x1  }
0xb4: {  	[sflag:s29] =	ssyncadd.s32 $0xFFFFFFFF  }
0xb5: {  	_ =	strace $0x9000004E  }
0xb6: {  	_ =	sfence  }
0xb7: {  	s30 =	sld [smem:$0x0];
	_ =	sdelay $0x2  }
0xb8: {  	s31 =	sshll.u32 s1, $0xD;
	s1 =	sshrl.u32 s1, $0x2  }
0xb9: {  	s3 =	sand.u32 $0x4000, s31;
	s1 =	sadd.s32 s1, s30  }
0xba: {  	s0 =	sor.u32 s3, s0;
	s1 =	sshll.u32 s1, $0x11  }
0xbb: {  	s0 =	sor.u32 s1, s0  }
0xbc: {  	s0 =	sadd.s32 $0x8F2B, s0  }
0xbd: {  	[sflag:s0] =	ssyncadd.remote.s32 $0x1  }
0xbe: {  	_ =	sfence.sel $0xFFFF  }
0xbf: {  	[dreg:$0x0] =	wrdreg $0xFFFFFFFF;
	(pc) =	sbr.abs _section_cstart, $3  }
0xc0: {  	[dreg:$0x1] =	wrdreg $0xFFFFFFFF  }
0xc1: {  	_ =	task.clear_ibuf [dreg:s6], $0x2FFFF;
	_ =	strace $0x9FFFFFFF  }
0xc2: {  	(tm) =	ssettm $0x7FFFFFFF  }
0xc3: {  	_ =	shalt  }
tec
execute0_lowered:
.L_overlay_start_1:
0x0: {  	(tag) =	ssettag $0x1  }
0x1: {  	s0 =	rddreg [dreg:$0x0]  }
0x2: {  	s1 =	rddreg [dreg:$0x1];
	s2 =	simm.s32 $0x0;
	s4 =	srdreg.scid  }
0x3: {  	s3 =	stileid.u32;
	s17 =	simm.s32 $0x1;
	s18 =	simm.s32 $0x80  }
0x4: {  	s19 =	simm.s32 $0x200;
	s20 =	simm.s32 $0x3;
	s21 =	simm.s32 $0x300  }
0x5: {  	s22 =	simm.s32 $0x2;
	s28 =	simm.s32 $0x380;
	s29 =	simm.s32 $0x5  }
0x6: {  	s30 =	simm.s32 $0x6;
	s31 =	simm.s32 $0x0;
	[smem:$0x7FF] =	sst s2  }
0x7: {  	s13 =	sadd.s32 $0x1A000, s0;
	s8 =	sand.u32 $0x1, s4;
	s6 =	smul.u32 $0x50000, s3  }
0x8: {  	s4 =	sadd.s32 $0x42000, s0;
	s7 =	sadd.s32 $0x6600, s0;
	s10 =	smul.u32 $0x9D00, s3  }
0x9: {  	s14 =	sadd.s32 $0x92000, s0;
	s0 =	sadd.s32 $0xBA000, s0;
	s24 =	smul.u32 $0x13A0, s3  }
0xa: {  	s11 =	smul.u32 $0x14000, s3;
	_ =	strace $0x8000004D;
	s5 =	ssub.s32 $0x2, s8  }
0xb: {  	p0 =	seq.s32 s8, $0x0;
	s9 =	sshrl.u32 s5, $0x1;
	s23 =	sshrl.u32 s6, $0x2  }
0xc: {  	s10 =	sshrl.u32 s10, $0x3;
	s6 =	sadd.s32 s7, s24;
	s15 =	sshrl.u32 s11, $0x3  }
0xd: {  	s16 =	sadd.s32 s11, s1;
	s4 =	smov.u32 @p0 s13;
	s0 =	smov.u32 @p0 s14  }
0xe: {  	s14 =	simm.s32 $0x400;
	s24 =	simm.s32 $0x4400;
	s9 =	ssub.s32 s5, s9  }
0xf: {  	s5 =	sadd.s32 s23, s1;
	s10 =	sadd.s32 s7, s10;
	s13 =	sadd.s32 s0, s15  }
0x10: {  	s15 =	simm.s32 $0x7;
	s23 =	simm.s32 $0x280;
	s25 =	sadd.s32 $0x20, s10  }
0x11: {  	s26 =	smax.u32 s9, $0x1;
	s9 =	sadd.s32 $0x4000, s5;
	s10 =	sadd.s32 $0x8000, s5  }
0x12: {  	s11 =	sadd.s32 $0xC000, s5;
	s12 =	sadd.s32 $0x10000, s5;
	[dreg:$0x3] =	wrdreg s25  }
0x13: {  	v0 =	vimm.f32 $0.0e+00;
	[dreg:$0x4] =	wrdreg s26;
	s25 =	sshrl.u32 s16, $0x3;
	s26 =	simm.s32 $0x4  }
.LBB2_1:
0x14: {  	s0 =	simm.s32 $0x0;
	s16 =	simm.s32 $0x200  }
.LBB2_2:
0x15: {  	p0 =	sne.s32 s16, $0xFE00;
	[tilespmem:s0+$0x470] =	vst v0  }
0x16: {  	[tilespmem:s0+$0x400] =	vst v0  }
0x17: {  	[tilespmem:s0+$0x410] =	vst v0  }
.Ltmp0:
0x18: {  	[tilespmem:s0+$0x420] =	vst v0;
	(pc) =	sbr.rel @p0 .LBB2_2-.Ltmp0, $4  }
0x19: {  	[tilespmem:s0+$0x430] =	vst v0  }
0x1a: {  	[tilespmem:s0+$0x440] =	vst v0  }
0x1b: {  	[tilespmem:s0+$0x450] =	vst v0  }
0x1c: {  	[tilespmem:s0+$0x460] =	vst v0;
	s0 =	sshra.s32 s16, $0x2;
	s16 =	sadd.s32 $0x200, s16  }
0x1d: {  	[tilespmem:s0+$0x470] =	vst v0  }
0x1e: {  	[tilespmem:s0+$0x400] =	vst v0  }
0x1f: {  	[tilespmem:s0+$0x410] =	vst v0  }
0x20: {  	[tilespmem:s0+$0x420] =	vst v0  }
0x21: {  	[tilespmem:s0+$0x430] =	vst v0  }
0x22: {  	[tilespmem:s0+$0x440] =	vst v0  }
0x23: {  	[tilespmem:s0+$0x450] =	vst v0  }
0x24: {  	[tilespmem:s0+$0x460] =	vst v0  }
0x25: {  	[spmem:s5] =	stream.linear.scatter [tilespmem:s14], [sflag:$0x7], $0x4000, $0x38;
	[tilespmem:$0x1C400] =	vst v63  }
0x26: {  	_ =	swait.ge [sflag:s15], $0x4000  }
0x27: {  	[sflag:s15] =	ssyncset.done $0x0  }
0x28: {  	[sflag:s15] =	ssyncadd.s32 $0xFFFFC000  }
0x29: {  	[spmem:s9] =	stream.linear.scatter [tilespmem:s14], [sflag:$0x7], $0x4000, $0x38;
	[tilespmem:$0x1C400] =	vst v63  }
0x2a: {  	_ =	swait.ge [sflag:s15], $0x4000  }
0x2b: {  	[sflag:s15] =	ssyncset.done $0x0  }
0x2c: {  	[sflag:s15] =	ssyncadd.s32 $0xFFFFC000  }
0x2d: {  	[spmem:s10] =	stream.linear.scatter [tilespmem:s14], [sflag:$0x7], $0x4000, $0x38;
	[tilespmem:$0x1C400] =	vst v63  }
0x2e: {  	_ =	swait.ge [sflag:s15], $0x4000  }
0x2f: {  	[sflag:s15] =	ssyncset.done $0x0  }
0x30: {  	[sflag:s15] =	ssyncadd.s32 $0xFFFFC000  }
0x31: {  	[spmem:s11] =	stream.linear.scatter [tilespmem:s14], [sflag:$0x7], $0x4000, $0x38;
	[tilespmem:$0x1C400] =	vst v63  }
0x32: {  	_ =	swait.ge [sflag:s15], $0x4000  }
0x33: {  	[sflag:s15] =	ssyncset.done $0x0  }
0x34: {  	[sflag:s15] =	ssyncadd.s32 $0xFFFFC000  }
0x35: {  	[spmem:s12] =	stream.linear.scatter [tilespmem:s14], [sflag:$0x7], $0x4000, $0x38;
	[tilespmem:$0x1C400] =	vst v63  }
0x36: {  	_ =	swait.ge [sflag:s15], $0x4000  }
0x37: {  	[sflag:s15] =	ssyncset.done $0x0  }
0x38: {  	[sflag:s15] =	ssyncadd.s32 $0xFFFFC000  }
0x39: {  	s0 =	simm.s32 $0x0;
	[bflag:$0x0] =	sbarrier.arrive $0xFFFF  }
0x3a: {  	[tilespmem:s0], [sflag:$0x1] =	stream.linear.gather [hbm4b:s6+s0], $0x100, $0x38;
	[tilespmem:$0x1C400] =	vst v63  }
0x3b: {  	s7 =	simm.s32 $0x100;
	s3 =	rddreg [dreg:$0x3]  }
0x3c: {  	[tilespmem:s7], [sflag:$0x2] =	stream.linear.gather [hbm4b:s3+s0], $0x100, $0x38;
	[tilespmem:$0x1C400] =	vst v63  }
0x3d: {  	_ =	swait.ge [sflag:s17], $0x100  }
0x3e: {  	[sflag:s17] =	ssyncset.done $0x0  }
0x3f: {  	[sflag:s17] =	ssyncadd.s32 $0xFFFFFF00  }
0x40: {  	v1 =	vld [tilespmem:$0x0]  }
0x41: {  	v2 =	vld [tilespmem:$0x10]  }
0x42: {  	v3 =	vld [tilespmem:$0x20]  }
0x43: {  	v4 =	vld [tilespmem:$0x30]  }
0x44: {  	v5 =	vld [tilespmem:$0x40]  }
0x45: {  	[tilespmem:$0x200] =	vst v1;
	v1 =	vld [tilespmem:$0x50]  }
0x46: {  	[tilespmem:$0x210] =	vst v2;
	v2 =	vld [tilespmem:$0x60]  }
0x47: {  	[tilespmem:$0x220] =	vst v3;
	v3 =	vld [tilespmem:$0x70]  }
0x48: {  	[tilespmem:$0x230] =	vst v4  }
0x49: {  	[tilespmem:$0x240] =	vst v5  }
0x4a: {  	[tilespmem:$0x250] =	vst v1  }
0x4b: {  	[tilespmem:$0x260] =	vst v2  }
0x4c: {  	[tilespmem:$0x270] =	vst v3  }
0x4d: {  	[tilespmem:s14], [sflag:$0x3] =	stream.indirect.gather [hbm4b:s4+s18], $0x80, s19, s18, $0xb8;
	[tilespmem:$0x1C400] =	vst v63  }
0x4e: {  	_ =	swait.ge [sflag:s20], $0x4000  }
0x4f: {  	[sflag:s20] =	ssyncset.done $0x0  }
0x50: {  	[sflag:s20] =	ssyncadd.s32 $0xFFFFC000  }
0x51: {  	v1 =	vld [tilespmem:$0xD0]  }
0x52: {  	v2 =	vld [tilespmem:$0xE0]  }
0x53: {  	v3 =	vld [tilespmem:$0xB0]  }
0x54: {  	v4 =	vld [tilespmem:$0xC0]  }
0x55: {  	v5 =	vld [tilespmem:$0x80]  }
0x56: {  	v6 =	vld [tilespmem:$0xA0];
	[tilespmem:$0x350] =	vst v1  }
0x57: {  	v1 =	vld [tilespmem:$0x90];
	[tilespmem:$0x360] =	vst v2  }
0x58: {  	[tilespmem:$0x330] =	vst v3;
	v2 =	vld [tilespmem:$0xF0]  }
0x59: {  	[tilespmem:$0x340] =	vst v4  }
0x5a: {  	[tilespmem:$0x300] =	vst v5  }
0x5b: {  	[tilespmem:$0x320] =	vst v6  }
0x5c: {  	[tilespmem:$0x310] =	vst v1  }
0x5d: {  	s16 =	sadd.s32 $0x0, s6;
	[tilespmem:$0x370] =	vst v2  }
0x5e: {  	[spmem:s1] =	stream.indirect.scatter.add.f32 [tilespmem:s14], [sflag:$0x5], $0x80, s21, s18, $0xb8;
	[tilespmem:$0x1C400] =	vst v63  }
0x5f: {  	s16 =	sadd.s32 $0x40, s16  }
0x60: {  	[tilespmem:s2], [sflag:$0x1] =	stream.linear.gather [hbm4b:s16+s2], $0x100, $0x38;
	[tilespmem:$0x1C400] =	vst v63  }
0x61: {  	_ =	swait.ge [sflag:s22], $0x100  }
0x62: {  	p0 =	por $0x1, $0x1;
	[sflag:s22] =	ssyncset.done $0x0  }
0x63: {  	s16 =	simm.s32 @!p0 $0x6;
	[sflag:s22] =	ssyncadd.s32 $0xFFFFFF00  }
0x64: {  	_ =	swait.ge @!p0 [sflag:s16], $0x4000  }
0x65: {  	[sflag:s16] =	ssyncset.done @!p0 $0x0  }
0x66: {  	[sflag:s16] =	ssyncadd.s32 @!p0 $0xFFFFC000  }
0x67: {  	v1 =	vld [tilespmem:$0x140]  }
0x68: {  	v3 =	vld [tilespmem:$0x120]  }
0x69: {  	v4 =	vld [tilespmem:$0x110]  }
0x6a: {  	v5 =	vld [tilespmem:$0x160]  }
0x6b: {  	v2 =	vld [tilespmem:$0x170]  }
0x6c: {  	[tilespmem:$0x2C0] =	vst v1;
	v1 =	vld [tilespmem:$0x150]  }
0x6d: {  	[tilespmem:$0x2A0] =	vst v3;
	v3 =	vld [tilespmem:$0x130]  }
0x6e: {  	[tilespmem:$0x290] =	vst v4;
	v4 =	vld [tilespmem:$0x100]  }
0x6f: {  	s16 =	simm.s32 $0x40;
	[tilespmem:$0x2E0] =	vst v5  }
.LBB2_4:
0x70: {  	[tilespmem:$0x2F0] =	vst v2;
	s3 =	smov.u32 s16;
	s16 =	sadd.s32 $0x40, s16  }
0x71: {  	p0 =	sne.s32 s16, $0x1380;
	[tilespmem:$0x2D0] =	vst v1  }
0x72: {  	[tilespmem:$0x2B0] =	vst v3  }
0x73: {  	[tilespmem:$0x280] =	vst v4  }
0x74: {  	[tilespmem:s24], [sflag:$0x4] =	stream.indirect.gather [hbm4b:s4+s18], $0x80, s23, s18, $0xb8;
	[tilespmem:$0x1C400] =	vst v63  }
0x75: {  	_ =	swait.ge [sflag:s26], $0x4000  }
0x76: {  	[sflag:s26] =	ssyncset.done $0x0  }
0x77: {  	[sflag:s26] =	ssyncadd.s32 $0xFFFFC000  }
0x78: {  	v1 =	vld [tilespmem:$0x180]  }
0x79: {  	v2 =	vld [tilespmem:$0x1C0]  }
0x7a: {  	p1 =	seq.s32 s0, $0x1340;
	v3 =	vld [tilespmem:$0x1E0]  }
0x7b: {  	s7 =	sadd.s32 @!p1 s0, s6;
	s0 =	smov.u32 s3;
	v4 =	vld [tilespmem:$0x1B0]  }
0x7c: {  	v5 =	vld [tilespmem:$0x1F0]  }
0x7d: {  	s8 =	simm.s32 @!p1 $0x100;
	s3 =	sadd.s32 @!p1 $0x60, s7;
	s7 =	simm.s32 @!p1 $0x0;
	[tilespmem:$0x380] =	vst v1;
	v1 =	vld [tilespmem:$0x1D0]  }
0x7e: {  	v6 =	vld [tilespmem:$0x1A0];
	[tilespmem:$0x3C0] =	vst v2  }
0x7f: {  	v2 =	vld [tilespmem:$0x190];
	[tilespmem:$0x3E0] =	vst v3  }
0x80: {  	[tilespmem:$0x3B0] =	vst v4  }
0x81: {  	[tilespmem:$0x3F0] =	vst v5  }
0x82: {  	[tilespmem:$0x3D0] =	vst v1  }
0x83: {  	[tilespmem:$0x3A0] =	vst v6  }
0x84: {  	[tilespmem:$0x390] =	vst v2  }
0x85: {  	[spmem:s1] =	stream.indirect.scatter.add.f32 [tilespmem:s24], [sflag:$0x6], $0x80, s28, s18, $0xb8;
	[tilespmem:$0x1C400] =	vst v63  }
0x86: {  	_ = 	snop  }
0x87: {  	[tilespmem:s8], [sflag:$0x2] =	stream.linear.gather @!p1 [hbm4b:s3+s7], $0x100, $0x38;
	[tilespmem:$0x1C400] =	vst v63  }
0x88: {  	_ =	swait.ge [sflag:s17], $0x100  }
0x89: {  	[sflag:s17] =	ssyncset.done $0x0  }
0x8a: {  	[sflag:s17] =	ssyncadd.s32 $0xFFFFFF00  }
0x8b: {  	_ =	swait.ge [sflag:s29], $0x4000  }
0x8c: {  	[sflag:s29] =	ssyncset.done $0x0  }
0x8d: {  	[sflag:s29] =	ssyncadd.s32 $0xFFFFC000  }
0x8e: {  	v1 =	vld [tilespmem:$0x0]  }
0x8f: {  	v2 =	vld [tilespmem:$0x50]  }
0x90: {  	v3 =	vld [tilespmem:$0x20]  }
0x91: {  	v4 =	vld [tilespmem:$0x30]  }
0x92: {  	v5 =	vld [tilespmem:$0x40]  }
0x93: {  	[tilespmem:$0x200] =	vst v1;
	v1 =	vld [tilespmem:$0x70]  }
0x94: {  	[tilespmem:$0x250] =	vst v2;
	v2 =	vld [tilespmem:$0x60]  }
0x95: {  	v6 =	vld [tilespmem:$0x10];
	[tilespmem:$0x220] =	vst v3  }
0x96: {  	[tilespmem:$0x230] =	vst v4  }
0x97: {  	[tilespmem:$0x240] =	vst v5  }
0x98: {  	[tilespmem:$0x270] =	vst v1  }
0x99: {  	[tilespmem:$0x260] =	vst v2  }
0x9a: {  	[tilespmem:$0x210] =	vst v6  }
0x9b: {  	[tilespmem:s14], [sflag:$0x3] =	stream.indirect.gather [hbm4b:s4+s18], $0x80, s19, s18, $0xb8;
	[tilespmem:$0x1C400] =	vst v63  }
0x9c: {  	_ =	swait.ge [sflag:s20], $0x4000  }
0x9d: {  	[sflag:s20] =	ssyncset.done $0x0  }
0x9e: {  	[sflag:s20] =	ssyncadd.s32 $0xFFFFC000  }
0x9f: {  	v1 =	vld [tilespmem:$0xD0]  }
0xa0: {  	v2 =	vld [tilespmem:$0xE0]  }
0xa1: {  	s3 =	sadd.s32 s0, s6;
	v3 =	vld [tilespmem:$0xB0]  }
0xa2: {  	v4 =	vld [tilespmem:$0xC0]  }
0xa3: {  	s3 =	sadd.s32 $0x40, s3;
	v5 =	vld [tilespmem:$0x80]  }
0xa4: {  	v6 =	vld [tilespmem:$0xA0];
	[tilespmem:$0x350] =	vst v1  }
0xa5: {  	v1 =	vld [tilespmem:$0x90];
	[tilespmem:$0x360] =	vst v2  }
0xa6: {  	p1 =	seq.s32 s0, $0x0;
	[tilespmem:$0x330] =	vst v3;
	v2 =	vld [tilespmem:$0xF0]  }
0xa7: {  	s7 =	simm.s32 @!p1 $0x6;
	[tilespmem:$0x340] =	vst v4  }
0xa8: {  	[tilespmem:$0x300] =	vst v5  }
0xa9: {  	[tilespmem:$0x320] =	vst v6  }
0xaa: {  	[tilespmem:$0x310] =	vst v1  }
0xab: {  	[tilespmem:$0x370] =	vst v2  }
0xac: {  	[spmem:s1] =	stream.indirect.scatter.add.f32 [tilespmem:s14], [sflag:$0x5], $0x80, s21, s18, $0xb8;
	[tilespmem:$0x1C400] =	vst v63  }
0xad: {  	_ = 	snop  }
0xae: {  	[tilespmem:s2], [sflag:$0x1] =	stream.linear.gather [hbm4b:s3+s2], $0x100, $0x38;
	[tilespmem:$0x1C400] =	vst v63  }
0xaf: {  	_ =	swait.ge [sflag:s22], $0x100  }
0xb0: {  	[sflag:s22] =	ssyncset.done $0x0  }
0xb1: {  	[sflag:s22] =	ssyncadd.s32 $0xFFFFFF00  }
0xb2: {  	_ =	swait.ge @!p1 [sflag:s7], $0x4000  }
0xb3: {  	[sflag:s7] =	ssyncset.done @!p1 $0x0  }
0xb4: {  	[sflag:s7] =	ssyncadd.s32 @!p1 $0xFFFFC000  }
0xb5: {  	v1 =	vld [tilespmem:$0x140]  }
0xb6: {  	v3 =	vld [tilespmem:$0x120]  }
0xb7: {  	v5 =	vld [tilespmem:$0x110]  }
0xb8: {  	v6 =	vld [tilespmem:$0x160]  }
.Ltmp1:
0xb9: {  	v2 =	vld [tilespmem:$0x170];
	(pc) =	sbr.rel @p0 .LBB2_4-.Ltmp1, $4  }
0xba: {  	[tilespmem:$0x2C0] =	vst v1;
	v1 =	vld [tilespmem:$0x150]  }
0xbb: {  	[tilespmem:$0x2A0] =	vst v3;
	v3 =	vld [tilespmem:$0x130]  }
0xbc: {  	v4 =	vld [tilespmem:$0x100];
	[tilespmem:$0x290] =	vst v5  }
0xbd: {  	[tilespmem:$0x2E0] =	vst v6  }
0xbe: {  	[tilespmem:$0x2F0] =	vst v2  }
0xbf: {  	[tilespmem:$0x2D0] =	vst v1  }
0xc0: {  	[tilespmem:$0x2B0] =	vst v3  }
0xc1: {  	[tilespmem:$0x280] =	vst v4  }
0xc2: {  	[tilespmem:s24], [sflag:$0x4] =	stream.indirect.gather [hbm4b:s4+s18], $0x80, s23, s18, $0xb8;
	[tilespmem:$0x1C400] =	vst v63  }
0xc3: {  	_ =	swait.ge [sflag:s26], $0x4000  }
0xc4: {  	[sflag:s26] =	ssyncset.done $0x0  }
0xc5: {  	[sflag:s26] =	ssyncadd.s32 $0xFFFFC000  }
0xc6: {  	v1 =	vld [tilespmem:$0x180]  }
0xc7: {  	v2 =	vld [tilespmem:$0x1C0]  }
0xc8: {  	v3 =	vld [tilespmem:$0x1E0]  }
0xc9: {  	v58 =	vld [tilespmem:$0x1B0]  }
0xca: {  	v5 =	vld [tilespmem:$0x1F0]  }
0xcb: {  	v6 =	vld [tilespmem:$0x1A0];
	[tilespmem:$0x380] =	vst v1  }
0xcc: {  	v1 =	vld [tilespmem:$0x1D0];
	[tilespmem:$0x3C0] =	vst v2  }
0xcd: {  	v2 =	vld [tilespmem:$0x190];
	[tilespmem:$0x3E0] =	vst v3  }
0xce: {  	[tilespmem:$0x3B0] =	vst v58  }
0xcf: {  	[tilespmem:$0x3F0] =	vst v5  }
0xd0: {  	[tilespmem:$0x3A0] =	vst v6  }
0xd1: {  	p0 =	seq.s32 s0, $0x1340;
	[tilespmem:$0x3D0] =	vst v1  }
0xd2: {  	s0 =	sadd.s32 @!p0 s0, s6;
	[tilespmem:$0x390] =	vst v2  }
0xd3: {  	[spmem:s1] =	stream.indirect.scatter.add.f32 [tilespmem:s24], [sflag:$0x6], $0x80, s28, s18, $0xb8;
	[tilespmem:$0x1C400] =	vst v63  }
0xd4: {  	s3 =	simm.s32 @!p0 $0x0;
	s7 =	simm.s32 @!p0 $0x100;
	s0 =	sadd.s32 @!p0 $0x60, s0  }
0xd5: {  	[tilespmem:s7], [sflag:$0x2] =	stream.linear.gather @!p0 [hbm4b:s0+s3], $0x100, $0x38;
	[tilespmem:$0x1C400] =	vst v63  }
0xd6: {  	_ =	swait.ge [sflag:s17], $0x100  }
0xd7: {  	[sflag:s17] =	ssyncset.done $0x0  }
0xd8: {  	[sflag:s17] =	ssyncadd.s32 $0xFFFFFF00  }
0xd9: {  	_ =	swait.ge [sflag:s29], $0x4000  }
0xda: {  	[sflag:s29] =	ssyncset.done $0x0  }
0xdb: {  	[sflag:s29] =	ssyncadd.s32 $0xFFFFC000  }
0xdc: {  	v1 =	vld [tilespmem:$0x0]  }
0xdd: {  	v2 =	vld [tilespmem:$0x50]  }
0xde: {  	v3 =	vld [tilespmem:$0x20]  }
0xdf: {  	v59 =	vld [tilespmem:$0x30]  }
0xe0: {  	v60 =	vld [tilespmem:$0x40]  }
0xe1: {  	v61 =	vld [tilespmem:$0x10];
	[tilespmem:$0x200] =	vst v1  }
0xe2: {  	v1 =	vld [tilespmem:$0x70];
	[tilespmem:$0x250] =	vst v2  }
0xe3: {  	v2 =	vld [tilespmem:$0x60];
	[tilespmem:$0x220] =	vst v3  }
0xe4: {  	[tilespmem:$0x230] =	vst v59  }
0xe5: {  	[tilespmem:$0x240] =	vst v60  }
0xe6: {  	[tilespmem:$0x210] =	vst v61  }
0xe7: {  	[tilespmem:$0x270] =	vst v1  }
0xe8: {  	[tilespmem:$0x260] =	vst v2  }
0xe9: {  	[tilespmem:s14], [sflag:$0x3] =	stream.indirect.gather [hbm4b:s4+s18], $0x80, s19, s18, $0xb8;
	[tilespmem:$0x1C400] =	vst v63  }
0xea: {  	_ =	swait.ge [sflag:s20], $0x4000  }
0xeb: {  	[sflag:s20] =	ssyncset.done $0x0  }
0xec: {  	[sflag:s20] =	ssyncadd.s32 $0xFFFFC000  }
0xed: {  	v1 =	vld [tilespmem:$0x80]  }
0xee: {  	v2 =	vld [tilespmem:$0x90]  }
0xef: {  	v3 =	vld [tilespmem:$0xA0]  }
0xf0: {  	v62 =	vld [tilespmem:$0xB0]  }
0xf1: {  	v63 =	vld [tilespmem:$0xC0]  }
0xf2: {  	[tilespmem:$0x300] =	vst v1;
	v1 =	vld [tilespmem:$0xD0]  }
0xf3: {  	[tilespmem:$0x310] =	vst v2;
	v2 =	vld [tilespmem:$0xE0]  }
0xf4: {  	[tilespmem:$0x320] =	vst v3;
	v3 =	vld [tilespmem:$0xF0]  }
0xf5: {  	[tilespmem:$0x330] =	vst v62  }
0xf6: {  	[tilespmem:$0x340] =	vst v63  }
0xf7: {  	[tilespmem:$0x350] =	vst v1  }
0xf8: {  	[tilespmem:$0x360] =	vst v2  }
0xf9: {  	[tilespmem:$0x370] =	vst v3  }
0xfa: {  	[spmem:s1] =	stream.indirect.scatter.add.f32 [tilespmem:s14], [sflag:$0x5], $0x80, s21, s18, $0xb8;
	[tilespmem:$0x1C400] =	vst v63  }
0xfb: {  	_ =	swait.ge [sflag:s30], $0x4000  }
0xfc: {  	[sflag:s30] =	ssyncset.done $0x0  }
0xfd: {  	[sflag:s30] =	ssyncadd.s32 $0xFFFFC000  }
0xfe: {  	_ =	swait.ge [sflag:s29], $0x4000  }
0xff: {  	s8 =	stileid.u32;
	[sflag:s29] =	ssyncset.done $0x0  }
0x100: {  	s0 =	sshll.u32 s8, $0x6;
	[sflag:s29] =	ssyncadd.s32 $0xFFFFC000  }
0x101: {  	s0 =	sor.u32 $0x1C07, s0;
	[bflag:$0x0] =	sbarrier.arrive $0xFFFF  }
0x102: {  	[hbm:s13], [sflag:s0] =	dma.local [spmem:s25], $0x2800  }
0x103: {  	_ =	swait.ge [sflag:s15], $0x2800  }
0x104: {  	s31 =	sadd.s32 $0x1, s31;
	s16 =	rddreg [dreg:$0x4]  }
0x105: {  	p0 =	sne.s32 s31, s16  }
.Ltmp2:
0x106: {  	_ = 	snop;
	(pc) =	sbr.rel @p0 .LBB2_1-.Ltmp2, $3  }
0x107: {  	_ =	sdelay $0x1  }
0x108: {  	[sflag:s15] =	ssyncset.done $0x0  }
0x109: {  	[sflag:s15] =	ssyncadd.s32 $0xFFFFD800  }
0x10a: {  	_ =	sfence.sel $0x180000  }
0x10b: {  	[bflag:$0x0] =	sbarrier.arrive $0xFFFF  }
0x10c: {  	_ =	strace $0x9000004D  }
0x10d: {  	s0 =	stileid.u32;
	[bflag:$0x2] =	sbarrier.arrive $0xFFFF  }
0x10e: {  	p0 =	sne.s32 s0, $0x0;
	s0 =	rddreg [dreg:$0x2]  }
0x10f: {  	s0 =	sadd.s32 @!p0 $0x100000, s0  }
0x110: {  	[sflag:s0] =	ssyncadd.tile.s32 @!p0 $0x1;
	_ =	shalt  }
.Lfunc_end2:
_tile_overlayer_lowered:
.L_overlay_start_2:
0x111: {  	(tag) =	ssettag $0x2  }
0x112: {  	s0 =	rddreg [dreg:$0x0];
	s2 =	stileid.u32  }
0x113: {  	s1 =	rddreg [dreg:$0x1];
	p0 =	sne.s32 s2, $0x0  }
0x114: {  	s3 =	rddreg [dreg:$0x2];
	[bflag:$0x3] =	sbarrier.arrive $0xFFFF;
	s2 =	simm.s32 @!p0 $0x1C07  }
0x115: {  	[timem:s3], [sflag:s2] =	dma.local @!p0 [hbm:s0], s1  }
0x116: {  	s0 =	simm.s32 @!p0 $0x7  }
0x117: {  	_ =	swait.ge @!p0 [sflag:s0], s1  }
0x118: {  	s1 =	ssub.s32 @!p0 $0x0, s1;
	[sflag:s0] =	ssyncset.done @!p0 $0x0  }
0x119: {  	[sflag:s0] =	ssyncadd.s32 @!p0 s1  }
0x11a: {  	[bflag:$0x3] =	sbarrier.arrive $0xFFFF  }
0x11b: {  	_ =	shalt  }

// kernel: kernel.8.cloned.1.call-start
scs
__scs_entry_jumppad:
0x0: {  	(pc) =	sbr.rel $0x88, $3  }
0x1: {  	(tag) =	ssettag $0x0;
	lr =	simm.s32 $0x1  }
0x2: {  	[smem:$0x3F8C] =	sst lr;
	_ =	strace $0xD0000000  }
0x3: {  	_ = 	snop  }
0x4: {  	_ = 	snop  }
0x5: {  	_ = 	snop  }
0x6: {  	_ = 	snop  }
0x7: {  	_ = 	snop  }
__scs_overlays_trampoline_lowered:
0x8: {  	[smem:$0x3F9B] =	sst s0  }
0x9: {  	[smem:$0x3F9C] =	sst s1  }
0xa: {  	[smem:$0x3F9D] =	sst s2  }
0xb: {  	[smem:$0x3F9E] =	sst s3  }
0xc: {  	[smem:$0x3F9F] =	sst s4  }
0xd: {  	[smem:$0x3FA0] =	sst s5  }
0xe: {  	[smem:$0x3FA1] =	sst s6  }
0xf: {  	[smem:$0x3FA2] =	sst s7  }
0x10: {  	[smem:$0x3FA3] =	sst s8  }
0x11: {  	[smem:$0x3FA4] =	sst s9;
	s0 =	simm.s32 @!p0 $0x0  }
0x12: {  	s1 =	sld [smem:$0x3F8A];
	s0 =	simm.s32 @p0 $0x1  }
0x13: {  	[smem:$0x3FA5] =	sst s0;
	s0 =	simm.s32 @!p1 $0x0  }
0x14: {  	s2 =	sld [smem:$0x3F89];
	s0 =	simm.s32 @p1 $0x1  }
0x15: {  	[smem:$0x3FA6] =	sst s0;
	s0 =	simm.s32 @!p2 $0x0  }
0x16: {  	s3 =	sld [smem:$0x3FDB];
	s0 =	simm.s32 @p2 $0x1  }
0x17: {  	s4 =	simm.s32 $0x1BF5;
	[smem:$0x3FA8] =	sst s0  }
0x18: {  	s0 =	sld [smem:$0x3F8B];
	_ =	swait.ge [sflag:s4], $0x0  }
0x19: {  	s7 =	sld [smem:$0x3F8C]  }
0x1a: {  	s8 =	sadd.s32 $0xFFFFE003, lr  }
0x1b: {  	s9 =	sadd.s32 $0xFFFFFEF7, lr;
	s5 =	simm.s32 $0xFFFFFFFF;
	p2 =	slt.u32 s8, $0xFFFFF086  }
0x1c: {  	p1 =	slt.u32 s9, $0xF7A;
	s5 =	simm.s32 @!p2 $0x0  }
0x1d: {  	s5 =	simm.s32 @p1 $0x1;
	p0 =	seq.s32 s7, s2  }
0x1e: {  	s7 =	smul.u32 @!p0 $0xF7A, s2;
	p2 =	seq.s32 @!p0 s5, $0x0  }
0x1f: {  	s9 =	smul.u32 $0xF7A, s1;
	s8 =	simm.s32 @!p0 $0x1BF5;
	p2 =	por !p2, p0  }
0x20: {  	[sflag:s8] =	ssyncset.s32 @!p0 $0xFFFFF086;
	s6 =	sadd.s32 @!p0 s3, s7;
	s7 =	simm.s32 @!p0 $0x108  }
0x21: {  	s3 =	sadd.s32 s3, s9;
	s6 =	sadd.s32 @!p0 $0x88, s6;
	s7 =	simm.s32 @p2 $0x1082  }
0x22: {  	[simem:s7], [sflag:s8] =	dma.local @!p0 [hbm:s6], $0xF7A  }
0x23: {  	s9 =	sor.u32 $0xD0000000, s2;
	s6 =	simm.s32 $0x108;
	_ =	swait.ge @!p0 [sflag:s8], $0x0  }
0x24: {  	s3 =	sadd.s32 $0x88, s3;
	s6 =	simm.s32 @!p1 $0x1082;
	[sflag:s4] =	ssyncset.s32 $0xFFFFF086  }
0x25: {  	[simem:s6], [sflag:s4] =	dma.local [hbm:s3], $0xF7A  }
0x26: {  	[smem:$0x3F8C] =	sst s1;
	(tag) =	ssettag s2;
	_ =	strace s9  }
0x27: {  	s1 =	sld [smem:$0x3F9C]  }
0x28: {  	s2 =	sld [smem:$0x3F9D]  }
0x29: {  	s4 =	sld [smem:$0x3F9F]  }
0x2a: {  	p0 =	seq.s32 s5, $0x0;
	s5 =	sld [smem:$0x3FA0]  }
0x2b: {  	s6 =	sld [smem:$0x3FA1]  }
0x2c: {  	s7 =	sld [smem:$0x3FA2]  }
0x2d: {  	s3 =	simm.s32 $0x108;
	s8 =	sld [smem:$0x3FA3]  }
0x2e: {  	s3 =	simm.s32 @!p0 $0x1082;
	s9 =	sld [smem:$0x3FA4]  }
0x2f: {  	lr =	sadd.s32 s0, s3;
	s0 =	sld [smem:$0x3F9B]  }
0x30: {  	s3 =	sld [smem:$0x3F9E]  }
0x31: {  	[smem:$0x3FA7] =	sst s10  }
0x32: {  	s10 =	sld [smem:$0x3FA5];
	_ =	sdelay $0x3  }
0x33: {  	p0 =	seq.s32 s10, $0x1;
	s10 =	sld [smem:$0x3FA7];
	_ =	sdelay $0x3  }
0x34: {  	[smem:$0x3FA7] =	sst s10  }
0x35: {  	s10 =	sld [smem:$0x3FA6];
	_ =	sdelay $0x3  }
0x36: {  	p1 =	seq.s32 s10, $0x1;
	s10 =	sld [smem:$0x3FA7];
	_ =	sdelay $0x3  }
0x37: {  	[smem:$0x3FA7] =	sst s10  }
0x38: {  	s10 =	sld [smem:$0x3FA8]  }
0x39: {  	_ = 	snop;
	(pc) =	sbr.ind lr, $3  }
0x3a: {  	_ = 	snop  }
0x3b: {  	_ = 	snop  }
0x3c: {  	p2 =	seq.s32 s10, $0x1;
	s10 =	sld [smem:$0x3FA7]  }
0x3d: {  	_ =	shalt  }
0x3e: {  	_ =	shalt  }
0x3f: {  	_ =	shalt  }
0x40: {  	_ =	shalt  }
0x41: {  	_ =	shalt  }
0x42: {  	_ =	shalt  }
0x43: {  	_ =	shalt  }
0x44: {  	_ =	shalt  }
0x45: {  	_ =	shalt  }
0x46: {  	_ =	shalt  }
0x47: {  	_ =	shalt  }
0x48: {  	_ =	shalt  }
0x49: {  	_ =	shalt  }
0x4a: {  	_ =	shalt  }
0x4b: {  	_ =	shalt  }
0x4c: {  	_ =	shalt  }
0x4d: {  	_ =	shalt  }
0x4e: {  	_ =	shalt  }
0x4f: {  	_ =	shalt  }
0x50: {  	_ =	shalt  }
0x51: {  	_ =	shalt  }
0x52: {  	_ =	shalt  }
0x53: {  	_ =	shalt  }
0x54: {  	_ =	shalt  }
0x55: {  	_ =	shalt  }
0x56: {  	_ =	shalt  }
0x57: {  	_ =	shalt  }
0x58: {  	_ =	shalt  }
0x59: {  	_ =	shalt  }
0x5a: {  	_ =	shalt  }
0x5b: {  	_ =	shalt  }
0x5c: {  	_ =	shalt  }
0x5d: {  	_ =	shalt  }
0x5e: {  	_ =	shalt  }
0x5f: {  	_ =	shalt  }
0x60: {  	_ =	shalt  }
0x61: {  	_ =	shalt  }
0x62: {  	_ =	shalt  }
0x63: {  	_ =	shalt  }
0x64: {  	_ =	shalt  }
0x65: {  	_ =	shalt  }
0x66: {  	_ =	shalt  }
0x67: {  	_ =	shalt  }
0x68: {  	_ =	shalt  }
0x69: {  	_ =	shalt  }
0x6a: {  	_ =	shalt  }
0x6b: {  	_ =	shalt  }
0x6c: {  	_ =	shalt  }
0x6d: {  	_ =	shalt  }
0x6e: {  	_ =	shalt  }
0x6f: {  	_ =	shalt  }
0x70: {  	_ =	shalt  }
0x71: {  	_ =	shalt  }
0x72: {  	_ =	shalt  }
0x73: {  	_ =	shalt  }
0x74: {  	_ =	shalt  }
0x75: {  	_ =	shalt  }
0x76: {  	_ =	shalt  }
0x77: {  	_ =	shalt  }
0x78: {  	_ =	shalt  }
0x79: {  	_ =	shalt  }
0x7a: {  	_ =	shalt  }
0x7b: {  	_ =	shalt  }
0x7c: {  	_ =	shalt  }
0x7d: {  	_ =	shalt  }
0x7e: {  	_ =	shalt  }
0x7f: {  	_ =	shalt  }
0x80: {  	_ =	shalt  }
0x81: {  	_ =	shalt  }
0x82: {  	_ =	shalt  }
0x83: {  	_ =	shalt  }
0x84: {  	_ =	shalt  }
0x85: {  	_ =	shalt  }
0x86: {  	_ =	shalt  }
0x87: {  	_ =	shalt  }
.Lfunc_end0:
.L_simem_size_0:
called_computation_lowered:
.L_overlay_start_0:
0x88: {  	s2 =	sld [smem:$0x3FD9]  }
0x89: {  	s3 =	sld [smem:$0x3FFE];
	_ =	sdelay $0x1  }
0x8a: {  	s1 =	srdreg.scid  }
0x8b: {  	s0 =	sand.u32 $0x1, s1  }
0x8c: {  	s16 =	sshll.u32 s0, $0xA;
	s2 =	sadd.s32 s3, s2  }
0x8d: {  	s2 =	sadd.s32 s2, s16  }
0x8e: {  	[smem:$0x3FB3] =	sst s2  }
0x8f: {  	_ = 	snop  }
0x90: {  	(tm) =	ssettm $0x1  }
0x91: {  	s17 =	sld [smem:$0x3FFB];
	_ =	sdelay $0x3  }
0x92: {  	_ =	strace s17  }
0x93: {  	s2 =	sld [smem:$0x3FFC];
	_ =	sdelay $0x3  }
0x94: {  	_ =	strace s2  }
0x95: {  	s2 =	sld [smem:$0x3FFD];
	_ =	sdelay $0x3  }
0x96: {  	_ =	strace s2  }
0x97: {  	_ =	strace $0x8FFFFFFF  }
0x98: {  	s18 =	sld [smem:$0x3FDB];
	_ =	sdelay $0x1  }
0x99: {  	s19 =	simm.s32 $_scs_section_size  }
0x9a: {  	s4 =	simm.s32 $_size__tile_overlayer_lowered;
	s5 =	simm.s32 $_tile_overlayer_lowered  }
0x9b: {  	s22 =	simm.s32 $0x1BFF;
	s21 =	sshll.u32 s5, $0x1;
	s2 =	sadd.s32 s19, s18  }
0x9c: {  	s6 =	simm.s32 $0x0;
	s20 =	sshll.u32 s4, $0x1;
	s4 =	sadd.s32 s21, s2  }
0x9d: {  	[timem:s6], [sflag:s22] =	dma.local [hbm:s4], s20  }
0x9e: {  	_ =	swait.ge [sflag:s22], s20  }
0x9f: {  	s3 =	ssub.s32 $0x0, s20;
	[sflag:s22] =	ssyncset.done $0x0  }
0xa0: {  	[sflag:s22] =	ssyncadd.s32 s3;
	_ =	sdelay $0x1  }
0xa1: {  	s23 =	simm.s32 $0x1B8B  }
0xa2: {  	_ =	swait.ge [sflag:s23], $0x1  }
0xa3: {  	[sflag:s23] =	ssyncset.done $0x0  }
0xa4: {  	s25 =	simm.s32 $0x1B8E;
	s24 =	sld [smem:$0x3FFE];
	[sflag:s23] =	ssyncadd.s32 $0xFFFFFFFF  }
0xa5: {  	s26 =	simm.s32 $execute0_lowered;
	[smem:$0x3FD2] =	sst s25  }
0xa6: {  	s4 =	sshll.u32 s26, $0x1;
	_ =	strace $0x80000046;
	[dreg:$0x1] =	wrdreg $0xFFFFFFFF  }
0xa7: {  	s28 =	simm.s32 $_size_execute0_lowered;
	s2 =	sadd.s32 s2, s4;
	[dreg:$0x0] =	wrdreg $0x0  }
0xa8: {  	s4 =	sshll.u32 s28, $0x1;
	[dreg:$0x2] =	wrdreg s2  }
0xa9: {  	[dreg:$0x3] =	wrdreg s4  }
0xaa: {  	[dreg:$0x4] =	wrdreg $0xC0  }
0xab: {  	_ =	task [dreg:s6], $0x5FFFF  }
0xac: {  	[dreg:$0x1] =	wrdreg $0xFFFFFFFF  }
0xad: {  	[dreg:$0x0] =	wrdreg $0x60  }
0xae: {  	[dreg:$0x2] =	wrdreg s24  }
0xaf: {  	[dreg:$0x3] =	wrdreg $0x44000  }
0xb0: {  	[dreg:$0x4] =	wrdreg $0xEC000  }
0xb1: {  	[dreg:$0x5] =	wrdreg $0x9  }
0xb2: {  	_ =	task.clear_ibuf [dreg:s6], $0x6FFFF;
	_ =	strace $0x90000046  }
0xb3: {  	s29 =	simm.s32 $0x9;
	_ =	strace $0x80000048  }
0xb4: {  	_ =	swait.ge [sflag:s29], $0x1  }
0xb5: {  	[sflag:s29] =	ssyncadd.s32 $0xFFFFFFFF  }
0xb6: {  	_ =	strace $0x90000048  }
0xb7: {  	_ =	sfence  }
0xb8: {  	s30 =	sld [smem:$0x0];
	_ =	sdelay $0x2  }
0xb9: {  	s31 =	sshll.u32 s1, $0xD;
	s1 =	sshrl.u32 s1, $0x2  }
0xba: {  	s3 =	sand.u32 $0x4000, s31;
	s1 =	sadd.s32 s1, s30  }
0xbb: {  	s0 =	sor.u32 s3, s0;
	s1 =	sshll.u32 s1, $0x11  }
0xbc: {  	s0 =	sor.u32 s1, s0  }
0xbd: {  	s0 =	sadd.s32 $0x8F2B, s0  }
0xbe: {  	[sflag:s0] =	ssyncadd.remote.s32 $0x1  }
0xbf: {  	_ =	sfence.sel $0xFFFF  }
0xc0: {  	[dreg:$0x0] =	wrdreg $0xFFFFFFFF;
	(pc) =	sbr.abs _section_cstart, $3  }
0xc1: {  	[dreg:$0x1] =	wrdreg $0xFFFFFFFF  }
0xc2: {  	_ =	task.clear_ibuf [dreg:s6], $0x2FFFF;
	_ =	strace $0x9FFFFFFF  }
0xc3: {  	(tm) =	ssettm $0x7FFFFFFF  }
tec
execute0_lowered:
.L_overlay_start_1:
0x0: {  	(tag) =	ssettag $0x1  }
0x1: {  	s0 =	rddreg [dreg:$0x0]  }
0x2: {  	s2 =	rddreg [dreg:$0x1]  }
0x3: {  	s3 =	rddreg [dreg:$0x2];
	s4 =	simm.s32 $0x0;
	s14 =	stileid.u32  }
0x4: {  	s8 =	srdreg.scid;
	s28 =	simm.s32 $0x1;
	s1 =	smul.u32 $0xA000, s14  }
0x5: {  	s29 =	simm.s32 $0x80;
	s30 =	simm.s32 $0x200;
	s6 =	smul.u32 $0x2800, s14  }
0x6: {  	s31 =	simm.s32 $0x3;
	[smem:$0x7FF] =	sst s4;
	s24 =	smul.u32 $0x9D00, s14  }
0x7: {  	s5 =	sadd.s32 $0x6600, s0;
	s10 =	sand.u32 $0x1, s8;
	s13 =	smul.u32 $0x13A0, s14  }
0x8: {  	_ =	strace $0x80000047;
	s11 =	ssub.s32 $0x2, s10;
	p0 =	seq.s32 s10, $0x0  }
0x9: {  	s7 =	sshrl.u32 s1, $0x3;
	s9 =	sshrl.u32 s6, $0x3;
	s12 =	sshrl.u32 s11, $0x1  }
0xa: {  	s8 =	sshrl.u32 s24, $0x3;
	s26 =	sadd.s32 s1, s2;
	s6 =	sadd.s32 s6, s3  }
0xb: {  	s1 =	sshrl.u32 s1, $0x2;
	s7 =	sadd.s32 s7, s0;
	s9 =	sadd.s32 s9, s0  }
0xc: {  	s8 =	sadd.s32 s5, s8;
	[dreg:$0x6] =	wrdreg s26;
	s1 =	sadd.s32 s1, s3  }
0xd: {  	s11 =	ssub.s32 s11, s12;
	s8 =	sadd.s32 $0x20, s8;
	[dreg:$0xb] =	wrdreg s1  }
0xe: {  	s12 =	smul.u32 $0x280, s14;
	s25 =	sadd.s32 $0x92000, s7;
	[dreg:$0x4] =	wrdreg s8  }
0xf: {  	s5 =	sadd.s32 s5, s13;
	s7 =	sadd.s32 $0xA6000, s7;
	[dreg:$0x5] =	wrdreg s25  }
0x10: {  	s15 =	smax.u32 s11, $0x1;
	s11 =	simm.s32 $0x5;
	[dreg:$0x7] =	wrdreg s7  }
0x11: {  	s8 =	smul.u32 $0x28000, s14;
	s14 =	sadd.s32 $0xBA000, s9;
	[dreg:$0x9] =	wrdreg s15  }
0x12: {  	s17 =	sadd.s32 $0x80, s12;
	s19 =	sadd.s32 $0x100, s12;
	s22 =	sadd.s32 $0x180, s12  }
0x13: {  	s25 =	sadd.s32 $0x200, s12;
	s9 =	simm.s32 $0x7E000;
	s12 =	simm.s32 $0x0  }
0x14: {  	[dreg:$0x8] =	wrdreg s14;
	s18 =	sshll.u32 s17, $0x6;
	s1 =	sshll.u32 s17, $0x4  }
0x15: {  	s20 =	sshll.u32 s19, $0x6;
	s21 =	sshll.u32 s19, $0x4;
	s23 =	sshll.u32 s22, $0x6  }
0x16: {  	s26 =	sshll.u32 s25, $0x6;
	s9 =	simm.s32 @!p0 $0x6A000;
	p0 =	sne.s32 s10, $0x0  }
0x17: {  	s10 =	simm.s32 $0x380;
	s16 =	sshrl.u32 s8, $0x2;
	s1 =	sadd.s32 s1, s3  }
0x18: {  	s14 =	sadd.s32 s18, s2;
	s7 =	sadd.s32 s16, s2;
	[dreg:$0xc] =	wrdreg s1  }
0x19: {  	s18 =	sadd.s32 s23, s2;
	s1 =	sadd.s32 s20, s2;
	[dreg:$0xa] =	wrdreg s7  }
0x1a: {  	s23 =	simm.s32 $0x400;
	[dreg:$0xd] =	wrdreg s1;
	s1 =	sadd.s32 s21, s3  }
0x1b: {  	s7 =	sshll.u32 s22, $0x4;
	s22 =	sadd.s32 s9, s0;
	s0 =	sshrl.u32 @!p0 s6, $0x3  }
0x1c: {  	s6 =	simm.s32 $0x280;
	s9 =	simm.s32 $0x4;
	[dreg:$0xe] =	wrdreg s1  }
0x1d: {  	s24 =	sadd.s32 s7, s3;
	s1 =	sshll.u32 s25, $0x4;
	[dreg:$0x12] =	wrdreg s0  }
0x1e: {  	s7 =	sadd.s32 s26, s2;
	s0 =	simm.s32 $0x300;
	[dreg:$0xf] =	wrdreg s24  }
0x1f: {  	s26 =	simm.s32 $0x2;
	[dreg:$0x10] =	wrdreg s7;
	s1 =	sadd.s32 s1, s3  }
0x20: {  	v0 =	vimm.f32 $0.0e+00;
	v1 =	vimm.f32 $1.000000000e+00;
	s24 =	simm.s32 $0x8;
	s7 =	simm.s32 $0x2400;
	[dreg:$0x11] =	wrdreg s1  }
.LBB2_1:
0x21: {  	s1 =	simm.s32 $0x420  }
0x22: {  	[tilespmem:s1+$0x0] =	vst v0  }
0x23: {  	[tilespmem:s1+$0xFFFFFFE0] =	vst v0  }
0x24: {  	[tilespmem:s1+$0x10] =	vst v0  }
0x25: {  	s13 =	simm.s32 $0x40;
	s15 =	simm.s32 $0x0;
	[tilespmem:s1+$0xFFFFFFF0] =	vst v0  }
.LBB2_2:
0x26: {  	p1 =	sne.s32 s13, $0x1FC0  }
0x27: {  	[tilespmem:s15+$0xE400] =	vst v0;
	s1 =	sadd.s32 $0x40, s1;
	s15 =	smov.u32 s13;
	s13 =	sadd.s32 $0x40, s13  }
.Ltmp0:
0x28: {  	[tilespmem:s1+$0x0] =	vst v0;
	(pc) =	sbr.rel @p1 .LBB2_2-.Ltmp0, $4  }
0x29: {  	_ = 	snop  }
0x2a: {  	[tilespmem:s1+$0xFFFFFFE0] =	vst v0  }
0x2b: {  	[tilespmem:s1+$0x10] =	vst v0  }
0x2c: {  	s15 =	sshra.s32 s15, $0x2;
	[tilespmem:s1+$0xFFFFFFF0] =	vst v0  }
0x2d: {  	[tilespmem:s15+$0xE400] =	vst v0;
	s1 =	rddreg [dreg:$0xa]  }
0x2e: {  	[spmem:s1] =	stream.linear.scatter [tilespmem:s23], [sflag:$0x8], $0x2000, $0x38;
	[tilespmem:$0x11400] =	vst v63  }
0x2f: {  	_ =	swait.ge [sflag:s24], $0x2000  }
0x30: {  	[sflag:s24] =	ssyncset.done $0x0  }
0x31: {  	s13 =	simm.s32 @p0 $0x8;
	s1 =	simm.s32 @p0 $0x400;
	[sflag:s24] =	ssyncadd.s32 $0xFFFFE000  }
0x32: {  	[spmem:s14] =	stream.linear.scatter @p0 [tilespmem:s1], [sflag:$0x8], $0x2000, $0x38;
	[tilespmem:$0x11400] =	vst v63  }
0x33: {  	_ =	swait.ge @p0 [sflag:s13], $0x2000  }
0x34: {  	s15 =	simm.s32 @!p0 $0xE400;
	[sflag:s13] =	ssyncset.done @p0 $0x0  }
0x35: {  	s16 =	simm.s32 @!p0 $0x7;
	s8 =	rddreg [dreg:$0xb];
	[sflag:s13] =	ssyncadd.s32 @p0 $0xFFFFE000  }
0x36: {  	[spmem:s8] =	stream.linear.scatter @!p0 [tilespmem:s15], [sflag:$0x7], $0x800, $0x38;
	[tilespmem:$0x11400] =	vst v63  }
0x37: {  	_ =	swait.ge @!p0 [sflag:s16], $0x800  }
0x38: {  	[sflag:s16] =	ssyncset.done @!p0 $0x0  }
0x39: {  	s17 =	simm.s32 @!p0 $0x400;
	s19 =	simm.s32 @!p0 $0x8;
	[sflag:s16] =	ssyncadd.s32 @!p0 $0xFFFFF800  }
0x3a: {  	[spmem:s14] =	stream.linear.scatter @!p0 [tilespmem:s17], [sflag:$0x8], $0x2000, $0x38;
	[tilespmem:$0x11400] =	vst v63  }
0x3b: {  	_ =	swait.ge @!p0 [sflag:s19], $0x2000  }
0x3c: {  	[sflag:s19] =	ssyncset.done @!p0 $0x0  }
0x3d: {  	s8 =	rddreg [dreg:$0xc];
	[sflag:s19] =	ssyncadd.s32 @!p0 $0xFFFFE000  }
0x3e: {  	[spmem:s8] =	stream.linear.scatter @!p0 [tilespmem:s15], [sflag:$0x7], $0x800, $0x38;
	[tilespmem:$0x11400] =	vst v63  }
0x3f: {  	_ =	swait.ge @!p0 [sflag:s16], $0x800  }
0x40: {  	[sflag:s16] =	ssyncset.done @!p0 $0x0  }
0x41: {  	s21 =	rddreg [dreg:$0xd];
	[sflag:s16] =	ssyncadd.s32 @!p0 $0xFFFFF800  }
0x42: {  	[spmem:s21] =	stream.linear.scatter [tilespmem:s23], [sflag:$0x8], $0x2000, $0x38;
	[tilespmem:$0x11400] =	vst v63  }
0x43: {  	_ =	swait.ge [sflag:s24], $0x2000  }
0x44: {  	[sflag:s24] =	ssyncset.done $0x0  }
0x45: {  	[sflag:s24] =	ssyncadd.s32 $0xFFFFE000  }
0x46: {  	[spmem:s18] =	stream.linear.scatter @p0 [tilespmem:s1], [sflag:$0x8], $0x2000, $0x38;
	[tilespmem:$0x11400] =	vst v63  }
0x47: {  	_ =	swait.ge @p0 [sflag:s13], $0x2000  }
0x48: {  	[sflag:s13] =	ssyncset.done @p0 $0x0  }
0x49: {  	s1 =	rddreg [dreg:$0xe];
	[sflag:s13] =	ssyncadd.s32 @p0 $0xFFFFE000  }
0x4a: {  	[spmem:s1] =	stream.linear.scatter @!p0 [tilespmem:s15], [sflag:$0x7], $0x800, $0x38;
	[tilespmem:$0x11400] =	vst v63  }
0x4b: {  	_ =	swait.ge @!p0 [sflag:s16], $0x800  }
0x4c: {  	[sflag:s16] =	ssyncset.done @!p0 $0x0  }
0x4d: {  	[sflag:s16] =	ssyncadd.s32 @!p0 $0xFFFFF800  }
0x4e: {  	[spmem:s18] =	stream.linear.scatter @!p0 [tilespmem:s17], [sflag:$0x8], $0x2000, $0x38;
	[tilespmem:$0x11400] =	vst v63  }
0x4f: {  	_ =	swait.ge @!p0 [sflag:s19], $0x2000  }
0x50: {  	[sflag:s19] =	ssyncset.done @!p0 $0x0  }
0x51: {  	s1 =	rddreg [dreg:$0xf];
	[sflag:s19] =	ssyncadd.s32 @!p0 $0xFFFFE000  }
0x52: {  	[spmem:s1] =	stream.linear.scatter @!p0 [tilespmem:s15], [sflag:$0x7], $0x800, $0x38;
	[tilespmem:$0x11400] =	vst v63  }
0x53: {  	_ =	swait.ge @!p0 [sflag:s16], $0x800  }
0x54: {  	[sflag:s16] =	ssyncset.done @!p0 $0x0  }
0x55: {  	s25 =	rddreg [dreg:$0x10];
	[sflag:s16] =	ssyncadd.s32 @!p0 $0xFFFFF800  }
0x56: {  	[spmem:s25] =	stream.linear.scatter [tilespmem:s23], [sflag:$0x8], $0x2000, $0x38;
	[tilespmem:$0x11400] =	vst v63  }
0x57: {  	_ =	swait.ge [sflag:s24], $0x2000  }
0x58: {  	[sflag:s24] =	ssyncset.done $0x0  }
0x59: {  	s1 =	rddreg [dreg:$0x11];
	[sflag:s24] =	ssyncadd.s32 $0xFFFFE000  }
0x5a: {  	[spmem:s1] =	stream.linear.scatter @!p0 [tilespmem:s15], [sflag:$0x7], $0x800, $0x38;
	[tilespmem:$0x11400] =	vst v63  }
0x5b: {  	_ =	swait.ge @!p0 [sflag:s16], $0x800  }
0x5c: {  	[sflag:s16] =	ssyncset.done @!p0 $0x0  }
0x5d: {  	s13 =	simm.s32 $0x0;
	s1 =	simm.s32 $0x40;
	[sflag:s16] =	ssyncadd.s32 @!p0 $0xFFFFF800  }
.LBB2_4:
0x5e: {  	p1 =	sne.s32 s1, $0x1FC0;
	[tilespmem:s13+$0xE400] =	vst v1;
	s13 =	smov.u32 s1;
	s1 =	sadd.s32 $0x40, s1  }
.Ltmp1:
0x5f: {  	(pc) =	sbr.rel @p1 .LBB2_4-.Ltmp1, $2  }
0x60: {  	_ =	sdelay $0x2  }
0x61: {  	s13 =	sshra.s32 s13, $0x2  }
0x62: {  	[tilespmem:s13+$0xE400] =	vst v1  }
0x63: {  	s1 =	simm.s32 $0x0;
	[bflag:$0x0] =	sbarrier.arrive $0xFFFF  }
0x64: {  	[tilespmem:s1], [sflag:$0x1] =	stream.linear.gather [hbm4b:s5+s1], $0x100, $0x38;
	[tilespmem:$0x11400] =	vst v63  }
0x65: {  	s25 =	simm.s32 $0x100;
	s8 =	rddreg [dreg:$0x4]  }
0x66: {  	[tilespmem:s25], [sflag:$0x2] =	stream.linear.gather [hbm4b:s8+s1], $0x100, $0x38;
	[tilespmem:$0x11400] =	vst v63  }
0x67: {  	_ =	swait.ge [sflag:s28], $0x100  }
0x68: {  	[sflag:s28] =	ssyncset.done $0x0  }
0x69: {  	[sflag:s28] =	ssyncadd.s32 $0xFFFFFF00  }
0x6a: {  	v2 =	vld [tilespmem:$0x0]  }
0x6b: {  	v3 =	vld [tilespmem:$0x10]  }
0x6c: {  	v4 =	vld [tilespmem:$0x20]  }
0x6d: {  	v5 =	vld [tilespmem:$0x30]  }
0x6e: {  	v6 =	vld [tilespmem:$0x40]  }
0x6f: {  	[tilespmem:$0x200] =	vst v2;
	v2 =	vld [tilespmem:$0x50]  }
0x70: {  	[tilespmem:$0x210] =	vst v3;
	v3 =	vld [tilespmem:$0x60]  }
0x71: {  	[tilespmem:$0x220] =	vst v4;
	v4 =	vld [tilespmem:$0x70]  }
0x72: {  	[tilespmem:$0x230] =	vst v5  }
0x73: {  	[tilespmem:$0x240] =	vst v6  }
0x74: {  	[tilespmem:$0x250] =	vst v2  }
0x75: {  	[tilespmem:$0x260] =	vst v3  }
0x76: {  	[tilespmem:$0x270] =	vst v4  }
0x77: {  	[tilespmem:s23], [sflag:$0x3] =	stream.indirect.gather [hbm4b:s22+s29], $0x40, s30, s29, $0xb8;
	[tilespmem:$0x11400] =	vst v63  }
0x78: {  	_ =	swait.ge [sflag:s31], $0x2000  }
0x79: {  	[sflag:s31] =	ssyncset.done $0x0  }
0x7a: {  	[sflag:s31] =	ssyncadd.s32 $0xFFFFE000  }
0x7b: {  	v2 =	vld [tilespmem:$0xF0]  }
0x7c: {  	v3 =	vld [tilespmem:$0xD0]  }
0x7d: {  	v4 =	vld [tilespmem:$0xE0]  }
0x7e: {  	v5 =	vld [tilespmem:$0xB0]  }
0x7f: {  	v6 =	vld [tilespmem:$0x80]  }
0x80: {  	v7 =	vld [tilespmem:$0xC0];
	[tilespmem:$0x370] =	vst v2  }
0x81: {  	v2 =	vld [tilespmem:$0xA0];
	[tilespmem:$0x350] =	vst v3  }
0x82: {  	v3 =	vld [tilespmem:$0x90];
	[tilespmem:$0x360] =	vst v4  }
0x83: {  	[tilespmem:$0x330] =	vst v5  }
0x84: {  	[tilespmem:$0x300] =	vst v6  }
0x85: {  	[tilespmem:$0x340] =	vst v7  }
0x86: {  	[tilespmem:$0x320] =	vst v2  }
0x87: {  	s13 =	simm.s32 @!p0 $0x7;
	[tilespmem:$0x310] =	vst v3  }
0x88: {  	[spmem:s2] =	stream.indirect.scatter.add.f32 [tilespmem:s23], [sflag:$0x5], $0x40, s0, s29, $0xb8;
	[tilespmem:$0x11400] =	vst v63  }
0x89: {  	s15 =	simm.s32 @!p0 $0x80;
	s16 =	simm.s32 @!p0 $0x300;
	s17 =	simm.s32 @!p0 $0xE400  }
0x8a: {  	[spmem:s3] =	stream.indirect.scatter.add.f32 @!p0 [tilespmem:s17], [sflag:$0x7], $0x10, s16, s15, $0xb8;
	[tilespmem:$0x11400] =	vst v63  }
0x8b: {  	_ =	swait.ge @!p0 [sflag:s13], $0x800  }
0x8c: {  	s19 =	sadd.s32 $0x0, s5;
	[sflag:s13] =	ssyncset.done @!p0 $0x0  }
0x8d: {  	s19 =	sadd.s32 $0x40, s19;
	[sflag:s13] =	ssyncadd.s32 @!p0 $0xFFFFF800  }
0x8e: {  	[tilespmem:s4], [sflag:$0x1] =	stream.linear.gather [hbm4b:s19+s4], $0x100, $0x38;
	[tilespmem:$0x11400] =	vst v63  }
0x8f: {  	_ =	swait.ge [sflag:s26], $0x100  }
0x90: {  	p1 =	por $0x1, $0x1;
	[sflag:s26] =	ssyncset.done $0x0  }
0x91: {  	s19 =	simm.s32 @!p1 $0x6;
	[sflag:s26] =	ssyncadd.s32 $0xFFFFFF00  }
0x92: {  	_ =	swait.ge @!p1 [sflag:s19], $0x2000  }
0x93: {  	[sflag:s19] =	ssyncset.done @!p1 $0x0  }
0x94: {  	[sflag:s19] =	ssyncadd.s32 @!p1 $0xFFFFE000  }
0x95: {  	v2 =	vld [tilespmem:$0x170]  }
0x96: {  	v3 =	vld [tilespmem:$0x150]  }
0x97: {  	v4 =	vld [tilespmem:$0x160]  }
0x98: {  	v5 =	vld [tilespmem:$0x130]  }
0x99: {  	v6 =	vld [tilespmem:$0x140]  }
0x9a: {  	v7 =	vld [tilespmem:$0x120];
	[tilespmem:$0x2F0] =	vst v2  }
0x9b: {  	v2 =	vld [tilespmem:$0x110];
	[tilespmem:$0x2D0] =	vst v3  }
0x9c: {  	v3 =	vld [tilespmem:$0x100];
	[tilespmem:$0x2E0] =	vst v4  }
0x9d: {  	[tilespmem:$0x2B0] =	vst v5  }
0x9e: {  	[tilespmem:$0x2C0] =	vst v6  }
0x9f: {  	[tilespmem:$0x2A0] =	vst v7  }
0xa0: {  	[tilespmem:$0x290] =	vst v2  }
0xa1: {  	[tilespmem:$0x280] =	vst v3  }
0xa2: {  	[tilespmem:s7], [sflag:$0x4] =	stream.indirect.gather [hbm4b:s22+s29], $0x40, s6, s29, $0xb8;
	[tilespmem:$0x11400] =	vst v63  }
0xa3: {  	_ =	swait.ge [sflag:s9], $0x2000  }
0xa4: {  	[sflag:s9] =	ssyncset.done $0x0  }
0xa5: {  	[sflag:s9] =	ssyncadd.s32 $0xFFFFE000  }
0xa6: {  	v2 =	vld [tilespmem:$0x1D0]  }
0xa7: {  	v4 =	vld [tilespmem:$0x1F0]  }
0xa8: {  	v5 =	vld [tilespmem:$0x1E0]  }
0xa9: {  	v6 =	vld [tilespmem:$0x1B0]  }
0xaa: {  	v3 =	vld [tilespmem:$0x1A0]  }
0xab: {  	[tilespmem:$0x3D0] =	vst v2;
	v2 =	vld [tilespmem:$0x180]  }
0xac: {  	[tilespmem:$0x3F0] =	vst v4;
	v4 =	vld [tilespmem:$0x1C0]  }
0xad: {  	[tilespmem:$0x3E0] =	vst v5;
	v5 =	vld [tilespmem:$0x190]  }
0xae: {  	s19 =	simm.s32 $0x40;
	[tilespmem:$0x3B0] =	vst v6  }
.LBB2_6:
0xaf: {  	[tilespmem:$0x3A0] =	vst v3;
	s21 =	smov.u32 s19;
	s19 =	sadd.s32 $0x40, s19  }
0xb0: {  	p1 =	sne.s32 s19, $0x1380;
	[tilespmem:$0x380] =	vst v2  }
0xb1: {  	[tilespmem:$0x3C0] =	vst v4  }
0xb2: {  	[tilespmem:$0x390] =	vst v5  }
0xb3: {  	[spmem:s2] =	stream.indirect.scatter.add.f32 [tilespmem:s7], [sflag:$0x6], $0x40, s10, s29, $0xb8;
	[tilespmem:$0x11400] =	vst v63  }
0xb4: {  	s20 =	simm.s32 @!p0 $0x380  }
0xb5: {  	[spmem:s3] =	stream.indirect.scatter.add.f32 @!p0 [tilespmem:s17], [sflag:$0x7], $0x10, s20, s15, $0xb8;
	[tilespmem:$0x11400] =	vst v63  }
0xb6: {  	p2 =	seq.s32 s1, $0x1340;
	_ =	swait.ge @!p0 [sflag:s13], $0x800  }
0xb7: {  	s1 =	sadd.s32 @!p2 s1, s5;
	s25 =	simm.s32 @!p2 $0x100;
	[sflag:s13] =	ssyncset.done @!p0 $0x0  }
0xb8: {  	s8 =	simm.s32 @!p2 $0x0;
	s1 =	sadd.s32 @!p2 $0x60, s1;
	[sflag:s13] =	ssyncadd.s32 @!p0 $0xFFFFF800  }
0xb9: {  	[tilespmem:s25], [sflag:$0x2] =	stream.linear.gather @!p2 [hbm4b:s1+s8], $0x100, $0x38;
	[tilespmem:$0x11400] =	vst v63  }
0xba: {  	s1 =	smov.u32 s21;
	_ =	swait.ge [sflag:s28], $0x100  }
0xbb: {  	[sflag:s28] =	ssyncset.done $0x0  }
0xbc: {  	[sflag:s28] =	ssyncadd.s32 $0xFFFFFF00  }
0xbd: {  	_ =	swait.ge [sflag:s11], $0x2000  }
0xbe: {  	[sflag:s11] =	ssyncset.done $0x0  }
0xbf: {  	[sflag:s11] =	ssyncadd.s32 $0xFFFFE000  }
0xc0: {  	v2 =	vld [tilespmem:$0x0]  }
0xc1: {  	v3 =	vld [tilespmem:$0x10]  }
0xc2: {  	v4 =	vld [tilespmem:$0x20]  }
0xc3: {  	v5 =	vld [tilespmem:$0x30]  }
0xc4: {  	v6 =	vld [tilespmem:$0x40]  }
0xc5: {  	[tilespmem:$0x200] =	vst v2;
	v2 =	vld [tilespmem:$0x50]  }
0xc6: {  	[tilespmem:$0x210] =	vst v3;
	v3 =	vld [tilespmem:$0x60]  }
0xc7: {  	[tilespmem:$0x220] =	vst v4;
	v4 =	vld [tilespmem:$0x70]  }
0xc8: {  	[tilespmem:$0x230] =	vst v5  }
0xc9: {  	[tilespmem:$0x240] =	vst v6  }
0xca: {  	[tilespmem:$0x250] =	vst v2  }
0xcb: {  	[tilespmem:$0x260] =	vst v3  }
0xcc: {  	[tilespmem:$0x270] =	vst v4  }
0xcd: {  	[tilespmem:s23], [sflag:$0x3] =	stream.indirect.gather [hbm4b:s22+s29], $0x40, s30, s29, $0xb8;
	[tilespmem:$0x11400] =	vst v63  }
0xce: {  	_ =	swait.ge [sflag:s31], $0x2000  }
0xcf: {  	[sflag:s31] =	ssyncset.done $0x0  }
0xd0: {  	[sflag:s31] =	ssyncadd.s32 $0xFFFFE000  }
0xd1: {  	v2 =	vld [tilespmem:$0xF0]  }
0xd2: {  	v3 =	vld [tilespmem:$0xD0]  }
0xd3: {  	v4 =	vld [tilespmem:$0xE0]  }
0xd4: {  	v5 =	vld [tilespmem:$0xB0]  }
0xd5: {  	v6 =	vld [tilespmem:$0x80]  }
0xd6: {  	v7 =	vld [tilespmem:$0xC0];
	[tilespmem:$0x370] =	vst v2  }
0xd7: {  	v2 =	vld [tilespmem:$0xA0];
	[tilespmem:$0x350] =	vst v3  }
0xd8: {  	v3 =	vld [tilespmem:$0x90];
	[tilespmem:$0x360] =	vst v4  }
0xd9: {  	[tilespmem:$0x330] =	vst v5  }
0xda: {  	[tilespmem:$0x300] =	vst v6  }
0xdb: {  	[tilespmem:$0x340] =	vst v7  }
0xdc: {  	[tilespmem:$0x320] =	vst v2  }
0xdd: {  	[tilespmem:$0x310] =	vst v3  }
0xde: {  	[spmem:s2] =	stream.indirect.scatter.add.f32 [tilespmem:s23], [sflag:$0x5], $0x40, s0, s29, $0xb8;
	[tilespmem:$0x11400] =	vst v63  }
0xdf: {  	_ = 	snop  }
0xe0: {  	[spmem:s3] =	stream.indirect.scatter.add.f32 @!p0 [tilespmem:s17], [sflag:$0x7], $0x10, s16, s15, $0xb8;
	[tilespmem:$0x11400] =	vst v63  }
0xe1: {  	_ =	swait.ge @!p0 [sflag:s13], $0x800  }
0xe2: {  	s8 =	sadd.s32 s1, s5;
	[sflag:s13] =	ssyncset.done @!p0 $0x0  }
0xe3: {  	s8 =	sadd.s32 $0x40, s8;
	[sflag:s13] =	ssyncadd.s32 @!p0 $0xFFFFF800  }
0xe4: {  	[tilespmem:s4], [sflag:$0x1] =	stream.linear.gather [hbm4b:s8+s4], $0x100, $0x38;
	[tilespmem:$0x11400] =	vst v63  }
0xe5: {  	_ =	swait.ge [sflag:s26], $0x100  }
0xe6: {  	p2 =	seq.s32 s1, $0x0;
	[sflag:s26] =	ssyncset.done $0x0  }
0xe7: {  	s8 =	simm.s32 @!p2 $0x6;
	[sflag:s26] =	ssyncadd.s32 $0xFFFFFF00  }
0xe8: {  	_ =	swait.ge @!p2 [sflag:s8], $0x2000  }
0xe9: {  	[sflag:s8] =	ssyncset.done @!p2 $0x0  }
0xea: {  	[sflag:s8] =	ssyncadd.s32 @!p2 $0xFFFFE000  }
0xeb: {  	v2 =	vld [tilespmem:$0x170]  }
0xec: {  	v3 =	vld [tilespmem:$0x150]  }
0xed: {  	v4 =	vld [tilespmem:$0x160]  }
0xee: {  	v5 =	vld [tilespmem:$0x130]  }
0xef: {  	v6 =	vld [tilespmem:$0x140]  }
0xf0: {  	v7 =	vld [tilespmem:$0x120];
	[tilespmem:$0x2F0] =	vst v2  }
0xf1: {  	v2 =	vld [tilespmem:$0x110];
	[tilespmem:$0x2D0] =	vst v3  }
0xf2: {  	v3 =	vld [tilespmem:$0x100];
	[tilespmem:$0x2E0] =	vst v4  }
0xf3: {  	[tilespmem:$0x2B0] =	vst v5  }
0xf4: {  	[tilespmem:$0x2C0] =	vst v6  }
0xf5: {  	[tilespmem:$0x2A0] =	vst v7  }
0xf6: {  	[tilespmem:$0x290] =	vst v2  }
0xf7: {  	[tilespmem:$0x280] =	vst v3  }
0xf8: {  	[tilespmem:s7], [sflag:$0x4] =	stream.indirect.gather [hbm4b:s22+s29], $0x40, s6, s29, $0xb8;
	[tilespmem:$0x11400] =	vst v63  }
0xf9: {  	_ =	swait.ge [sflag:s9], $0x2000  }
0xfa: {  	[sflag:s9] =	ssyncset.done $0x0  }
0xfb: {  	[sflag:s9] =	ssyncadd.s32 $0xFFFFE000  }
0xfc: {  	v4 =	vld [tilespmem:$0x1D0]  }
0xfd: {  	v5 =	vld [tilespmem:$0x1F0]  }
0xfe: {  	v6 =	vld [tilespmem:$0x1E0]  }
0xff: {  	v7 =	vld [tilespmem:$0x1B0]  }
.Ltmp2:
0x100: {  	v3 =	vld [tilespmem:$0x1A0];
	(pc) =	sbr.rel @p1 .LBB2_6-.Ltmp2, $4  }
0x101: {  	v2 =	vld [tilespmem:$0x180];
	[tilespmem:$0x3D0] =	vst v4  }
0x102: {  	v4 =	vld [tilespmem:$0x1C0];
	[tilespmem:$0x3F0] =	vst v5  }
0x103: {  	v5 =	vld [tilespmem:$0x190];
	[tilespmem:$0x3E0] =	vst v6  }
0x104: {  	[tilespmem:$0x3B0] =	vst v7  }
0x105: {  	[tilespmem:$0x3A0] =	vst v3  }
0x106: {  	[tilespmem:$0x380] =	vst v2  }
0x107: {  	[tilespmem:$0x3C0] =	vst v4  }
0x108: {  	[tilespmem:$0x390] =	vst v5  }
0x109: {  	[spmem:s2] =	stream.indirect.scatter.add.f32 [tilespmem:s7], [sflag:$0x6], $0x40, s10, s29, $0xb8;
	[tilespmem:$0x11400] =	vst v63  }
0x10a: {  	_ = 	snop  }
0x10b: {  	[spmem:s3] =	stream.indirect.scatter.add.f32 @!p0 [tilespmem:s17], [sflag:$0x7], $0x10, s20, s15, $0xb8;
	[tilespmem:$0x11400] =	vst v63  }
0x10c: {  	p1 =	seq.s32 s1, $0x1340;
	_ =	swait.ge @!p0 [sflag:s13], $0x800  }
0x10d: {  	s1 =	sadd.s32 @!p1 s1, s5;
	s8 =	simm.s32 @!p1 $0x100;
	[sflag:s13] =	ssyncset.done @!p0 $0x0  }
0x10e: {  	s19 =	simm.s32 @!p1 $0x0;
	s1 =	sadd.s32 @!p1 $0x60, s1;
	[sflag:s13] =	ssyncadd.s32 @!p0 $0xFFFFF800  }
0x10f: {  	[tilespmem:s8], [sflag:$0x2] =	stream.linear.gather @!p1 [hbm4b:s1+s19], $0x100, $0x38;
	[tilespmem:$0x11400] =	vst v63  }
0x110: {  	_ =	swait.ge [sflag:s28], $0x100  }
0x111: {  	[sflag:s28] =	ssyncset.done $0x0  }
0x112: {  	[sflag:s28] =	ssyncadd.s32 $0xFFFFFF00  }
0x113: {  	_ =	swait.ge [sflag:s11], $0x2000  }
0x114: {  	[sflag:s11] =	ssyncset.done $0x0  }
0x115: {  	[sflag:s11] =	ssyncadd.s32 $0xFFFFE000  }
0x116: {  	v2 =	vld [tilespmem:$0x0]  }
0x117: {  	v3 =	vld [tilespmem:$0x10]  }
0x118: {  	v57 =	vld [tilespmem:$0x20]  }
0x119: {  	v58 =	vld [tilespmem:$0x30]  }
0x11a: {  	v6 =	vld [tilespmem:$0x40]  }
0x11b: {  	v59 =	vld [tilespmem:$0x70];
	[tilespmem:$0x200] =	vst v2  }
0x11c: {  	v2 =	vld [tilespmem:$0x50];
	[tilespmem:$0x210] =	vst v3  }
0x11d: {  	v3 =	vld [tilespmem:$0x60];
	[tilespmem:$0x220] =	vst v57  }
0x11e: {  	[tilespmem:$0x230] =	vst v58  }
0x11f: {  	[tilespmem:$0x240] =	vst v6  }
0x120: {  	[tilespmem:$0x270] =	vst v59  }
0x121: {  	[tilespmem:$0x250] =	vst v2  }
0x122: {  	[tilespmem:$0x260] =	vst v3  }
0x123: {  	[tilespmem:s23], [sflag:$0x3] =	stream.indirect.gather [hbm4b:s22+s29], $0x40, s30, s29, $0xb8;
	[tilespmem:$0x11400] =	vst v63  }
0x124: {  	_ =	swait.ge [sflag:s31], $0x2000  }
0x125: {  	[sflag:s31] =	ssyncset.done $0x0  }
0x126: {  	[sflag:s31] =	ssyncadd.s32 $0xFFFFE000  }
0x127: {  	v2 =	vld [tilespmem:$0x80]  }
0x128: {  	v3 =	vld [tilespmem:$0x90]  }
0x129: {  	v60 =	vld [tilespmem:$0xA0]  }
0x12a: {  	v61 =	vld [tilespmem:$0xB0]  }
0x12b: {  	v62 =	vld [tilespmem:$0xC0]  }
0x12c: {  	v63 =	vld [tilespmem:$0xF0];
	[tilespmem:$0x300] =	vst v2  }
0x12d: {  	v2 =	vld [tilespmem:$0xD0];
	[tilespmem:$0x310] =	vst v3  }
0x12e: {  	v3 =	vld [tilespmem:$0xE0];
	[tilespmem:$0x320] =	vst v60  }
0x12f: {  	[tilespmem:$0x330] =	vst v61  }
0x130: {  	[tilespmem:$0x340] =	vst v62  }
0x131: {  	[tilespmem:$0x370] =	vst v63  }
0x132: {  	[tilespmem:$0x350] =	vst v2  }
0x133: {  	s1 =	simm.s32 @p0 $0x6;
	[tilespmem:$0x360] =	vst v3  }
0x134: {  	[spmem:s2] =	stream.indirect.scatter.add.f32 [tilespmem:s23], [sflag:$0x5], $0x40, s0, s29, $0xb8;
	[tilespmem:$0x11400] =	vst v63  }
0x135: {  	_ =	swait.ge @p0 [sflag:s1], $0x2000  }
0x136: {  	[sflag:s1] =	ssyncset.done @p0 $0x0  }
0x137: {  	[sflag:s1] =	ssyncadd.s32 @p0 $0xFFFFE000;
	s1 =	simm.s32 @p0 $0x5  }
0x138: {  	_ =	swait.ge @p0 [sflag:s1], $0x2000  }
0x139: {  	[sflag:s1] =	ssyncset.done @p0 $0x0  }
0x13a: {  	[sflag:s1] =	ssyncadd.s32 @p0 $0xFFFFE000  }
0x13b: {  	s19 =	stileid.u32;
	[bflag:$0x0] =	sbarrier.arrive @p0 $0xFFFF  }
0x13c: {  	s1 =	sshll.u32 @p0 s19, $0x6;
	s21 =	rddreg [dreg:$0x6]  }
0x13d: {  	s1 =	sor.u32 @p0 $0x1C07, s1;
	s20 =	rddreg [dreg:$0x5];
	s8 =	sshrl.u32 @p0 s21, $0x3  }
0x13e: {  	[hbm:s20], [sflag:s1] =	dma.local @p0 [spmem:s8], $0x1400  }
0x13f: {  	s1 =	simm.s32 @p0 $0x7  }
0x140: {  	_ =	swait.ge @p0 [sflag:s1], $0x1400  }
0x141: {  	[sflag:s1] =	ssyncset.done @p0 $0x0  }
0x142: {  	[sflag:s1] =	ssyncadd.s32 @p0 $0xFFFFEC00  }
0x143: {  	[spmem:s3] =	stream.indirect.scatter.add.f32 @!p0 [tilespmem:s17], [sflag:$0x7], $0x10, s16, s15, $0xb8;
	[tilespmem:$0x11400] =	vst v63  }
0x144: {  	_ =	swait.ge @!p0 [sflag:s13], $0x800  }
0x145: {  	[sflag:s13] =	ssyncset.done @!p0 $0x0  }
0x146: {  	s1 =	simm.s32 @!p0 $0x6;
	[sflag:s13] =	ssyncadd.s32 @!p0 $0xFFFFF800  }
0x147: {  	_ =	swait.ge @!p0 [sflag:s1], $0x2000  }
0x148: {  	[sflag:s1] =	ssyncset.done @!p0 $0x0  }
0x149: {  	[sflag:s1] =	ssyncadd.s32 @!p0 $0xFFFFE000;
	s1 =	simm.s32 @!p0 $0x5  }
0x14a: {  	_ =	swait.ge @!p0 [sflag:s1], $0x2000  }
0x14b: {  	[sflag:s1] =	ssyncset.done @!p0 $0x0  }
0x14c: {  	[sflag:s1] =	ssyncadd.s32 @!p0 $0xFFFFE000  }
0x14d: {  	s1 =	sshll.u32 @!p0 s19, $0x6;
	[bflag:$0x0] =	sbarrier.arrive @!p0 $0xFFFF  }
0x14e: {  	s8 =	sshrl.u32 @!p0 s21, $0x3;
	s1 =	sor.u32 @!p0 $0x1C07, s1;
	s16 =	rddreg [dreg:$0x7]  }
0x14f: {  	[hbm:s16], [sflag:s1] =	dma.local @!p0 [spmem:s8], $0x1400  }
0x150: {  	_ =	swait.ge @!p0 [sflag:s13], $0x1400  }
0x151: {  	[sflag:s13] =	ssyncset.done @!p0 $0x0;
	s8 =	rddreg [dreg:$0x8]  }
0x152: {  	s16 =	rddreg [dreg:$0x12];
	[sflag:s13] =	ssyncadd.s32 @!p0 $0xFFFFEC00  }
0x153: {  	[hbm:s8], [sflag:s1] =	dma.local @!p0 [spmem:s16], $0x500  }
0x154: {  	_ =	swait.ge @!p0 [sflag:s13], $0x500  }
0x155: {  	s12 =	sadd.s32 $0x1, s12;
	s25 =	rddreg [dreg:$0x9]  }
0x156: {  	p1 =	sne.s32 s12, s25  }
.Ltmp3:
0x157: {  	_ = 	snop;
	(pc) =	sbr.rel @p1 .LBB2_1-.Ltmp3, $3  }
0x158: {  	_ =	sdelay $0x1  }
0x159: {  	[sflag:s13] =	ssyncset.done @!p0 $0x0  }
0x15a: {  	s15 =	stileid.u32;
	[sflag:s13] =	ssyncadd.s32 @!p0 $0xFFFFFB00  }
0x15b: {  	_ =	sfence.sel $0x180000  }
0x15c: {  	[bflag:$0x0] =	sbarrier.arrive $0xFFFF  }
0x15d: {  	_ =	strace $0x90000047  }
0x15e: {  	[bflag:$0x2] =	sbarrier.arrive $0xFFFF  }
0x15f: {  	p0 =	sne.s32 s15, $0x0;
	s0 =	rddreg [dreg:$0x3]  }
0x160: {  	s0 =	sadd.s32 @!p0 $0x100000, s0  }
0x161: {  	[sflag:s0] =	ssyncadd.tile.s32 @!p0 $0x1;
	_ =	shalt  }
.Lfunc_end2:
_tile_overlayer_lowered:
.L_overlay_start_2:
0x162: {  	(tag) =	ssettag $0x2  }
0x163: {  	s0 =	rddreg [dreg:$0x0];
	s2 =	stileid.u32  }
0x164: {  	s1 =	rddreg [dreg:$0x1];
	p0 =	sne.s32 s2, $0x0  }
0x165: {  	s3 =	rddreg [dreg:$0x2];
	[bflag:$0x3] =	sbarrier.arrive $0xFFFF;
	s2 =	simm.s32 @!p0 $0x1C07  }
0x166: {  	[timem:s3], [sflag:s2] =	dma.local @!p0 [hbm:s0], s1  }
0x167: {  	s0 =	simm.s32 @!p0 $0x7  }
0x168: {  	_ =	swait.ge @!p0 [sflag:s0], s1  }
0x169: {  	s1 =	ssub.s32 @!p0 $0x0, s1;
	[sflag:s0] =	ssyncset.done @!p0 $0x0  }
0x16a: {  	[sflag:s0] =	ssyncadd.s32 @!p0 s1  }
0x16b: {  	[bflag:$0x3] =	sbarrier.arrive $0xFFFF  }
0x16c: {  	_ =	shalt  }

</sc_bundles>
